<compile_context>
chip_gen: v7x
topology: tpu7x:2x2x1
jax: 0.10.2.dev20260603
libtpu: 0.0.44.dev20260713+nightly
codegen_flags: <defaults>
</compile_context>

<pallas_src>
import functools

import jax
import jax.numpy as jnp
from jax import lax
from jax.experimental import pallas as pl
from jax.experimental.pallas import tpu as pltpu
from jax.experimental.pallas import tpu_sc as plsc

_B, _G, _C, _K = 4, 8192, 128, 3
_FM = (128, 128)
_GX, _GY = _FM[0] + 1, _FM[1] + 1
_N = _B * _G
_BM = 512
_NT = _N + _BM
_NO = _K * _K
_NC, _NS = 2, 16
_NW = _NC * _NS
_PW = _N // _NW
_P = 32
_CH = _PW // _P


_mm_in_dtype = jnp.bfloat16


def _mm_body(f_ref, w_ref, z_ref):
    f = f_ref[...]
    for o in range(_NO):
        z_ref[o] = jnp.dot(f, w_ref[o], preferred_element_type=jnp.float32)


_mm = pl.pallas_call(
    _mm_body,
    grid=(_NT // _BM,),
    in_specs=[
        pl.BlockSpec((_BM, _C), lambda i: (i, 0)),
        pl.BlockSpec((_NO, _C, _C), lambda i: (0, 0, 0)),
    ],
    out_specs=pl.BlockSpec((_NO, _BM, _C), lambda i: (0, i, 0)),
    out_shape=jax.ShapeDtypeStruct((_NO, _NT, _C), jnp.float32),
)

_GP = 16768


def _lane_gather(v, i):
    return lax.gather(
        v, i[:, None],
        dimension_numbers=lax.GatherDimensionNumbers(
            offset_dims=(), collapsed_slice_dims=(0,), start_index_map=(0,)),
        slice_sizes=(1,),
        mode=lax.GatherScatterMode.PROMISE_IN_BOUNDS)
_DXY = [(dx, dy) for dx in (-1, 0, 1) for dy in (-1, 0, 1)]


@functools.lru_cache(maxsize=1)
def _get_sc_build_idx():
    mesh = plsc.VectorSubcoreMesh(core_axis_name="c", subcore_axis_name="s")

    @functools.partial(
        pl.kernel,
        mesh=mesh,
        compiler_params=pltpu.CompilerParams(needs_layout_passes=False),
        out_type=jax.ShapeDtypeStruct((_NW, _NO, _PW), jnp.int32),
        scratch_types=[
            pltpu.VMEM((_NO, _PW), jnp.int32),
            pltpu.VMEM((_PW,), jnp.int32),
            pltpu.VMEM((_PW,), jnp.int32),
            pltpu.VMEM((_GP,), jnp.int32),
            pltpu.VMEM((_GP,), jnp.int32),
            pltpu.VMEM_SHARED((_NS, _GP), jnp.int32),
        ],
    )
    def _sc_build_idx(xs_hbm, ys_hbm, gidx_hbm,
                      idx_v, xs_v, ys_v, map_v, tmp_v, shared_v):
        sid = lax.axis_index("s")
        wid = lax.axis_index("c") * _NS + sid

        pltpu.sync_copy(xs_hbm.at[pl.ds(wid * _PW, _PW)], xs_v)
        pltpu.sync_copy(ys_hbm.at[pl.ds(wid * _PW, _PW)], ys_v)

        def init_body(i, carry):
            neg1 = jnp.full((16,), -1, jnp.int32)
            for u in range(8):
                map_v[pl.ds(i * 128 + u * 16, 16)] = neg1
            return carry

        lax.fori_loop(0, _GP // 128, init_body, 0)
        lane = lax.iota(jnp.int32, 16)

        def scat_body(g, carry):
            s = pl.ds(g * 16, 16)
            nf = xs_v[s] * _GY + ys_v[s]
            pidx = wid * _PW + g * 16 + lane
            ks, vs = plsc.sort_key_val(nf * 32768 + pidx, pidx)
            nfs = ks >> 15
            nxt = _lane_gather(nfs, jnp.minimum(lane + 1, 15))
            last = (nfs != nxt) | (lane == 15)
            plsc.store_scatter(map_v, [nfs], vs, mask=last)
            return carry

        lax.fori_loop(0, _PW // 16, scat_body, 0)

        pltpu.sync_copy(map_v, shared_v.at[sid])
        plsc.subcore_barrier()
        nb = _G // _PW
        sbase = (sid // nb) * nb
        for t in range(nb):

            @pl.when(sbase + t != sid)
            def _():
                pltpu.sync_copy(shared_v.at[sbase + t], tmp_v)

                def max_body(i, carry):
                    for u in range(8):
                        s = pl.ds(i * 128 + u * 16, 16)
                        map_v[s] = jnp.maximum(map_v[s], tmp_v[s])
                    return carry

                lax.fori_loop(0, _GP // 128, max_body, 0)

        def idx_body(g, carry):
            s = pl.ds(g * 16, 16)
            xv = xs_v[s]
            yv = ys_v[s]
            lane = lax.iota(jnp.int32, 16)
            pidx = wid * _PW + g * 16 + lane
            prow = _N + (pidx & (_BM - 1))
            for o, (dx, dy) in enumerate(_DXY):
                nx = xv + dx
                ny = yv + dy
                valid = (nx >= 0) & (nx < _GX) & (ny >= 0) & (ny < _GY)
                nf = (jnp.clip(nx, 0, _GX - 1) * _GY
                      + jnp.clip(ny, 0, _GY - 1))
                j = plsc.load_gather(map_v, [nf])
                valid = valid & (j >= 0)
                idx_v[o, s] = jnp.where(valid, o * _NT + j, prow)
            return carry

        lax.fori_loop(0, _PW // 16, idx_body, 0)
        pltpu.sync_copy(idx_v, gidx_hbm.at[wid])

    return _sc_build_idx


@functools.lru_cache(maxsize=1)
def _get_sc_gather_sum():
    mesh = plsc.VectorSubcoreMesh(core_axis_name="c", subcore_axis_name="s")

    @functools.partial(
        pl.kernel,
        mesh=mesh,
        compiler_params=pltpu.CompilerParams(needs_layout_passes=False),
        out_type=jax.ShapeDtypeStruct((_N, _C), jnp.float32),
        scratch_types=[
            pltpu.VMEM((_NO, _PW), jnp.int32),
            pltpu.VMEM((_NO, _P, _C), jnp.float32),
            pltpu.VMEM((_NO, _P, _C), jnp.float32),
            pltpu.VMEM((_P, _C), jnp.float32),
            pltpu.VMEM((_P, _C), jnp.float32),
            pltpu.SemaphoreType.DMA,
            pltpu.SemaphoreType.DMA,
            pltpu.SemaphoreType.DMA,
            pltpu.SemaphoreType.DMA,
        ],
    )
    def _sc_gather_sum(z_hbm, gidx_hbm, out_hbm,
                       idx_v, buf0, buf1, acc0, acc1, sg0, sg1, sw0, sw1):
        wid = lax.axis_index("c") * _NS + lax.axis_index("s")

        def fire(ch, buf, sem):
            for o in range(_NO):
                pltpu.async_copy(
                    z_hbm.at[idx_v.at[o, pl.ds(ch * _P, _P)]], buf.at[o], sem)

        def drain_gathers(buf, sem):
            for o in range(_NO):
                pltpu.make_async_copy(
                    z_hbm.at[pl.ds(0, _P)], buf.at[o], sem).wait()

        def accumulate(buf, acc):
            @plsc.parallel_loop(0, _P, unroll=2)
            def _(r):
                for c8 in range(_C // 16):
                    s = pl.ds(c8 * 16, 16)
                    v = buf[0, r, s]
                    for o in range(1, _NO):
                        v = v + buf[o, r, s]
                    acc[r, s] = v

        def process(ch, buf, acc, sg, sw):
            base = wid * _PW + ch * _P
            drain_gathers(buf, sg)

            @pl.when(ch >= 2)
            def _():
                pltpu.make_async_copy(
                    acc, out_hbm.at[pl.ds(base, _P)], sw).wait()

            accumulate(buf, acc)
            pltpu.async_copy(acc, out_hbm.at[pl.ds(base, _P)], sw)

            @pl.when(ch + 2 < _CH)
            def _():
                fire(ch + 2, buf, sg)

        pltpu.sync_copy(gidx_hbm.at[wid], idx_v)
        fire(0, buf0, sg0)
        fire(1, buf1, sg1)

        def pair_body(k, carry):
            process(2 * k, buf0, acc0, sg0, sw0)
            process(2 * k + 1, buf1, acc1, sg1, sw1)
            return carry

        lax.fori_loop(0, _CH // 2, pair_body, 0)
        pltpu.make_async_copy(
            acc0, out_hbm.at[pl.ds(wid * _PW, _P)], sw0).wait()
        pltpu.make_async_copy(
            acc1, out_hbm.at[pl.ds(wid * _PW, _P)], sw1).wait()

    return _sc_gather_sum


def kernel(instance_feature, anchor, W):
    b, g = instance_feature.shape[:2]
    anchor_xy = jax.nn.sigmoid(jnp.clip(anchor[..., :2], -10.0, 10.0)).reshape(-1, 2)
    grid_size = 1.0 / jnp.asarray(_FM, dtype=jnp.float32)
    indices = ((anchor_xy - anchor_xy.min(axis=0, keepdims=True)) / grid_size
               ).astype(jnp.int32)
    feats = instance_feature.reshape(b * g, -1).astype(jnp.float32)

    xs = indices[:, 0]
    ys = indices[:, 1]

    feats_p = jnp.concatenate(
        [feats, jnp.zeros((_NT - _N, _C), jnp.float32)], axis=0
    ).astype(_mm_in_dtype)
    w2 = W.reshape(_NO, _C, _C).astype(_mm_in_dtype)

    gidx = _get_sc_build_idx()(xs, ys)
    z = _mm(feats_p, w2).reshape(_NO * _NT, _C)
    out = _get_sc_gather_sum()(z, gidx)
    return out.reshape(b, g, -1)

# --- scband reference (transcript-rebuilt; emitter-appended) ---
"""Pipeline reference for scband-sparse-conv-24610162606296 (READ-ONLY COPY).

The authoritative reference and input builder live on the scoring server;
editing this copy changes nothing except your own understanding.
"""

import jax, jax.numpy as jnp
import numpy as np

B, G, C_IN, C_OUT, K = 4, 8192, 128, 128, 3
FM = (128, 128)
GX, GY = FM[0] + 1, FM[1] + 1  # indices can reach fm_shape, keep one extra cell for safety


def setup_inputs(seed: int = 0) -> dict:
    key = jax.random.key(seed)
    k1, k2, k3 = jax.random.split(key, 3)
    instance_feature = jax.random.normal(k1, (B, G, C_IN), dtype=jnp.float32)
    anchor = jax.random.normal(k2, (B, G, 11), dtype=jnp.float32)
    # SubMConv2d weight, no bias: [k, k, C_in, C_out]
    W = jax.random.normal(k3, (K, K, C_IN, C_OUT), dtype=jnp.float32) * 0.05
    return {"instance_feature": instance_feature, "anchor": anchor, "W": W}


def _safe_sigmoid(x):
    return jax.nn.sigmoid(jnp.clip(x, -10.0, 10.0))


def _subm_conv2d(feats, coords_xy, batch_idx, W):
    # Submanifold sparse conv: outputs only at active input sites; neighbors
    # looked up via a dense coord -> point-index hash map (like spconv's hash table).
    N = feats.shape[0]
    pad = (K - 1) // 2
    flat = batch_idx * (GX * GY) + coords_xy[:, 0] * GY + coords_xy[:, 1]
    idx_map = jnp.full((B * GX * GY,), -1, dtype=jnp.int32).at[flat].set(
        jnp.arange(N, dtype=jnp.int32))
    out = jnp.zeros((N, W.shape[-1]), dtype=jnp.float32)
    for dx in range(-pad, pad + 1):
        for dy in range(-pad, pad + 1):
            nx = coords_xy[:, 0] + dx
            ny = coords_xy[:, 1] + dy
            valid = (nx >= 0) & (nx < GX) & (ny >= 0) & (ny < GY)
            nflat = batch_idx * (GX * GY) + jnp.clip(nx, 0, GX - 1) * GY + jnp.clip(ny, 0, GY - 1)
            j = idx_map[nflat]
            valid = valid & (j >= 0)
            nf = jnp.where(valid[:, None], feats[jnp.clip(j, 0, N - 1)], 0.0)
            out = out + nf @ W[dx + pad, dy + pad]
    return out


def reference(instance_feature, anchor, W):
    b, g = instance_feature.shape[:2]
    anchor_xy = _safe_sigmoid(anchor[..., :2]).reshape(-1, 2)
    grid_size = 1.0 / jnp.asarray(FM, dtype=jnp.float32)
    indices = ((anchor_xy - anchor_xy.min(axis=0, keepdims=True)) / grid_size).astype(jnp.int32)
    batch_idx = jnp.repeat(jnp.arange(b, dtype=jnp.int32), g)
    feats = instance_feature.reshape(b * g, -1).astype(jnp.float32)
    out = _subm_conv2d(feats, indices, batch_idx, W)
    out = out.reshape(b, g, -1)
    return out  # out_proj is Identity (use_out_proj=False)

if __name__ == "__main__":
    import jax
    _d = setup_inputs()
    print(jax.jit(kernel)(*tuple(_d.values())))

</pallas_src>

<mosaic_0001>
#map = affine_map<(d0, d1) -> (0, 0)>
#map1 = affine_map<(d0, d1) -> (0, 0, 0)>
module attributes {stable_mosaic.version = 14 : i64} {
  func.func @_sc_gather_sum(%arg0: i32, %arg1: i32, %arg2: memref<299520x128xf32, #tpu.memory_space<hbm>>, %arg3: memref<32x9x1024xi32, #tpu.memory_space<hbm>>, %arg4: memref<32768x128xf32, #tpu.memory_space<hbm>>, %arg5: memref<9x1024xi32, #tpu.memory_space<vmem>>, %arg6: memref<9x32x128xf32, #tpu.memory_space<vmem>>, %arg7: memref<9x32x128xf32, #tpu.memory_space<vmem>>, %arg8: memref<32x128xf32, #tpu.memory_space<vmem>>, %arg9: memref<32x128xf32, #tpu.memory_space<vmem>>, %arg10: memref<!tpu.dma_semaphore, #tpu.memory_space<semaphore_mem>>, %arg11: memref<!tpu.dma_semaphore, #tpu.memory_space<semaphore_mem>>, %arg12: memref<!tpu.dma_semaphore, #tpu.memory_space<semaphore_mem>>, %arg13: memref<!tpu.dma_semaphore, #tpu.memory_space<semaphore_mem>>) attributes {dimension_semantics = [#tpu.dimension_semantics<core_parallel>, #tpu.dimension_semantics<subcore_parallel>], iteration_bounds = array<i64: 2, 16>, scalar_prefetch = 0 : i64, scratch_operands = 9 : i64, tpu.core_type = #tpu.core_type<sc_vector_subcore>, window_params = [{transform_indices = #map}, {transform_indices = #map1}, {transform_indices = #map}]} {
    %mul3A = arith.constant 16 : i32
    %mul3A_0 = arith.muli %arg0, %mul3A : i32
    %add3A = arith.addi %mul3A_0, %arg1 : i32
    "tpu.region"() ({
      %run_scoped3A = tpu.sem_alloc : memref<!tpu.dma_semaphore, #tpu.memory_space<semaphore_mem>>
      %dma_start3A_232 = arith.constant 0 : i32
      %dma_start3A_233 = arith.constant 0 : i32
      %dma_start3A_234 = tpu.memref_slice %arg3[%add3A, %dma_start3A_232, %dma_start3A_233] : memref<32x9x1024xi32, #tpu.memory_space<hbm>> -> memref<1x9x1024xi32, #tpu.memory_space<hbm>>
      %dma_start3A_235 = tpu.memref_squeeze %dma_start3A_234 : memref<1x9x1024xi32, #tpu.memory_space<hbm>> -> memref<9x1024xi32, #tpu.memory_space<hbm>>
      %dma_start3A_236 = arith.constant 0 : i32
      %dma_start3A_237 = arith.constant 0 : i32
      %dma_start3A_238 = tpu.memref_slice %arg3[%add3A, %dma_start3A_236, %dma_start3A_237] : memref<32x9x1024xi32, #tpu.memory_space<hbm>> -> memref<1x9x1024xi32, #tpu.memory_space<hbm>>
      %dma_start3A_239 = tpu.memref_squeeze %dma_start3A_238 : memref<1x9x1024xi32, #tpu.memory_space<hbm>> -> memref<9x1024xi32, #tpu.memory_space<hbm>>
      tpu.enqueue_dma source(%dma_start3A_239 : memref<9x1024xi32, #tpu.memory_space<hbm>>) target(%arg5 : memref<9x1024xi32, #tpu.memory_space<vmem>>) target_semaphore(%run_scoped3A : memref<!tpu.dma_semaphore, #tpu.memory_space<semaphore_mem>>)
      %dma_wait3A_240 = arith.constant 0 : i32
      %dma_wait3A_241 = arith.constant 0 : i32
      %dma_wait3A_242 = tpu.memref_slice %arg3[%add3A, %dma_wait3A_240, %dma_wait3A_241] : memref<32x9x1024xi32, #tpu.memory_space<hbm>> -> memref<1x9x1024xi32, #tpu.memory_space<hbm>>
      %dma_wait3A_243 = tpu.memref_squeeze %dma_wait3A_242 : memref<1x9x1024xi32, #tpu.memory_space<hbm>> -> memref<9x1024xi32, #tpu.memory_space<hbm>>
      %dma_wait3A_244 = arith.constant 0 : i32
      %dma_wait3A_245 = arith.constant 0 : i32
      %dma_wait3A_246 = tpu.memref_slice %arg3[%add3A, %dma_wait3A_244, %dma_wait3A_245] : memref<32x9x1024xi32, #tpu.memory_space<hbm>> -> memref<1x9x1024xi32, #tpu.memory_space<hbm>>
      %dma_wait3A_247 = tpu.memref_squeeze %dma_wait3A_246 : memref<1x9x1024xi32, #tpu.memory_space<hbm>> -> memref<9x1024xi32, #tpu.memory_space<hbm>>
      tpu.wait_dma2 semaphore(%run_scoped3A : memref<!tpu.dma_semaphore, #tpu.memory_space<semaphore_mem>>) src(%dma_wait3A_247 : memref<9x1024xi32, #tpu.memory_space<hbm>>) dst(%arg5 : memref<9x1024xi32, #tpu.memory_space<vmem>>)
      tpu.yield
    }) : () -> ()
    %dma_start3A = arith.constant 0 : i32
    %dma_start3A_1 = arith.constant 0 : i32
    %dma_start3A_2 = arith.constant 0 : i32
    %dma_start3A_3 = arith.constant 0 : i32
    %dma_start3A_4 = tpu.memref_slice %arg6[%dma_start3A_1, %dma_start3A_2, %dma_start3A_3] : memref<9x32x128xf32, #tpu.memory_space<vmem>> -> memref<1x32x128xf32, #tpu.memory_space<vmem>>
    %dma_start3A_5 = tpu.memref_squeeze %dma_start3A_4 : memref<1x32x128xf32, #tpu.memory_space<vmem>> -> memref<32x128xf32, #tpu.memory_space<vmem>>
    %dma_start3A_6 = arith.constant 0 : i32
    %dma_start3A_7 = tpu.memref_slice %arg5[%dma_start3A, %dma_start3A_6] : memref<9x1024xi32, #tpu.memory_space<vmem>> -> memref<1x32xi32, #tpu.memory_space<vmem>>
    %dma_start3A_8 = tpu.memref_squeeze %dma_start3A_7 : memref<1x32xi32, #tpu.memory_space<vmem>> -> memref<32xi32, #tpu.memory_space<vmem>>
    %dma_start3A_9 = arith.constant 0 : i32
    %dma_start3A_10 = arith.constant 0 : i32
    %dma_start3A_11 = tpu.memref_slice %arg2[%dma_start3A_9, %dma_start3A_10] : memref<299520x128xf32, #tpu.memory_space<hbm>> -> memref<299520x128xf32, #tpu.memory_space<hbm>>
    tpu.enqueue_indirect_dma source(%dma_start3A_11 : memref<299520x128xf32, #tpu.memory_space<hbm>>) target(%dma_start3A_5 : memref<32x128xf32, #tpu.memory_space<vmem>>) offsets(%dma_start3A_8 : memref<32xi32, #tpu.memory_space<vmem>>) semaphore(%arg10 : memref<!tpu.dma_semaphore, #tpu.memory_space<semaphore_mem>>)
    %dma_start3A_12 = arith.constant 1 : i32
    %dma_start3A_13 = arith.constant 1 : i32
    %dma_start3A_14 = arith.constant 0 : i32
    %dma_start3A_15 = arith.constant 0 : i32
    %dma_start3A_16 = tpu.memref_slice %arg6[%dma_start3A_13, %dma_start3A_14, %dma_start3A_15] : memref<9x32x128xf32, #tpu.memory_space<vmem>> -> memref<1x32x128xf32, #tpu.memory_space<vmem>>
    %dma_start3A_17 = tpu.memref_squeeze %dma_start3A_16 : memref<1x32x128xf32, #tpu.memory_space<vmem>> -> memref<32x128xf32, #tpu.memory_space<vmem>>
    %dma_start3A_18 = arith.constant 0 : i32
    %dma_start3A_19 = tpu.memref_slice %arg5[%dma_start3A_12, %dma_start3A_18] : memref<9x1024xi32, #tpu.memory_space<vmem>> -> memref<1x32xi32, #tpu.memory_space<vmem>>
    %dma_start3A_20 = tpu.memref_squeeze %dma_start3A_19 : memref<1x32xi32, #tpu.memory_space<vmem>> -> memref<32xi32, #tpu.memory_space<vmem>>
    %dma_start3A_21 = arith.constant 0 : i32
    %dma_start3A_22 = arith.constant 0 : i32
    %dma_start3A_23 = tpu.memref_slice %arg2[%dma_start3A_21, %dma_start3A_22] : memref<299520x128xf32, #tpu.memory_space<hbm>> -> memref<299520x128xf32, #tpu.memory_space<hbm>>
    tpu.enqueue_indirect_dma source(%dma_start3A_23 : memref<299520x128xf32, #tpu.memory_space<hbm>>) target(%dma_start3A_17 : memref<32x128xf32, #tpu.memory_space<vmem>>) offsets(%dma_start3A_20 : memref<32xi32, #tpu.memory_space<vmem>>) semaphore(%arg10 : memref<!tpu.dma_semaphore, #tpu.memory_space<semaphore_mem>>)
    %dma_start3A_24 = arith.constant 2 : i32
    %dma_start3A_25 = arith.constant 2 : i32
    %dma_start3A_26 = arith.constant 0 : i32
    %dma_start3A_27 = arith.constant 0 : i32
    %dma_start3A_28 = tpu.memref_slice %arg6[%dma_start3A_25, %dma_start3A_26, %dma_start3A_27] : memref<9x32x128xf32, #tpu.memory_space<vmem>> -> memref<1x32x128xf32, #tpu.memory_space<vmem>>
    %dma_start3A_29 = tpu.memref_squeeze %dma_start3A_28 : memref<1x32x128xf32, #tpu.memory_space<vmem>> -> memref<32x128xf32, #tpu.memory_space<vmem>>
    %dma_start3A_30 = arith.constant 0 : i32
    %dma_start3A_31 = tpu.memref_slice %arg5[%dma_start3A_24, %dma_start3A_30] : memref<9x1024xi32, #tpu.memory_space<vmem>> -> memref<1x32xi32, #tpu.memory_space<vmem>>
    %dma_start3A_32 = tpu.memref_squeeze %dma_start3A_31 : memref<1x32xi32, #tpu.memory_space<vmem>> -> memref<32xi32, #tpu.memory_space<vmem>>
    %dma_start3A_33 = arith.constant 0 : i32
    %dma_start3A_34 = arith.constant 0 : i32
    %dma_start3A_35 = tpu.memref_slice %arg2[%dma_start3A_33, %dma_start3A_34] : memref<299520x128xf32, #tpu.memory_space<hbm>> -> memref<299520x128xf32, #tpu.memory_space<hbm>>
    tpu.enqueue_indirect_dma source(%dma_start3A_35 : memref<299520x128xf32, #tpu.memory_space<hbm>>) target(%dma_start3A_29 : memref<32x128xf32, #tpu.memory_space<vmem>>) offsets(%dma_start3A_32 : memref<32xi32, #tpu.memory_space<vmem>>) semaphore(%arg10 : memref<!tpu.dma_semaphore, #tpu.memory_space<semaphore_mem>>)
    %dma_start3A_36 = arith.constant 3 : i32
    %dma_start3A_37 = arith.constant 3 : i32
    %dma_start3A_38 = arith.constant 0 : i32
    %dma_start3A_39 = arith.constant 0 : i32
    %dma_start3A_40 = tpu.memref_slice %arg6[%dma_start3A_37, %dma_start3A_38, %dma_start3A_39] : memref<9x32x128xf32, #tpu.memory_space<vmem>> -> memref<1x32x128xf32, #tpu.memory_space<vmem>>
    %dma_start3A_41 = tpu.memref_squeeze %dma_start3A_40 : memref<1x32x128xf32, #tpu.memory_space<vmem>> -> memref<32x128xf32, #tpu.memory_space<vmem>>
    %dma_start3A_42 = arith.constant 0 : i32
    %dma_start3A_43 = tpu.memref_slice %arg5[%dma_start3A_36, %dma_start3A_42] : memref<9x1024xi32, #tpu.memory_space<vmem>> -> memref<1x32xi32, #tpu.memory_space<vmem>>
    %dma_start3A_44 = tpu.memref_squeeze %dma_start3A_43 : memref<1x32xi32, #tpu.memory_space<vmem>> -> memref<32xi32, #tpu.memory_space<vmem>>
    %dma_start3A_45 = arith.constant 0 : i32
    %dma_start3A_46 = arith.constant 0 : i32
    %dma_start3A_47 = tpu.memref_slice %arg2[%dma_start3A_45, %dma_start3A_46] : memref<299520x128xf32, #tpu.memory_space<hbm>> -> memref<299520x128xf32, #tpu.memory_space<hbm>>
    tpu.enqueue_indirect_dma source(%dma_start3A_47 : memref<299520x128xf32, #tpu.memory_space<hbm>>) target(%dma_start3A_41 : memref<32x128xf32, #tpu.memory_space<vmem>>) offsets(%dma_start3A_44 : memref<32xi32, #tpu.memory_space<vmem>>) semaphore(%arg10 : memref<!tpu.dma_semaphore, #tpu.memory_space<semaphore_mem>>)
    %dma_start3A_48 = arith.constant 4 : i32
    %dma_start3A_49 = arith.constant 4 : i32
    %dma_start3A_50 = arith.constant 0 : i32
    %dma_start3A_51 = arith.constant 0 : i32
    %dma_start3A_52 = tpu.memref_slice %arg6[%dma_start3A_49, %dma_start3A_50, %dma_start3A_51] : memref<9x32x128xf32, #tpu.memory_space<vmem>> -> memref<1x32x128xf32, #tpu.memory_space<vmem>>
    %dma_start3A_53 = tpu.memref_squeeze %dma_start3A_52 : memref<1x32x128xf32, #tpu.memory_space<vmem>> -> memref<32x128xf32, #tpu.memory_space<vmem>>
    %dma_start3A_54 = arith.constant 0 : i32
    %dma_start3A_55 = tpu.memref_slice %arg5[%dma_start3A_48, %dma_start3A_54] : memref<9x1024xi32, #tpu.memory_space<vmem>> -> memref<1x32xi32, #tpu.memory_space<vmem>>
    %dma_start3A_56 = tpu.memref_squeeze %dma_start3A_55 : memref<1x32xi32, #tpu.memory_space<vmem>> -> memref<32xi32, #tpu.memory_space<vmem>>
    %dma_start3A_57 = arith.constant 0 : i32
    %dma_start3A_58 = arith.constant 0 : i32
    %dma_start3A_59 = tpu.memref_slice %arg2[%dma_start3A_57, %dma_start3A_58] : memref<299520x128xf32, #tpu.memory_space<hbm>> -> memref<299520x128xf32, #tpu.memory_space<hbm>>
    tpu.enqueue_indirect_dma source(%dma_start3A_59 : memref<299520x128xf32, #tpu.memory_space<hbm>>) target(%dma_start3A_53 : memref<32x128xf32, #tpu.memory_space<vmem>>) offsets(%dma_start3A_56 : memref<32xi32, #tpu.memory_space<vmem>>) semaphore(%arg10 : memref<!tpu.dma_semaphore, #tpu.memory_space<semaphore_mem>>)
    %dma_start3A_60 = arith.constant 5 : i32
    %dma_start3A_61 = arith.constant 5 : i32
    %dma_start3A_62 = arith.constant 0 : i32
    %dma_start3A_63 = arith.constant 0 : i32
    %dma_start3A_64 = tpu.memref_slice %arg6[%dma_start3A_61, %dma_start3A_62, %dma_start3A_63] : memref<9x32x128xf32, #tpu.memory_space<vmem>> -> memref<1x32x128xf32, #tpu.memory_space<vmem>>
    %dma_start3A_65 = tpu.memref_squeeze %dma_start3A_64 : memref<1x32x128xf32, #tpu.memory_space<vmem>> -> memref<32x128xf32, #tpu.memory_space<vmem>>
    %dma_start3A_66 = arith.constant 0 : i32
    %dma_start3A_67 = tpu.memref_slice %arg5[%dma_start3A_60, %dma_start3A_66] : memref<9x1024xi32, #tpu.memory_space<vmem>> -> memref<1x32xi32, #tpu.memory_space<vmem>>
    %dma_start3A_68 = tpu.memref_squeeze %dma_start3A_67 : memref<1x32xi32, #tpu.memory_space<vmem>> -> memref<32xi32, #tpu.memory_space<vmem>>
    %dma_start3A_69 = arith.constant 0 : i32
    %dma_start3A_70 = arith.constant 0 : i32
    %dma_start3A_71 = tpu.memref_slice %arg2[%dma_start3A_69, %dma_start3A_70] : memref<299520x128xf32, #tpu.memory_space<hbm>> -> memref<299520x128xf32, #tpu.memory_space<hbm>>
    tpu.enqueue_indirect_dma source(%dma_start3A_71 : memref<299520x128xf32, #tpu.memory_space<hbm>>) target(%dma_start3A_65 : memref<32x128xf32, #tpu.memory_space<vmem>>) offsets(%dma_start3A_68 : memref<32xi32, #tpu.memory_space<vmem>>) semaphore(%arg10 : memref<!tpu.dma_semaphore, #tpu.memory_space<semaphore_mem>>)
    %dma_start3A_72 = arith.constant 6 : i32
    %dma_start3A_73 = arith.constant 6 : i32
    %dma_start3A_74 = arith.constant 0 : i32
    %dma_start3A_75 = arith.constant 0 : i32
    %dma_start3A_76 = tpu.memref_slice %arg6[%dma_start3A_73, %dma_start3A_74, %dma_start3A_75] : memref<9x32x128xf32, #tpu.memory_space<vmem>> -> memref<1x32x128xf32, #tpu.memory_space<vmem>>
    %dma_start3A_77 = tpu.memref_squeeze %dma_start3A_76 : memref<1x32x128xf32, #tpu.memory_space<vmem>> -> memref<32x128xf32, #tpu.memory_space<vmem>>
    %dma_start3A_78 = arith.constant 0 : i32
    %dma_start3A_79 = tpu.memref_slice %arg5[%dma_start3A_72, %dma_start3A_78] : memref<9x1024xi32, #tpu.memory_space<vmem>> -> memref<1x32xi32, #tpu.memory_space<vmem>>
    %dma_start3A_80 = tpu.memref_squeeze %dma_start3A_79 : memref<1x32xi32, #tpu.memory_space<vmem>> -> memref<32xi32, #tpu.memory_space<vmem>>
    %dma_start3A_81 = arith.constant 0 : i32
    %dma_start3A_82 = arith.constant 0 : i32
    %dma_start3A_83 = tpu.memref_slice %arg2[%dma_start3A_81, %dma_start3A_82] : memref<299520x128xf32, #tpu.memory_space<hbm>> -> memref<299520x128xf32, #tpu.memory_space<hbm>>
    tpu.enqueue_indirect_dma source(%dma_start3A_83 : memref<299520x128xf32, #tpu.memory_space<hbm>>) target(%dma_start3A_77 : memref<32x128xf32, #tpu.memory_space<vmem>>) offsets(%dma_start3A_80 : memref<32xi32, #tpu.memory_space<vmem>>) semaphore(%arg10 : memref<!tpu.dma_semaphore, #tpu.memory_space<semaphore_mem>>)
    %dma_start3A_84 = arith.constant 7 : i32
    %dma_start3A_85 = arith.constant 7 : i32
    %dma_start3A_86 = arith.constant 0 : i32
    %dma_start3A_87 = arith.constant 0 : i32
    %dma_start3A_88 = tpu.memref_slice %arg6[%dma_start3A_85, %dma_start3A_86, %dma_start3A_87] : memref<9x32x128xf32, #tpu.memory_space<vmem>> -> memref<1x32x128xf32, #tpu.memory_space<vmem>>
    %dma_start3A_89 = tpu.memref_squeeze %dma_start3A_88 : memref<1x32x128xf32, #tpu.memory_space<vmem>> -> memref<32x128xf32, #tpu.memory_space<vmem>>
    %dma_start3A_90 = arith.constant 0 : i32
    %dma_start3A_91 = tpu.memref_slice %arg5[%dma_start3A_84, %dma_start3A_90] : memref<9x1024xi32, #tpu.memory_space<vmem>> -> memref<1x32xi32, #tpu.memory_space<vmem>>
    %dma_start3A_92 = tpu.memref_squeeze %dma_start3A_91 : memref<1x32xi32, #tpu.memory_space<vmem>> -> memref<32xi32, #tpu.memory_space<vmem>>
    %dma_start3A_93 = arith.constant 0 : i32
    %dma_start3A_94 = arith.constant 0 : i32
    %dma_start3A_95 = tpu.memref_slice %arg2[%dma_start3A_93, %dma_start3A_94] : memref<299520x128xf32, #tpu.memory_space<hbm>> -> memref<299520x128xf32, #tpu.memory_space<hbm>>
    tpu.enqueue_indirect_dma source(%dma_start3A_95 : memref<299520x128xf32, #tpu.memory_space<hbm>>) target(%dma_start3A_89 : memref<32x128xf32, #tpu.memory_space<vmem>>) offsets(%dma_start3A_92 : memref<32xi32, #tpu.memory_space<vmem>>) semaphore(%arg10 : memref<!tpu.dma_semaphore, #tpu.memory_space<semaphore_mem>>)
    %dma_start3A_96 = arith.constant 8 : i32
    %dma_start3A_97 = arith.constant 8 : i32
    %dma_start3A_98 = arith.constant 0 : i32
    %dma_start3A_99 = arith.constant 0 : i32
    %dma_start3A_100 = tpu.memref_slice %arg6[%dma_start3A_97, %dma_start3A_98, %dma_start3A_99] : memref<9x32x128xf32, #tpu.memory_space<vmem>> -> memref<1x32x128xf32, #tpu.memory_space<vmem>>
    %dma_start3A_101 = tpu.memref_squeeze %dma_start3A_100 : memref<1x32x128xf32, #tpu.memory_space<vmem>> -> memref<32x128xf32, #tpu.memory_space<vmem>>
    %dma_start3A_102 = arith.constant 0 : i32
    %dma_start3A_103 = tpu.memref_slice %arg5[%dma_start3A_96, %dma_start3A_102] : memref<9x1024xi32, #tpu.memory_space<vmem>> -> memref<1x32xi32, #tpu.memory_space<vmem>>
    %dma_start3A_104 = tpu.memref_squeeze %dma_start3A_103 : memref<1x32xi32, #tpu.memory_space<vmem>> -> memref<32xi32, #tpu.memory_space<vmem>>
    %dma_start3A_105 = arith.constant 0 : i32
    %dma_start3A_106 = arith.constant 0 : i32
    %dma_start3A_107 = tpu.memref_slice %arg2[%dma_start3A_105, %dma_start3A_106] : memref<299520x128xf32, #tpu.memory_space<hbm>> -> memref<299520x128xf32, #tpu.memory_space<hbm>>
    tpu.enqueue_indirect_dma source(%dma_start3A_107 : memref<299520x128xf32, #tpu.memory_space<hbm>>) target(%dma_start3A_101 : memref<32x128xf32, #tpu.memory_space<vmem>>) offsets(%dma_start3A_104 : memref<32xi32, #tpu.memory_space<vmem>>) semaphore(%arg10 : memref<!tpu.dma_semaphore, #tpu.memory_space<semaphore_mem>>)
    %dma_start3A_108 = arith.constant 0 : i32
    %dma_start3A_109 = arith.constant 0 : i32
    %dma_start3A_110 = arith.constant 0 : i32
    %dma_start3A_111 = arith.constant 0 : i32
    %dma_start3A_112 = tpu.memref_slice %arg7[%dma_start3A_109, %dma_start3A_110, %dma_start3A_111] : memref<9x32x128xf32, #tpu.memory_space<vmem>> -> memref<1x32x128xf32, #tpu.memory_space<vmem>>
    %dma_start3A_113 = tpu.memref_squeeze %dma_start3A_112 : memref<1x32x128xf32, #tpu.memory_space<vmem>> -> memref<32x128xf32, #tpu.memory_space<vmem>>
    %dma_start3A_114 = arith.constant 32 : i32
    %dma_start3A_115 = tpu.memref_slice %arg5[%dma_start3A_108, %dma_start3A_114] : memref<9x1024xi32, #tpu.memory_space<vmem>> -> memref<1x32xi32, #tpu.memory_space<vmem>>
    %dma_start3A_116 = tpu.memref_squeeze %dma_start3A_115 : memref<1x32xi32, #tpu.memory_space<vmem>> -> memref<32xi32, #tpu.memory_space<vmem>>
    %dma_start3A_117 = arith.constant 0 : i32
    %dma_start3A_118 = arith.constant 0 : i32
    %dma_start3A_119 = tpu.memref_slice %arg2[%dma_start3A_117, %dma_start3A_118] : memref<299520x128xf32, #tpu.memory_space<hbm>> -> memref<299520x128xf32, #tpu.memory_space<hbm>>
    tpu.enqueue_indirect_dma source(%dma_start3A_119 : memref<299520x128xf32, #tpu.memory_space<hbm>>) target(%dma_start3A_113 : memref<32x128xf32, #tpu.memory_space<vmem>>) offsets(%dma_start3A_116 : memref<32xi32, #tpu.memory_space<vmem>>) semaphore(%arg11 : memref<!tpu.dma_semaphore, #tpu.memory_space<semaphore_mem>>)
    %dma_start3A_120 = arith.constant 1 : i32
    %dma_start3A_121 = arith.constant 1 : i32
    %dma_start3A_122 = arith.constant 0 : i32
    %dma_start3A_123 = arith.constant 0 : i32
    %dma_start3A_124 = tpu.memref_slice %arg7[%dma_start3A_121, %dma_start3A_122, %dma_start3A_123] : memref<9x32x128xf32, #tpu.memory_space<vmem>> -> memref<1x32x128xf32, #tpu.memory_space<vmem>>
    %dma_start3A_125 = tpu.memref_squeeze %dma_start3A_124 : memref<1x32x128xf32, #tpu.memory_space<vmem>> -> memref<32x128xf32, #tpu.memory_space<vmem>>
    %dma_start3A_126 = arith.constant 32 : i32
    %dma_start3A_127 = tpu.memref_slice %arg5[%dma_start3A_120, %dma_start3A_126] : memref<9x1024xi32, #tpu.memory_space<vmem>> -> memref<1x32xi32, #tpu.memory_space<vmem>>
    %dma_start3A_128 = tpu.memref_squeeze %dma_start3A_127 : memref<1x32xi32, #tpu.memory_space<vmem>> -> memref<32xi32, #tpu.memory_space<vmem>>
    %dma_start3A_129 = arith.constant 0 : i32
    %dma_start3A_130 = arith.constant 0 : i32
    %dma_start3A_131 = tpu.memref_slice %arg2[%dma_start3A_129, %dma_start3A_130] : memref<299520x128xf32, #tpu.memory_space<hbm>> -> memref<299520x128xf32, #tpu.memory_space<hbm>>
    tpu.enqueue_indirect_dma source(%dma_start3A_131 : memref<299520x128xf32, #tpu.memory_space<hbm>>) target(%dma_start3A_125 : memref<32x128xf32, #tpu.memory_space<vmem>>) offsets(%dma_start3A_128 : memref<32xi32, #tpu.memory_space<vmem>>) semaphore(%arg11 : memref<!tpu.dma_semaphore, #tpu.memory_space<semaphore_mem>>)
    %dma_start3A_132 = arith.constant 2 : i32
    %dma_start3A_133 = arith.constant 2 : i32
    %dma_start3A_134 = arith.constant 0 : i32
    %dma_start3A_135 = arith.constant 0 : i32
    %dma_start3A_136 = tpu.memref_slice %arg7[%dma_start3A_133, %dma_start3A_134, %dma_start3A_135] : memref<9x32x128xf32, #tpu.memory_space<vmem>> -> memref<1x32x128xf32, #tpu.memory_space<vmem>>
    %dma_start3A_137 = tpu.memref_squeeze %dma_start3A_136 : memref<1x32x128xf32, #tpu.memory_space<vmem>> -> memref<32x128xf32, #tpu.memory_space<vmem>>
    %dma_start3A_138 = arith.constant 32 : i32
    %dma_start3A_139 = tpu.memref_slice %arg5[%dma_start3A_132, %dma_start3A_138] : memref<9x1024xi32, #tpu.memory_space<vmem>> -> memref<1x32xi32, #tpu.memory_space<vmem>>
    %dma_start3A_140 = tpu.memref_squeeze %dma_start3A_139 : memref<1x32xi32, #tpu.memory_space<vmem>> -> memref<32xi32, #tpu.memory_space<vmem>>
    %dma_start3A_141 = arith.constant 0 : i32
    %dma_start3A_142 = arith.constant 0 : i32
    %dma_start3A_143 = tpu.memref_slice %arg2[%dma_start3A_141, %dma_start3A_142] : memref<299520x128xf32, #tpu.memory_space<hbm>> -> memref<299520x128xf32, #tpu.memory_space<hbm>>
    tpu.enqueue_indirect_dma source(%dma_start3A_143 : memref<299520x128xf32, #tpu.memory_space<hbm>>) target(%dma_start3A_137 : memref<32x128xf32, #tpu.memory_space<vmem>>) offsets(%dma_start3A_140 : memref<32xi32, #tpu.memory_space<vmem>>) semaphore(%arg11 : memref<!tpu.dma_semaphore, #tpu.memory_space<semaphore_mem>>)
    %dma_start3A_144 = arith.constant 3 : i32
    %dma_start3A_145 = arith.constant 3 : i32
    %dma_start3A_146 = arith.constant 0 : i32
    %dma_start3A_147 = arith.constant 0 : i32
    %dma_start3A_148 = tpu.memref_slice %arg7[%dma_start3A_145, %dma_start3A_146, %dma_start3A_147] : memref<9x32x128xf32, #tpu.memory_space<vmem>> -> memref<1x32x128xf32, #tpu.memory_space<vmem>>
    %dma_start3A_149 = tpu.memref_squeeze %dma_start3A_148 : memref<1x32x128xf32, #tpu.memory_space<vmem>> -> memref<32x128xf32, #tpu.memory_space<vmem>>
    %dma_start3A_150 = arith.constant 32 : i32
    %dma_start3A_151 = tpu.memref_slice %arg5[%dma_start3A_144, %dma_start3A_150] : memref<9x1024xi32, #tpu.memory_space<vmem>> -> memref<1x32xi32, #tpu.memory_space<vmem>>
    %dma_start3A_152 = tpu.memref_squeeze %dma_start3A_151 : memref<1x32xi32, #tpu.memory_space<vmem>> -> memref<32xi32, #tpu.memory_space<vmem>>
    %dma_start3A_153 = arith.constant 0 : i32
    %dma_start3A_154 = arith.constant 0 : i32
    %dma_start3A_155 = tpu.memref_slice %arg2[%dma_start3A_153, %dma_start3A_154] : memref<299520x128xf32, #tpu.memory_space<hbm>> -> memref<299520x128xf32, #tpu.memory_space<hbm>>
    tpu.enqueue_indirect_dma source(%dma_start3A_155 : memref<299520x128xf32, #tpu.memory_space<hbm>>) target(%dma_start3A_149 : memref<32x128xf32, #tpu.memory_space<vmem>>) offsets(%dma_start3A_152 : memref<32xi32, #tpu.memory_space<vmem>>) semaphore(%arg11 : memref<!tpu.dma_semaphore, #tpu.memory_space<semaphore_mem>>)
    %dma_start3A_156 = arith.constant 4 : i32
    %dma_start3A_157 = arith.constant 4 : i32
    %dma_start3A_158 = arith.constant 0 : i32
    %dma_start3A_159 = arith.constant 0 : i32
    %dma_start3A_160 = tpu.memref_slice %arg7[%dma_start3A_157, %dma_start3A_158, %dma_start3A_159] : memref<9x32x128xf32, #tpu.memory_space<vmem>> -> memref<1x32x128xf32, #tpu.memory_space<vmem>>
    %dma_start3A_161 = tpu.memref_squeeze %dma_start3A_160 : memref<1x32x128xf32, #tpu.memory_space<vmem>> -> memref<32x128xf32, #tpu.memory_space<vmem>>
    %dma_start3A_162 = arith.constant 32 : i32
    %dma_start3A_163 = tpu.memref_slice %arg5[%dma_start3A_156, %dma_start3A_162] : memref<9x1024xi32, #tpu.memory_space<vmem>> -> memref<1x32xi32, #tpu.memory_space<vmem>>
    %dma_start3A_164 = tpu.memref_squeeze %dma_start3A_163 : memref<1x32xi32, #tpu.memory_space<vmem>> -> memref<32xi32, #tpu.memory_space<vmem>>
    %dma_start3A_165 = arith.constant 0 : i32
    %dma_start3A_166 = arith.constant 0 : i32
    %dma_start3A_167 = tpu.memref_slice %arg2[%dma_start3A_165, %dma_start3A_166] : memref<299520x128xf32, #tpu.memory_space<hbm>> -> memref<299520x128xf32, #tpu.memory_space<hbm>>
    tpu.enqueue_indirect_dma source(%dma_start3A_167 : memref<299520x128xf32, #tpu.memory_space<hbm>>) target(%dma_start3A_161 : memref<32x128xf32, #tpu.memory_space<vmem>>) offsets(%dma_start3A_164 : memref<32xi32, #tpu.memory_space<vmem>>) semaphore(%arg11 : memref<!tpu.dma_semaphore, #tpu.memory_space<semaphore_mem>>)
    %dma_start3A_168 = arith.constant 5 : i32
    %dma_start3A_169 = arith.constant 5 : i32
    %dma_start3A_170 = arith.constant 0 : i32
    %dma_start3A_171 = arith.constant 0 : i32
    %dma_start3A_172 = tpu.memref_slice %arg7[%dma_start3A_169, %dma_start3A_170, %dma_start3A_171] : memref<9x32x128xf32, #tpu.memory_space<vmem>> -> memref<1x32x128xf32, #tpu.memory_space<vmem>>
    %dma_start3A_173 = tpu.memref_squeeze %dma_start3A_172 : memref<1x32x128xf32, #tpu.memory_space<vmem>> -> memref<32x128xf32, #tpu.memory_space<vmem>>
    %dma_start3A_174 = arith.constant 32 : i32
    %dma_start3A_175 = tpu.memref_slice %arg5[%dma_start3A_168, %dma_start3A_174] : memref<9x1024xi32, #tpu.memory_space<vmem>> -> memref<1x32xi32, #tpu.memory_space<vmem>>
    %dma_start3A_176 = tpu.memref_squeeze %dma_start3A_175 : memref<1x32xi32, #tpu.memory_space<vmem>> -> memref<32xi32, #tpu.memory_space<vmem>>
    %dma_start3A_177 = arith.constant 0 : i32
    %dma_start3A_178 = arith.constant 0 : i32
    %dma_start3A_179 = tpu.memref_slice %arg2[%dma_start3A_177, %dma_start3A_178] : memref<299520x128xf32, #tpu.memory_space<hbm>> -> memref<299520x128xf32, #tpu.memory_space<hbm>>
    tpu.enqueue_indirect_dma source(%dma_start3A_179 : memref<299520x128xf32, #tpu.memory_space<hbm>>) target(%dma_start3A_173 : memref<32x128xf32, #tpu.memory_space<vmem>>) offsets(%dma_start3A_176 : memref<32xi32, #tpu.memory_space<vmem>>) semaphore(%arg11 : memref<!tpu.dma_semaphore, #tpu.memory_space<semaphore_mem>>)
    %dma_start3A_180 = arith.constant 6 : i32
    %dma_start3A_181 = arith.constant 6 : i32
    %dma_start3A_182 = arith.constant 0 : i32
    %dma_start3A_183 = arith.constant 0 : i32
    %dma_start3A_184 = tpu.memref_slice %arg7[%dma_start3A_181, %dma_start3A_182, %dma_start3A_183] : memref<9x32x128xf32, #tpu.memory_space<vmem>> -> memref<1x32x128xf32, #tpu.memory_space<vmem>>
    %dma_start3A_185 = tpu.memref_squeeze %dma_start3A_184 : memref<1x32x128xf32, #tpu.memory_space<vmem>> -> memref<32x128xf32, #tpu.memory_space<vmem>>
    %dma_start3A_186 = arith.constant 32 : i32
    %dma_start3A_187 = tpu.memref_slice %arg5[%dma_start3A_180, %dma_start3A_186] : memref<9x1024xi32, #tpu.memory_space<vmem>> -> memref<1x32xi32, #tpu.memory_space<vmem>>
    %dma_start3A_188 = tpu.memref_squeeze %dma_start3A_187 : memref<1x32xi32, #tpu.memory_space<vmem>> -> memref<32xi32, #tpu.memory_space<vmem>>
    %dma_start3A_189 = arith.constant 0 : i32
    %dma_start3A_190 = arith.constant 0 : i32
    %dma_start3A_191 = tpu.memref_slice %arg2[%dma_start3A_189, %dma_start3A_190] : memref<299520x128xf32, #tpu.memory_space<hbm>> -> memref<299520x128xf32, #tpu.memory_space<hbm>>
    tpu.enqueue_indirect_dma source(%dma_start3A_191 : memref<299520x128xf32, #tpu.memory_space<hbm>>) target(%dma_start3A_185 : memref<32x128xf32, #tpu.memory_space<vmem>>) offsets(%dma_start3A_188 : memref<32xi32, #tpu.memory_space<vmem>>) semaphore(%arg11 : memref<!tpu.dma_semaphore, #tpu.memory_space<semaphore_mem>>)
    %dma_start3A_192 = arith.constant 7 : i32
    %dma_start3A_193 = arith.constant 7 : i32
    %dma_start3A_194 = arith.constant 0 : i32
    %dma_start3A_195 = arith.constant 0 : i32
    %dma_start3A_196 = tpu.memref_slice %arg7[%dma_start3A_193, %dma_start3A_194, %dma_start3A_195] : memref<9x32x128xf32, #tpu.memory_space<vmem>> -> memref<1x32x128xf32, #tpu.memory_space<vmem>>
    %dma_start3A_197 = tpu.memref_squeeze %dma_start3A_196 : memref<1x32x128xf32, #tpu.memory_space<vmem>> -> memref<32x128xf32, #tpu.memory_space<vmem>>
    %dma_start3A_198 = arith.constant 32 : i32
    %dma_start3A_199 = tpu.memref_slice %arg5[%dma_start3A_192, %dma_start3A_198] : memref<9x1024xi32, #tpu.memory_space<vmem>> -> memref<1x32xi32, #tpu.memory_space<vmem>>
    %dma_start3A_200 = tpu.memref_squeeze %dma_start3A_199 : memref<1x32xi32, #tpu.memory_space<vmem>> -> memref<32xi32, #tpu.memory_space<vmem>>
    %dma_start3A_201 = arith.constant 0 : i32
    %dma_start3A_202 = arith.constant 0 : i32
    %dma_start3A_203 = tpu.memref_slice %arg2[%dma_start3A_201, %dma_start3A_202] : memref<299520x128xf32, #tpu.memory_space<hbm>> -> memref<299520x128xf32, #tpu.memory_space<hbm>>
    tpu.enqueue_indirect_dma source(%dma_start3A_203 : memref<299520x128xf32, #tpu.memory_space<hbm>>) target(%dma_start3A_197 : memref<32x128xf32, #tpu.memory_space<vmem>>) offsets(%dma_start3A_200 : memref<32xi32, #tpu.memory_space<vmem>>) semaphore(%arg11 : memref<!tpu.dma_semaphore, #tpu.memory_space<semaphore_mem>>)
    %dma_start3A_204 = arith.constant 8 : i32
    %dma_start3A_205 = arith.constant 8 : i32
    %dma_start3A_206 = arith.constant 0 : i32
    %dma_start3A_207 = arith.constant 0 : i32
    %dma_start3A_208 = tpu.memref_slice %arg7[%dma_start3A_205, %dma_start3A_206, %dma_start3A_207] : memref<9x32x128xf32, #tpu.memory_space<vmem>> -> memref<1x32x128xf32, #tpu.memory_space<vmem>>
    %dma_start3A_209 = tpu.memref_squeeze %dma_start3A_208 : memref<1x32x128xf32, #tpu.memory_space<vmem>> -> memref<32x128xf32, #tpu.memory_space<vmem>>
    %dma_start3A_210 = arith.constant 32 : i32
    %dma_start3A_211 = tpu.memref_slice %arg5[%dma_start3A_204, %dma_start3A_210] : memref<9x1024xi32, #tpu.memory_space<vmem>> -> memref<1x32xi32, #tpu.memory_space<vmem>>
    %dma_start3A_212 = tpu.memref_squeeze %dma_start3A_211 : memref<1x32xi32, #tpu.memory_space<vmem>> -> memref<32xi32, #tpu.memory_space<vmem>>
    %dma_start3A_213 = arith.constant 0 : i32
    %dma_start3A_214 = arith.constant 0 : i32
    %dma_start3A_215 = tpu.memref_slice %arg2[%dma_start3A_213, %dma_start3A_214] : memref<299520x128xf32, #tpu.memory_space<hbm>> -> memref<299520x128xf32, #tpu.memory_space<hbm>>
    tpu.enqueue_indirect_dma source(%dma_start3A_215 : memref<299520x128xf32, #tpu.memory_space<hbm>>) target(%dma_start3A_209 : memref<32x128xf32, #tpu.memory_space<vmem>>) offsets(%dma_start3A_212 : memref<32xi32, #tpu.memory_space<vmem>>) semaphore(%arg11 : memref<!tpu.dma_semaphore, #tpu.memory_space<semaphore_mem>>)
    %scan3A = arith.constant 0 : i32
    %scan3A_216 = arith.constant 0 : i32
    %scan3A_217 = arith.constant 16 : i32
    %scan3A_218 = arith.addi %scan3A_216, %scan3A_217 : i32
    %scan3A_219 = arith.constant 1 : i32
    scf.for %scan3A_232 = %scan3A_216 to %scan3A_218 step %scan3A_219  : i32 {
      %mul3A_233 = arith.constant 2 : i32
      %mul3A_234 = arith.muli %mul3A_233, %scan3A_232 : i32
      %mul3A_235 = arith.constant 1024 : i32
      %mul3A_236 = arith.muli %add3A, %mul3A_235 : i32
      %mul3A_237 = arith.constant 32 : i32
      %mul3A_238 = arith.muli %mul3A_234, %mul3A_237 : i32
      %add3A_239 = arith.addi %mul3A_236, %mul3A_238 : i32
      %dma_wait3A_240 = arith.constant 0 : i32
      %dma_wait3A_241 = arith.constant 0 : i32
      %dma_wait3A_242 = arith.constant 0 : i32
      %dma_wait3A_243 = tpu.memref_slice %arg6[%dma_wait3A_240, %dma_wait3A_241, %dma_wait3A_242] : memref<9x32x128xf32, #tpu.memory_space<vmem>> -> memref<1x32x128xf32, #tpu.memory_space<vmem>>
      %dma_wait3A_244 = tpu.memref_squeeze %dma_wait3A_243 : memref<1x32x128xf32, #tpu.memory_space<vmem>> -> memref<32x128xf32, #tpu.memory_space<vmem>>
      %dma_wait3A_245 = arith.constant 0 : i32
      %dma_wait3A_246 = arith.constant 0 : i32
      %dma_wait3A_247 = tpu.memref_slice %arg2[%dma_wait3A_245, %dma_wait3A_246] : memref<299520x128xf32, #tpu.memory_space<hbm>> -> memref<32x128xf32, #tpu.memory_space<hbm>>
      %dma_wait3A_248 = arith.constant 0 : i32
      %dma_wait3A_249 = arith.constant 0 : i32
      %dma_wait3A_250 = tpu.memref_slice %arg6[%dma_wait3A_240, %dma_wait3A_248, %dma_wait3A_249] : memref<9x32x128xf32, #tpu.memory_space<vmem>> -> memref<1x32x128xf32, #tpu.memory_space<vmem>>
      %dma_wait3A_251 = tpu.memref_squeeze %dma_wait3A_250 : memref<1x32x128xf32, #tpu.memory_space<vmem>> -> memref<32x128xf32, #tpu.memory_space<vmem>>
      %dma_wait3A_252 = arith.constant 0 : i32
      %dma_wait3A_253 = arith.constant 0 : i32
      %dma_wait3A_254 = tpu.memref_slice %arg2[%dma_wait3A_252, %dma_wait3A_253] : memref<299520x128xf32, #tpu.memory_space<hbm>> -> memref<32x128xf32, #tpu.memory_space<hbm>>
      tpu.wait_dma2 semaphore(%arg10 : memref<!tpu.dma_semaphore, #tpu.memory_space<semaphore_mem>>) src(%dma_wait3A_254 : memref<32x128xf32, #tpu.memory_space<hbm>>) dst(%dma_wait3A_251 : memref<32x128xf32, #tpu.memory_space<vmem>>)
      %dma_wait3A_255 = arith.constant 1 : i32
      %dma_wait3A_256 = arith.constant 0 : i32
      %dma_wait3A_257 = arith.constant 0 : i32
      %dma_wait3A_258 = tpu.memref_slice %arg6[%dma_wait3A_255, %dma_wait3A_256, %dma_wait3A_257] : memref<9x32x128xf32, #tpu.memory_space<vmem>> -> memref<1x32x128xf32, #tpu.memory_space<vmem>>
      %dma_wait3A_259 = tpu.memref_squeeze %dma_wait3A_258 : memref<1x32x128xf32, #tpu.memory_space<vmem>> -> memref<32x128xf32, #tpu.memory_space<vmem>>
      %dma_wait3A_260 = arith.constant 0 : i32
      %dma_wait3A_261 = arith.constant 0 : i32
      %dma_wait3A_262 = tpu.memref_slice %arg2[%dma_wait3A_260, %dma_wait3A_261] : memref<299520x128xf32, #tpu.memory_space<hbm>> -> memref<32x128xf32, #tpu.memory_space<hbm>>
      %dma_wait3A_263 = arith.constant 0 : i32
      %dma_wait3A_264 = arith.constant 0 : i32
      %dma_wait3A_265 = tpu.memref_slice %arg6[%dma_wait3A_255, %dma_wait3A_263, %dma_wait3A_264] : memref<9x32x128xf32, #tpu.memory_space<vmem>> -> memref<1x32x128xf32, #tpu.memory_space<vmem>>
      %dma_wait3A_266 = tpu.memref_squeeze %dma_wait3A_265 : memref<1x32x128xf32, #tpu.memory_space<vmem>> -> memref<32x128xf32, #tpu.memory_space<vmem>>
      %dma_wait3A_267 = arith.constant 0 : i32
      %dma_wait3A_268 = arith.constant 0 : i32
      %dma_wait3A_269 = tpu.memref_slice %arg2[%dma_wait3A_267, %dma_wait3A_268] : memref<299520x128xf32, #tpu.memory_space<hbm>> -> memref<32x128xf32, #tpu.memory_space<hbm>>
      tpu.wait_dma2 semaphore(%arg10 : memref<!tpu.dma_semaphore, #tpu.memory_space<semaphore_mem>>) src(%dma_wait3A_269 : memref<32x128xf32, #tpu.memory_space<hbm>>) dst(%dma_wait3A_266 : memref<32x128xf32, #tpu.memory_space<vmem>>)
      %dma_wait3A_270 = arith.constant 2 : i32
      %dma_wait3A_271 = arith.constant 0 : i32
      %dma_wait3A_272 = arith.constant 0 : i32
      %dma_wait3A_273 = tpu.memref_slice %arg6[%dma_wait3A_270, %dma_wait3A_271, %dma_wait3A_272] : memref<9x32x128xf32, #tpu.memory_space<vmem>> -> memref<1x32x128xf32, #tpu.memory_space<vmem>>
      %dma_wait3A_274 = tpu.memref_squeeze %dma_wait3A_273 : memref<1x32x128xf32, #tpu.memory_space<vmem>> -> memref<32x128xf32, #tpu.memory_space<vmem>>
      %dma_wait3A_275 = arith.constant 0 : i32
      %dma_wait3A_276 = arith.constant 0 : i32
      %dma_wait3A_277 = tpu.memref_slice %arg2[%dma_wait3A_275, %dma_wait3A_276] : memref<299520x128xf32, #tpu.memory_space<hbm>> -> memref<32x128xf32, #tpu.memory_space<hbm>>
      %dma_wait3A_278 = arith.constant 0 : i32
      %dma_wait3A_279 = arith.constant 0 : i32
      %dma_wait3A_280 = tpu.memref_slice %arg6[%dma_wait3A_270, %dma_wait3A_278, %dma_wait3A_279] : memref<9x32x128xf32, #tpu.memory_space<vmem>> -> memref<1x32x128xf32, #tpu.memory_space<vmem>>
      %dma_wait3A_281 = tpu.memref_squeeze %dma_wait3A_280 : memref<1x32x128xf32, #tpu.memory_space<vmem>> -> memref<32x128xf32, #tpu.memory_space<vmem>>
      %dma_wait3A_282 = arith.constant 0 : i32
      %dma_wait3A_283 = arith.constant 0 : i32
      %dma_wait3A_284 = tpu.memref_slice %arg2[%dma_wait3A_282, %dma_wait3A_283] : memref<299520x128xf32, #tpu.memory_space<hbm>> -> memref<32x128xf32, #tpu.memory_space<hbm>>
      tpu.wait_dma2 semaphore(%arg10 : memref<!tpu.dma_semaphore, #tpu.memory_space<semaphore_mem>>) src(%dma_wait3A_284 : memref<32x128xf32, #tpu.memory_space<hbm>>) dst(%dma_wait3A_281 : memref<32x128xf32, #tpu.memory_space<vmem>>)
      %dma_wait3A_285 = arith.constant 3 : i32
      %dma_wait3A_286 = arith.constant 0 : i32
      %dma_wait3A_287 = arith.constant 0 : i32
      %dma_wait3A_288 = tpu.memref_slice %arg6[%dma_wait3A_285, %dma_wait3A_286, %dma_wait3A_287] : memref<9x32x128xf32, #tpu.memory_space<vmem>> -> memref<1x32x128xf32, #tpu.memory_space<vmem>>
      %dma_wait3A_289 = tpu.memref_squeeze %dma_wait3A_288 : memref<1x32x128xf32, #tpu.memory_space<vmem>> -> memref<32x128xf32, #tpu.memory_space<vmem>>
      %dma_wait3A_290 = arith.constant 0 : i32
      %dma_wait3A_291 = arith.constant 0 : i32
      %dma_wait3A_292 = tpu.memref_slice %arg2[%dma_wait3A_290, %dma_wait3A_291] : memref<299520x128xf32, #tpu.memory_space<hbm>> -> memref<32x128xf32, #tpu.memory_space<hbm>>
      %dma_wait3A_293 = arith.constant 0 : i32
      %dma_wait3A_294 = arith.constant 0 : i32
      %dma_wait3A_295 = tpu.memref_slice %arg6[%dma_wait3A_285, %dma_wait3A_293, %dma_wait3A_294] : memref<9x32x128xf32, #tpu.memory_space<vmem>> -> memref<1x32x128xf32, #tpu.memory_space<vmem>>
      %dma_wait3A_296 = tpu.memref_squeeze %dma_wait3A_295 : memref<1x32x128xf32, #tpu.memory_space<vmem>> -> memref<32x128xf32, #tpu.memory_space<vmem>>
      %dma_wait3A_297 = arith.constant 0 : i32
      %dma_wait3A_298 = arith.constant 0 : i32
      %dma_wait3A_299 = tpu.memref_slice %arg2[%dma_wait3A_297, %dma_wait3A_298] : memref<299520x128xf32, #tpu.memory_space<hbm>> -> memref<32x128xf32, #tpu.memory_space<hbm>>
      tpu.wait_dma2 semaphore(%arg10 : memref<!tpu.dma_semaphore, #tpu.memory_space<semaphore_mem>>) src(%dma_wait3A_299 : memref<32x128xf32, #tpu.memory_space<hbm>>) dst(%dma_wait3A_296 : memref<32x128xf32, #tpu.memory_space<vmem>>)
      %dma_wait3A_300 = arith.constant 4 : i32
      %dma_wait3A_301 = arith.constant 0 : i32
      %dma_wait3A_302 = arith.constant 0 : i32
      %dma_wait3A_303 = tpu.memref_slice %arg6[%dma_wait3A_300, %dma_wait3A_301, %dma_wait3A_302] : memref<9x32x128xf32, #tpu.memory_space<vmem>> -> memref<1x32x128xf32, #tpu.memory_space<vmem>>
      %dma_wait3A_304 = tpu.memref_squeeze %dma_wait3A_303 : memref<1x32x128xf32, #tpu.memory_space<vmem>> -> memref<32x128xf32, #tpu.memory_space<vmem>>
      %dma_wait3A_305 = arith.constant 0 : i32
      %dma_wait3A_306 = arith.constant 0 : i32
      %dma_wait3A_307 = tpu.memref_slice %arg2[%dma_wait3A_305, %dma_wait3A_306] : memref<299520x128xf32, #tpu.memory_space<hbm>> -> memref<32x128xf32, #tpu.memory_space<hbm>>
      %dma_wait3A_308 = arith.constant 0 : i32
      %dma_wait3A_309 = arith.constant 0 : i32
      %dma_wait3A_310 = tpu.memref_slice %arg6[%dma_wait3A_300, %dma_wait3A_308, %dma_wait3A_309] : memref<9x32x128xf32, #tpu.memory_space<vmem>> -> memref<1x32x128xf32, #tpu.memory_space<vmem>>
      %dma_wait3A_311 = tpu.memref_squeeze %dma_wait3A_310 : memref<1x32x128xf32, #tpu.memory_space<vmem>> -> memref<32x128xf32, #tpu.memory_space<vmem>>
      %dma_wait3A_312 = arith.constant 0 : i32
      %dma_wait3A_313 = arith.constant 0 : i32
      %dma_wait3A_314 = tpu.memref_slice %arg2[%dma_wait3A_312, %dma_wait3A_313] : memref<299520x128xf32, #tpu.memory_space<hbm>> -> memref<32x128xf32, #tpu.memory_space<hbm>>
      tpu.wait_dma2 semaphore(%arg10 : memref<!tpu.dma_semaphore, #tpu.memory_space<semaphore_mem>>) src(%dma_wait3A_314 : memref<32x128xf32, #tpu.memory_space<hbm>>) dst(%dma_wait3A_311 : memref<32x128xf32, #tpu.memory_space<vmem>>)
      %dma_wait3A_315 = arith.constant 5 : i32
      %dma_wait3A_316 = arith.constant 0 : i32
      %dma_wait3A_317 = arith.constant 0 : i32
      %dma_wait3A_318 = tpu.memref_slice %arg6[%dma_wait3A_315, %dma_wait3A_316, %dma_wait3A_317] : memref<9x32x128xf32, #tpu.memory_space<vmem>> -> memref<1x32x128xf32, #tpu.memory_space<vmem>>
      %dma_wait3A_319 = tpu.memref_squeeze %dma_wait3A_318 : memref<1x32x128xf32, #tpu.memory_space<vmem>> -> memref<32x128xf32, #tpu.memory_space<vmem>>
      %dma_wait3A_320 = arith.constant 0 : i32
      %dma_wait3A_321 = arith.constant 0 : i32
      %dma_wait3A_322 = tpu.memref_slice %arg2[%dma_wait3A_320, %dma_wait3A_321] : memref<299520x128xf32, #tpu.memory_space<hbm>> -> memref<32x128xf32, #tpu.memory_space<hbm>>
      %dma_wait3A_323 = arith.constant 0 : i32
      %dma_wait3A_324 = arith.constant 0 : i32
      %dma_wait3A_325 = tpu.memref_slice %arg6[%dma_wait3A_315, %dma_wait3A_323, %dma_wait3A_324] : memref<9x32x128xf32, #tpu.memory_space<vmem>> -> memref<1x32x128xf32, #tpu.memory_space<vmem>>
      %dma_wait3A_326 = tpu.memref_squeeze %dma_wait3A_325 : memref<1x32x128xf32, #tpu.memory_space<vmem>> -> memref<32x128xf32, #tpu.memory_space<vmem>>
      %dma_wait3A_327 = arith.constant 0 : i32
      %dma_wait3A_328 = arith.constant 0 : i32
      %dma_wait3A_329 = tpu.memref_slice %arg2[%dma_wait3A_327, %dma_wait3A_328] : memref<299520x128xf32, #tpu.memory_space<hbm>> -> memref<32x128xf32, #tpu.memory_space<hbm>>
      tpu.wait_dma2 semaphore(%arg10 : memref<!tpu.dma_semaphore, #tpu.memory_space<semaphore_mem>>) src(%dma_wait3A_329 : memref<32x128xf32, #tpu.memory_space<hbm>>) dst(%dma_wait3A_326 : memref<32x128xf32, #tpu.memory_space<vmem>>)
      %dma_wait3A_330 = arith.constant 6 : i32
      %dma_wait3A_331 = arith.constant 0 : i32
      %dma_wait3A_332 = arith.constant 0 : i32
      %dma_wait3A_333 = tpu.memref_slice %arg6[%dma_wait3A_330, %dma_wait3A_331, %dma_wait3A_332] : memref<9x32x128xf32, #tpu.memory_space<vmem>> -> memref<1x32x128xf32, #tpu.memory_space<vmem>>
      %dma_wait3A_334 = tpu.memref_squeeze %dma_wait3A_333 : memref<1x32x128xf32, #tpu.memory_space<vmem>> -> memref<32x128xf32, #tpu.memory_space<vmem>>
      %dma_wait3A_335 = arith.constant 0 : i32
      %dma_wait3A_336 = arith.constant 0 : i32
      %dma_wait3A_337 = tpu.memref_slice %arg2[%dma_wait3A_335, %dma_wait3A_336] : memref<299520x128xf32, #tpu.memory_space<hbm>> -> memref<32x128xf32, #tpu.memory_space<hbm>>
      %dma_wait3A_338 = arith.constant 0 : i32
      %dma_wait3A_339 = arith.constant 0 : i32
      %dma_wait3A_340 = tpu.memref_slice %arg6[%dma_wait3A_330, %dma_wait3A_338, %dma_wait3A_339] : memref<9x32x128xf32, #tpu.memory_space<vmem>> -> memref<1x32x128xf32, #tpu.memory_space<vmem>>
      %dma_wait3A_341 = tpu.memref_squeeze %dma_wait3A_340 : memref<1x32x128xf32, #tpu.memory_space<vmem>> -> memref<32x128xf32, #tpu.memory_space<vmem>>
      %dma_wait3A_342 = arith.constant 0 : i32
      %dma_wait3A_343 = arith.constant 0 : i32
      %dma_wait3A_344 = tpu.memref_slice %arg2[%dma_wait3A_342, %dma_wait3A_343] : memref<299520x128xf32, #tpu.memory_space<hbm>> -> memref<32x128xf32, #tpu.memory_space<hbm>>
      tpu.wait_dma2 semaphore(%arg10 : memref<!tpu.dma_semaphore, #tpu.memory_space<semaphore_mem>>) src(%dma_wait3A_344 : memref<32x128xf32, #tpu.memory_space<hbm>>) dst(%dma_wait3A_341 : memref<32x128xf32, #tpu.memory_space<vmem>>)
      %dma_wait3A_345 = arith.constant 7 : i32
      %dma_wait3A_346 = arith.constant 0 : i32
      %dma_wait3A_347 = arith.constant 0 : i32
      %dma_wait3A_348 = tpu.memref_slice %arg6[%dma_wait3A_345, %dma_wait3A_346, %dma_wait3A_347] : memref<9x32x128xf32, #tpu.memory_space<vmem>> -> memref<1x32x128xf32, #tpu.memory_space<vmem>>
      %dma_wait3A_349 = tpu.memref_squeeze %dma_wait3A_348 : memref<1x32x128xf32, #tpu.memory_space<vmem>> -> memref<32x128xf32, #tpu.memory_space<vmem>>
      %dma_wait3A_350 = arith.constant 0 : i32
      %dma_wait3A_351 = arith.constant 0 : i32
      %dma_wait3A_352 = tpu.memref_slice %arg2[%dma_wait3A_350, %dma_wait3A_351] : memref<299520x128xf32, #tpu.memory_space<hbm>> -> memref<32x128xf32, #tpu.memory_space<hbm>>
      %dma_wait3A_353 = arith.constant 0 : i32
      %dma_wait3A_354 = arith.constant 0 : i32
      %dma_wait3A_355 = tpu.memref_slice %arg6[%dma_wait3A_345, %dma_wait3A_353, %dma_wait3A_354] : memref<9x32x128xf32, #tpu.memory_space<vmem>> -> memref<1x32x128xf32, #tpu.memory_space<vmem>>
      %dma_wait3A_356 = tpu.memref_squeeze %dma_wait3A_355 : memref<1x32x128xf32, #tpu.memory_space<vmem>> -> memref<32x128xf32, #tpu.memory_space<vmem>>
      %dma_wait3A_357 = arith.constant 0 : i32
      %dma_wait3A_358 = arith.constant 0 : i32
      %dma_wait3A_359 = tpu.memref_slice %arg2[%dma_wait3A_357, %dma_wait3A_358] : memref<299520x128xf32, #tpu.memory_space<hbm>> -> memref<32x128xf32, #tpu.memory_space<hbm>>
      tpu.wait_dma2 semaphore(%arg10 : memref<!tpu.dma_semaphore, #tpu.memory_space<semaphore_mem>>) src(%dma_wait3A_359 : memref<32x128xf32, #tpu.memory_space<hbm>>) dst(%dma_wait3A_356 : memref<32x128xf32, #tpu.memory_space<vmem>>)
      %dma_wait3A_360 = arith.constant 8 : i32
      %dma_wait3A_361 = arith.constant 0 : i32
      %dma_wait3A_362 = arith.constant 0 : i32
      %dma_wait3A_363 = tpu.memref_slice %arg6[%dma_wait3A_360, %dma_wait3A_361, %dma_wait3A_362] : memref<9x32x128xf32, #tpu.memory_space<vmem>> -> memref<1x32x128xf32, #tpu.memory_space<vmem>>
      %dma_wait3A_364 = tpu.memref_squeeze %dma_wait3A_363 : memref<1x32x128xf32, #tpu.memory_space<vmem>> -> memref<32x128xf32, #tpu.memory_space<vmem>>
      %dma_wait3A_365 = arith.constant 0 : i32
      %dma_wait3A_366 = arith.constant 0 : i32
      %dma_wait3A_367 = tpu.memref_slice %arg2[%dma_wait3A_365, %dma_wait3A_366] : memref<299520x128xf32, #tpu.memory_space<hbm>> -> memref<32x128xf32, #tpu.memory_space<hbm>>
      %dma_wait3A_368 = arith.constant 0 : i32
      %dma_wait3A_369 = arith.constant 0 : i32
      %dma_wait3A_370 = tpu.memref_slice %arg6[%dma_wait3A_360, %dma_wait3A_368, %dma_wait3A_369] : memref<9x32x128xf32, #tpu.memory_space<vmem>> -> memref<1x32x128xf32, #tpu.memory_space<vmem>>
      %dma_wait3A_371 = tpu.memref_squeeze %dma_wait3A_370 : memref<1x32x128xf32, #tpu.memory_space<vmem>> -> memref<32x128xf32, #tpu.memory_space<vmem>>
      %dma_wait3A_372 = arith.constant 0 : i32
      %dma_wait3A_373 = arith.constant 0 : i32
      %dma_wait3A_374 = tpu.memref_slice %arg2[%dma_wait3A_372, %dma_wait3A_373] : memref<299520x128xf32, #tpu.memory_space<hbm>> -> memref<32x128xf32, #tpu.memory_space<hbm>>
      tpu.wait_dma2 semaphore(%arg10 : memref<!tpu.dma_semaphore, #tpu.memory_space<semaphore_mem>>) src(%dma_wait3A_374 : memref<32x128xf32, #tpu.memory_space<hbm>>) dst(%dma_wait3A_371 : memref<32x128xf32, #tpu.memory_space<vmem>>)
      %ge3A = arith.constant 2 : i32
      %ge3A_375 = arith.cmpi sge, %mul3A_234, %ge3A : i32
      %convert_element_type3A = arith.extui %ge3A_375 : i1 to i32
      %cond3A = arith.constant 0 : i32
      %cond3A_376 = arith.cmpi ne, %convert_element_type3A, %cond3A : i32
      scf.if %cond3A_376 {
        %dma_wait3A_552 = arith.constant 0 : i32
        %dma_wait3A_553 = tpu.memref_slice %arg4[%add3A_239, %dma_wait3A_552] : memref<32768x128xf32, #tpu.memory_space<hbm>> -> memref<32x128xf32, #tpu.memory_space<hbm>>
        %dma_wait3A_554 = arith.constant 0 : i32
        %dma_wait3A_555 = tpu.memref_slice %arg4[%add3A_239, %dma_wait3A_554] : memref<32768x128xf32, #tpu.memory_space<hbm>> -> memref<32x128xf32, #tpu.memory_space<hbm>>
        tpu.wait_dma2 semaphore(%arg12 : memref<!tpu.dma_semaphore, #tpu.memory_space<semaphore_mem>>) src(%arg8 : memref<32x128xf32, #tpu.memory_space<vmem>>) dst(%dma_wait3A_555 : memref<32x128xf32, #tpu.memory_space<hbm>>)
      } else {
      }
      %parallel_loop3A = arith.constant 0 : i32
      %parallel_loop3A_377 = arith.constant 32 : i32
      %parallel_loop3A_378 = arith.constant 1 : i32
      scf.for %parallel_loop3A_552 = %parallel_loop3A to %parallel_loop3A_377 step %parallel_loop3A_378  : i32 {
        %parallel_loop3A_553 = arith.constant 0 : i32
        %parallel_loop3A_554 = arith.index_cast %parallel_loop3A_553 : i32 to index
        %parallel_loop3A_555 = arith.index_cast %parallel_loop3A_552 : i32 to index
        %parallel_loop3A_556 = arith.constant 0 : index
        %parallel_loop3A_557 = tpu.vector_load %arg6[%parallel_loop3A_554, %parallel_loop3A_555, %parallel_loop3A_556] {strides = array<i32>} : memref<9x32x128xf32, #tpu.memory_space<vmem>>, vector<16xf32>,
        %parallel_loop3A_558 = arith.constant 1 : i32
        %parallel_loop3A_559 = arith.index_cast %parallel_loop3A_558 : i32 to index
        %parallel_loop3A_560 = arith.index_cast %parallel_loop3A_552 : i32 to index
        %parallel_loop3A_561 = arith.constant 0 : index
        %parallel_loop3A_562 = tpu.vector_load %arg6[%parallel_loop3A_559, %parallel_loop3A_560, %parallel_loop3A_561] {strides = array<i32>} : memref<9x32x128xf32, #tpu.memory_space<vmem>>, vector<16xf32>,
        %parallel_loop3A_563 = arith.addf %parallel_loop3A_557, %parallel_loop3A_562 : vector<16xf32>
        %parallel_loop3A_564 = arith.constant 2 : i32
        %parallel_loop3A_565 = arith.index_cast %parallel_loop3A_564 : i32 to index
        %parallel_loop3A_566 = arith.index_cast %parallel_loop3A_552 : i32 to index
        %parallel_loop3A_567 = arith.constant 0 : index
        %parallel_loop3A_568 = tpu.vector_load %arg6[%parallel_loop3A_565, %parallel_loop3A_566, %parallel_loop3A_567] {strides = array<i32>} : memref<9x32x128xf32, #tpu.memory_space<vmem>>, vector<16xf32>,
        %parallel_loop3A_569 = arith.addf %parallel_loop3A_563, %parallel_loop3A_568 : vector<16xf32>
        %parallel_loop3A_570 = arith.constant 3 : i32
        %parallel_loop3A_571 = arith.index_cast %parallel_loop3A_570 : i32 to index
        %parallel_loop3A_572 = arith.index_cast %parallel_loop3A_552 : i32 to index
        %parallel_loop3A_573 = arith.constant 0 : index
        %parallel_loop3A_574 = tpu.vector_load %arg6[%parallel_loop3A_571, %parallel_loop3A_572, %parallel_loop3A_573] {strides = array<i32>} : memref<9x32x128xf32, #tpu.memory_space<vmem>>, vector<16xf32>,
        %parallel_loop3A_575 = arith.addf %parallel_loop3A_569, %parallel_loop3A_574 : vector<16xf32>
        %parallel_loop3A_576 = arith.constant 4 : i32
        %parallel_loop3A_577 = arith.index_cast %parallel_loop3A_576 : i32 to index
        %parallel_loop3A_578 = arith.index_cast %parallel_loop3A_552 : i32 to index
        %parallel_loop3A_579 = arith.constant 0 : index
        %parallel_loop3A_580 = tpu.vector_load %arg6[%parallel_loop3A_577, %parallel_loop3A_578, %parallel_loop3A_579] {strides = array<i32>} : memref<9x32x128xf32, #tpu.memory_space<vmem>>, vector<16xf32>,
        %parallel_loop3A_581 = arith.addf %parallel_loop3A_575, %parallel_loop3A_580 : vector<16xf32>
        %parallel_loop3A_582 = arith.constant 5 : i32
        %parallel_loop3A_583 = arith.index_cast %parallel_loop3A_582 : i32 to index
        %parallel_loop3A_584 = arith.index_cast %parallel_loop3A_552 : i32 to index
        %parallel_loop3A_585 = arith.constant 0 : index
        %parallel_loop3A_586 = tpu.vector_load %arg6[%parallel_loop3A_583, %parallel_loop3A_584, %parallel_loop3A_585] {strides = array<i32>} : memref<9x32x128xf32, #tpu.memory_space<vmem>>, vector<16xf32>,
        %parallel_loop3A_587 = arith.addf %parallel_loop3A_581, %parallel_loop3A_586 : vector<16xf32>
        %parallel_loop3A_588 = arith.constant 6 : i32
        %parallel_loop3A_589 = arith.index_cast %parallel_loop3A_588 : i32 to index
        %parallel_loop3A_590 = arith.index_cast %parallel_loop3A_552 : i32 to index
        %parallel_loop3A_591 = arith.constant 0 : index
        %parallel_loop3A_592 = tpu.vector_load %arg6[%parallel_loop3A_589, %parallel_loop3A_590, %parallel_loop3A_591] {strides = array<i32>} : memref<9x32x128xf32, #tpu.memory_space<vmem>>, vector<16xf32>,
        %parallel_loop3A_593 = arith.addf %parallel_loop3A_587, %parallel_loop3A_592 : vector<16xf32>
        %parallel_loop3A_594 = arith.constant 7 : i32
        %parallel_loop3A_595 = arith.index_cast %parallel_loop3A_594 : i32 to index
        %parallel_loop3A_596 = arith.index_cast %parallel_loop3A_552 : i32 to index
        %parallel_loop3A_597 = arith.constant 0 : index
        %parallel_loop3A_598 = tpu.vector_load %arg6[%parallel_loop3A_595, %parallel_loop3A_596, %parallel_loop3A_597] {strides = array<i32>} : memref<9x32x128xf32, #tpu.memory_space<vmem>>, vector<16xf32>,
        %parallel_loop3A_599 = arith.addf %parallel_loop3A_593, %parallel_loop3A_598 : vector<16xf32>
        %parallel_loop3A_600 = arith.constant 8 : i32
        %parallel_loop3A_601 = arith.index_cast %parallel_loop3A_600 : i32 to index
        %parallel_loop3A_602 = arith.index_cast %parallel_loop3A_552 : i32 to index
        %parallel_loop3A_603 = arith.constant 0 : index
        %parallel_loop3A_604 = tpu.vector_load %arg6[%parallel_loop3A_601, %parallel_loop3A_602, %parallel_loop3A_603] {strides = array<i32>} : memref<9x32x128xf32, #tpu.memory_space<vmem>>, vector<16xf32>,
        %parallel_loop3A_605 = arith.addf %parallel_loop3A_599, %parallel_loop3A_604 : vector<16xf32>
        %parallel_loop3A_606 = arith.index_cast %parallel_loop3A_552 : i32 to index
        %parallel_loop3A_607 = arith.constant 0 : index
        %parallel_loop3A_608 = tpu.vector_load %arg8[%parallel_loop3A_606, %parallel_loop3A_607] {strides = array<i32>} : memref<32x128xf32, #tpu.memory_space<vmem>>, vector<16xf32>,
        tpu.vector_store %arg8[%parallel_loop3A_606, %parallel_loop3A_607], %parallel_loop3A_605 {strides = array<i32>} : memref<32x128xf32, #tpu.memory_space<vmem>>, vector<16xf32>,
        %parallel_loop3A_609 = arith.constant 0 : i32
        %parallel_loop3A_610 = arith.index_cast %parallel_loop3A_609 : i32 to index
        %parallel_loop3A_611 = arith.index_cast %parallel_loop3A_552 : i32 to index
        %parallel_loop3A_612 = arith.constant 16 : index
        %parallel_loop3A_613 = tpu.vector_load %arg6[%parallel_loop3A_610, %parallel_loop3A_611, %parallel_loop3A_612] {strides = array<i32>} : memref<9x32x128xf32, #tpu.memory_space<vmem>>, vector<16xf32>,
        %parallel_loop3A_614 = arith.constant 1 : i32
        %parallel_loop3A_615 = arith.index_cast %parallel_loop3A_614 : i32 to index
        %parallel_loop3A_616 = arith.index_cast %parallel_loop3A_552 : i32 to index
        %parallel_loop3A_617 = arith.constant 16 : index
        %parallel_loop3A_618 = tpu.vector_load %arg6[%parallel_loop3A_615, %parallel_loop3A_616, %parallel_loop3A_617] {strides = array<i32>} : memref<9x32x128xf32, #tpu.memory_space<vmem>>, vector<16xf32>,
        %parallel_loop3A_619 = arith.addf %parallel_loop3A_613, %parallel_loop3A_618 : vector<16xf32>
        %parallel_loop3A_620 = arith.constant 2 : i32
        %parallel_loop3A_621 = arith.index_cast %parallel_loop3A_620 : i32 to index
        %parallel_loop3A_622 = arith.index_cast %parallel_loop3A_552 : i32 to index
        %parallel_loop3A_623 = arith.constant 16 : index
        %parallel_loop3A_624 = tpu.vector_load %arg6[%parallel_loop3A_621, %parallel_loop3A_622, %parallel_loop3A_623] {strides = array<i32>} : memref<9x32x128xf32, #tpu.memory_space<vmem>>, vector<16xf32>,
        %parallel_loop3A_625 = arith.addf %parallel_loop3A_619, %parallel_loop3A_624 : vector<16xf32>
        %parallel_loop3A_626 = arith.constant 3 : i32
        %parallel_loop3A_627 = arith.index_cast %parallel_loop3A_626 : i32 to index
        %parallel_loop3A_628 = arith.index_cast %parallel_loop3A_552 : i32 to index
        %parallel_loop3A_629 = arith.constant 16 : index
        %parallel_loop3A_630 = tpu.vector_load %arg6[%parallel_loop3A_627, %parallel_loop3A_628, %parallel_loop3A_629] {strides = array<i32>} : memref<9x32x128xf32, #tpu.memory_space<vmem>>, vector<16xf32>,
        %parallel_loop3A_631 = arith.addf %parallel_loop3A_625, %parallel_loop3A_630 : vector<16xf32>
        %parallel_loop3A_632 = arith.constant 4 : i32
        %parallel_loop3A_633 = arith.index_cast %parallel_loop3A_632 : i32 to index
        %parallel_loop3A_634 = arith.index_cast %parallel_loop3A_552 : i32 to index
        %parallel_loop3A_635 = arith.constant 16 : index
        %parallel_loop3A_636 = tpu.vector_load %arg6[%parallel_loop3A_633, %parallel_loop3A_634, %parallel_loop3A_635] {strides = array<i32>} : memref<9x32x128xf32, #tpu.memory_space<vmem>>, vector<16xf32>,
        %parallel_loop3A_637 = arith.addf %parallel_loop3A_631, %parallel_loop3A_636 : vector<16xf32>
        %parallel_loop3A_638 = arith.constant 5 : i32
        %parallel_loop3A_639 = arith.index_cast %parallel_loop3A_638 : i32 to index
        %parallel_loop3A_640 = arith.index_cast %parallel_loop3A_552 : i32 to index
        %parallel_loop3A_641 = arith.constant 16 : index
        %parallel_loop3A_642 = tpu.vector_load %arg6[%parallel_loop3A_639, %parallel_loop3A_640, %parallel_loop3A_641] {strides = array<i32>} : memref<9x32x128xf32, #tpu.memory_space<vmem>>, vector<16xf32>,
        %parallel_loop3A_643 = arith.addf %parallel_loop3A_637, %parallel_loop3A_642 : vector<16xf32>
        %parallel_loop3A_644 = arith.constant 6 : i32
        %parallel_loop3A_645 = arith.index_cast %parallel_loop3A_644 : i32 to index
        %parallel_loop3A_646 = arith.index_cast %parallel_loop3A_552 : i32 to index
        %parallel_loop3A_647 = arith.constant 16 : index
        %parallel_loop3A_648 = tpu.vector_load %arg6[%parallel_loop3A_645, %parallel_loop3A_646, %parallel_loop3A_647] {strides = array<i32>} : memref<9x32x128xf32, #tpu.memory_space<vmem>>, vector<16xf32>,
        %parallel_loop3A_649 = arith.addf %parallel_loop3A_643, %parallel_loop3A_648 : vector<16xf32>
        %parallel_loop3A_650 = arith.constant 7 : i32
        %parallel_loop3A_651 = arith.index_cast %parallel_loop3A_650 : i32 to index
        %parallel_loop3A_652 = arith.index_cast %parallel_loop3A_552 : i32 to index
        %parallel_loop3A_653 = arith.constant 16 : index
        %parallel_loop3A_654 = tpu.vector_load %arg6[%parallel_loop3A_651, %parallel_loop3A_652, %parallel_loop3A_653] {strides = array<i32>} : memref<9x32x128xf32, #tpu.memory_space<vmem>>, vector<16xf32>,
        %parallel_loop3A_655 = arith.addf %parallel_loop3A_649, %parallel_loop3A_654 : vector<16xf32>
        %parallel_loop3A_656 = arith.constant 8 : i32
        %parallel_loop3A_657 = arith.index_cast %parallel_loop3A_656 : i32 to index
        %parallel_loop3A_658 = arith.index_cast %parallel_loop3A_552 : i32 to index
        %parallel_loop3A_659 = arith.constant 16 : index
        %parallel_loop3A_660 = tpu.vector_load %arg6[%parallel_loop3A_657, %parallel_loop3A_658, %parallel_loop3A_659] {strides = array<i32>} : memref<9x32x128xf32, #tpu.memory_space<vmem>>, vector<16xf32>,
        %parallel_loop3A_661 = arith.addf %parallel_loop3A_655, %parallel_loop3A_660 : vector<16xf32>
        %parallel_loop3A_662 = arith.index_cast %parallel_loop3A_552 : i32 to index
        %parallel_loop3A_663 = arith.constant 16 : index
        %parallel_loop3A_664 = tpu.vector_load %arg8[%parallel_loop3A_662, %parallel_loop3A_663] {strides = array<i32>} : memref<32x128xf32, #tpu.memory_space<vmem>>, vector<16xf32>,
        tpu.vector_store %arg8[%parallel_loop3A_662, %parallel_loop3A_663], %parallel_loop3A_661 {strides = array<i32>} : memref<32x128xf32, #tpu.memory_space<vmem>>, vector<16xf32>,
        %parallel_loop3A_665 = arith.constant 0 : i32
        %parallel_loop3A_666 = arith.index_cast %parallel_loop3A_665 : i32 to index
        %parallel_loop3A_667 = arith.index_cast %parallel_loop3A_552 : i32 to index
        %parallel_loop3A_668 = arith.constant 32 : index
        %parallel_loop3A_669 = tpu.vector_load %arg6[%parallel_loop3A_666, %parallel_loop3A_667, %parallel_loop3A_668] {strides = array<i32>} : memref<9x32x128xf32, #tpu.memory_space<vmem>>, vector<16xf32>,
        %parallel_loop3A_670 = arith.constant 1 : i32
        %parallel_loop3A_671 = arith.index_cast %parallel_loop3A_670 : i32 to index
        %parallel_loop3A_672 = arith.index_cast %parallel_loop3A_552 : i32 to index
        %parallel_loop3A_673 = arith.constant 32 : index
        %parallel_loop3A_674 = tpu.vector_load %arg6[%parallel_loop3A_671, %parallel_loop3A_672, %parallel_loop3A_673] {strides = array<i32>} : memref<9x32x128xf32, #tpu.memory_space<vmem>>, vector<16xf32>,
        %parallel_loop3A_675 = arith.addf %parallel_loop3A_669, %parallel_loop3A_674 : vector<16xf32>
        %parallel_loop3A_676 = arith.constant 2 : i32
        %parallel_loop3A_677 = arith.index_cast %parallel_loop3A_676 : i32 to index
        %parallel_loop3A_678 = arith.index_cast %parallel_loop3A_552 : i32 to index
        %parallel_loop3A_679 = arith.constant 32 : index
        %parallel_loop3A_680 = tpu.vector_load %arg6[%parallel_loop3A_677, %parallel_loop3A_678, %parallel_loop3A_679] {strides = array<i32>} : memref<9x32x128xf32, #tpu.memory_space<vmem>>, vector<16xf32>,
        %parallel_loop3A_681 = arith.addf %parallel_loop3A_675, %parallel_loop3A_680 : vector<16xf32>
        %parallel_loop3A_682 = arith.constant 3 : i32
        %parallel_loop3A_683 = arith.index_cast %parallel_loop3A_682 : i32 to index
        %parallel_loop3A_684 = arith.index_cast %parallel_loop3A_552 : i32 to index
        %parallel_loop3A_685 = arith.constant 32 : index
        %parallel_loop3A_686 = tpu.vector_load %arg6[%parallel_loop3A_683, %parallel_loop3A_684, %parallel_loop3A_685] {strides = array<i32>} : memref<9x32x128xf32, #tpu.memory_space<vmem>>, vector<16xf32>,
        %parallel_loop3A_687 = arith.addf %parallel_loop3A_681, %parallel_loop3A_686 : vector<16xf32>
        %parallel_loop3A_688 = arith.constant 4 : i32
        %parallel_loop3A_689 = arith.index_cast %parallel_loop3A_688 : i32 to index
        %parallel_loop3A_690 = arith.index_cast %parallel_loop3A_552 : i32 to index
        %parallel_loop3A_691 = arith.constant 32 : index
        %parallel_loop3A_692 = tpu.vector_load %arg6[%parallel_loop3A_689, %parallel_loop3A_690, %parallel_loop3A_691] {strides = array<i32>} : memref<9x32x128xf32, #tpu.memory_space<vmem>>, vector<16xf32>,
        %parallel_loop3A_693 = arith.addf %parallel_loop3A_687, %parallel_loop3A_692 : vector<16xf32>
        %parallel_loop3A_694 = arith.constant 5 : i32
        %parallel_loop3A_695 = arith.index_cast %parallel_loop3A_694 : i32 to index
        %parallel_loop3A_696 = arith.index_cast %parallel_loop3A_552 : i32 to index
        %parallel_loop3A_697 = arith.constant 32 : index
        %parallel_loop3A_698 = tpu.vector_load %arg6[%parallel_loop3A_695, %parallel_loop3A_696, %parallel_loop3A_697] {strides = array<i32>} : memref<9x32x128xf32, #tpu.memory_space<vmem>>, vector<16xf32>,
        %parallel_loop3A_699 = arith.addf %parallel_loop3A_693, %parallel_loop3A_698 : vector<16xf32>
        %parallel_loop3A_700 = arith.constant 6 : i32
        %parallel_loop3A_701 = arith.index_cast %parallel_loop3A_700 : i32 to index
        %parallel_loop3A_702 = arith.index_cast %parallel_loop3A_552 : i32 to index
        %parallel_loop3A_703 = arith.constant 32 : index
        %parallel_loop3A_704 = tpu.vector_load %arg6[%parallel_loop3A_701, %parallel_loop3A_702, %parallel_loop3A_703] {strides = array<i32>} : memref<9x32x128xf32, #tpu.memory_space<vmem>>, vector<16xf32>,
        %parallel_loop3A_705 = arith.addf %parallel_loop3A_699, %parallel_loop3A_704 : vector<16xf32>
        %parallel_loop3A_706 = arith.constant 7 : i32
        %parallel_loop3A_707 = arith.index_cast %parallel_loop3A_706 : i32 to index
        %parallel_loop3A_708 = arith.index_cast %parallel_loop3A_552 : i32 to index
        %parallel_loop3A_709 = arith.constant 32 : index
        %parallel_loop3A_710 = tpu.vector_load %arg6[%parallel_loop3A_707, %parallel_loop3A_708, %parallel_loop3A_709] {strides = array<i32>} : memref<9x32x128xf32, #tpu.memory_space<vmem>>, vector<16xf32>,
        %parallel_loop3A_711 = arith.addf %parallel_loop3A_705, %parallel_loop3A_710 : vector<16xf32>
        %parallel_loop3A_712 = arith.constant 8 : i32
        %parallel_loop3A_713 = arith.index_cast %parallel_loop3A_712 : i32 to index
        %parallel_loop3A_714 = arith.index_cast %parallel_loop3A_552 : i32 to index
        %parallel_loop3A_715 = arith.constant 32 : index
        %parallel_loop3A_716 = tpu.vector_load %arg6[%parallel_loop3A_713, %parallel_loop3A_714, %parallel_loop3A_715] {strides = array<i32>} : memref<9x32x128xf32, #tpu.memory_space<vmem>>, vector<16xf32>,
        %parallel_loop3A_717 = arith.addf %parallel_loop3A_711, %parallel_loop3A_716 : vector<16xf32>
        %parallel_loop3A_718 = arith.index_cast %parallel_loop3A_552 : i32 to index
        %parallel_loop3A_719 = arith.constant 32 : index
        %parallel_loop3A_720 = tpu.vector_load %arg8[%parallel_loop3A_718, %parallel_loop3A_719] {strides = array<i32>} : memref<32x128xf32, #tpu.memory_space<vmem>>, vector<16xf32>,
        tpu.vector_store %arg8[%parallel_loop3A_718, %parallel_loop3A_719], %parallel_loop3A_717 {strides = array<i32>} : memref<32x128xf32, #tpu.memory_space<vmem>>, vector<16xf32>,
        %parallel_loop3A_721 = arith.constant 0 : i32
        %parallel_loop3A_722 = arith.index_cast %parallel_loop3A_721 : i32 to index
        %parallel_loop3A_723 = arith.index_cast %parallel_loop3A_552 : i32 to index
        %parallel_loop3A_724 = arith.constant 48 : index
        %parallel_loop3A_725 = tpu.vector_load %arg6[%parallel_loop3A_722, %parallel_loop3A_723, %parallel_loop3A_724] {strides = array<i32>} : memref<9x32x128xf32, #tpu.memory_space<vmem>>, vector<16xf32>,
        %parallel_loop3A_726 = arith.constant 1 : i32
        %parallel_loop3A_727 = arith.index_cast %parallel_loop3A_726 : i32 to index
        %parallel_loop3A_728 = arith.index_cast %parallel_loop3A_552 : i32 to index
        %parallel_loop3A_729 = arith.constant 48 : index
        %parallel_loop3A_730 = tpu.vector_load %arg6[%parallel_loop3A_727, %parallel_loop3A_728, %parallel_loop3A_729] {strides = array<i32>} : memref<9x32x128xf32, #tpu.memory_space<vmem>>, vector<16xf32>,
        %parallel_loop3A_731 = arith.addf %parallel_loop3A_725, %parallel_loop3A_730 : vector<16xf32>
        %parallel_loop3A_732 = arith.constant 2 : i32
        %parallel_loop3A_733 = arith.index_cast %parallel_loop3A_732 : i32 to index
        %parallel_loop3A_734 = arith.index_cast %parallel_loop3A_552 : i32 to index
        %parallel_loop3A_735 = arith.constant 48 : index
        %parallel_loop3A_736 = tpu.vector_load %arg6[%parallel_loop3A_733, %parallel_loop3A_734, %parallel_loop3A_735] {strides = array<i32>} : memref<9x32x128xf32, #tpu.memory_space<vmem>>, vector<16xf32>,
        %parallel_loop3A_737 = arith.addf %parallel_loop3A_731, %parallel_loop3A_736 : vector<16xf32>
        %parallel_loop3A_738 = arith.constant 3 : i32
        %parallel_loop3A_739 = arith.index_cast %parallel_loop3A_738 : i32 to index
        %parallel_loop3A_740 = arith.index_cast %parallel_loop3A_552 : i32 to index
        %parallel_loop3A_741 = arith.constant 48 : index
        %parallel_loop3A_742 = tpu.vector_load %arg6[%parallel_loop3A_739, %parallel_loop3A_740, %parallel_loop3A_741] {strides = array<i32>} : memref<9x32x128xf32, #tpu.memory_space<vmem>>, vector<16xf32>,
        %parallel_loop3A_743 = arith.addf %parallel_loop3A_737, %parallel_loop3A_742 : vector<16xf32>
        %parallel_loop3A_744 = arith.constant 4 : i32
        %parallel_loop3A_745 = arith.index_cast %parallel_loop3A_744 : i32 to index
        %parallel_loop3A_746 = arith.index_cast %parallel_loop3A_552 : i32 to index
        %parallel_loop3A_747 = arith.constant 48 : index
        %parallel_loop3A_748 = tpu.vector_load %arg6[%parallel_loop3A_745, %parallel_loop3A_746, %parallel_loop3A_747] {strides = array<i32>} : memref<9x32x128xf32, #tpu.memory_space<vmem>>, vector<16xf32>,
        %parallel_loop3A_749 = arith.addf %parallel_loop3A_743, %parallel_loop3A_748 : vector<16xf32>
        %parallel_loop3A_750 = arith.constant 5 : i32
        %parallel_loop3A_751 = arith.index_cast %parallel_loop3A_750 : i32 to index
        %parallel_loop3A_752 = arith.index_cast %parallel_loop3A_552 : i32 to index
        %parallel_loop3A_753 = arith.constant 48 : index
        %parallel_loop3A_754 = tpu.vector_load %arg6[%parallel_loop3A_751, %parallel_loop3A_752, %parallel_loop3A_753] {strides = array<i32>} : memref<9x32x128xf32, #tpu.memory_space<vmem>>, vector<16xf32>,
        %parallel_loop3A_755 = arith.addf %parallel_loop3A_749, %parallel_loop3A_754 : vector<16xf32>
        %parallel_loop3A_756 = arith.constant 6 : i32
        %parallel_loop3A_757 = arith.index_cast %parallel_loop3A_756 : i32 to index
        %parallel_loop3A_758 = arith.index_cast %parallel_loop3A_552 : i32 to index
        %parallel_loop3A_759 = arith.constant 48 : index
        %parallel_loop3A_760 = tpu.vector_load %arg6[%parallel_loop3A_757, %parallel_loop3A_758, %parallel_loop3A_759] {strides = array<i32>} : memref<9x32x128xf32, #tpu.memory_space<vmem>>, vector<16xf32>,
        %parallel_loop3A_761 = arith.addf %parallel_loop3A_755, %parallel_loop3A_760 : vector<16xf32>
        %parallel_loop3A_762 = arith.constant 7 : i32
        %parallel_loop3A_763 = arith.index_cast %parallel_loop3A_762 : i32 to index
        %parallel_loop3A_764 = arith.index_cast %parallel_loop3A_552 : i32 to index
        %parallel_loop3A_765 = arith.constant 48 : index
        %parallel_loop3A_766 = tpu.vector_load %arg6[%parallel_loop3A_763, %parallel_loop3A_764, %parallel_loop3A_765] {strides = array<i32>} : memref<9x32x128xf32, #tpu.memory_space<vmem>>, vector<16xf32>,
        %parallel_loop3A_767 = arith.addf %parallel_loop3A_761, %parallel_loop3A_766 : vector<16xf32>
        %parallel_loop3A_768 = arith.constant 8 : i32
        %parallel_loop3A_769 = arith.index_cast %parallel_loop3A_768 : i32 to index
        %parallel_loop3A_770 = arith.index_cast %parallel_loop3A_552 : i32 to index
        %parallel_loop3A_771 = arith.constant 48 : index
        %parallel_loop3A_772 = tpu.vector_load %arg6[%parallel_loop3A_769, %parallel_loop3A_770, %parallel_loop3A_771] {strides = array<i32>} : memref<9x32x128xf32, #tpu.memory_space<vmem>>, vector<16xf32>,
        %parallel_loop3A_773 = arith.addf %parallel_loop3A_767, %parallel_loop3A_772 : vector<16xf32>
        %parallel_loop3A_774 = arith.index_cast %parallel_loop3A_552 : i32 to index
        %parallel_loop3A_775 = arith.constant 48 : index
        %parallel_loop3A_776 = tpu.vector_load %arg8[%parallel_loop3A_774, %parallel_loop3A_775] {strides = array<i32>} : memref<32x128xf32, #tpu.memory_space<vmem>>, vector<16xf32>,
        tpu.vector_store %arg8[%parallel_loop3A_774, %parallel_loop3A_775], %parallel_loop3A_773 {strides = array<i32>} : memref<32x128xf32, #tpu.memory_space<vmem>>, vector<16xf32>,
        %parallel_loop3A_777 = arith.constant 0 : i32
        %parallel_loop3A_778 = arith.index_cast %parallel_loop3A_777 : i32 to index
        %parallel_loop3A_779 = arith.index_cast %parallel_loop3A_552 : i32 to index
        %parallel_loop3A_780 = arith.constant 64 : index
        %parallel_loop3A_781 = tpu.vector_load %arg6[%parallel_loop3A_778, %parallel_loop3A_779, %parallel_loop3A_780] {strides = array<i32>} : memref<9x32x128xf32, #tpu.memory_space<vmem>>, vector<16xf32>,
        %parallel_loop3A_782 = arith.constant 1 : i32
        %parallel_loop3A_783 = arith.index_cast %parallel_loop3A_782 : i32 to index
        %parallel_loop3A_784 = arith.index_cast %parallel_loop3A_552 : i32 to index
        %parallel_loop3A_785 = arith.constant 64 : index
        %parallel_loop3A_786 = tpu.vector_load %arg6[%parallel_loop3A_783, %parallel_loop3A_784, %parallel_loop3A_785] {strides = array<i32>} : memref<9x32x128xf32, #tpu.memory_space<vmem>>, vector<16xf32>,
        %parallel_loop3A_787 = arith.addf %parallel_loop3A_781, %parallel_loop3A_786 : vector<16xf32>
        %parallel_loop3A_788 = arith.constant 2 : i32
        %parallel_loop3A_789 = arith.index_cast %parallel_loop3A_788 : i32 to index
        %parallel_loop3A_790 = arith.index_cast %parallel_loop3A_552 : i32 to index
        %parallel_loop3A_791 = arith.constant 64 : index
        %parallel_loop3A_792 = tpu.vector_load %arg6[%parallel_loop3A_789, %parallel_loop3A_790, %parallel_loop3A_791] {strides = array<i32>} : memref<9x32x128xf32, #tpu.memory_space<vmem>>, vector<16xf32>,
        %parallel_loop3A_793 = arith.addf %parallel_loop3A_787, %parallel_loop3A_792 : vector<16xf32>
        %parallel_loop3A_794 = arith.constant 3 : i32
        %parallel_loop3A_795 = arith.index_cast %parallel_loop3A_794 : i32 to index
        %parallel_loop3A_796 = arith.index_cast %parallel_loop3A_552 : i32 to index
        %parallel_loop3A_797 = arith.constant 64 : index
        %parallel_loop3A_798 = tpu.vector_load %arg6[%parallel_loop3A_795, %parallel_loop3A_796, %parallel_loop3A_797] {strides = array<i32>} : memref<9x32x128xf32, #tpu.memory_space<vmem>>, vector<16xf32>,
        %parallel_loop3A_799 = arith.addf %parallel_loop3A_793, %parallel_loop3A_798 : vector<16xf32>
        %parallel_loop3A_800 = arith.constant 4 : i32
        %parallel_loop3A_801 = arith.index_cast %parallel_loop3A_800 : i32 to index
        %parallel_loop3A_802 = arith.index_cast %parallel_loop3A_552 : i32 to index
        %parallel_loop3A_803 = arith.constant 64 : index
        %parallel_loop3A_804 = tpu.vector_load %arg6[%parallel_loop3A_801, %parallel_loop3A_802, %parallel_loop3A_803] {strides = array<i32>} : memref<9x32x128xf32, #tpu.memory_space<vmem>>, vector<16xf32>,
        %parallel_loop3A_805 = arith.addf %parallel_loop3A_799, %parallel_loop3A_804 : vector<16xf32>
        %parallel_loop3A_806 = arith.constant 5 : i32
        %parallel_loop3A_807 = arith.index_cast %parallel_loop3A_806 : i32 to index
        %parallel_loop3A_808 = arith.index_cast %parallel_loop3A_552 : i32 to index
        %parallel_loop3A_809 = arith.constant 64 : index
        %parallel_loop3A_810 = tpu.vector_load %arg6[%parallel_loop3A_807, %parallel_loop3A_808, %parallel_loop3A_809] {strides = array<i32>} : memref<9x32x128xf32, #tpu.memory_space<vmem>>, vector<16xf32>,
        %parallel_loop3A_811 = arith.addf %parallel_loop3A_805, %parallel_loop3A_810 : vector<16xf32>
        %parallel_loop3A_812 = arith.constant 6 : i32
        %parallel_loop3A_813 = arith.index_cast %parallel_loop3A_812 : i32 to index
        %parallel_loop3A_814 = arith.index_cast %parallel_loop3A_552 : i32 to index
        %parallel_loop3A_815 = arith.constant 64 : index
        %parallel_loop3A_816 = tpu.vector_load %arg6[%parallel_loop3A_813, %parallel_loop3A_814, %parallel_loop3A_815] {strides = array<i32>} : memref<9x32x128xf32, #tpu.memory_space<vmem>>, vector<16xf32>,
        %parallel_loop3A_817 = arith.addf %parallel_loop3A_811, %parallel_loop3A_816 : vector<16xf32>
        %parallel_loop3A_818 = arith.constant 7 : i32
        %parallel_loop3A_819 = arith.index_cast %parallel_loop3A_818 : i32 to index
        %parallel_loop3A_820 = arith.index_cast %parallel_loop3A_552 : i32 to index
        %parallel_loop3A_821 = arith.constant 64 : index
        %parallel_loop3A_822 = tpu.vector_load %arg6[%parallel_loop3A_819, %parallel_loop3A_820, %parallel_loop3A_821] {strides = array<i32>} : memref<9x32x128xf32, #tpu.memory_space<vmem>>, vector<16xf32>,
        %parallel_loop3A_823 = arith.addf %parallel_loop3A_817, %parallel_loop3A_822 : vector<16xf32>
        %parallel_loop3A_824 = arith.constant 8 : i32
        %parallel_loop3A_825 = arith.index_cast %parallel_loop3A_824 : i32 to index
        %parallel_loop3A_826 = arith.index_cast %parallel_loop3A_552 : i32 to index
        %parallel_loop3A_827 = arith.constant 64 : index
        %parallel_loop3A_828 = tpu.vector_load %arg6[%parallel_loop3A_825, %parallel_loop3A_826, %parallel_loop3A_827] {strides = array<i32>} : memref<9x32x128xf32, #tpu.memory_space<vmem>>, vector<16xf32>,
        %parallel_loop3A_829 = arith.addf %parallel_loop3A_823, %parallel_loop3A_828 : vector<16xf32>
        %parallel_loop3A_830 = arith.index_cast %parallel_loop3A_552 : i32 to index
        %parallel_loop3A_831 = arith.constant 64 : index
        %parallel_loop3A_832 = tpu.vector_load %arg8[%parallel_loop3A_830, %parallel_loop3A_831] {strides = array<i32>} : memref<32x128xf32, #tpu.memory_space<vmem>>, vector<16xf32>,
        tpu.vector_store %arg8[%parallel_loop3A_830, %parallel_loop3A_831], %parallel_loop3A_829 {strides = array<i32>} : memref<32x128xf32, #tpu.memory_space<vmem>>, vector<16xf32>,
        %parallel_loop3A_833 = arith.constant 0 : i32
        %parallel_loop3A_834 = arith.index_cast %parallel_loop3A_833 : i32 to index
        %parallel_loop3A_835 = arith.index_cast %parallel_loop3A_552 : i32 to index
        %parallel_loop3A_836 = arith.constant 80 : index
        %parallel_loop3A_837 = tpu.vector_load %arg6[%parallel_loop3A_834, %parallel_loop3A_835, %parallel_loop3A_836] {strides = array<i32>} : memref<9x32x128xf32, #tpu.memory_space<vmem>>, vector<16xf32>,
        %parallel_loop3A_838 = arith.constant 1 : i32
        %parallel_loop3A_839 = arith.index_cast %parallel_loop3A_838 : i32 to index
        %parallel_loop3A_840 = arith.index_cast %parallel_loop3A_552 : i32 to index
        %parallel_loop3A_841 = arith.constant 80 : index
        %parallel_loop3A_842 = tpu.vector_load %arg6[%parallel_loop3A_839, %parallel_loop3A_840, %parallel_loop3A_841] {strides = array<i32>} : memref<9x32x128xf32, #tpu.memory_space<vmem>>, vector<16xf32>,
        %parallel_loop3A_843 = arith.addf %parallel_loop3A_837, %parallel_loop3A_842 : vector<16xf32>
        %parallel_loop3A_844 = arith.constant 2 : i32
        %parallel_loop3A_845 = arith.index_cast %parallel_loop3A_844 : i32 to index
        %parallel_loop3A_846 = arith.index_cast %parallel_loop3A_552 : i32 to index
        %parallel_loop3A_847 = arith.constant 80 : index
        %parallel_loop3A_848 = tpu.vector_load %arg6[%parallel_loop3A_845, %parallel_loop3A_846, %parallel_loop3A_847] {strides = array<i32>} : memref<9x32x128xf32, #tpu.memory_space<vmem>>, vector<16xf32>,
        %parallel_loop3A_849 = arith.addf %parallel_loop3A_843, %parallel_loop3A_848 : vector<16xf32>
        %parallel_loop3A_850 = arith.constant 3 : i32
        %parallel_loop3A_851 = arith.index_cast %parallel_loop3A_850 : i32 to index
        %parallel_loop3A_852 = arith.index_cast %parallel_loop3A_552 : i32 to index
        %parallel_loop3A_853 = arith.constant 80 : index
        %parallel_loop3A_854 = tpu.vector_load %arg6[%parallel_loop3A_851, %parallel_loop3A_852, %parallel_loop3A_853] {strides = array<i32>} : memref<9x32x128xf32, #tpu.memory_space<vmem>>, vector<16xf32>,
        %parallel_loop3A_855 = arith.addf %parallel_loop3A_849, %parallel_loop3A_854 : vector<16xf32>
        %parallel_loop3A_856 = arith.constant 4 : i32
        %parallel_loop3A_857 = arith.index_cast %parallel_loop3A_856 : i32 to index
        %parallel_loop3A_858 = arith.index_cast %parallel_loop3A_552 : i32 to index
        %parallel_loop3A_859 = arith.constant 80 : index
        %parallel_loop3A_860 = tpu.vector_load %arg6[%parallel_loop3A_857, %parallel_loop3A_858, %parallel_loop3A_859] {strides = array<i32>} : memref<9x32x128xf32, #tpu.memory_space<vmem>>, vector<16xf32>,
        %parallel_loop3A_861 = arith.addf %parallel_loop3A_855, %parallel_loop3A_860 : vector<16xf32>
        %parallel_loop3A_862 = arith.constant 5 : i32
        %parallel_loop3A_863 = arith.index_cast %parallel_loop3A_862 : i32 to index
        %parallel_loop3A_864 = arith.index_cast %parallel_loop3A_552 : i32 to index
        %parallel_loop3A_865 = arith.constant 80 : index
        %parallel_loop3A_866 = tpu.vector_load %arg6[%parallel_loop3A_863, %parallel_loop3A_864, %parallel_loop3A_865] {strides = array<i32>} : memref<9x32x128xf32, #tpu.memory_space<vmem>>, vector<16xf32>,
        %parallel_loop3A_867 = arith.addf %parallel_loop3A_861, %parallel_loop3A_866 : vector<16xf32>
        %parallel_loop3A_868 = arith.constant 6 : i32
        %parallel_loop3A_869 = arith.index_cast %parallel_loop3A_868 : i32 to index
        %parallel_loop3A_870 = arith.index_cast %parallel_loop3A_552 : i32 to index
        %parallel_loop3A_871 = arith.constant 80 : index
        %parallel_loop3A_872 = tpu.vector_load %arg6[%parallel_loop3A_869, %parallel_loop3A_870, %parallel_loop3A_871] {strides = array<i32>} : memref<9x32x128xf32, #tpu.memory_space<vmem>>, vector<16xf32>,
        %parallel_loop3A_873 = arith.addf %parallel_loop3A_867, %parallel_loop3A_872 : vector<16xf32>
        %parallel_loop3A_874 = arith.constant 7 : i32
        %parallel_loop3A_875 = arith.index_cast %parallel_loop3A_874 : i32 to index
        %parallel_loop3A_876 = arith.index_cast %parallel_loop3A_552 : i32 to index
        %parallel_loop3A_877 = arith.constant 80 : index
        %parallel_loop3A_878 = tpu.vector_load %arg6[%parallel_loop3A_875, %parallel_loop3A_876, %parallel_loop3A_877] {strides = array<i32>} : memref<9x32x128xf32, #tpu.memory_space<vmem>>, vector<16xf32>,
        %parallel_loop3A_879 = arith.addf %parallel_loop3A_873, %parallel_loop3A_878 : vector<16xf32>
        %parallel_loop3A_880 = arith.constant 8 : i32
        %parallel_loop3A_881 = arith.index_cast %parallel_loop3A_880 : i32 to index
        %parallel_loop3A_882 = arith.index_cast %parallel_loop3A_552 : i32 to index
        %parallel_loop3A_883 = arith.constant 80 : index
        %parallel_loop3A_884 = tpu.vector_load %arg6[%parallel_loop3A_881, %parallel_loop3A_882, %parallel_loop3A_883] {strides = array<i32>} : memref<9x32x128xf32, #tpu.memory_space<vmem>>, vector<16xf32>,
        %parallel_loop3A_885 = arith.addf %parallel_loop3A_879, %parallel_loop3A_884 : vector<16xf32>
        %parallel_loop3A_886 = arith.index_cast %parallel_loop3A_552 : i32 to index
        %parallel_loop3A_887 = arith.constant 80 : index
        %parallel_loop3A_888 = tpu.vector_load %arg8[%parallel_loop3A_886, %parallel_loop3A_887] {strides = array<i32>} : memref<32x128xf32, #tpu.memory_space<vmem>>, vector<16xf32>,
        tpu.vector_store %arg8[%parallel_loop3A_886, %parallel_loop3A_887], %parallel_loop3A_885 {strides = array<i32>} : memref<32x128xf32, #tpu.memory_space<vmem>>, vector<16xf32>,
        %parallel_loop3A_889 = arith.constant 0 : i32
        %parallel_loop3A_890 = arith.index_cast %parallel_loop3A_889 : i32 to index
        %parallel_loop3A_891 = arith.index_cast %parallel_loop3A_552 : i32 to index
        %parallel_loop3A_892 = arith.constant 96 : index
        %parallel_loop3A_893 = tpu.vector_load %arg6[%parallel_loop3A_890, %parallel_loop3A_891, %parallel_loop3A_892] {strides = array<i32>} : memref<9x32x128xf32, #tpu.memory_space<vmem>>, vector<16xf32>,
        %parallel_loop3A_894 = arith.constant 1 : i32
        %parallel_loop3A_895 = arith.index_cast %parallel_loop3A_894 : i32 to index
        %parallel_loop3A_896 = arith.index_cast %parallel_loop3A_552 : i32 to index
        %parallel_loop3A_897 = arith.constant 96 : index
        %parallel_loop3A_898 = tpu.vector_load %arg6[%parallel_loop3A_895, %parallel_loop3A_896, %parallel_loop3A_897] {strides = array<i32>} : memref<9x32x128xf32, #tpu.memory_space<vmem>>, vector<16xf32>,
        %parallel_loop3A_899 = arith.addf %parallel_loop3A_893, %parallel_loop3A_898 : vector<16xf32>
        %parallel_loop3A_900 = arith.constant 2 : i32
        %parallel_loop3A_901 = arith.index_cast %parallel_loop3A_900 : i32 to index
        %parallel_loop3A_902 = arith.index_cast %parallel_loop3A_552 : i32 to index
        %parallel_loop3A_903 = arith.constant 96 : index
        %parallel_loop3A_904 = tpu.vector_load %arg6[%parallel_loop3A_901, %parallel_loop3A_902, %parallel_loop3A_903] {strides = array<i32>} : memref<9x32x128xf32, #tpu.memory_space<vmem>>, vector<16xf32>,
        %parallel_loop3A_905 = arith.addf %parallel_loop3A_899, %parallel_loop3A_904 : vector<16xf32>
        %parallel_loop3A_906 = arith.constant 3 : i32
        %parallel_loop3A_907 = arith.index_cast %parallel_loop3A_906 : i32 to index
        %parallel_loop3A_908 = arith.index_cast %parallel_loop3A_552 : i32 to index
        %parallel_loop3A_909 = arith.constant 96 : index
        %parallel_loop3A_910 = tpu.vector_load %arg6[%parallel_loop3A_907, %parallel_loop3A_908, %parallel_loop3A_909] {strides = array<i32>} : memref<9x32x128xf32, #tpu.memory_space<vmem>>, vector<16xf32>,
        %parallel_loop3A_911 = arith.addf %parallel_loop3A_905, %parallel_loop3A_910 : vector<16xf32>
        %parallel_loop3A_912 = arith.constant 4 : i32
        %parallel_loop3A_913 = arith.index_cast %parallel_loop3A_912 : i32 to index
        %parallel_loop3A_914 = arith.index_cast %parallel_loop3A_552 : i32 to index
        %parallel_loop3A_915 = arith.constant 96 : index
        %parallel_loop3A_916 = tpu.vector_load %arg6[%parallel_loop3A_913, %parallel_loop3A_914, %parallel_loop3A_915] {strides = array<i32>} : memref<9x32x128xf32, #tpu.memory_space<vmem>>, vector<16xf32>,
        %parallel_loop3A_917 = arith.addf %parallel_loop3A_911, %parallel_loop3A_916 : vector<16xf32>
        %parallel_loop3A_918 = arith.constant 5 : i32
        %parallel_loop3A_919 = arith.index_cast %parallel_loop3A_918 : i32 to index
        %parallel_loop3A_920 = arith.index_cast %parallel_loop3A_552 : i32 to index
        %parallel_loop3A_921 = arith.constant 96 : index
        %parallel_loop3A_922 = tpu.vector_load %arg6[%parallel_loop3A_919, %parallel_loop3A_920, %parallel_loop3A_921] {strides = array<i32>} : memref<9x32x128xf32, #tpu.memory_space<vmem>>, vector<16xf32>,
        %parallel_loop3A_923 = arith.addf %parallel_loop3A_917, %parallel_loop3A_922 : vector<16xf32>
        %parallel_loop3A_924 = arith.constant 6 : i32
        %parallel_loop3A_925 = arith.index_cast %parallel_loop3A_924 : i32 to index
        %parallel_loop3A_926 = arith.index_cast %parallel_loop3A_552 : i32 to index
        %parallel_loop3A_927 = arith.constant 96 : index
        %parallel_loop3A_928 = tpu.vector_load %arg6[%parallel_loop3A_925, %parallel_loop3A_926, %parallel_loop3A_927] {strides = array<i32>} : memref<9x32x128xf32, #tpu.memory_space<vmem>>, vector<16xf32>,
        %parallel_loop3A_929 = arith.addf %parallel_loop3A_923, %parallel_loop3A_928 : vector<16xf32>
        %parallel_loop3A_930 = arith.constant 7 : i32
        %parallel_loop3A_931 = arith.index_cast %parallel_loop3A_930 : i32 to index
        %parallel_loop3A_932 = arith.index_cast %parallel_loop3A_552 : i32 to index
        %parallel_loop3A_933 = arith.constant 96 : index
        %parallel_loop3A_934 = tpu.vector_load %arg6[%parallel_loop3A_931, %parallel_loop3A_932, %parallel_loop3A_933] {strides = array<i32>} : memref<9x32x128xf32, #tpu.memory_space<vmem>>, vector<16xf32>,
        %parallel_loop3A_935 = arith.addf %parallel_loop3A_929, %parallel_loop3A_934 : vector<16xf32>
        %parallel_loop3A_936 = arith.constant 8 : i32
        %parallel_loop3A_937 = arith.index_cast %parallel_loop3A_936 : i32 to index
        %parallel_loop3A_938 = arith.index_cast %parallel_loop3A_552 : i32 to index
        %parallel_loop3A_939 = arith.constant 96 : index
        %parallel_loop3A_940 = tpu.vector_load %arg6[%parallel_loop3A_937, %parallel_loop3A_938, %parallel_loop3A_939] {strides = array<i32>} : memref<9x32x128xf32, #tpu.memory_space<vmem>>, vector<16xf32>,
        %parallel_loop3A_941 = arith.addf %parallel_loop3A_935, %parallel_loop3A_940 : vector<16xf32>
        %parallel_loop3A_942 = arith.index_cast %parallel_loop3A_552 : i32 to index
        %parallel_loop3A_943 = arith.constant 96 : index
        %parallel_loop3A_944 = tpu.vector_load %arg8[%parallel_loop3A_942, %parallel_loop3A_943] {strides = array<i32>} : memref<32x128xf32, #tpu.memory_space<vmem>>, vector<16xf32>,
        tpu.vector_store %arg8[%parallel_loop3A_942, %parallel_loop3A_943], %parallel_loop3A_941 {strides = array<i32>} : memref<32x128xf32, #tpu.memory_space<vmem>>, vector<16xf32>,
        %parallel_loop3A_945 = arith.constant 0 : i32
        %parallel_loop3A_946 = arith.index_cast %parallel_loop3A_945 : i32 to index
        %parallel_loop3A_947 = arith.index_cast %parallel_loop3A_552 : i32 to index
        %parallel_loop3A_948 = arith.constant 112 : index
        %parallel_loop3A_949 = tpu.vector_load %arg6[%parallel_loop3A_946, %parallel_loop3A_947, %parallel_loop3A_948] {strides = array<i32>} : memref<9x32x128xf32, #tpu.memory_space<vmem>>, vector<16xf32>,
        %parallel_loop3A_950 = arith.constant 1 : i32
        %parallel_loop3A_951 = arith.index_cast %parallel_loop3A_950 : i32 to index
        %parallel_loop3A_952 = arith.index_cast %parallel_loop3A_552 : i32 to index
        %parallel_loop3A_953 = arith.constant 112 : index
        %parallel_loop3A_954 = tpu.vector_load %arg6[%parallel_loop3A_951, %parallel_loop3A_952, %parallel_loop3A_953] {strides = array<i32>} : memref<9x32x128xf32, #tpu.memory_space<vmem>>, vector<16xf32>,
        %parallel_loop3A_955 = arith.addf %parallel_loop3A_949, %parallel_loop3A_954 : vector<16xf32>
        %parallel_loop3A_956 = arith.constant 2 : i32
        %parallel_loop3A_957 = arith.index_cast %parallel_loop3A_956 : i32 to index
        %parallel_loop3A_958 = arith.index_cast %parallel_loop3A_552 : i32 to index
        %parallel_loop3A_959 = arith.constant 112 : index
        %parallel_loop3A_960 = tpu.vector_load %arg6[%parallel_loop3A_957, %parallel_loop3A_958, %parallel_loop3A_959] {strides = array<i32>} : memref<9x32x128xf32, #tpu.memory_space<vmem>>, vector<16xf32>,
        %parallel_loop3A_961 = arith.addf %parallel_loop3A_955, %parallel_loop3A_960 : vector<16xf32>
        %parallel_loop3A_962 = arith.constant 3 : i32
        %parallel_loop3A_963 = arith.index_cast %parallel_loop3A_962 : i32 to index
        %parallel_loop3A_964 = arith.index_cast %parallel_loop3A_552 : i32 to index
        %parallel_loop3A_965 = arith.constant 112 : index
        %parallel_loop3A_966 = tpu.vector_load %arg6[%parallel_loop3A_963, %parallel_loop3A_964, %parallel_loop3A_965] {strides = array<i32>} : memref<9x32x128xf32, #tpu.memory_space<vmem>>, vector<16xf32>,
        %parallel_loop3A_967 = arith.addf %parallel_loop3A_961, %parallel_loop3A_966 : vector<16xf32>
        %parallel_loop3A_968 = arith.constant 4 : i32
        %parallel_loop3A_969 = arith.index_cast %parallel_loop3A_968 : i32 to index
        %parallel_loop3A_970 = arith.index_cast %parallel_loop3A_552 : i32 to index
        %parallel_loop3A_971 = arith.constant 112 : index
        %parallel_loop3A_972 = tpu.vector_load %arg6[%parallel_loop3A_969, %parallel_loop3A_970, %parallel_loop3A_971] {strides = array<i32>} : memref<9x32x128xf32, #tpu.memory_space<vmem>>, vector<16xf32>,
        %parallel_loop3A_973 = arith.addf %parallel_loop3A_967, %parallel_loop3A_972 : vector<16xf32>
        %parallel_loop3A_974 = arith.constant 5 : i32
        %parallel_loop3A_975 = arith.index_cast %parallel_loop3A_974 : i32 to index
        %parallel_loop3A_976 = arith.index_cast %parallel_loop3A_552 : i32 to index
        %parallel_loop3A_977 = arith.constant 112 : index
        %parallel_loop3A_978 = tpu.vector_load %arg6[%parallel_loop3A_975, %parallel_loop3A_976, %parallel_loop3A_977] {strides = array<i32>} : memref<9x32x128xf32, #tpu.memory_space<vmem>>, vector<16xf32>,
        %parallel_loop3A_979 = arith.addf %parallel_loop3A_973, %parallel_loop3A_978 : vector<16xf32>
        %parallel_loop3A_980 = arith.constant 6 : i32
        %parallel_loop3A_981 = arith.index_cast %parallel_loop3A_980 : i32 to index
        %parallel_loop3A_982 = arith.index_cast %parallel_loop3A_552 : i32 to index
        %parallel_loop3A_983 = arith.constant 112 : index
        %parallel_loop3A_984 = tpu.vector_load %arg6[%parallel_loop3A_981, %parallel_loop3A_982, %parallel_loop3A_983] {strides = array<i32>} : memref<9x32x128xf32, #tpu.memory_space<vmem>>, vector<16xf32>,
        %parallel_loop3A_985 = arith.addf %parallel_loop3A_979, %parallel_loop3A_984 : vector<16xf32>
        %parallel_loop3A_986 = arith.constant 7 : i32
        %parallel_loop3A_987 = arith.index_cast %parallel_loop3A_986 : i32 to index
        %parallel_loop3A_988 = arith.index_cast %parallel_loop3A_552 : i32 to index
        %parallel_loop3A_989 = arith.constant 112 : index
        %parallel_loop3A_990 = tpu.vector_load %arg6[%parallel_loop3A_987, %parallel_loop3A_988, %parallel_loop3A_989] {strides = array<i32>} : memref<9x32x128xf32, #tpu.memory_space<vmem>>, vector<16xf32>,
        %parallel_loop3A_991 = arith.addf %parallel_loop3A_985, %parallel_loop3A_990 : vector<16xf32>
        %parallel_loop3A_992 = arith.constant 8 : i32
        %parallel_loop3A_993 = arith.index_cast %parallel_loop3A_992 : i32 to index
        %parallel_loop3A_994 = arith.index_cast %parallel_loop3A_552 : i32 to index
        %parallel_loop3A_995 = arith.constant 112 : index
        %parallel_loop3A_996 = tpu.vector_load %arg6[%parallel_loop3A_993, %parallel_loop3A_994, %parallel_loop3A_995] {strides = array<i32>} : memref<9x32x128xf32, #tpu.memory_space<vmem>>, vector<16xf32>,
        %parallel_loop3A_997 = arith.addf %parallel_loop3A_991, %parallel_loop3A_996 : vector<16xf32>
        %parallel_loop3A_998 = arith.index_cast %parallel_loop3A_552 : i32 to index
        %parallel_loop3A_999 = arith.constant 112 : index
        %parallel_loop3A_1000 = tpu.vector_load %arg8[%parallel_loop3A_998, %parallel_loop3A_999] {strides = array<i32>} : memref<32x128xf32, #tpu.memory_space<vmem>>, vector<16xf32>,
        tpu.vector_store %arg8[%parallel_loop3A_998, %parallel_loop3A_999], %parallel_loop3A_997 {strides = array<i32>} : memref<32x128xf32, #tpu.memory_space<vmem>>, vector<16xf32>,
      } {sc.loop_unroll_factor = 2 : i64, sc.parallel_access}
      %dma_start3A_379 = arith.constant 0 : i32
      %dma_start3A_380 = tpu.memref_slice %arg4[%add3A_239, %dma_start3A_379] : memref<32768x128xf32, #tpu.memory_space<hbm>> -> memref<32x128xf32, #tpu.memory_space<hbm>>
      %dma_start3A_381 = arith.constant 0 : i32
      %dma_start3A_382 = tpu.memref_slice %arg4[%add3A_239, %dma_start3A_381] : memref<32768x128xf32, #tpu.memory_space<hbm>> -> memref<32x128xf32, #tpu.memory_space<hbm>>
      tpu.enqueue_dma source(%arg8 : memref<32x128xf32, #tpu.memory_space<vmem>>) target(%dma_start3A_382 : memref<32x128xf32, #tpu.memory_space<hbm>>) target_semaphore(%arg12 : memref<!tpu.dma_semaphore, #tpu.memory_space<semaphore_mem>>)
      %add3A_383 = arith.constant 2 : i32
      %add3A_384 = arith.addi %mul3A_234, %add3A_383 : i32
      %lt3A = arith.constant 32 : i32
      %lt3A_385 = arith.cmpi slt, %add3A_384, %lt3A : i32
      %convert_element_type3A_386 = arith.extui %lt3A_385 : i1 to i32
      %cond3A_387 = arith.constant 0 : i32
      %cond3A_388 = arith.cmpi ne, %convert_element_type3A_386, %cond3A_387 : i32
      scf.if %cond3A_388 {
        %add3A_552 = arith.constant 2 : i32
        %add3A_553 = arith.addi %mul3A_234, %add3A_552 : i32
        %mul3A_554 = arith.constant 32 : i32
        %mul3A_555 = arith.muli %add3A_553, %mul3A_554 : i32
        %dma_start3A_556 = arith.constant 0 : i32
        %dma_start3A_557 = arith.constant 0 : i32
        %dma_start3A_558 = arith.constant 0 : i32
        %dma_start3A_559 = arith.constant 0 : i32
        %dma_start3A_560 = tpu.memref_slice %arg6[%dma_start3A_557, %dma_start3A_558, %dma_start3A_559] : memref<9x32x128xf32, #tpu.memory_space<vmem>> -> memref<1x32x128xf32, #tpu.memory_space<vmem>>
        %dma_start3A_561 = tpu.memref_squeeze %dma_start3A_560 : memref<1x32x128xf32, #tpu.memory_space<vmem>> -> memref<32x128xf32, #tpu.memory_space<vmem>>
        %dma_start3A_562 = tpu.memref_slice %arg5[%dma_start3A_556, %mul3A_555] : memref<9x1024xi32, #tpu.memory_space<vmem>> -> memref<1x32xi32, #tpu.memory_space<vmem>>
        %dma_start3A_563 = tpu.memref_squeeze %dma_start3A_562 : memref<1x32xi32, #tpu.memory_space<vmem>> -> memref<32xi32, #tpu.memory_space<vmem>>
        %dma_start3A_564 = arith.constant 0 : i32
        %dma_start3A_565 = arith.constant 0 : i32
        %dma_start3A_566 = tpu.memref_slice %arg2[%dma_start3A_564, %dma_start3A_565] : memref<299520x128xf32, #tpu.memory_space<hbm>> -> memref<299520x128xf32, #tpu.memory_space<hbm>>
        tpu.enqueue_indirect_dma source(%dma_start3A_566 : memref<299520x128xf32, #tpu.memory_space<hbm>>) target(%dma_start3A_561 : memref<32x128xf32, #tpu.memory_space<vmem>>) offsets(%dma_start3A_563 : memref<32xi32, #tpu.memory_space<vmem>>) semaphore(%arg10 : memref<!tpu.dma_semaphore, #tpu.memory_space<semaphore_mem>>)
        %mul3A_567 = arith.constant 32 : i32
        %mul3A_568 = arith.muli %add3A_553, %mul3A_567 : i32
        %dma_start3A_569 = arith.constant 1 : i32
        %dma_start3A_570 = arith.constant 1 : i32
        %dma_start3A_571 = arith.constant 0 : i32
        %dma_start3A_572 = arith.constant 0 : i32
        %dma_start3A_573 = tpu.memref_slice %arg6[%dma_start3A_570, %dma_start3A_571, %dma_start3A_572] : memref<9x32x128xf32, #tpu.memory_space<vmem>> -> memref<1x32x128xf32, #tpu.memory_space<vmem>>
        %dma_start3A_574 = tpu.memref_squeeze %dma_start3A_573 : memref<1x32x128xf32, #tpu.memory_space<vmem>> -> memref<32x128xf32, #tpu.memory_space<vmem>>
        %dma_start3A_575 = tpu.memref_slice %arg5[%dma_start3A_569, %mul3A_568] : memref<9x1024xi32, #tpu.memory_space<vmem>> -> memref<1x32xi32, #tpu.memory_space<vmem>>
        %dma_start3A_576 = tpu.memref_squeeze %dma_start3A_575 : memref<1x32xi32, #tpu.memory_space<vmem>> -> memref<32xi32, #tpu.memory_space<vmem>>
        %dma_start3A_577 = arith.constant 0 : i32
        %dma_start3A_578 = arith.constant 0 : i32
        %dma_start3A_579 = tpu.memref_slice %arg2[%dma_start3A_577, %dma_start3A_578] : memref<299520x128xf32, #tpu.memory_space<hbm>> -> memref<299520x128xf32, #tpu.memory_space<hbm>>
        tpu.enqueue_indirect_dma source(%dma_start3A_579 : memref<299520x128xf32, #tpu.memory_space<hbm>>) target(%dma_start3A_574 : memref<32x128xf32, #tpu.memory_space<vmem>>) offsets(%dma_start3A_576 : memref<32xi32, #tpu.memory_space<vmem>>) semaphore(%arg10 : memref<!tpu.dma_semaphore, #tpu.memory_space<semaphore_mem>>)
        %mul3A_580 = arith.constant 32 : i32
        %mul3A_581 = arith.muli %add3A_553, %mul3A_580 : i32
        %dma_start3A_582 = arith.constant 2 : i32
        %dma_start3A_583 = arith.constant 2 : i32
        %dma_start3A_584 = arith.constant 0 : i32
        %dma_start3A_585 = arith.constant 0 : i32
        %dma_start3A_586 = tpu.memref_slice %arg6[%dma_start3A_583, %dma_start3A_584, %dma_start3A_585] : memref<9x32x128xf32, #tpu.memory_space<vmem>> -> memref<1x32x128xf32, #tpu.memory_space<vmem>>
        %dma_start3A_587 = tpu.memref_squeeze %dma_start3A_586 : memref<1x32x128xf32, #tpu.memory_space<vmem>> -> memref<32x128xf32, #tpu.memory_space<vmem>>
        %dma_start3A_588 = tpu.memref_slice %arg5[%dma_start3A_582, %mul3A_581] : memref<9x1024xi32, #tpu.memory_space<vmem>> -> memref<1x32xi32, #tpu.memory_space<vmem>>
        %dma_start3A_589 = tpu.memref_squeeze %dma_start3A_588 : memref<1x32xi32, #tpu.memory_space<vmem>> -> memref<32xi32, #tpu.memory_space<vmem>>
        %dma_start3A_590 = arith.constant 0 : i32
        %dma_start3A_591 = arith.constant 0 : i32
        %dma_start3A_592 = tpu.memref_slice %arg2[%dma_start3A_590, %dma_start3A_591] : memref<299520x128xf32, #tpu.memory_space<hbm>> -> memref<299520x128xf32, #tpu.memory_space<hbm>>
        tpu.enqueue_indirect_dma source(%dma_start3A_592 : memref<299520x128xf32, #tpu.memory_space<hbm>>) target(%dma_start3A_587 : memref<32x128xf32, #tpu.memory_space<vmem>>) offsets(%dma_start3A_589 : memref<32xi32, #tpu.memory_space<vmem>>) semaphore(%arg10 : memref<!tpu.dma_semaphore, #tpu.memory_space<semaphore_mem>>)
        %mul3A_593 = arith.constant 32 : i32
        %mul3A_594 = arith.muli %add3A_553, %mul3A_593 : i32
        %dma_start3A_595 = arith.constant 3 : i32
        %dma_start3A_596 = arith.constant 3 : i32
        %dma_start3A_597 = arith.constant 0 : i32
        %dma_start3A_598 = arith.constant 0 : i32
        %dma_start3A_599 = tpu.memref_slice %arg6[%dma_start3A_596, %dma_start3A_597, %dma_start3A_598] : memref<9x32x128xf32, #tpu.memory_space<vmem>> -> memref<1x32x128xf32, #tpu.memory_space<vmem>>
        %dma_start3A_600 = tpu.memref_squeeze %dma_start3A_599 : memref<1x32x128xf32, #tpu.memory_space<vmem>> -> memref<32x128xf32, #tpu.memory_space<vmem>>
        %dma_start3A_601 = tpu.memref_slice %arg5[%dma_start3A_595, %mul3A_594] : memref<9x1024xi32, #tpu.memory_space<vmem>> -> memref<1x32xi32, #tpu.memory_space<vmem>>
        %dma_start3A_602 = tpu.memref_squeeze %dma_start3A_601 : memref<1x32xi32, #tpu.memory_space<vmem>> -> memref<32xi32, #tpu.memory_space<vmem>>
        %dma_start3A_603 = arith.constant 0 : i32
        %dma_start3A_604 = arith.constant 0 : i32
        %dma_start3A_605 = tpu.memref_slice %arg2[%dma_start3A_603, %dma_start3A_604] : memref<299520x128xf32, #tpu.memory_space<hbm>> -> memref<299520x128xf32, #tpu.memory_space<hbm>>
        tpu.enqueue_indirect_dma source(%dma_start3A_605 : memref<299520x128xf32, #tpu.memory_space<hbm>>) target(%dma_start3A_600 : memref<32x128xf32, #tpu.memory_space<vmem>>) offsets(%dma_start3A_602 : memref<32xi32, #tpu.memory_space<vmem>>) semaphore(%arg10 : memref<!tpu.dma_semaphore, #tpu.memory_space<semaphore_mem>>)
        %mul3A_606 = arith.constant 32 : i32
        %mul3A_607 = arith.muli %add3A_553, %mul3A_606 : i32
        %dma_start3A_608 = arith.constant 4 : i32
        %dma_start3A_609 = arith.constant 4 : i32
        %dma_start3A_610 = arith.constant 0 : i32
        %dma_start3A_611 = arith.constant 0 : i32
        %dma_start3A_612 = tpu.memref_slice %arg6[%dma_start3A_609, %dma_start3A_610, %dma_start3A_611] : memref<9x32x128xf32, #tpu.memory_space<vmem>> -> memref<1x32x128xf32, #tpu.memory_space<vmem>>
        %dma_start3A_613 = tpu.memref_squeeze %dma_start3A_612 : memref<1x32x128xf32, #tpu.memory_space<vmem>> -> memref<32x128xf32, #tpu.memory_space<vmem>>
        %dma_start3A_614 = tpu.memref_slice %arg5[%dma_start3A_608, %mul3A_607] : memref<9x1024xi32, #tpu.memory_space<vmem>> -> memref<1x32xi32, #tpu.memory_space<vmem>>
        %dma_start3A_615 = tpu.memref_squeeze %dma_start3A_614 : memref<1x32xi32, #tpu.memory_space<vmem>> -> memref<32xi32, #tpu.memory_space<vmem>>
        %dma_start3A_616 = arith.constant 0 : i32
        %dma_start3A_617 = arith.constant 0 : i32
        %dma_start3A_618 = tpu.memref_slice %arg2[%dma_start3A_616, %dma_start3A_617] : memref<299520x128xf32, #tpu.memory_space<hbm>> -> memref<299520x128xf32, #tpu.memory_space<hbm>>
        tpu.enqueue_indirect_dma source(%dma_start3A_618 : memref<299520x128xf32, #tpu.memory_space<hbm>>) target(%dma_start3A_613 : memref<32x128xf32, #tpu.memory_space<vmem>>) offsets(%dma_start3A_615 : memref<32xi32, #tpu.memory_space<vmem>>) semaphore(%arg10 : memref<!tpu.dma_semaphore, #tpu.memory_space<semaphore_mem>>)
        %mul3A_619 = arith.constant 32 : i32
        %mul3A_620 = arith.muli %add3A_553, %mul3A_619 : i32
        %dma_start3A_621 = arith.constant 5 : i32
        %dma_start3A_622 = arith.constant 5 : i32
        %dma_start3A_623 = arith.constant 0 : i32
        %dma_start3A_624 = arith.constant 0 : i32
        %dma_start3A_625 = tpu.memref_slice %arg6[%dma_start3A_622, %dma_start3A_623, %dma_start3A_624] : memref<9x32x128xf32, #tpu.memory_space<vmem>> -> memref<1x32x128xf32, #tpu.memory_space<vmem>>
        %dma_start3A_626 = tpu.memref_squeeze %dma_start3A_625 : memref<1x32x128xf32, #tpu.memory_space<vmem>> -> memref<32x128xf32, #tpu.memory_space<vmem>>
        %dma_start3A_627 = tpu.memref_slice %arg5[%dma_start3A_621, %mul3A_620] : memref<9x1024xi32, #tpu.memory_space<vmem>> -> memref<1x32xi32, #tpu.memory_space<vmem>>
        %dma_start3A_628 = tpu.memref_squeeze %dma_start3A_627 : memref<1x32xi32, #tpu.memory_space<vmem>> -> memref<32xi32, #tpu.memory_space<vmem>>
        %dma_start3A_629 = arith.constant 0 : i32
        %dma_start3A_630 = arith.constant 0 : i32
        %dma_start3A_631 = tpu.memref_slice %arg2[%dma_start3A_629, %dma_start3A_630] : memref<299520x128xf32, #tpu.memory_space<hbm>> -> memref<299520x128xf32, #tpu.memory_space<hbm>>
        tpu.enqueue_indirect_dma source(%dma_start3A_631 : memref<299520x128xf32, #tpu.memory_space<hbm>>) target(%dma_start3A_626 : memref<32x128xf32, #tpu.memory_space<vmem>>) offsets(%dma_start3A_628 : memref<32xi32, #tpu.memory_space<vmem>>) semaphore(%arg10 : memref<!tpu.dma_semaphore, #tpu.memory_space<semaphore_mem>>)
        %mul3A_632 = arith.constant 32 : i32
        %mul3A_633 = arith.muli %add3A_553, %mul3A_632 : i32
        %dma_start3A_634 = arith.constant 6 : i32
        %dma_start3A_635 = arith.constant 6 : i32
        %dma_start3A_636 = arith.constant 0 : i32
        %dma_start3A_637 = arith.constant 0 : i32
        %dma_start3A_638 = tpu.memref_slice %arg6[%dma_start3A_635, %dma_start3A_636, %dma_start3A_637] : memref<9x32x128xf32, #tpu.memory_space<vmem>> -> memref<1x32x128xf32, #tpu.memory_space<vmem>>
        %dma_start3A_639 = tpu.memref_squeeze %dma_start3A_638 : memref<1x32x128xf32, #tpu.memory_space<vmem>> -> memref<32x128xf32, #tpu.memory_space<vmem>>
        %dma_start3A_640 = tpu.memref_slice %arg5[%dma_start3A_634, %mul3A_633] : memref<9x1024xi32, #tpu.memory_space<vmem>> -> memref<1x32xi32, #tpu.memory_space<vmem>>
        %dma_start3A_641 = tpu.memref_squeeze %dma_start3A_640 : memref<1x32xi32, #tpu.memory_space<vmem>> -> memref<32xi32, #tpu.memory_space<vmem>>
        %dma_start3A_642 = arith.constant 0 : i32
        %dma_start3A_643 = arith.constant 0 : i32
        %dma_start3A_644 = tpu.memref_slice %arg2[%dma_start3A_642, %dma_start3A_643] : memref<299520x128xf32, #tpu.memory_space<hbm>> -> memref<299520x128xf32, #tpu.memory_space<hbm>>
        tpu.enqueue_indirect_dma source(%dma_start3A_644 : memref<299520x128xf32, #tpu.memory_space<hbm>>) target(%dma_start3A_639 : memref<32x128xf32, #tpu.memory_space<vmem>>) offsets(%dma_start3A_641 : memref<32xi32, #tpu.memory_space<vmem>>) semaphore(%arg10 : memref<!tpu.dma_semaphore, #tpu.memory_space<semaphore_mem>>)
        %mul3A_645 = arith.constant 32 : i32
        %mul3A_646 = arith.muli %add3A_553, %mul3A_645 : i32
        %dma_start3A_647 = arith.constant 7 : i32
        %dma_start3A_648 = arith.constant 7 : i32
        %dma_start3A_649 = arith.constant 0 : i32
        %dma_start3A_650 = arith.constant 0 : i32
        %dma_start3A_651 = tpu.memref_slice %arg6[%dma_start3A_648, %dma_start3A_649, %dma_start3A_650] : memref<9x32x128xf32, #tpu.memory_space<vmem>> -> memref<1x32x128xf32, #tpu.memory_space<vmem>>
        %dma_start3A_652 = tpu.memref_squeeze %dma_start3A_651 : memref<1x32x128xf32, #tpu.memory_space<vmem>> -> memref<32x128xf32, #tpu.memory_space<vmem>>
        %dma_start3A_653 = tpu.memref_slice %arg5[%dma_start3A_647, %mul3A_646] : memref<9x1024xi32, #tpu.memory_space<vmem>> -> memref<1x32xi32, #tpu.memory_space<vmem>>
        %dma_start3A_654 = tpu.memref_squeeze %dma_start3A_653 : memref<1x32xi32, #tpu.memory_space<vmem>> -> memref<32xi32, #tpu.memory_space<vmem>>
        %dma_start3A_655 = arith.constant 0 : i32
        %dma_start3A_656 = arith.constant 0 : i32
        %dma_start3A_657 = tpu.memref_slice %arg2[%dma_start3A_655, %dma_start3A_656] : memref<299520x128xf32, #tpu.memory_space<hbm>> -> memref<299520x128xf32, #tpu.memory_space<hbm>>
        tpu.enqueue_indirect_dma source(%dma_start3A_657 : memref<299520x128xf32, #tpu.memory_space<hbm>>) target(%dma_start3A_652 : memref<32x128xf32, #tpu.memory_space<vmem>>) offsets(%dma_start3A_654 : memref<32xi32, #tpu.memory_space<vmem>>) semaphore(%arg10 : memref<!tpu.dma_semaphore, #tpu.memory_space<semaphore_mem>>)
        %mul3A_658 = arith.constant 32 : i32
        %mul3A_659 = arith.muli %add3A_553, %mul3A_658 : i32
        %dma_start3A_660 = arith.constant 8 : i32
        %dma_start3A_661 = arith.constant 8 : i32
        %dma_start3A_662 = arith.constant 0 : i32
        %dma_start3A_663 = arith.constant 0 : i32
        %dma_start3A_664 = tpu.memref_slice %arg6[%dma_start3A_661, %dma_start3A_662, %dma_start3A_663] : memref<9x32x128xf32, #tpu.memory_space<vmem>> -> memref<1x32x128xf32, #tpu.memory_space<vmem>>
        %dma_start3A_665 = tpu.memref_squeeze %dma_start3A_664 : memref<1x32x128xf32, #tpu.memory_space<vmem>> -> memref<32x128xf32, #tpu.memory_space<vmem>>
        %dma_start3A_666 = tpu.memref_slice %arg5[%dma_start3A_660, %mul3A_659] : memref<9x1024xi32, #tpu.memory_space<vmem>> -> memref<1x32xi32, #tpu.memory_space<vmem>>
        %dma_start3A_667 = tpu.memref_squeeze %dma_start3A_666 : memref<1x32xi32, #tpu.memory_space<vmem>> -> memref<32xi32, #tpu.memory_space<vmem>>
        %dma_start3A_668 = arith.constant 0 : i32
        %dma_start3A_669 = arith.constant 0 : i32
        %dma_start3A_670 = tpu.memref_slice %arg2[%dma_start3A_668, %dma_start3A_669] : memref<299520x128xf32, #tpu.memory_space<hbm>> -> memref<299520x128xf32, #tpu.memory_space<hbm>>
        tpu.enqueue_indirect_dma source(%dma_start3A_670 : memref<299520x128xf32, #tpu.memory_space<hbm>>) target(%dma_start3A_665 : memref<32x128xf32, #tpu.memory_space<vmem>>) offsets(%dma_start3A_667 : memref<32xi32, #tpu.memory_space<vmem>>) semaphore(%arg10 : memref<!tpu.dma_semaphore, #tpu.memory_space<semaphore_mem>>)
      } else {
      }
      %mul3A_389 = arith.constant 2 : i32
      %mul3A_390 = arith.muli %mul3A_389, %scan3A_232 : i32
      %add3A_391 = arith.constant 1 : i32
      %add3A_392 = arith.addi %mul3A_390, %add3A_391 : i32
      %mul3A_393 = arith.constant 1024 : i32
      %mul3A_394 = arith.muli %add3A, %mul3A_393 : i32
      %mul3A_395 = arith.constant 32 : i32
      %mul3A_396 = arith.muli %add3A_392, %mul3A_395 : i32
      %add3A_397 = arith.addi %mul3A_394, %mul3A_396 : i32
      %dma_wait3A_398 = arith.constant 0 : i32
      %dma_wait3A_399 = arith.constant 0 : i32
      %dma_wait3A_400 = arith.constant 0 : i32
      %dma_wait3A_401 = tpu.memref_slice %arg7[%dma_wait3A_398, %dma_wait3A_399, %dma_wait3A_400] : memref<9x32x128xf32, #tpu.memory_space<vmem>> -> memref<1x32x128xf32, #tpu.memory_space<vmem>>
      %dma_wait3A_402 = tpu.memref_squeeze %dma_wait3A_401 : memref<1x32x128xf32, #tpu.memory_space<vmem>> -> memref<32x128xf32, #tpu.memory_space<vmem>>
      %dma_wait3A_403 = arith.constant 0 : i32
      %dma_wait3A_404 = arith.constant 0 : i32
      %dma_wait3A_405 = tpu.memref_slice %arg2[%dma_wait3A_403, %dma_wait3A_404] : memref<299520x128xf32, #tpu.memory_space<hbm>> -> memref<32x128xf32, #tpu.memory_space<hbm>>
      %dma_wait3A_406 = arith.constant 0 : i32
      %dma_wait3A_407 = arith.constant 0 : i32
      %dma_wait3A_408 = tpu.memref_slice %arg7[%dma_wait3A_398, %dma_wait3A_406, %dma_wait3A_407] : memref<9x32x128xf32, #tpu.memory_space<vmem>> -> memref<1x32x128xf32, #tpu.memory_space<vmem>>
      %dma_wait3A_409 = tpu.memref_squeeze %dma_wait3A_408 : memref<1x32x128xf32, #tpu.memory_space<vmem>> -> memref<32x128xf32, #tpu.memory_space<vmem>>
      %dma_wait3A_410 = arith.constant 0 : i32
      %dma_wait3A_411 = arith.constant 0 : i32
      %dma_wait3A_412 = tpu.memref_slice %arg2[%dma_wait3A_410, %dma_wait3A_411] : memref<299520x128xf32, #tpu.memory_space<hbm>> -> memref<32x128xf32, #tpu.memory_space<hbm>>
      tpu.wait_dma2 semaphore(%arg11 : memref<!tpu.dma_semaphore, #tpu.memory_space<semaphore_mem>>) src(%dma_wait3A_412 : memref<32x128xf32, #tpu.memory_space<hbm>>) dst(%dma_wait3A_409 : memref<32x128xf32, #tpu.memory_space<vmem>>)
      %dma_wait3A_413 = arith.constant 1 : i32
      %dma_wait3A_414 = arith.constant 0 : i32
      %dma_wait3A_415 = arith.constant 0 : i32
      %dma_wait3A_416 = tpu.memref_slice %arg7[%dma_wait3A_413, %dma_wait3A_414, %dma_wait3A_415] : memref<9x32x128xf32, #tpu.memory_space<vmem>> -> memref<1x32x128xf32, #tpu.memory_space<vmem>>
      %dma_wait3A_417 = tpu.memref_squeeze %dma_wait3A_416 : memref<1x32x128xf32, #tpu.memory_space<vmem>> -> memref<32x128xf32, #tpu.memory_space<vmem>>
      %dma_wait3A_418 = arith.constant 0 : i32
      %dma_wait3A_419 = arith.constant 0 : i32
      %dma_wait3A_420 = tpu.memref_slice %arg2[%dma_wait3A_418, %dma_wait3A_419] : memref<299520x128xf32, #tpu.memory_space<hbm>> -> memref<32x128xf32, #tpu.memory_space<hbm>>
      %dma_wait3A_421 = arith.constant 0 : i32
      %dma_wait3A_422 = arith.constant 0 : i32
      %dma_wait3A_423 = tpu.memref_slice %arg7[%dma_wait3A_413, %dma_wait3A_421, %dma_wait3A_422] : memref<9x32x128xf32, #tpu.memory_space<vmem>> -> memref<1x32x128xf32, #tpu.memory_space<vmem>>
      %dma_wait3A_424 = tpu.memref_squeeze %dma_wait3A_423 : memref<1x32x128xf32, #tpu.memory_space<vmem>> -> memref<32x128xf32, #tpu.memory_space<vmem>>
      %dma_wait3A_425 = arith.constant 0 : i32
      %dma_wait3A_426 = arith.constant 0 : i32
      %dma_wait3A_427 = tpu.memref_slice %arg2[%dma_wait3A_425, %dma_wait3A_426] : memref<299520x128xf32, #tpu.memory_space<hbm>> -> memref<32x128xf32, #tpu.memory_space<hbm>>
      tpu.wait_dma2 semaphore(%arg11 : memref<!tpu.dma_semaphore, #tpu.memory_space<semaphore_mem>>) src(%dma_wait3A_427 : memref<32x128xf32, #tpu.memory_space<hbm>>) dst(%dma_wait3A_424 : memref<32x128xf32, #tpu.memory_space<vmem>>)
      %dma_wait3A_428 = arith.constant 2 : i32
      %dma_wait3A_429 = arith.constant 0 : i32
      %dma_wait3A_430 = arith.constant 0 : i32
      %dma_wait3A_431 = tpu.memref_slice %arg7[%dma_wait3A_428, %dma_wait3A_429, %dma_wait3A_430] : memref<9x32x128xf32, #tpu.memory_space<vmem>> -> memref<1x32x128xf32, #tpu.memory_space<vmem>>
      %dma_wait3A_432 = tpu.memref_squeeze %dma_wait3A_431 : memref<1x32x128xf32, #tpu.memory_space<vmem>> -> memref<32x128xf32, #tpu.memory_space<vmem>>
      %dma_wait3A_433 = arith.constant 0 : i32
      %dma_wait3A_434 = arith.constant 0 : i32
      %dma_wait3A_435 = tpu.memref_slice %arg2[%dma_wait3A_433, %dma_wait3A_434] : memref<299520x128xf32, #tpu.memory_space<hbm>> -> memref<32x128xf32, #tpu.memory_space<hbm>>
      %dma_wait3A_436 = arith.constant 0 : i32
      %dma_wait3A_437 = arith.constant 0 : i32
      %dma_wait3A_438 = tpu.memref_slice %arg7[%dma_wait3A_428, %dma_wait3A_436, %dma_wait3A_437] : memref<9x32x128xf32, #tpu.memory_space<vmem>> -> memref<1x32x128xf32, #tpu.memory_space<vmem>>
      %dma_wait3A_439 = tpu.memref_squeeze %dma_wait3A_438 : memref<1x32x128xf32, #tpu.memory_space<vmem>> -> memref<32x128xf32, #tpu.memory_space<vmem>>
      %dma_wait3A_440 = arith.constant 0 : i32
      %dma_wait3A_441 = arith.constant 0 : i32
      %dma_wait3A_442 = tpu.memref_slice %arg2[%dma_wait3A_440, %dma_wait3A_441] : memref<299520x128xf32, #tpu.memory_space<hbm>> -> memref<32x128xf32, #tpu.memory_space<hbm>>
      tpu.wait_dma2 semaphore(%arg11 : memref<!tpu.dma_semaphore, #tpu.memory_space<semaphore_mem>>) src(%dma_wait3A_442 : memref<32x128xf32, #tpu.memory_space<hbm>>) dst(%dma_wait3A_439 : memref<32x128xf32, #tpu.memory_space<vmem>>)
      %dma_wait3A_443 = arith.constant 3 : i32
      %dma_wait3A_444 = arith.constant 0 : i32
      %dma_wait3A_445 = arith.constant 0 : i32
      %dma_wait3A_446 = tpu.memref_slice %arg7[%dma_wait3A_443, %dma_wait3A_444, %dma_wait3A_445] : memref<9x32x128xf32, #tpu.memory_space<vmem>> -> memref<1x32x128xf32, #tpu.memory_space<vmem>>
      %dma_wait3A_447 = tpu.memref_squeeze %dma_wait3A_446 : memref<1x32x128xf32, #tpu.memory_space<vmem>> -> memref<32x128xf32, #tpu.memory_space<vmem>>
      %dma_wait3A_448 = arith.constant 0 : i32
      %dma_wait3A_449 = arith.constant 0 : i32
      %dma_wait3A_450 = tpu.memref_slice %arg2[%dma_wait3A_448, %dma_wait3A_449] : memref<299520x128xf32, #tpu.memory_space<hbm>> -> memref<32x128xf32, #tpu.memory_space<hbm>>
      %dma_wait3A_451 = arith.constant 0 : i32
      %dma_wait3A_452 = arith.constant 0 : i32
      %dma_wait3A_453 = tpu.memref_slice %arg7[%dma_wait3A_443, %dma_wait3A_451, %dma_wait3A_452] : memref<9x32x128xf32, #tpu.memory_space<vmem>> -> memref<1x32x128xf32, #tpu.memory_space<vmem>>
      %dma_wait3A_454 = tpu.memref_squeeze %dma_wait3A_453 : memref<1x32x128xf32, #tpu.memory_space<vmem>> -> memref<32x128xf32, #tpu.memory_space<vmem>>
      %dma_wait3A_455 = arith.constant 0 : i32
      %dma_wait3A_456 = arith.constant 0 : i32
      %dma_wait3A_457 = tpu.memref_slice %arg2[%dma_wait3A_455, %dma_wait3A_456] : memref<299520x128xf32, #tpu.memory_space<hbm>> -> memref<32x128xf32, #tpu.memory_space<hbm>>
      tpu.wait_dma2 semaphore(%arg11 : memref<!tpu.dma_semaphore, #tpu.memory_space<semaphore_mem>>) src(%dma_wait3A_457 : memref<32x128xf32, #tpu.memory_space<hbm>>) dst(%dma_wait3A_454 : memref<32x128xf32, #tpu.memory_space<vmem>>)
      %dma_wait3A_458 = arith.constant 4 : i32
      %dma_wait3A_459 = arith.constant 0 : i32
      %dma_wait3A_460 = arith.constant 0 : i32
      %dma_wait3A_461 = tpu.memref_slice %arg7[%dma_wait3A_458, %dma_wait3A_459, %dma_wait3A_460] : memref<9x32x128xf32, #tpu.memory_space<vmem>> -> memref<1x32x128xf32, #tpu.memory_space<vmem>>
      %dma_wait3A_462 = tpu.memref_squeeze %dma_wait3A_461 : memref<1x32x128xf32, #tpu.memory_space<vmem>> -> memref<32x128xf32, #tpu.memory_space<vmem>>
      %dma_wait3A_463 = arith.constant 0 : i32
      %dma_wait3A_464 = arith.constant 0 : i32
      %dma_wait3A_465 = tpu.memref_slice %arg2[%dma_wait3A_463, %dma_wait3A_464] : memref<299520x128xf32, #tpu.memory_space<hbm>> -> memref<32x128xf32, #tpu.memory_space<hbm>>
      %dma_wait3A_466 = arith.constant 0 : i32
      %dma_wait3A_467 = arith.constant 0 : i32
      %dma_wait3A_468 = tpu.memref_slice %arg7[%dma_wait3A_458, %dma_wait3A_466, %dma_wait3A_467] : memref<9x32x128xf32, #tpu.memory_space<vmem>> -> memref<1x32x128xf32, #tpu.memory_space<vmem>>
      %dma_wait3A_469 = tpu.memref_squeeze %dma_wait3A_468 : memref<1x32x128xf32, #tpu.memory_space<vmem>> -> memref<32x128xf32, #tpu.memory_space<vmem>>
      %dma_wait3A_470 = arith.constant 0 : i32
      %dma_wait3A_471 = arith.constant 0 : i32
      %dma_wait3A_472 = tpu.memref_slice %arg2[%dma_wait3A_470, %dma_wait3A_471] : memref<299520x128xf32, #tpu.memory_space<hbm>> -> memref<32x128xf32, #tpu.memory_space<hbm>>
      tpu.wait_dma2 semaphore(%arg11 : memref<!tpu.dma_semaphore, #tpu.memory_space<semaphore_mem>>) src(%dma_wait3A_472 : memref<32x128xf32, #tpu.memory_space<hbm>>) dst(%dma_wait3A_469 : memref<32x128xf32, #tpu.memory_space<vmem>>)
      %dma_wait3A_473 = arith.constant 5 : i32
      %dma_wait3A_474 = arith.constant 0 : i32
      %dma_wait3A_475 = arith.constant 0 : i32
      %dma_wait3A_476 = tpu.memref_slice %arg7[%dma_wait3A_473, %dma_wait3A_474, %dma_wait3A_475] : memref<9x32x128xf32, #tpu.memory_space<vmem>> -> memref<1x32x128xf32, #tpu.memory_space<vmem>>
      %dma_wait3A_477 = tpu.memref_squeeze %dma_wait3A_476 : memref<1x32x128xf32, #tpu.memory_space<vmem>> -> memref<32x128xf32, #tpu.memory_space<vmem>>
      %dma_wait3A_478 = arith.constant 0 : i32
      %dma_wait3A_479 = arith.constant 0 : i32
      %dma_wait3A_480 = tpu.memref_slice %arg2[%dma_wait3A_478, %dma_wait3A_479] : memref<299520x128xf32, #tpu.memory_space<hbm>> -> memref<32x128xf32, #tpu.memory_space<hbm>>
      %dma_wait3A_481 = arith.constant 0 : i32
      %dma_wait3A_482 = arith.constant 0 : i32
      %dma_wait3A_483 = tpu.memref_slice %arg7[%dma_wait3A_473, %dma_wait3A_481, %dma_wait3A_482] : memref<9x32x128xf32, #tpu.memory_space<vmem>> -> memref<1x32x128xf32, #tpu.memory_space<vmem>>
      %dma_wait3A_484 = tpu.memref_squeeze %dma_wait3A_483 : memref<1x32x128xf32, #tpu.memory_space<vmem>> -> memref<32x128xf32, #tpu.memory_space<vmem>>
      %dma_wait3A_485 = arith.constant 0 : i32
      %dma_wait3A_486 = arith.constant 0 : i32
      %dma_wait3A_487 = tpu.memref_slice %arg2[%dma_wait3A_485, %dma_wait3A_486] : memref<299520x128xf32, #tpu.memory_space<hbm>> -> memref<32x128xf32, #tpu.memory_space<hbm>>
      tpu.wait_dma2 semaphore(%arg11 : memref<!tpu.dma_semaphore, #tpu.memory_space<semaphore_mem>>) src(%dma_wait3A_487 : memref<32x128xf32, #tpu.memory_space<hbm>>) dst(%dma_wait3A_484 : memref<32x128xf32, #tpu.memory_space<vmem>>)
      %dma_wait3A_488 = arith.constant 6 : i32
      %dma_wait3A_489 = arith.constant 0 : i32
      %dma_wait3A_490 = arith.constant 0 : i32
      %dma_wait3A_491 = tpu.memref_slice %arg7[%dma_wait3A_488, %dma_wait3A_489, %dma_wait3A_490] : memref<9x32x128xf32, #tpu.memory_space<vmem>> -> memref<1x32x128xf32, #tpu.memory_space<vmem>>
      %dma_wait3A_492 = tpu.memref_squeeze %dma_wait3A_491 : memref<1x32x128xf32, #tpu.memory_space<vmem>> -> memref<32x128xf32, #tpu.memory_space<vmem>>
      %dma_wait3A_493 = arith.constant 0 : i32
      %dma_wait3A_494 = arith.constant 0 : i32
      %dma_wait3A_495 = tpu.memref_slice %arg2[%dma_wait3A_493, %dma_wait3A_494] : memref<299520x128xf32, #tpu.memory_space<hbm>> -> memref<32x128xf32, #tpu.memory_space<hbm>>
      %dma_wait3A_496 = arith.constant 0 : i32
      %dma_wait3A_497 = arith.constant 0 : i32
      %dma_wait3A_498 = tpu.memref_slice %arg7[%dma_wait3A_488, %dma_wait3A_496, %dma_wait3A_497] : memref<9x32x128xf32, #tpu.memory_space<vmem>> -> memref<1x32x128xf32, #tpu.memory_space<vmem>>
      %dma_wait3A_499 = tpu.memref_squeeze %dma_wait3A_498 : memref<1x32x128xf32, #tpu.memory_space<vmem>> -> memref<32x128xf32, #tpu.memory_space<vmem>>
      %dma_wait3A_500 = arith.constant 0 : i32
      %dma_wait3A_501 = arith.constant 0 : i32
      %dma_wait3A_502 = tpu.memref_slice %arg2[%dma_wait3A_500, %dma_wait3A_501] : memref<299520x128xf32, #tpu.memory_space<hbm>> -> memref<32x128xf32, #tpu.memory_space<hbm>>
      tpu.wait_dma2 semaphore(%arg11 : memref<!tpu.dma_semaphore, #tpu.memory_space<semaphore_mem>>) src(%dma_wait3A_502 : memref<32x128xf32, #tpu.memory_space<hbm>>) dst(%dma_wait3A_499 : memref<32x128xf32, #tpu.memory_space<vmem>>)
      %dma_wait3A_503 = arith.constant 7 : i32
      %dma_wait3A_504 = arith.constant 0 : i32
      %dma_wait3A_505 = arith.constant 0 : i32
      %dma_wait3A_506 = tpu.memref_slice %arg7[%dma_wait3A_503, %dma_wait3A_504, %dma_wait3A_505] : memref<9x32x128xf32, #tpu.memory_space<vmem>> -> memref<1x32x128xf32, #tpu.memory_space<vmem>>
      %dma_wait3A_507 = tpu.memref_squeeze %dma_wait3A_506 : memref<1x32x128xf32, #tpu.memory_space<vmem>> -> memref<32x128xf32, #tpu.memory_space<vmem>>
      %dma_wait3A_508 = arith.constant 0 : i32
      %dma_wait3A_509 = arith.constant 0 : i32
      %dma_wait3A_510 = tpu.memref_slice %arg2[%dma_wait3A_508, %dma_wait3A_509] : memref<299520x128xf32, #tpu.memory_space<hbm>> -> memref<32x128xf32, #tpu.memory_space<hbm>>
      %dma_wait3A_511 = arith.constant 0 : i32
      %dma_wait3A_512 = arith.constant 0 : i32
      %dma_wait3A_513 = tpu.memref_slice %arg7[%dma_wait3A_503, %dma_wait3A_511, %dma_wait3A_512] : memref<9x32x128xf32, #tpu.memory_space<vmem>> -> memref<1x32x128xf32, #tpu.memory_space<vmem>>
      %dma_wait3A_514 = tpu.memref_squeeze %dma_wait3A_513 : memref<1x32x128xf32, #tpu.memory_space<vmem>> -> memref<32x128xf32, #tpu.memory_space<vmem>>
      %dma_wait3A_515 = arith.constant 0 : i32
      %dma_wait3A_516 = arith.constant 0 : i32
      %dma_wait3A_517 = tpu.memref_slice %arg2[%dma_wait3A_515, %dma_wait3A_516] : memref<299520x128xf32, #tpu.memory_space<hbm>> -> memref<32x128xf32, #tpu.memory_space<hbm>>
      tpu.wait_dma2 semaphore(%arg11 : memref<!tpu.dma_semaphore, #tpu.memory_space<semaphore_mem>>) src(%dma_wait3A_517 : memref<32x128xf32, #tpu.memory_space<hbm>>) dst(%dma_wait3A_514 : memref<32x128xf32, #tpu.memory_space<vmem>>)
      %dma_wait3A_518 = arith.constant 8 : i32
      %dma_wait3A_519 = arith.constant 0 : i32
      %dma_wait3A_520 = arith.constant 0 : i32
      %dma_wait3A_521 = tpu.memref_slice %arg7[%dma_wait3A_518, %dma_wait3A_519, %dma_wait3A_520] : memref<9x32x128xf32, #tpu.memory_space<vmem>> -> memref<1x32x128xf32, #tpu.memory_space<vmem>>
      %dma_wait3A_522 = tpu.memref_squeeze %dma_wait3A_521 : memref<1x32x128xf32, #tpu.memory_space<vmem>> -> memref<32x128xf32, #tpu.memory_space<vmem>>
      %dma_wait3A_523 = arith.constant 0 : i32
      %dma_wait3A_524 = arith.constant 0 : i32
      %dma_wait3A_525 = tpu.memref_slice %arg2[%dma_wait3A_523, %dma_wait3A_524] : memref<299520x128xf32, #tpu.memory_space<hbm>> -> memref<32x128xf32, #tpu.memory_space<hbm>>
      %dma_wait3A_526 = arith.constant 0 : i32
      %dma_wait3A_527 = arith.constant 0 : i32
      %dma_wait3A_528 = tpu.memref_slice %arg7[%dma_wait3A_518, %dma_wait3A_526, %dma_wait3A_527] : memref<9x32x128xf32, #tpu.memory_space<vmem>> -> memref<1x32x128xf32, #tpu.memory_space<vmem>>
      %dma_wait3A_529 = tpu.memref_squeeze %dma_wait3A_528 : memref<1x32x128xf32, #tpu.memory_space<vmem>> -> memref<32x128xf32, #tpu.memory_space<vmem>>
      %dma_wait3A_530 = arith.constant 0 : i32
      %dma_wait3A_531 = arith.constant 0 : i32
      %dma_wait3A_532 = tpu.memref_slice %arg2[%dma_wait3A_530, %dma_wait3A_531] : memref<299520x128xf32, #tpu.memory_space<hbm>> -> memref<32x128xf32, #tpu.memory_space<hbm>>
      tpu.wait_dma2 semaphore(%arg11 : memref<!tpu.dma_semaphore, #tpu.memory_space<semaphore_mem>>) src(%dma_wait3A_532 : memref<32x128xf32, #tpu.memory_space<hbm>>) dst(%dma_wait3A_529 : memref<32x128xf32, #tpu.memory_space<vmem>>)
      %ge3A_533 = arith.constant 2 : i32
      %ge3A_534 = arith.cmpi sge, %add3A_392, %ge3A_533 : i32
      %convert_element_type3A_535 = arith.extui %ge3A_534 : i1 to i32
      %cond3A_536 = arith.constant 0 : i32
      %cond3A_537 = arith.cmpi ne, %convert_element_type3A_535, %cond3A_536 : i32
      scf.if %cond3A_537 {
        %dma_wait3A_552 = arith.constant 0 : i32
        %dma_wait3A_553 = tpu.memref_slice %arg4[%add3A_397, %dma_wait3A_552] : memref<32768x128xf32, #tpu.memory_space<hbm>> -> memref<32x128xf32, #tpu.memory_space<hbm>>
        %dma_wait3A_554 = arith.constant 0 : i32
        %dma_wait3A_555 = tpu.memref_slice %arg4[%add3A_397, %dma_wait3A_554] : memref<32768x128xf32, #tpu.memory_space<hbm>> -> memref<32x128xf32, #tpu.memory_space<hbm>>
        tpu.wait_dma2 semaphore(%arg13 : memref<!tpu.dma_semaphore, #tpu.memory_space<semaphore_mem>>) src(%arg9 : memref<32x128xf32, #tpu.memory_space<vmem>>) dst(%dma_wait3A_555 : memref<32x128xf32, #tpu.memory_space<hbm>>)
      } else {
      }
      %parallel_loop3A_538 = arith.constant 0 : i32
      %parallel_loop3A_539 = arith.constant 32 : i32
      %parallel_loop3A_540 = arith.constant 1 : i32
      scf.for %parallel_loop3A_552 = %parallel_loop3A_538 to %parallel_loop3A_539 step %parallel_loop3A_540  : i32 {
        %parallel_loop3A_553 = arith.constant 0 : i32
        %parallel_loop3A_554 = arith.index_cast %parallel_loop3A_553 : i32 to index
        %parallel_loop3A_555 = arith.index_cast %parallel_loop3A_552 : i32 to index
        %parallel_loop3A_556 = arith.constant 0 : index
        %parallel_loop3A_557 = tpu.vector_load %arg7[%parallel_loop3A_554, %parallel_loop3A_555, %parallel_loop3A_556] {strides = array<i32>} : memref<9x32x128xf32, #tpu.memory_space<vmem>>, vector<16xf32>,
        %parallel_loop3A_558 = arith.constant 1 : i32
        %parallel_loop3A_559 = arith.index_cast %parallel_loop3A_558 : i32 to index
        %parallel_loop3A_560 = arith.index_cast %parallel_loop3A_552 : i32 to index
        %parallel_loop3A_561 = arith.constant 0 : index
        %parallel_loop3A_562 = tpu.vector_load %arg7[%parallel_loop3A_559, %parallel_loop3A_560, %parallel_loop3A_561] {strides = array<i32>} : memref<9x32x128xf32, #tpu.memory_space<vmem>>, vector<16xf32>,
        %parallel_loop3A_563 = arith.addf %parallel_loop3A_557, %parallel_loop3A_562 : vector<16xf32>
        %parallel_loop3A_564 = arith.constant 2 : i32
        %parallel_loop3A_565 = arith.index_cast %parallel_loop3A_564 : i32 to index
        %parallel_loop3A_566 = arith.index_cast %parallel_loop3A_552 : i32 to index
        %parallel_loop3A_567 = arith.constant 0 : index
        %parallel_loop3A_568 = tpu.vector_load %arg7[%parallel_loop3A_565, %parallel_loop3A_566, %parallel_loop3A_567] {strides = array<i32>} : memref<9x32x128xf32, #tpu.memory_space<vmem>>, vector<16xf32>,
        %parallel_loop3A_569 = arith.addf %parallel_loop3A_563, %parallel_loop3A_568 : vector<16xf32>
        %parallel_loop3A_570 = arith.constant 3 : i32
        %parallel_loop3A_571 = arith.index_cast %parallel_loop3A_570 : i32 to index
        %parallel_loop3A_572 = arith.index_cast %parallel_loop3A_552 : i32 to index
        %parallel_loop3A_573 = arith.constant 0 : index
        %parallel_loop3A_574 = tpu.vector_load %arg7[%parallel_loop3A_571, %parallel_loop3A_572, %parallel_loop3A_573] {strides = array<i32>} : memref<9x32x128xf32, #tpu.memory_space<vmem>>, vector<16xf32>,
        %parallel_loop3A_575 = arith.addf %parallel_loop3A_569, %parallel_loop3A_574 : vector<16xf32>
        %parallel_loop3A_576 = arith.constant 4 : i32
        %parallel_loop3A_577 = arith.index_cast %parallel_loop3A_576 : i32 to index
        %parallel_loop3A_578 = arith.index_cast %parallel_loop3A_552 : i32 to index
        %parallel_loop3A_579 = arith.constant 0 : index
        %parallel_loop3A_580 = tpu.vector_load %arg7[%parallel_loop3A_577, %parallel_loop3A_578, %parallel_loop3A_579] {strides = array<i32>} : memref<9x32x128xf32, #tpu.memory_space<vmem>>, vector<16xf32>,
        %parallel_loop3A_581 = arith.addf %parallel_loop3A_575, %parallel_loop3A_580 : vector<16xf32>
        %parallel_loop3A_582 = arith.constant 5 : i32
        %parallel_loop3A_583 = arith.index_cast %parallel_loop3A_582 : i32 to index
        %parallel_loop3A_584 = arith.index_cast %parallel_loop3A_552 : i32 to index
        %parallel_loop3A_585 = arith.constant 0 : index
        %parallel_loop3A_586 = tpu.vector_load %arg7[%parallel_loop3A_583, %parallel_loop3A_584, %parallel_loop3A_585] {strides = array<i32>} : memref<9x32x128xf32, #tpu.memory_space<vmem>>, vector<16xf32>,
        %parallel_loop3A_587 = arith.addf %parallel_loop3A_581, %parallel_loop3A_586 : vector<16xf32>
        %parallel_loop3A_588 = arith.constant 6 : i32
        %parallel_loop3A_589 = arith.index_cast %parallel_loop3A_588 : i32 to index
        %parallel_loop3A_590 = arith.index_cast %parallel_loop3A_552 : i32 to index
        %parallel_loop3A_591 = arith.constant 0 : index
        %parallel_loop3A_592 = tpu.vector_load %arg7[%parallel_loop3A_589, %parallel_loop3A_590, %parallel_loop3A_591] {strides = array<i32>} : memref<9x32x128xf32, #tpu.memory_space<vmem>>, vector<16xf32>,
        %parallel_loop3A_593 = arith.addf %parallel_loop3A_587, %parallel_loop3A_592 : vector<16xf32>
        %parallel_loop3A_594 = arith.constant 7 : i32
        %parallel_loop3A_595 = arith.index_cast %parallel_loop3A_594 : i32 to index
        %parallel_loop3A_596 = arith.index_cast %parallel_loop3A_552 : i32 to index
        %parallel_loop3A_597 = arith.constant 0 : index
        %parallel_loop3A_598 = tpu.vector_load %arg7[%parallel_loop3A_595, %parallel_loop3A_596, %parallel_loop3A_597] {strides = array<i32>} : memref<9x32x128xf32, #tpu.memory_space<vmem>>, vector<16xf32>,
        %parallel_loop3A_599 = arith.addf %parallel_loop3A_593, %parallel_loop3A_598 : vector<16xf32>
        %parallel_loop3A_600 = arith.constant 8 : i32
        %parallel_loop3A_601 = arith.index_cast %parallel_loop3A_600 : i32 to index
        %parallel_loop3A_602 = arith.index_cast %parallel_loop3A_552 : i32 to index
        %parallel_loop3A_603 = arith.constant 0 : index
        %parallel_loop3A_604 = tpu.vector_load %arg7[%parallel_loop3A_601, %parallel_loop3A_602, %parallel_loop3A_603] {strides = array<i32>} : memref<9x32x128xf32, #tpu.memory_space<vmem>>, vector<16xf32>,
        %parallel_loop3A_605 = arith.addf %parallel_loop3A_599, %parallel_loop3A_604 : vector<16xf32>
        %parallel_loop3A_606 = arith.index_cast %parallel_loop3A_552 : i32 to index
        %parallel_loop3A_607 = arith.constant 0 : index
        %parallel_loop3A_608 = tpu.vector_load %arg9[%parallel_loop3A_606, %parallel_loop3A_607] {strides = array<i32>} : memref<32x128xf32, #tpu.memory_space<vmem>>, vector<16xf32>,
        tpu.vector_store %arg9[%parallel_loop3A_606, %parallel_loop3A_607], %parallel_loop3A_605 {strides = array<i32>} : memref<32x128xf32, #tpu.memory_space<vmem>>, vector<16xf32>,
        %parallel_loop3A_609 = arith.constant 0 : i32
        %parallel_loop3A_610 = arith.index_cast %parallel_loop3A_609 : i32 to index
        %parallel_loop3A_611 = arith.index_cast %parallel_loop3A_552 : i32 to index
        %parallel_loop3A_612 = arith.constant 16 : index
        %parallel_loop3A_613 = tpu.vector_load %arg7[%parallel_loop3A_610, %parallel_loop3A_611, %parallel_loop3A_612] {strides = array<i32>} : memref<9x32x128xf32, #tpu.memory_space<vmem>>, vector<16xf32>,
        %parallel_loop3A_614 = arith.constant 1 : i32
        %parallel_loop3A_615 = arith.index_cast %parallel_loop3A_614 : i32 to index
        %parallel_loop3A_616 = arith.index_cast %parallel_loop3A_552 : i32 to index
        %parallel_loop3A_617 = arith.constant 16 : index
        %parallel_loop3A_618 = tpu.vector_load %arg7[%parallel_loop3A_615, %parallel_loop3A_616, %parallel_loop3A_617] {strides = array<i32>} : memref<9x32x128xf32, #tpu.memory_space<vmem>>, vector<16xf32>,
        %parallel_loop3A_619 = arith.addf %parallel_loop3A_613, %parallel_loop3A_618 : vector<16xf32>
        %parallel_loop3A_620 = arith.constant 2 : i32
        %parallel_loop3A_621 = arith.index_cast %parallel_loop3A_620 : i32 to index
        %parallel_loop3A_622 = arith.index_cast %parallel_loop3A_552 : i32 to index
        %parallel_loop3A_623 = arith.constant 16 : index
        %parallel_loop3A_624 = tpu.vector_load %arg7[%parallel_loop3A_621, %parallel_loop3A_622, %parallel_loop3A_623] {strides = array<i32>} : memref<9x32x128xf32, #tpu.memory_space<vmem>>, vector<16xf32>,
        %parallel_loop3A_625 = arith.addf %parallel_loop3A_619, %parallel_loop3A_624 : vector<16xf32>
        %parallel_loop3A_626 = arith.constant 3 : i32
        %parallel_loop3A_627 = arith.index_cast %parallel_loop3A_626 : i32 to index
        %parallel_loop3A_628 = arith.index_cast %parallel_loop3A_552 : i32 to index
        %parallel_loop3A_629 = arith.constant 16 : index
        %parallel_loop3A_630 = tpu.vector_load %arg7[%parallel_loop3A_627, %parallel_loop3A_628, %parallel_loop3A_629] {strides = array<i32>} : memref<9x32x128xf32, #tpu.memory_space<vmem>>, vector<16xf32>,
        %parallel_loop3A_631 = arith.addf %parallel_loop3A_625, %parallel_loop3A_630 : vector<16xf32>
        %parallel_loop3A_632 = arith.constant 4 : i32
        %parallel_loop3A_633 = arith.index_cast %parallel_loop3A_632 : i32 to index
        %parallel_loop3A_634 = arith.index_cast %parallel_loop3A_552 : i32 to index
        %parallel_loop3A_635 = arith.constant 16 : index
        %parallel_loop3A_636 = tpu.vector_load %arg7[%parallel_loop3A_633, %parallel_loop3A_634, %parallel_loop3A_635] {strides = array<i32>} : memref<9x32x128xf32, #tpu.memory_space<vmem>>, vector<16xf32>,
        %parallel_loop3A_637 = arith.addf %parallel_loop3A_631, %parallel_loop3A_636 : vector<16xf32>
        %parallel_loop3A_638 = arith.constant 5 : i32
        %parallel_loop3A_639 = arith.index_cast %parallel_loop3A_638 : i32 to index
        %parallel_loop3A_640 = arith.index_cast %parallel_loop3A_552 : i32 to index
        %parallel_loop3A_641 = arith.constant 16 : index
        %parallel_loop3A_642 = tpu.vector_load %arg7[%parallel_loop3A_639, %parallel_loop3A_640, %parallel_loop3A_641] {strides = array<i32>} : memref<9x32x128xf32, #tpu.memory_space<vmem>>, vector<16xf32>,
        %parallel_loop3A_643 = arith.addf %parallel_loop3A_637, %parallel_loop3A_642 : vector<16xf32>
        %parallel_loop3A_644 = arith.constant 6 : i32
        %parallel_loop3A_645 = arith.index_cast %parallel_loop3A_644 : i32 to index
        %parallel_loop3A_646 = arith.index_cast %parallel_loop3A_552 : i32 to index
        %parallel_loop3A_647 = arith.constant 16 : index
        %parallel_loop3A_648 = tpu.vector_load %arg7[%parallel_loop3A_645, %parallel_loop3A_646, %parallel_loop3A_647] {strides = array<i32>} : memref<9x32x128xf32, #tpu.memory_space<vmem>>, vector<16xf32>,
        %parallel_loop3A_649 = arith.addf %parallel_loop3A_643, %parallel_loop3A_648 : vector<16xf32>
        %parallel_loop3A_650 = arith.constant 7 : i32
        %parallel_loop3A_651 = arith.index_cast %parallel_loop3A_650 : i32 to index
        %parallel_loop3A_652 = arith.index_cast %parallel_loop3A_552 : i32 to index
        %parallel_loop3A_653 = arith.constant 16 : index
        %parallel_loop3A_654 = tpu.vector_load %arg7[%parallel_loop3A_651, %parallel_loop3A_652, %parallel_loop3A_653] {strides = array<i32>} : memref<9x32x128xf32, #tpu.memory_space<vmem>>, vector<16xf32>,
        %parallel_loop3A_655 = arith.addf %parallel_loop3A_649, %parallel_loop3A_654 : vector<16xf32>
        %parallel_loop3A_656 = arith.constant 8 : i32
        %parallel_loop3A_657 = arith.index_cast %parallel_loop3A_656 : i32 to index
        %parallel_loop3A_658 = arith.index_cast %parallel_loop3A_552 : i32 to index
        %parallel_loop3A_659 = arith.constant 16 : index
        %parallel_loop3A_660 = tpu.vector_load %arg7[%parallel_loop3A_657, %parallel_loop3A_658, %parallel_loop3A_659] {strides = array<i32>} : memref<9x32x128xf32, #tpu.memory_space<vmem>>, vector<16xf32>,
        %parallel_loop3A_661 = arith.addf %parallel_loop3A_655, %parallel_loop3A_660 : vector<16xf32>
        %parallel_loop3A_662 = arith.index_cast %parallel_loop3A_552 : i32 to index
        %parallel_loop3A_663 = arith.constant 16 : index
        %parallel_loop3A_664 = tpu.vector_load %arg9[%parallel_loop3A_662, %parallel_loop3A_663] {strides = array<i32>} : memref<32x128xf32, #tpu.memory_space<vmem>>, vector<16xf32>,
        tpu.vector_store %arg9[%parallel_loop3A_662, %parallel_loop3A_663], %parallel_loop3A_661 {strides = array<i32>} : memref<32x128xf32, #tpu.memory_space<vmem>>, vector<16xf32>,
        %parallel_loop3A_665 = arith.constant 0 : i32
        %parallel_loop3A_666 = arith.index_cast %parallel_loop3A_665 : i32 to index
        %parallel_loop3A_667 = arith.index_cast %parallel_loop3A_552 : i32 to index
        %parallel_loop3A_668 = arith.constant 32 : index
        %parallel_loop3A_669 = tpu.vector_load %arg7[%parallel_loop3A_666, %parallel_loop3A_667, %parallel_loop3A_668] {strides = array<i32>} : memref<9x32x128xf32, #tpu.memory_space<vmem>>, vector<16xf32>,
        %parallel_loop3A_670 = arith.constant 1 : i32
        %parallel_loop3A_671 = arith.index_cast %parallel_loop3A_670 : i32 to index
        %parallel_loop3A_672 = arith.index_cast %parallel_loop3A_552 : i32 to index
        %parallel_loop3A_673 = arith.constant 32 : index
        %parallel_loop3A_674 = tpu.vector_load %arg7[%parallel_loop3A_671, %parallel_loop3A_672, %parallel_loop3A_673] {strides = array<i32>} : memref<9x32x128xf32, #tpu.memory_space<vmem>>, vector<16xf32>,
        %parallel_loop3A_675 = arith.addf %parallel_loop3A_669, %parallel_loop3A_674 : vector<16xf32>
        %parallel_loop3A_676 = arith.constant 2 : i32
        %parallel_loop3A_677 = arith.index_cast %parallel_loop3A_676 : i32 to index
        %parallel_loop3A_678 = arith.index_cast %parallel_loop3A_552 : i32 to index
        %parallel_loop3A_679 = arith.constant 32 : index
        %parallel_loop3A_680 = tpu.vector_load %arg7[%parallel_loop3A_677, %parallel_loop3A_678, %parallel_loop3A_679] {strides = array<i32>} : memref<9x32x128xf32, #tpu.memory_space<vmem>>, vector<16xf32>,
        %parallel_loop3A_681 = arith.addf %parallel_loop3A_675, %parallel_loop3A_680 : vector<16xf32>
        %parallel_loop3A_682 = arith.constant 3 : i32
        %parallel_loop3A_683 = arith.index_cast %parallel_loop3A_682 : i32 to index
        %parallel_loop3A_684 = arith.index_cast %parallel_loop3A_552 : i32 to index
        %parallel_loop3A_685 = arith.constant 32 : index
        %parallel_loop3A_686 = tpu.vector_load %arg7[%parallel_loop3A_683, %parallel_loop3A_684, %parallel_loop3A_685] {strides = array<i32>} : memref<9x32x128xf32, #tpu.memory_space<vmem>>, vector<16xf32>,
        %parallel_loop3A_687 = arith.addf %parallel_loop3A_681, %parallel_loop3A_686 : vector<16xf32>
        %parallel_loop3A_688 = arith.constant 4 : i32
        %parallel_loop3A_689 = arith.index_cast %parallel_loop3A_688 : i32 to index
        %parallel_loop3A_690 = arith.index_cast %parallel_loop3A_552 : i32 to index
        %parallel_loop3A_691 = arith.constant 32 : index
        %parallel_loop3A_692 = tpu.vector_load %arg7[%parallel_loop3A_689, %parallel_loop3A_690, %parallel_loop3A_691] {strides = array<i32>} : memref<9x32x128xf32, #tpu.memory_space<vmem>>, vector<16xf32>,
        %parallel_loop3A_693 = arith.addf %parallel_loop3A_687, %parallel_loop3A_692 : vector<16xf32>
        %parallel_loop3A_694 = arith.constant 5 : i32
        %parallel_loop3A_695 = arith.index_cast %parallel_loop3A_694 : i32 to index
        %parallel_loop3A_696 = arith.index_cast %parallel_loop3A_552 : i32 to index
        %parallel_loop3A_697 = arith.constant 32 : index
        %parallel_loop3A_698 = tpu.vector_load %arg7[%parallel_loop3A_695, %parallel_loop3A_696, %parallel_loop3A_697] {strides = array<i32>} : memref<9x32x128xf32, #tpu.memory_space<vmem>>, vector<16xf32>,
        %parallel_loop3A_699 = arith.addf %parallel_loop3A_693, %parallel_loop3A_698 : vector<16xf32>
        %parallel_loop3A_700 = arith.constant 6 : i32
        %parallel_loop3A_701 = arith.index_cast %parallel_loop3A_700 : i32 to index
        %parallel_loop3A_702 = arith.index_cast %parallel_loop3A_552 : i32 to index
        %parallel_loop3A_703 = arith.constant 32 : index
        %parallel_loop3A_704 = tpu.vector_load %arg7[%parallel_loop3A_701, %parallel_loop3A_702, %parallel_loop3A_703] {strides = array<i32>} : memref<9x32x128xf32, #tpu.memory_space<vmem>>, vector<16xf32>,
        %parallel_loop3A_705 = arith.addf %parallel_loop3A_699, %parallel_loop3A_704 : vector<16xf32>
        %parallel_loop3A_706 = arith.constant 7 : i32
        %parallel_loop3A_707 = arith.index_cast %parallel_loop3A_706 : i32 to index
        %parallel_loop3A_708 = arith.index_cast %parallel_loop3A_552 : i32 to index
        %parallel_loop3A_709 = arith.constant 32 : index
        %parallel_loop3A_710 = tpu.vector_load %arg7[%parallel_loop3A_707, %parallel_loop3A_708, %parallel_loop3A_709] {strides = array<i32>} : memref<9x32x128xf32, #tpu.memory_space<vmem>>, vector<16xf32>,
        %parallel_loop3A_711 = arith.addf %parallel_loop3A_705, %parallel_loop3A_710 : vector<16xf32>
        %parallel_loop3A_712 = arith.constant 8 : i32
        %parallel_loop3A_713 = arith.index_cast %parallel_loop3A_712 : i32 to index
        %parallel_loop3A_714 = arith.index_cast %parallel_loop3A_552 : i32 to index
        %parallel_loop3A_715 = arith.constant 32 : index
        %parallel_loop3A_716 = tpu.vector_load %arg7[%parallel_loop3A_713, %parallel_loop3A_714, %parallel_loop3A_715] {strides = array<i32>} : memref<9x32x128xf32, #tpu.memory_space<vmem>>, vector<16xf32>,
        %parallel_loop3A_717 = arith.addf %parallel_loop3A_711, %parallel_loop3A_716 : vector<16xf32>
        %parallel_loop3A_718 = arith.index_cast %parallel_loop3A_552 : i32 to index
        %parallel_loop3A_719 = arith.constant 32 : index
        %parallel_loop3A_720 = tpu.vector_load %arg9[%parallel_loop3A_718, %parallel_loop3A_719] {strides = array<i32>} : memref<32x128xf32, #tpu.memory_space<vmem>>, vector<16xf32>,
        tpu.vector_store %arg9[%parallel_loop3A_718, %parallel_loop3A_719], %parallel_loop3A_717 {strides = array<i32>} : memref<32x128xf32, #tpu.memory_space<vmem>>, vector<16xf32>,
        %parallel_loop3A_721 = arith.constant 0 : i32
        %parallel_loop3A_722 = arith.index_cast %parallel_loop3A_721 : i32 to index
        %parallel_loop3A_723 = arith.index_cast %parallel_loop3A_552 : i32 to index
        %parallel_loop3A_724 = arith.constant 48 : index
        %parallel_loop3A_725 = tpu.vector_load %arg7[%parallel_loop3A_722, %parallel_loop3A_723, %parallel_loop3A_724] {strides = array<i32>} : memref<9x32x128xf32, #tpu.memory_space<vmem>>, vector<16xf32>,
        %parallel_loop3A_726 = arith.constant 1 : i32
        %parallel_loop3A_727 = arith.index_cast %parallel_loop3A_726 : i32 to index
        %parallel_loop3A_728 = arith.index_cast %parallel_loop3A_552 : i32 to index
        %parallel_loop3A_729 = arith.constant 48 : index
        %parallel_loop3A_730 = tpu.vector_load %arg7[%parallel_loop3A_727, %parallel_loop3A_728, %parallel_loop3A_729] {strides = array<i32>} : memref<9x32x128xf32, #tpu.memory_space<vmem>>, vector<16xf32>,
        %parallel_loop3A_731 = arith.addf %parallel_loop3A_725, %parallel_loop3A_730 : vector<16xf32>
        %parallel_loop3A_732 = arith.constant 2 : i32
        %parallel_loop3A_733 = arith.index_cast %parallel_loop3A_732 : i32 to index
        %parallel_loop3A_734 = arith.index_cast %parallel_loop3A_552 : i32 to index
        %parallel_loop3A_735 = arith.constant 48 : index
        %parallel_loop3A_736 = tpu.vector_load %arg7[%parallel_loop3A_733, %parallel_loop3A_734, %parallel_loop3A_735] {strides = array<i32>} : memref<9x32x128xf32, #tpu.memory_space<vmem>>, vector<16xf32>,
        %parallel_loop3A_737 = arith.addf %parallel_loop3A_731, %parallel_loop3A_736 : vector<16xf32>
        %parallel_loop3A_738 = arith.constant 3 : i32
        %parallel_loop3A_739 = arith.index_cast %parallel_loop3A_738 : i32 to index
        %parallel_loop3A_740 = arith.index_cast %parallel_loop3A_552 : i32 to index
        %parallel_loop3A_741 = arith.constant 48 : index
        %parallel_loop3A_742 = tpu.vector_load %arg7[%parallel_loop3A_739, %parallel_loop3A_740, %parallel_loop3A_741] {strides = array<i32>} : memref<9x32x128xf32, #tpu.memory_space<vmem>>, vector<16xf32>,
        %parallel_loop3A_743 = arith.addf %parallel_loop3A_737, %parallel_loop3A_742 : vector<16xf32>
        %parallel_loop3A_744 = arith.constant 4 : i32
        %parallel_loop3A_745 = arith.index_cast %parallel_loop3A_744 : i32 to index
        %parallel_loop3A_746 = arith.index_cast %parallel_loop3A_552 : i32 to index
        %parallel_loop3A_747 = arith.constant 48 : index
        %parallel_loop3A_748 = tpu.vector_load %arg7[%parallel_loop3A_745, %parallel_loop3A_746, %parallel_loop3A_747] {strides = array<i32>} : memref<9x32x128xf32, #tpu.memory_space<vmem>>, vector<16xf32>,
        %parallel_loop3A_749 = arith.addf %parallel_loop3A_743, %parallel_loop3A_748 : vector<16xf32>
        %parallel_loop3A_750 = arith.constant 5 : i32
        %parallel_loop3A_751 = arith.index_cast %parallel_loop3A_750 : i32 to index
        %parallel_loop3A_752 = arith.index_cast %parallel_loop3A_552 : i32 to index
        %parallel_loop3A_753 = arith.constant 48 : index
        %parallel_loop3A_754 = tpu.vector_load %arg7[%parallel_loop3A_751, %parallel_loop3A_752, %parallel_loop3A_753] {strides = array<i32>} : memref<9x32x128xf32, #tpu.memory_space<vmem>>, vector<16xf32>,
        %parallel_loop3A_755 = arith.addf %parallel_loop3A_749, %parallel_loop3A_754 : vector<16xf32>
        %parallel_loop3A_756 = arith.constant 6 : i32
        %parallel_loop3A_757 = arith.index_cast %parallel_loop3A_756 : i32 to index
        %parallel_loop3A_758 = arith.index_cast %parallel_loop3A_552 : i32 to index
        %parallel_loop3A_759 = arith.constant 48 : index
        %parallel_loop3A_760 = tpu.vector_load %arg7[%parallel_loop3A_757, %parallel_loop3A_758, %parallel_loop3A_759] {strides = array<i32>} : memref<9x32x128xf32, #tpu.memory_space<vmem>>, vector<16xf32>,
        %parallel_loop3A_761 = arith.addf %parallel_loop3A_755, %parallel_loop3A_760 : vector<16xf32>
        %parallel_loop3A_762 = arith.constant 7 : i32
        %parallel_loop3A_763 = arith.index_cast %parallel_loop3A_762 : i32 to index
        %parallel_loop3A_764 = arith.index_cast %parallel_loop3A_552 : i32 to index
        %parallel_loop3A_765 = arith.constant 48 : index
        %parallel_loop3A_766 = tpu.vector_load %arg7[%parallel_loop3A_763, %parallel_loop3A_764, %parallel_loop3A_765] {strides = array<i32>} : memref<9x32x128xf32, #tpu.memory_space<vmem>>, vector<16xf32>,
        %parallel_loop3A_767 = arith.addf %parallel_loop3A_761, %parallel_loop3A_766 : vector<16xf32>
        %parallel_loop3A_768 = arith.constant 8 : i32
        %parallel_loop3A_769 = arith.index_cast %parallel_loop3A_768 : i32 to index
        %parallel_loop3A_770 = arith.index_cast %parallel_loop3A_552 : i32 to index
        %parallel_loop3A_771 = arith.constant 48 : index
        %parallel_loop3A_772 = tpu.vector_load %arg7[%parallel_loop3A_769, %parallel_loop3A_770, %parallel_loop3A_771] {strides = array<i32>} : memref<9x32x128xf32, #tpu.memory_space<vmem>>, vector<16xf32>,
        %parallel_loop3A_773 = arith.addf %parallel_loop3A_767, %parallel_loop3A_772 : vector<16xf32>
        %parallel_loop3A_774 = arith.index_cast %parallel_loop3A_552 : i32 to index
        %parallel_loop3A_775 = arith.constant 48 : index
        %parallel_loop3A_776 = tpu.vector_load %arg9[%parallel_loop3A_774, %parallel_loop3A_775] {strides = array<i32>} : memref<32x128xf32, #tpu.memory_space<vmem>>, vector<16xf32>,
        tpu.vector_store %arg9[%parallel_loop3A_774, %parallel_loop3A_775], %parallel_loop3A_773 {strides = array<i32>} : memref<32x128xf32, #tpu.memory_space<vmem>>, vector<16xf32>,
        %parallel_loop3A_777 = arith.constant 0 : i32
        %parallel_loop3A_778 = arith.index_cast %parallel_loop3A_777 : i32 to index
        %parallel_loop3A_779 = arith.index_cast %parallel_loop3A_552 : i32 to index
        %parallel_loop3A_780 = arith.constant 64 : index
        %parallel_loop3A_781 = tpu.vector_load %arg7[%parallel_loop3A_778, %parallel_loop3A_779, %parallel_loop3A_780] {strides = array<i32>} : memref<9x32x128xf32, #tpu.memory_space<vmem>>, vector<16xf32>,
        %parallel_loop3A_782 = arith.constant 1 : i32
        %parallel_loop3A_783 = arith.index_cast %parallel_loop3A_782 : i32 to index
        %parallel_loop3A_784 = arith.index_cast %parallel_loop3A_552 : i32 to index
        %parallel_loop3A_785 = arith.constant 64 : index
        %parallel_loop3A_786 = tpu.vector_load %arg7[%parallel_loop3A_783, %parallel_loop3A_784, %parallel_loop3A_785] {strides = array<i32>} : memref<9x32x128xf32, #tpu.memory_space<vmem>>, vector<16xf32>,
        %parallel_loop3A_787 = arith.addf %parallel_loop3A_781, %parallel_loop3A_786 : vector<16xf32>
        %parallel_loop3A_788 = arith.constant 2 : i32
        %parallel_loop3A_789 = arith.index_cast %parallel_loop3A_788 : i32 to index
        %parallel_loop3A_790 = arith.index_cast %parallel_loop3A_552 : i32 to index
        %parallel_loop3A_791 = arith.constant 64 : index
        %parallel_loop3A_792 = tpu.vector_load %arg7[%parallel_loop3A_789, %parallel_loop3A_790, %parallel_loop3A_791] {strides = array<i32>} : memref<9x32x128xf32, #tpu.memory_space<vmem>>, vector<16xf32>,
        %parallel_loop3A_793 = arith.addf %parallel_loop3A_787, %parallel_loop3A_792 : vector<16xf32>
        %parallel_loop3A_794 = arith.constant 3 : i32
        %parallel_loop3A_795 = arith.index_cast %parallel_loop3A_794 : i32 to index
        %parallel_loop3A_796 = arith.index_cast %parallel_loop3A_552 : i32 to index
        %parallel_loop3A_797 = arith.constant 64 : index
        %parallel_loop3A_798 = tpu.vector_load %arg7[%parallel_loop3A_795, %parallel_loop3A_796, %parallel_loop3A_797] {strides = array<i32>} : memref<9x32x128xf32, #tpu.memory_space<vmem>>, vector<16xf32>,
        %parallel_loop3A_799 = arith.addf %parallel_loop3A_793, %parallel_loop3A_798 : vector<16xf32>
        %parallel_loop3A_800 = arith.constant 4 : i32
        %parallel_loop3A_801 = arith.index_cast %parallel_loop3A_800 : i32 to index
        %parallel_loop3A_802 = arith.index_cast %parallel_loop3A_552 : i32 to index
        %parallel_loop3A_803 = arith.constant 64 : index
        %parallel_loop3A_804 = tpu.vector_load %arg7[%parallel_loop3A_801, %parallel_loop3A_802, %parallel_loop3A_803] {strides = array<i32>} : memref<9x32x128xf32, #tpu.memory_space<vmem>>, vector<16xf32>,
        %parallel_loop3A_805 = arith.addf %parallel_loop3A_799, %parallel_loop3A_804 : vector<16xf32>
        %parallel_loop3A_806 = arith.constant 5 : i32
        %parallel_loop3A_807 = arith.index_cast %parallel_loop3A_806 : i32 to index
        %parallel_loop3A_808 = arith.index_cast %parallel_loop3A_552 : i32 to index
        %parallel_loop3A_809 = arith.constant 64 : index
        %parallel_loop3A_810 = tpu.vector_load %arg7[%parallel_loop3A_807, %parallel_loop3A_808, %parallel_loop3A_809] {strides = array<i32>} : memref<9x32x128xf32, #tpu.memory_space<vmem>>, vector<16xf32>,
        %parallel_loop3A_811 = arith.addf %parallel_loop3A_805, %parallel_loop3A_810 : vector<16xf32>
        %parallel_loop3A_812 = arith.constant 6 : i32
        %parallel_loop3A_813 = arith.index_cast %parallel_loop3A_812 : i32 to index
        %parallel_loop3A_814 = arith.index_cast %parallel_loop3A_552 : i32 to index
        %parallel_loop3A_815 = arith.constant 64 : index
        %parallel_loop3A_816 = tpu.vector_load %arg7[%parallel_loop3A_813, %parallel_loop3A_814, %parallel_loop3A_815] {strides = array<i32>} : memref<9x32x128xf32, #tpu.memory_space<vmem>>, vector<16xf32>,
        %parallel_loop3A_817 = arith.addf %parallel_loop3A_811, %parallel_loop3A_816 : vector<16xf32>
        %parallel_loop3A_818 = arith.constant 7 : i32
        %parallel_loop3A_819 = arith.index_cast %parallel_loop3A_818 : i32 to index
        %parallel_loop3A_820 = arith.index_cast %parallel_loop3A_552 : i32 to index
        %parallel_loop3A_821 = arith.constant 64 : index
        %parallel_loop3A_822 = tpu.vector_load %arg7[%parallel_loop3A_819, %parallel_loop3A_820, %parallel_loop3A_821] {strides = array<i32>} : memref<9x32x128xf32, #tpu.memory_space<vmem>>, vector<16xf32>,
        %parallel_loop3A_823 = arith.addf %parallel_loop3A_817, %parallel_loop3A_822 : vector<16xf32>
        %parallel_loop3A_824 = arith.constant 8 : i32
        %parallel_loop3A_825 = arith.index_cast %parallel_loop3A_824 : i32 to index
        %parallel_loop3A_826 = arith.index_cast %parallel_loop3A_552 : i32 to index
        %parallel_loop3A_827 = arith.constant 64 : index
        %parallel_loop3A_828 = tpu.vector_load %arg7[%parallel_loop3A_825, %parallel_loop3A_826, %parallel_loop3A_827] {strides = array<i32>} : memref<9x32x128xf32, #tpu.memory_space<vmem>>, vector<16xf32>,
        %parallel_loop3A_829 = arith.addf %parallel_loop3A_823, %parallel_loop3A_828 : vector<16xf32>
        %parallel_loop3A_830 = arith.index_cast %parallel_loop3A_552 : i32 to index
        %parallel_loop3A_831 = arith.constant 64 : index
        %parallel_loop3A_832 = tpu.vector_load %arg9[%parallel_loop3A_830, %parallel_loop3A_831] {strides = array<i32>} : memref<32x128xf32, #tpu.memory_space<vmem>>, vector<16xf32>,
        tpu.vector_store %arg9[%parallel_loop3A_830, %parallel_loop3A_831], %parallel_loop3A_829 {strides = array<i32>} : memref<32x128xf32, #tpu.memory_space<vmem>>, vector<16xf32>,
        %parallel_loop3A_833 = arith.constant 0 : i32
        %parallel_loop3A_834 = arith.index_cast %parallel_loop3A_833 : i32 to index
        %parallel_loop3A_835 = arith.index_cast %parallel_loop3A_552 : i32 to index
        %parallel_loop3A_836 = arith.constant 80 : index
        %parallel_loop3A_837 = tpu.vector_load %arg7[%parallel_loop3A_834, %parallel_loop3A_835, %parallel_loop3A_836] {strides = array<i32>} : memref<9x32x128xf32, #tpu.memory_space<vmem>>, vector<16xf32>,
        %parallel_loop3A_838 = arith.constant 1 : i32
        %parallel_loop3A_839 = arith.index_cast %parallel_loop3A_838 : i32 to index
        %parallel_loop3A_840 = arith.index_cast %parallel_loop3A_552 : i32 to index
        %parallel_loop3A_841 = arith.constant 80 : index
        %parallel_loop3A_842 = tpu.vector_load %arg7[%parallel_loop3A_839, %parallel_loop3A_840, %parallel_loop3A_841] {strides = array<i32>} : memref<9x32x128xf32, #tpu.memory_space<vmem>>, vector<16xf32>,
        %parallel_loop3A_843 = arith.addf %parallel_loop3A_837, %parallel_loop3A_842 : vector<16xf32>
        %parallel_loop3A_844 = arith.constant 2 : i32
        %parallel_loop3A_845 = arith.index_cast %parallel_loop3A_844 : i32 to index
        %parallel_loop3A_846 = arith.index_cast %parallel_loop3A_552 : i32 to index
        %parallel_loop3A_847 = arith.constant 80 : index
        %parallel_loop3A_848 = tpu.vector_load %arg7[%parallel_loop3A_845, %parallel_loop3A_846, %parallel_loop3A_847] {strides = array<i32>} : memref<9x32x128xf32, #tpu.memory_space<vmem>>, vector<16xf32>,
        %parallel_loop3A_849 = arith.addf %parallel_loop3A_843, %parallel_loop3A_848 : vector<16xf32>
        %parallel_loop3A_850 = arith.constant 3 : i32
        %parallel_loop3A_851 = arith.index_cast %parallel_loop3A_850 : i32 to index
        %parallel_loop3A_852 = arith.index_cast %parallel_loop3A_552 : i32 to index
        %parallel_loop3A_853 = arith.constant 80 : index
        %parallel_loop3A_854 = tpu.vector_load %arg7[%parallel_loop3A_851, %parallel_loop3A_852, %parallel_loop3A_853] {strides = array<i32>} : memref<9x32x128xf32, #tpu.memory_space<vmem>>, vector<16xf32>,
        %parallel_loop3A_855 = arith.addf %parallel_loop3A_849, %parallel_loop3A_854 : vector<16xf32>
        %parallel_loop3A_856 = arith.constant 4 : i32
        %parallel_loop3A_857 = arith.index_cast %parallel_loop3A_856 : i32 to index
        %parallel_loop3A_858 = arith.index_cast %parallel_loop3A_552 : i32 to index
        %parallel_loop3A_859 = arith.constant 80 : index
        %parallel_loop3A_860 = tpu.vector_load %arg7[%parallel_loop3A_857, %parallel_loop3A_858, %parallel_loop3A_859] {strides = array<i32>} : memref<9x32x128xf32, #tpu.memory_space<vmem>>, vector<16xf32>,
        %parallel_loop3A_861 = arith.addf %parallel_loop3A_855, %parallel_loop3A_860 : vector<16xf32>
        %parallel_loop3A_862 = arith.constant 5 : i32
        %parallel_loop3A_863 = arith.index_cast %parallel_loop3A_862 : i32 to index
        %parallel_loop3A_864 = arith.index_cast %parallel_loop3A_552 : i32 to index
        %parallel_loop3A_865 = arith.constant 80 : index
        %parallel_loop3A_866 = tpu.vector_load %arg7[%parallel_loop3A_863, %parallel_loop3A_864, %parallel_loop3A_865] {strides = array<i32>} : memref<9x32x128xf32, #tpu.memory_space<vmem>>, vector<16xf32>,
        %parallel_loop3A_867 = arith.addf %parallel_loop3A_861, %parallel_loop3A_866 : vector<16xf32>
        %parallel_loop3A_868 = arith.constant 6 : i32
        %parallel_loop3A_869 = arith.index_cast %parallel_loop3A_868 : i32 to index
        %parallel_loop3A_870 = arith.index_cast %parallel_loop3A_552 : i32 to index
        %parallel_loop3A_871 = arith.constant 80 : index
        %parallel_loop3A_872 = tpu.vector_load %arg7[%parallel_loop3A_869, %parallel_loop3A_870, %parallel_loop3A_871] {strides = array<i32>} : memref<9x32x128xf32, #tpu.memory_space<vmem>>, vector<16xf32>,
        %parallel_loop3A_873 = arith.addf %parallel_loop3A_867, %parallel_loop3A_872 : vector<16xf32>
        %parallel_loop3A_874 = arith.constant 7 : i32
        %parallel_loop3A_875 = arith.index_cast %parallel_loop3A_874 : i32 to index
        %parallel_loop3A_876 = arith.index_cast %parallel_loop3A_552 : i32 to index
        %parallel_loop3A_877 = arith.constant 80 : index
        %parallel_loop3A_878 = tpu.vector_load %arg7[%parallel_loop3A_875, %parallel_loop3A_876, %parallel_loop3A_877] {strides = array<i32>} : memref<9x32x128xf32, #tpu.memory_space<vmem>>, vector<16xf32>,
        %parallel_loop3A_879 = arith.addf %parallel_loop3A_873, %parallel_loop3A_878 : vector<16xf32>
        %parallel_loop3A_880 = arith.constant 8 : i32
        %parallel_loop3A_881 = arith.index_cast %parallel_loop3A_880 : i32 to index
        %parallel_loop3A_882 = arith.index_cast %parallel_loop3A_552 : i32 to index
        %parallel_loop3A_883 = arith.constant 80 : index
        %parallel_loop3A_884 = tpu.vector_load %arg7[%parallel_loop3A_881, %parallel_loop3A_882, %parallel_loop3A_883] {strides = array<i32>} : memref<9x32x128xf32, #tpu.memory_space<vmem>>, vector<16xf32>,
        %parallel_loop3A_885 = arith.addf %parallel_loop3A_879, %parallel_loop3A_884 : vector<16xf32>
        %parallel_loop3A_886 = arith.index_cast %parallel_loop3A_552 : i32 to index
        %parallel_loop3A_887 = arith.constant 80 : index
        %parallel_loop3A_888 = tpu.vector_load %arg9[%parallel_loop3A_886, %parallel_loop3A_887] {strides = array<i32>} : memref<32x128xf32, #tpu.memory_space<vmem>>, vector<16xf32>,
        tpu.vector_store %arg9[%parallel_loop3A_886, %parallel_loop3A_887], %parallel_loop3A_885 {strides = array<i32>} : memref<32x128xf32, #tpu.memory_space<vmem>>, vector<16xf32>,
        %parallel_loop3A_889 = arith.constant 0 : i32
        %parallel_loop3A_890 = arith.index_cast %parallel_loop3A_889 : i32 to index
        %parallel_loop3A_891 = arith.index_cast %parallel_loop3A_552 : i32 to index
        %parallel_loop3A_892 = arith.constant 96 : index
        %parallel_loop3A_893 = tpu.vector_load %arg7[%parallel_loop3A_890, %parallel_loop3A_891, %parallel_loop3A_892] {strides = array<i32>} : memref<9x32x128xf32, #tpu.memory_space<vmem>>, vector<16xf32>,
        %parallel_loop3A_894 = arith.constant 1 : i32
        %parallel_loop3A_895 = arith.index_cast %parallel_loop3A_894 : i32 to index
        %parallel_loop3A_896 = arith.index_cast %parallel_loop3A_552 : i32 to index
        %parallel_loop3A_897 = arith.constant 96 : index
        %parallel_loop3A_898 = tpu.vector_load %arg7[%parallel_loop3A_895, %parallel_loop3A_896, %parallel_loop3A_897] {strides = array<i32>} : memref<9x32x128xf32, #tpu.memory_space<vmem>>, vector<16xf32>,
        %parallel_loop3A_899 = arith.addf %parallel_loop3A_893, %parallel_loop3A_898 : vector<16xf32>
        %parallel_loop3A_900 = arith.constant 2 : i32
        %parallel_loop3A_901 = arith.index_cast %parallel_loop3A_900 : i32 to index
        %parallel_loop3A_902 = arith.index_cast %parallel_loop3A_552 : i32 to index
        %parallel_loop3A_903 = arith.constant 96 : index
        %parallel_loop3A_904 = tpu.vector_load %arg7[%parallel_loop3A_901, %parallel_loop3A_902, %parallel_loop3A_903] {strides = array<i32>} : memref<9x32x128xf32, #tpu.memory_space<vmem>>, vector<16xf32>,
        %parallel_loop3A_905 = arith.addf %parallel_loop3A_899, %parallel_loop3A_904 : vector<16xf32>
        %parallel_loop3A_906 = arith.constant 3 : i32
        %parallel_loop3A_907 = arith.index_cast %parallel_loop3A_906 : i32 to index
        %parallel_loop3A_908 = arith.index_cast %parallel_loop3A_552 : i32 to index
        %parallel_loop3A_909 = arith.constant 96 : index
        %parallel_loop3A_910 = tpu.vector_load %arg7[%parallel_loop3A_907, %parallel_loop3A_908, %parallel_loop3A_909] {strides = array<i32>} : memref<9x32x128xf32, #tpu.memory_space<vmem>>, vector<16xf32>,
        %parallel_loop3A_911 = arith.addf %parallel_loop3A_905, %parallel_loop3A_910 : vector<16xf32>
        %parallel_loop3A_912 = arith.constant 4 : i32
        %parallel_loop3A_913 = arith.index_cast %parallel_loop3A_912 : i32 to index
        %parallel_loop3A_914 = arith.index_cast %parallel_loop3A_552 : i32 to index
        %parallel_loop3A_915 = arith.constant 96 : index
        %parallel_loop3A_916 = tpu.vector_load %arg7[%parallel_loop3A_913, %parallel_loop3A_914, %parallel_loop3A_915] {strides = array<i32>} : memref<9x32x128xf32, #tpu.memory_space<vmem>>, vector<16xf32>,
        %parallel_loop3A_917 = arith.addf %parallel_loop3A_911, %parallel_loop3A_916 : vector<16xf32>
        %parallel_loop3A_918 = arith.constant 5 : i32
        %parallel_loop3A_919 = arith.index_cast %parallel_loop3A_918 : i32 to index
        %parallel_loop3A_920 = arith.index_cast %parallel_loop3A_552 : i32 to index
        %parallel_loop3A_921 = arith.constant 96 : index
        %parallel_loop3A_922 = tpu.vector_load %arg7[%parallel_loop3A_919, %parallel_loop3A_920, %parallel_loop3A_921] {strides = array<i32>} : memref<9x32x128xf32, #tpu.memory_space<vmem>>, vector<16xf32>,
        %parallel_loop3A_923 = arith.addf %parallel_loop3A_917, %parallel_loop3A_922 : vector<16xf32>
        %parallel_loop3A_924 = arith.constant 6 : i32
        %parallel_loop3A_925 = arith.index_cast %parallel_loop3A_924 : i32 to index
        %parallel_loop3A_926 = arith.index_cast %parallel_loop3A_552 : i32 to index
        %parallel_loop3A_927 = arith.constant 96 : index
        %parallel_loop3A_928 = tpu.vector_load %arg7[%parallel_loop3A_925, %parallel_loop3A_926, %parallel_loop3A_927] {strides = array<i32>} : memref<9x32x128xf32, #tpu.memory_space<vmem>>, vector<16xf32>,
        %parallel_loop3A_929 = arith.addf %parallel_loop3A_923, %parallel_loop3A_928 : vector<16xf32>
        %parallel_loop3A_930 = arith.constant 7 : i32
        %parallel_loop3A_931 = arith.index_cast %parallel_loop3A_930 : i32 to index
        %parallel_loop3A_932 = arith.index_cast %parallel_loop3A_552 : i32 to index
        %parallel_loop3A_933 = arith.constant 96 : index
        %parallel_loop3A_934 = tpu.vector_load %arg7[%parallel_loop3A_931, %parallel_loop3A_932, %parallel_loop3A_933] {strides = array<i32>} : memref<9x32x128xf32, #tpu.memory_space<vmem>>, vector<16xf32>,
        %parallel_loop3A_935 = arith.addf %parallel_loop3A_929, %parallel_loop3A_934 : vector<16xf32>
        %parallel_loop3A_936 = arith.constant 8 : i32
        %parallel_loop3A_937 = arith.index_cast %parallel_loop3A_936 : i32 to index
        %parallel_loop3A_938 = arith.index_cast %parallel_loop3A_552 : i32 to index
        %parallel_loop3A_939 = arith.constant 96 : index
        %parallel_loop3A_940 = tpu.vector_load %arg7[%parallel_loop3A_937, %parallel_loop3A_938, %parallel_loop3A_939] {strides = array<i32>} : memref<9x32x128xf32, #tpu.memory_space<vmem>>, vector<16xf32>,
        %parallel_loop3A_941 = arith.addf %parallel_loop3A_935, %parallel_loop3A_940 : vector<16xf32>
        %parallel_loop3A_942 = arith.index_cast %parallel_loop3A_552 : i32 to index
        %parallel_loop3A_943 = arith.constant 96 : index
        %parallel_loop3A_944 = tpu.vector_load %arg9[%parallel_loop3A_942, %parallel_loop3A_943] {strides = array<i32>} : memref<32x128xf32, #tpu.memory_space<vmem>>, vector<16xf32>,
        tpu.vector_store %arg9[%parallel_loop3A_942, %parallel_loop3A_943], %parallel_loop3A_941 {strides = array<i32>} : memref<32x128xf32, #tpu.memory_space<vmem>>, vector<16xf32>,
        %parallel_loop3A_945 = arith.constant 0 : i32
        %parallel_loop3A_946 = arith.index_cast %parallel_loop3A_945 : i32 to index
        %parallel_loop3A_947 = arith.index_cast %parallel_loop3A_552 : i32 to index
        %parallel_loop3A_948 = arith.constant 112 : index
        %parallel_loop3A_949 = tpu.vector_load %arg7[%parallel_loop3A_946, %parallel_loop3A_947, %parallel_loop3A_948] {strides = array<i32>} : memref<9x32x128xf32, #tpu.memory_space<vmem>>, vector<16xf32>,
        %parallel_loop3A_950 = arith.constant 1 : i32
        %parallel_loop3A_951 = arith.index_cast %parallel_loop3A_950 : i32 to index
        %parallel_loop3A_952 = arith.index_cast %parallel_loop3A_552 : i32 to index
        %parallel_loop3A_953 = arith.constant 112 : index
        %parallel_loop3A_954 = tpu.vector_load %arg7[%parallel_loop3A_951, %parallel_loop3A_952, %parallel_loop3A_953] {strides = array<i32>} : memref<9x32x128xf32, #tpu.memory_space<vmem>>, vector<16xf32>,
        %parallel_loop3A_955 = arith.addf %parallel_loop3A_949, %parallel_loop3A_954 : vector<16xf32>
        %parallel_loop3A_956 = arith.constant 2 : i32
        %parallel_loop3A_957 = arith.index_cast %parallel_loop3A_956 : i32 to index
        %parallel_loop3A_958 = arith.index_cast %parallel_loop3A_552 : i32 to index
        %parallel_loop3A_959 = arith.constant 112 : index
        %parallel_loop3A_960 = tpu.vector_load %arg7[%parallel_loop3A_957, %parallel_loop3A_958, %parallel_loop3A_959] {strides = array<i32>} : memref<9x32x128xf32, #tpu.memory_space<vmem>>, vector<16xf32>,
        %parallel_loop3A_961 = arith.addf %parallel_loop3A_955, %parallel_loop3A_960 : vector<16xf32>
        %parallel_loop3A_962 = arith.constant 3 : i32
        %parallel_loop3A_963 = arith.index_cast %parallel_loop3A_962 : i32 to index
        %parallel_loop3A_964 = arith.index_cast %parallel_loop3A_552 : i32 to index
        %parallel_loop3A_965 = arith.constant 112 : index
        %parallel_loop3A_966 = tpu.vector_load %arg7[%parallel_loop3A_963, %parallel_loop3A_964, %parallel_loop3A_965] {strides = array<i32>} : memref<9x32x128xf32, #tpu.memory_space<vmem>>, vector<16xf32>,
        %parallel_loop3A_967 = arith.addf %parallel_loop3A_961, %parallel_loop3A_966 : vector<16xf32>
        %parallel_loop3A_968 = arith.constant 4 : i32
        %parallel_loop3A_969 = arith.index_cast %parallel_loop3A_968 : i32 to index
        %parallel_loop3A_970 = arith.index_cast %parallel_loop3A_552 : i32 to index
        %parallel_loop3A_971 = arith.constant 112 : index
        %parallel_loop3A_972 = tpu.vector_load %arg7[%parallel_loop3A_969, %parallel_loop3A_970, %parallel_loop3A_971] {strides = array<i32>} : memref<9x32x128xf32, #tpu.memory_space<vmem>>, vector<16xf32>,
        %parallel_loop3A_973 = arith.addf %parallel_loop3A_967, %parallel_loop3A_972 : vector<16xf32>
        %parallel_loop3A_974 = arith.constant 5 : i32
        %parallel_loop3A_975 = arith.index_cast %parallel_loop3A_974 : i32 to index
        %parallel_loop3A_976 = arith.index_cast %parallel_loop3A_552 : i32 to index
        %parallel_loop3A_977 = arith.constant 112 : index
        %parallel_loop3A_978 = tpu.vector_load %arg7[%parallel_loop3A_975, %parallel_loop3A_976, %parallel_loop3A_977] {strides = array<i32>} : memref<9x32x128xf32, #tpu.memory_space<vmem>>, vector<16xf32>,
        %parallel_loop3A_979 = arith.addf %parallel_loop3A_973, %parallel_loop3A_978 : vector<16xf32>
        %parallel_loop3A_980 = arith.constant 6 : i32
        %parallel_loop3A_981 = arith.index_cast %parallel_loop3A_980 : i32 to index
        %parallel_loop3A_982 = arith.index_cast %parallel_loop3A_552 : i32 to index
        %parallel_loop3A_983 = arith.constant 112 : index
        %parallel_loop3A_984 = tpu.vector_load %arg7[%parallel_loop3A_981, %parallel_loop3A_982, %parallel_loop3A_983] {strides = array<i32>} : memref<9x32x128xf32, #tpu.memory_space<vmem>>, vector<16xf32>,
        %parallel_loop3A_985 = arith.addf %parallel_loop3A_979, %parallel_loop3A_984 : vector<16xf32>
        %parallel_loop3A_986 = arith.constant 7 : i32
        %parallel_loop3A_987 = arith.index_cast %parallel_loop3A_986 : i32 to index
        %parallel_loop3A_988 = arith.index_cast %parallel_loop3A_552 : i32 to index
        %parallel_loop3A_989 = arith.constant 112 : index
        %parallel_loop3A_990 = tpu.vector_load %arg7[%parallel_loop3A_987, %parallel_loop3A_988, %parallel_loop3A_989] {strides = array<i32>} : memref<9x32x128xf32, #tpu.memory_space<vmem>>, vector<16xf32>,
        %parallel_loop3A_991 = arith.addf %parallel_loop3A_985, %parallel_loop3A_990 : vector<16xf32>
        %parallel_loop3A_992 = arith.constant 8 : i32
        %parallel_loop3A_993 = arith.index_cast %parallel_loop3A_992 : i32 to index
        %parallel_loop3A_994 = arith.index_cast %parallel_loop3A_552 : i32 to index
        %parallel_loop3A_995 = arith.constant 112 : index
        %parallel_loop3A_996 = tpu.vector_load %arg7[%parallel_loop3A_993, %parallel_loop3A_994, %parallel_loop3A_995] {strides = array<i32>} : memref<9x32x128xf32, #tpu.memory_space<vmem>>, vector<16xf32>,
        %parallel_loop3A_997 = arith.addf %parallel_loop3A_991, %parallel_loop3A_996 : vector<16xf32>
        %parallel_loop3A_998 = arith.index_cast %parallel_loop3A_552 : i32 to index
        %parallel_loop3A_999 = arith.constant 112 : index
        %parallel_loop3A_1000 = tpu.vector_load %arg9[%parallel_loop3A_998, %parallel_loop3A_999] {strides = array<i32>} : memref<32x128xf32, #tpu.memory_space<vmem>>, vector<16xf32>,
        tpu.vector_store %arg9[%parallel_loop3A_998, %parallel_loop3A_999], %parallel_loop3A_997 {strides = array<i32>} : memref<32x128xf32, #tpu.memory_space<vmem>>, vector<16xf32>,
      } {sc.loop_unroll_factor = 2 : i64, sc.parallel_access}
      %dma_start3A_541 = arith.constant 0 : i32
      %dma_start3A_542 = tpu.memref_slice %arg4[%add3A_397, %dma_start3A_541] : memref<32768x128xf32, #tpu.memory_space<hbm>> -> memref<32x128xf32, #tpu.memory_space<hbm>>
      %dma_start3A_543 = arith.constant 0 : i32
      %dma_start3A_544 = tpu.memref_slice %arg4[%add3A_397, %dma_start3A_543] : memref<32768x128xf32, #tpu.memory_space<hbm>> -> memref<32x128xf32, #tpu.memory_space<hbm>>
      tpu.enqueue_dma source(%arg9 : memref<32x128xf32, #tpu.memory_space<vmem>>) target(%dma_start3A_544 : memref<32x128xf32, #tpu.memory_space<hbm>>) target_semaphore(%arg13 : memref<!tpu.dma_semaphore, #tpu.memory_space<semaphore_mem>>)
      %add3A_545 = arith.constant 2 : i32
      %add3A_546 = arith.addi %add3A_392, %add3A_545 : i32
      %lt3A_547 = arith.constant 32 : i32
      %lt3A_548 = arith.cmpi slt, %add3A_546, %lt3A_547 : i32
      %convert_element_type3A_549 = arith.extui %lt3A_548 : i1 to i32
      %cond3A_550 = arith.constant 0 : i32
      %cond3A_551 = arith.cmpi ne, %convert_element_type3A_549, %cond3A_550 : i32
      scf.if %cond3A_551 {
        %add3A_552 = arith.constant 2 : i32
        %add3A_553 = arith.addi %add3A_392, %add3A_552 : i32
        %mul3A_554 = arith.constant 32 : i32
        %mul3A_555 = arith.muli %add3A_553, %mul3A_554 : i32
        %dma_start3A_556 = arith.constant 0 : i32
        %dma_start3A_557 = arith.constant 0 : i32
        %dma_start3A_558 = arith.constant 0 : i32
        %dma_start3A_559 = arith.constant 0 : i32
        %dma_start3A_560 = tpu.memref_slice %arg7[%dma_start3A_557, %dma_start3A_558, %dma_start3A_559] : memref<9x32x128xf32, #tpu.memory_space<vmem>> -> memref<1x32x128xf32, #tpu.memory_space<vmem>>
        %dma_start3A_561 = tpu.memref_squeeze %dma_start3A_560 : memref<1x32x128xf32, #tpu.memory_space<vmem>> -> memref<32x128xf32, #tpu.memory_space<vmem>>
        %dma_start3A_562 = tpu.memref_slice %arg5[%dma_start3A_556, %mul3A_555] : memref<9x1024xi32, #tpu.memory_space<vmem>> -> memref<1x32xi32, #tpu.memory_space<vmem>>
        %dma_start3A_563 = tpu.memref_squeeze %dma_start3A_562 : memref<1x32xi32, #tpu.memory_space<vmem>> -> memref<32xi32, #tpu.memory_space<vmem>>
        %dma_start3A_564 = arith.constant 0 : i32
        %dma_start3A_565 = arith.constant 0 : i32
        %dma_start3A_566 = tpu.memref_slice %arg2[%dma_start3A_564, %dma_start3A_565] : memref<299520x128xf32, #tpu.memory_space<hbm>> -> memref<299520x128xf32, #tpu.memory_space<hbm>>
        tpu.enqueue_indirect_dma source(%dma_start3A_566 : memref<299520x128xf32, #tpu.memory_space<hbm>>) target(%dma_start3A_561 : memref<32x128xf32, #tpu.memory_space<vmem>>) offsets(%dma_start3A_563 : memref<32xi32, #tpu.memory_space<vmem>>) semaphore(%arg11 : memref<!tpu.dma_semaphore, #tpu.memory_space<semaphore_mem>>)
        %mul3A_567 = arith.constant 32 : i32
        %mul3A_568 = arith.muli %add3A_553, %mul3A_567 : i32
        %dma_start3A_569 = arith.constant 1 : i32
        %dma_start3A_570 = arith.constant 1 : i32
        %dma_start3A_571 = arith.constant 0 : i32
        %dma_start3A_572 = arith.constant 0 : i32
        %dma_start3A_573 = tpu.memref_slice %arg7[%dma_start3A_570, %dma_start3A_571, %dma_start3A_572] : memref<9x32x128xf32, #tpu.memory_space<vmem>> -> memref<1x32x128xf32, #tpu.memory_space<vmem>>
        %dma_start3A_574 = tpu.memref_squeeze %dma_start3A_573 : memref<1x32x128xf32, #tpu.memory_space<vmem>> -> memref<32x128xf32, #tpu.memory_space<vmem>>
        %dma_start3A_575 = tpu.memref_slice %arg5[%dma_start3A_569, %mul3A_568] : memref<9x1024xi32, #tpu.memory_space<vmem>> -> memref<1x32xi32, #tpu.memory_space<vmem>>
        %dma_start3A_576 = tpu.memref_squeeze %dma_start3A_575 : memref<1x32xi32, #tpu.memory_space<vmem>> -> memref<32xi32, #tpu.memory_space<vmem>>
        %dma_start3A_577 = arith.constant 0 : i32
        %dma_start3A_578 = arith.constant 0 : i32
        %dma_start3A_579 = tpu.memref_slice %arg2[%dma_start3A_577, %dma_start3A_578] : memref<299520x128xf32, #tpu.memory_space<hbm>> -> memref<299520x128xf32, #tpu.memory_space<hbm>>
        tpu.enqueue_indirect_dma source(%dma_start3A_579 : memref<299520x128xf32, #tpu.memory_space<hbm>>) target(%dma_start3A_574 : memref<32x128xf32, #tpu.memory_space<vmem>>) offsets(%dma_start3A_576 : memref<32xi32, #tpu.memory_space<vmem>>) semaphore(%arg11 : memref<!tpu.dma_semaphore, #tpu.memory_space<semaphore_mem>>)
        %mul3A_580 = arith.constant 32 : i32
        %mul3A_581 = arith.muli %add3A_553, %mul3A_580 : i32
        %dma_start3A_582 = arith.constant 2 : i32
        %dma_start3A_583 = arith.constant 2 : i32
        %dma_start3A_584 = arith.constant 0 : i32
        %dma_start3A_585 = arith.constant 0 : i32
        %dma_start3A_586 = tpu.memref_slice %arg7[%dma_start3A_583, %dma_start3A_584, %dma_start3A_585] : memref<9x32x128xf32, #tpu.memory_space<vmem>> -> memref<1x32x128xf32, #tpu.memory_space<vmem>>
        %dma_start3A_587 = tpu.memref_squeeze %dma_start3A_586 : memref<1x32x128xf32, #tpu.memory_space<vmem>> -> memref<32x128xf32, #tpu.memory_space<vmem>>
        %dma_start3A_588 = tpu.memref_slice %arg5[%dma_start3A_582, %mul3A_581] : memref<9x1024xi32, #tpu.memory_space<vmem>> -> memref<1x32xi32, #tpu.memory_space<vmem>>
        %dma_start3A_589 = tpu.memref_squeeze %dma_start3A_588 : memref<1x32xi32, #tpu.memory_space<vmem>> -> memref<32xi32, #tpu.memory_space<vmem>>
        %dma_start3A_590 = arith.constant 0 : i32
        %dma_start3A_591 = arith.constant 0 : i32
        %dma_start3A_592 = tpu.memref_slice %arg2[%dma_start3A_590, %dma_start3A_591] : memref<299520x128xf32, #tpu.memory_space<hbm>> -> memref<299520x128xf32, #tpu.memory_space<hbm>>
        tpu.enqueue_indirect_dma source(%dma_start3A_592 : memref<299520x128xf32, #tpu.memory_space<hbm>>) target(%dma_start3A_587 : memref<32x128xf32, #tpu.memory_space<vmem>>) offsets(%dma_start3A_589 : memref<32xi32, #tpu.memory_space<vmem>>) semaphore(%arg11 : memref<!tpu.dma_semaphore, #tpu.memory_space<semaphore_mem>>)
        %mul3A_593 = arith.constant 32 : i32
        %mul3A_594 = arith.muli %add3A_553, %mul3A_593 : i32
        %dma_start3A_595 = arith.constant 3 : i32
        %dma_start3A_596 = arith.constant 3 : i32
        %dma_start3A_597 = arith.constant 0 : i32
        %dma_start3A_598 = arith.constant 0 : i32
        %dma_start3A_599 = tpu.memref_slice %arg7[%dma_start3A_596, %dma_start3A_597, %dma_start3A_598] : memref<9x32x128xf32, #tpu.memory_space<vmem>> -> memref<1x32x128xf32, #tpu.memory_space<vmem>>
        %dma_start3A_600 = tpu.memref_squeeze %dma_start3A_599 : memref<1x32x128xf32, #tpu.memory_space<vmem>> -> memref<32x128xf32, #tpu.memory_space<vmem>>
        %dma_start3A_601 = tpu.memref_slice %arg5[%dma_start3A_595, %mul3A_594] : memref<9x1024xi32, #tpu.memory_space<vmem>> -> memref<1x32xi32, #tpu.memory_space<vmem>>
        %dma_start3A_602 = tpu.memref_squeeze %dma_start3A_601 : memref<1x32xi32, #tpu.memory_space<vmem>> -> memref<32xi32, #tpu.memory_space<vmem>>
        %dma_start3A_603 = arith.constant 0 : i32
        %dma_start3A_604 = arith.constant 0 : i32
        %dma_start3A_605 = tpu.memref_slice %arg2[%dma_start3A_603, %dma_start3A_604] : memref<299520x128xf32, #tpu.memory_space<hbm>> -> memref<299520x128xf32, #tpu.memory_space<hbm>>
        tpu.enqueue_indirect_dma source(%dma_start3A_605 : memref<299520x128xf32, #tpu.memory_space<hbm>>) target(%dma_start3A_600 : memref<32x128xf32, #tpu.memory_space<vmem>>) offsets(%dma_start3A_602 : memref<32xi32, #tpu.memory_space<vmem>>) semaphore(%arg11 : memref<!tpu.dma_semaphore, #tpu.memory_space<semaphore_mem>>)
        %mul3A_606 = arith.constant 32 : i32
        %mul3A_607 = arith.muli %add3A_553, %mul3A_606 : i32
        %dma_start3A_608 = arith.constant 4 : i32
        %dma_start3A_609 = arith.constant 4 : i32
        %dma_start3A_610 = arith.constant 0 : i32
        %dma_start3A_611 = arith.constant 0 : i32
        %dma_start3A_612 = tpu.memref_slice %arg7[%dma_start3A_609, %dma_start3A_610, %dma_start3A_611] : memref<9x32x128xf32, #tpu.memory_space<vmem>> -> memref<1x32x128xf32, #tpu.memory_space<vmem>>
        %dma_start3A_613 = tpu.memref_squeeze %dma_start3A_612 : memref<1x32x128xf32, #tpu.memory_space<vmem>> -> memref<32x128xf32, #tpu.memory_space<vmem>>
        %dma_start3A_614 = tpu.memref_slice %arg5[%dma_start3A_608, %mul3A_607] : memref<9x1024xi32, #tpu.memory_space<vmem>> -> memref<1x32xi32, #tpu.memory_space<vmem>>
        %dma_start3A_615 = tpu.memref_squeeze %dma_start3A_614 : memref<1x32xi32, #tpu.memory_space<vmem>> -> memref<32xi32, #tpu.memory_space<vmem>>
        %dma_start3A_616 = arith.constant 0 : i32
        %dma_start3A_617 = arith.constant 0 : i32
        %dma_start3A_618 = tpu.memref_slice %arg2[%dma_start3A_616, %dma_start3A_617] : memref<299520x128xf32, #tpu.memory_space<hbm>> -> memref<299520x128xf32, #tpu.memory_space<hbm>>
        tpu.enqueue_indirect_dma source(%dma_start3A_618 : memref<299520x128xf32, #tpu.memory_space<hbm>>) target(%dma_start3A_613 : memref<32x128xf32, #tpu.memory_space<vmem>>) offsets(%dma_start3A_615 : memref<32xi32, #tpu.memory_space<vmem>>) semaphore(%arg11 : memref<!tpu.dma_semaphore, #tpu.memory_space<semaphore_mem>>)
        %mul3A_619 = arith.constant 32 : i32
        %mul3A_620 = arith.muli %add3A_553, %mul3A_619 : i32
        %dma_start3A_621 = arith.constant 5 : i32
        %dma_start3A_622 = arith.constant 5 : i32
        %dma_start3A_623 = arith.constant 0 : i32
        %dma_start3A_624 = arith.constant 0 : i32
        %dma_start3A_625 = tpu.memref_slice %arg7[%dma_start3A_622, %dma_start3A_623, %dma_start3A_624] : memref<9x32x128xf32, #tpu.memory_space<vmem>> -> memref<1x32x128xf32, #tpu.memory_space<vmem>>
        %dma_start3A_626 = tpu.memref_squeeze %dma_start3A_625 : memref<1x32x128xf32, #tpu.memory_space<vmem>> -> memref<32x128xf32, #tpu.memory_space<vmem>>
        %dma_start3A_627 = tpu.memref_slice %arg5[%dma_start3A_621, %mul3A_620] : memref<9x1024xi32, #tpu.memory_space<vmem>> -> memref<1x32xi32, #tpu.memory_space<vmem>>
        %dma_start3A_628 = tpu.memref_squeeze %dma_start3A_627 : memref<1x32xi32, #tpu.memory_space<vmem>> -> memref<32xi32, #tpu.memory_space<vmem>>
        %dma_start3A_629 = arith.constant 0 : i32
        %dma_start3A_630 = arith.constant 0 : i32
        %dma_start3A_631 = tpu.memref_slice %arg2[%dma_start3A_629, %dma_start3A_630] : memref<299520x128xf32, #tpu.memory_space<hbm>> -> memref<299520x128xf32, #tpu.memory_space<hbm>>
        tpu.enqueue_indirect_dma source(%dma_start3A_631 : memref<299520x128xf32, #tpu.memory_space<hbm>>) target(%dma_start3A_626 : memref<32x128xf32, #tpu.memory_space<vmem>>) offsets(%dma_start3A_628 : memref<32xi32, #tpu.memory_space<vmem>>) semaphore(%arg11 : memref<!tpu.dma_semaphore, #tpu.memory_space<semaphore_mem>>)
        %mul3A_632 = arith.constant 32 : i32
        %mul3A_633 = arith.muli %add3A_553, %mul3A_632 : i32
        %dma_start3A_634 = arith.constant 6 : i32
        %dma_start3A_635 = arith.constant 6 : i32
        %dma_start3A_636 = arith.constant 0 : i32
        %dma_start3A_637 = arith.constant 0 : i32
        %dma_start3A_638 = tpu.memref_slice %arg7[%dma_start3A_635, %dma_start3A_636, %dma_start3A_637] : memref<9x32x128xf32, #tpu.memory_space<vmem>> -> memref<1x32x128xf32, #tpu.memory_space<vmem>>
        %dma_start3A_639 = tpu.memref_squeeze %dma_start3A_638 : memref<1x32x128xf32, #tpu.memory_space<vmem>> -> memref<32x128xf32, #tpu.memory_space<vmem>>
        %dma_start3A_640 = tpu.memref_slice %arg5[%dma_start3A_634, %mul3A_633] : memref<9x1024xi32, #tpu.memory_space<vmem>> -> memref<1x32xi32, #tpu.memory_space<vmem>>
        %dma_start3A_641 = tpu.memref_squeeze %dma_start3A_640 : memref<1x32xi32, #tpu.memory_space<vmem>> -> memref<32xi32, #tpu.memory_space<vmem>>
        %dma_start3A_642 = arith.constant 0 : i32
        %dma_start3A_643 = arith.constant 0 : i32
        %dma_start3A_644 = tpu.memref_slice %arg2[%dma_start3A_642, %dma_start3A_643] : memref<299520x128xf32, #tpu.memory_space<hbm>> -> memref<299520x128xf32, #tpu.memory_space<hbm>>
        tpu.enqueue_indirect_dma source(%dma_start3A_644 : memref<299520x128xf32, #tpu.memory_space<hbm>>) target(%dma_start3A_639 : memref<32x128xf32, #tpu.memory_space<vmem>>) offsets(%dma_start3A_641 : memref<32xi32, #tpu.memory_space<vmem>>) semaphore(%arg11 : memref<!tpu.dma_semaphore, #tpu.memory_space<semaphore_mem>>)
        %mul3A_645 = arith.constant 32 : i32
        %mul3A_646 = arith.muli %add3A_553, %mul3A_645 : i32
        %dma_start3A_647 = arith.constant 7 : i32
        %dma_start3A_648 = arith.constant 7 : i32
        %dma_start3A_649 = arith.constant 0 : i32
        %dma_start3A_650 = arith.constant 0 : i32
        %dma_start3A_651 = tpu.memref_slice %arg7[%dma_start3A_648, %dma_start3A_649, %dma_start3A_650] : memref<9x32x128xf32, #tpu.memory_space<vmem>> -> memref<1x32x128xf32, #tpu.memory_space<vmem>>
        %dma_start3A_652 = tpu.memref_squeeze %dma_start3A_651 : memref<1x32x128xf32, #tpu.memory_space<vmem>> -> memref<32x128xf32, #tpu.memory_space<vmem>>
        %dma_start3A_653 = tpu.memref_slice %arg5[%dma_start3A_647, %mul3A_646] : memref<9x1024xi32, #tpu.memory_space<vmem>> -> memref<1x32xi32, #tpu.memory_space<vmem>>
        %dma_start3A_654 = tpu.memref_squeeze %dma_start3A_653 : memref<1x32xi32, #tpu.memory_space<vmem>> -> memref<32xi32, #tpu.memory_space<vmem>>
        %dma_start3A_655 = arith.constant 0 : i32
        %dma_start3A_656 = arith.constant 0 : i32
        %dma_start3A_657 = tpu.memref_slice %arg2[%dma_start3A_655, %dma_start3A_656] : memref<299520x128xf32, #tpu.memory_space<hbm>> -> memref<299520x128xf32, #tpu.memory_space<hbm>>
        tpu.enqueue_indirect_dma source(%dma_start3A_657 : memref<299520x128xf32, #tpu.memory_space<hbm>>) target(%dma_start3A_652 : memref<32x128xf32, #tpu.memory_space<vmem>>) offsets(%dma_start3A_654 : memref<32xi32, #tpu.memory_space<vmem>>) semaphore(%arg11 : memref<!tpu.dma_semaphore, #tpu.memory_space<semaphore_mem>>)
        %mul3A_658 = arith.constant 32 : i32
        %mul3A_659 = arith.muli %add3A_553, %mul3A_658 : i32
        %dma_start3A_660 = arith.constant 8 : i32
        %dma_start3A_661 = arith.constant 8 : i32
        %dma_start3A_662 = arith.constant 0 : i32
        %dma_start3A_663 = arith.constant 0 : i32
        %dma_start3A_664 = tpu.memref_slice %arg7[%dma_start3A_661, %dma_start3A_662, %dma_start3A_663] : memref<9x32x128xf32, #tpu.memory_space<vmem>> -> memref<1x32x128xf32, #tpu.memory_space<vmem>>
        %dma_start3A_665 = tpu.memref_squeeze %dma_start3A_664 : memref<1x32x128xf32, #tpu.memory_space<vmem>> -> memref<32x128xf32, #tpu.memory_space<vmem>>
        %dma_start3A_666 = tpu.memref_slice %arg5[%dma_start3A_660, %mul3A_659] : memref<9x1024xi32, #tpu.memory_space<vmem>> -> memref<1x32xi32, #tpu.memory_space<vmem>>
        %dma_start3A_667 = tpu.memref_squeeze %dma_start3A_666 : memref<1x32xi32, #tpu.memory_space<vmem>> -> memref<32xi32, #tpu.memory_space<vmem>>
        %dma_start3A_668 = arith.constant 0 : i32
        %dma_start3A_669 = arith.constant 0 : i32
        %dma_start3A_670 = tpu.memref_slice %arg2[%dma_start3A_668, %dma_start3A_669] : memref<299520x128xf32, #tpu.memory_space<hbm>> -> memref<299520x128xf32, #tpu.memory_space<hbm>>
        tpu.enqueue_indirect_dma source(%dma_start3A_670 : memref<299520x128xf32, #tpu.memory_space<hbm>>) target(%dma_start3A_665 : memref<32x128xf32, #tpu.memory_space<vmem>>) offsets(%dma_start3A_667 : memref<32xi32, #tpu.memory_space<vmem>>) semaphore(%arg11 : memref<!tpu.dma_semaphore, #tpu.memory_space<semaphore_mem>>)
      } else {
      }
    }
    %scan3A_220 = arith.constant 16 : i32
    %mul3A_221 = arith.constant 1024 : i32
    %mul3A_222 = arith.muli %add3A, %mul3A_221 : i32
    %dma_wait3A = arith.constant 0 : i32
    %dma_wait3A_223 = tpu.memref_slice %arg4[%mul3A_222, %dma_wait3A] : memref<32768x128xf32, #tpu.memory_space<hbm>> -> memref<32x128xf32, #tpu.memory_space<hbm>>
    %dma_wait3A_224 = arith.constant 0 : i32
    %dma_wait3A_225 = tpu.memref_slice %arg4[%mul3A_222, %dma_wait3A_224] : memref<32768x128xf32, #tpu.memory_space<hbm>> -> memref<32x128xf32, #tpu.memory_space<hbm>>
    tpu.wait_dma2 semaphore(%arg12 : memref<!tpu.dma_semaphore, #tpu.memory_space<semaphore_mem>>) src(%arg8 : memref<32x128xf32, #tpu.memory_space<vmem>>) dst(%dma_wait3A_225 : memref<32x128xf32, #tpu.memory_space<hbm>>)
    %mul3A_226 = arith.constant 1024 : i32
    %mul3A_227 = arith.muli %add3A, %mul3A_226 : i32
    %dma_wait3A_228 = arith.constant 0 : i32
    %dma_wait3A_229 = tpu.memref_slice %arg4[%mul3A_227, %dma_wait3A_228] : memref<32768x128xf32, #tpu.memory_space<hbm>> -> memref<32x128xf32, #tpu.memory_space<hbm>>
    %dma_wait3A_230 = arith.constant 0 : i32
    %dma_wait3A_231 = tpu.memref_slice %arg4[%mul3A_227, %dma_wait3A_230] : memref<32768x128xf32, #tpu.memory_space<hbm>> -> memref<32x128xf32, #tpu.memory_space<hbm>>
    tpu.wait_dma2 semaphore(%arg13 : memref<!tpu.dma_semaphore, #tpu.memory_space<semaphore_mem>>) src(%arg9 : memref<32x128xf32, #tpu.memory_space<vmem>>) dst(%dma_wait3A_231 : memref<32x128xf32, #tpu.memory_space<hbm>>)
    return
  }
}

#map = affine_map<(d0, d1) -> (0)>
#map1 = affine_map<(d0, d1) -> (0, 0, 0)>
module attributes {stable_mosaic.version = 14 : i64} {
  func.func @_sc_build_idx(%arg0: i32, %arg1: i32, %arg2: memref<32768xi32, #tpu.memory_space<hbm>>, %arg3: memref<32768xi32, #tpu.memory_space<hbm>>, %arg4: memref<32x9x1024xi32, #tpu.memory_space<hbm>>, %arg5: memref<9x1024xi32, #tpu.memory_space<vmem>>, %arg6: memref<1024xi32, #tpu.memory_space<vmem>>, %arg7: memref<1024xi32, #tpu.memory_space<vmem>>, %arg8: memref<16768xi32, #tpu.memory_space<vmem>>, %arg9: memref<16768xi32, #tpu.memory_space<vmem>>, %arg10: memref<16x16768xi32, #tpu.memory_space<vmem_shared>>) attributes {dimension_semantics = [#tpu.dimension_semantics<core_parallel>, #tpu.dimension_semantics<subcore_parallel>], iteration_bounds = array<i64: 2, 16>, scalar_prefetch = 0 : i64, scratch_operands = 6 : i64, tpu.core_type = #tpu.core_type<sc_vector_subcore>, window_params = [{transform_indices = #map}, {transform_indices = #map}, {transform_indices = #map1}]} {
    %mul3A = arith.constant 16 : i32
    %mul3A_0 = arith.muli %arg0, %mul3A : i32
    %add3A = arith.addi %mul3A_0, %arg1 : i32
    %mul3A_1 = arith.constant 1024 : i32
    %mul3A_2 = arith.muli %add3A, %mul3A_1 : i32
    "tpu.region"() ({
      %run_scoped3A = tpu.sem_alloc : memref<!tpu.dma_semaphore, #tpu.memory_space<semaphore_mem>>
      %dma_start3A = tpu.memref_slice %arg2[%mul3A_2] : memref<32768xi32, #tpu.memory_space<hbm>> -> memref<1024xi32, #tpu.memory_space<hbm>>
      %dma_start3A_86 = tpu.memref_slice %arg2[%mul3A_2] : memref<32768xi32, #tpu.memory_space<hbm>> -> memref<1024xi32, #tpu.memory_space<hbm>>
      tpu.enqueue_dma source(%dma_start3A_86 : memref<1024xi32, #tpu.memory_space<hbm>>) target(%arg6 : memref<1024xi32, #tpu.memory_space<vmem>>) target_semaphore(%run_scoped3A : memref<!tpu.dma_semaphore, #tpu.memory_space<semaphore_mem>>)
      %dma_wait3A = tpu.memref_slice %arg2[%mul3A_2] : memref<32768xi32, #tpu.memory_space<hbm>> -> memref<1024xi32, #tpu.memory_space<hbm>>
      %dma_wait3A_87 = tpu.memref_slice %arg2[%mul3A_2] : memref<32768xi32, #tpu.memory_space<hbm>> -> memref<1024xi32, #tpu.memory_space<hbm>>
      tpu.wait_dma2 semaphore(%run_scoped3A : memref<!tpu.dma_semaphore, #tpu.memory_space<semaphore_mem>>) src(%dma_wait3A_87 : memref<1024xi32, #tpu.memory_space<hbm>>) dst(%arg6 : memref<1024xi32, #tpu.memory_space<vmem>>)
      tpu.yield
    }) : () -> ()
    %mul3A_3 = arith.constant 1024 : i32
    %mul3A_4 = arith.muli %add3A, %mul3A_3 : i32
    "tpu.region"() ({
      %run_scoped3A = tpu.sem_alloc : memref<!tpu.dma_semaphore, #tpu.memory_space<semaphore_mem>>
      %dma_start3A = tpu.memref_slice %arg3[%mul3A_4] : memref<32768xi32, #tpu.memory_space<hbm>> -> memref<1024xi32, #tpu.memory_space<hbm>>
      %dma_start3A_86 = tpu.memref_slice %arg3[%mul3A_4] : memref<32768xi32, #tpu.memory_space<hbm>> -> memref<1024xi32, #tpu.memory_space<hbm>>
      tpu.enqueue_dma source(%dma_start3A_86 : memref<1024xi32, #tpu.memory_space<hbm>>) target(%arg7 : memref<1024xi32, #tpu.memory_space<vmem>>) target_semaphore(%run_scoped3A : memref<!tpu.dma_semaphore, #tpu.memory_space<semaphore_mem>>)
      %dma_wait3A = tpu.memref_slice %arg3[%mul3A_4] : memref<32768xi32, #tpu.memory_space<hbm>> -> memref<1024xi32, #tpu.memory_space<hbm>>
      %dma_wait3A_87 = tpu.memref_slice %arg3[%mul3A_4] : memref<32768xi32, #tpu.memory_space<hbm>> -> memref<1024xi32, #tpu.memory_space<hbm>>
      tpu.wait_dma2 semaphore(%run_scoped3A : memref<!tpu.dma_semaphore, #tpu.memory_space<semaphore_mem>>) src(%dma_wait3A_87 : memref<1024xi32, #tpu.memory_space<hbm>>) dst(%arg7 : memref<1024xi32, #tpu.memory_space<vmem>>)
      tpu.yield
    }) : () -> ()
    %scan3A = arith.constant 0 : i32
    %scan3A_5 = arith.constant 0 : i32
    %scan3A_6 = arith.constant 131 : i32
    %scan3A_7 = arith.addi %scan3A_5, %scan3A_6 : i32
    %scan3A_8 = arith.constant 1 : i32
    scf.for %scan3A_86 = %scan3A_5 to %scan3A_7 step %scan3A_8  : i32 {
      %broadcast_in_dim3A = arith.constant -1 : i32
      %broadcast_in_dim3A_87 = vector.broadcast %broadcast_in_dim3A : i32 to vector<16xi32>
      %mul3A_88 = arith.constant 128 : i32
      %mul3A_89 = arith.muli %scan3A_86, %mul3A_88 : i32
      %add3A_90 = arith.constant 0 : i32
      %add3A_91 = arith.addi %mul3A_89, %add3A_90 : i32
      %swap3A = arith.index_cast %add3A_91 : i32 to index
      %swap3A_92 = tpu.vector_load %arg8[%swap3A] {strides = array<i32>} : memref<16768xi32, #tpu.memory_space<vmem>>, vector<16xi32>,
      tpu.vector_store %arg8[%swap3A], %broadcast_in_dim3A_87 {strides = array<i32>} : memref<16768xi32, #tpu.memory_space<vmem>>, vector<16xi32>,
      %mul3A_93 = arith.constant 128 : i32
      %mul3A_94 = arith.muli %scan3A_86, %mul3A_93 : i32
      %add3A_95 = arith.constant 16 : i32
      %add3A_96 = arith.addi %mul3A_94, %add3A_95 : i32
      %swap3A_97 = arith.index_cast %add3A_96 : i32 to index
      %swap3A_98 = tpu.vector_load %arg8[%swap3A_97] {strides = array<i32>} : memref<16768xi32, #tpu.memory_space<vmem>>, vector<16xi32>,
      tpu.vector_store %arg8[%swap3A_97], %broadcast_in_dim3A_87 {strides = array<i32>} : memref<16768xi32, #tpu.memory_space<vmem>>, vector<16xi32>,
      %mul3A_99 = arith.constant 128 : i32
      %mul3A_100 = arith.muli %scan3A_86, %mul3A_99 : i32
      %add3A_101 = arith.constant 32 : i32
      %add3A_102 = arith.addi %mul3A_100, %add3A_101 : i32
      %swap3A_103 = arith.index_cast %add3A_102 : i32 to index
      %swap3A_104 = tpu.vector_load %arg8[%swap3A_103] {strides = array<i32>} : memref<16768xi32, #tpu.memory_space<vmem>>, vector<16xi32>,
      tpu.vector_store %arg8[%swap3A_103], %broadcast_in_dim3A_87 {strides = array<i32>} : memref<16768xi32, #tpu.memory_space<vmem>>, vector<16xi32>,
      %mul3A_105 = arith.constant 128 : i32
      %mul3A_106 = arith.muli %scan3A_86, %mul3A_105 : i32
      %add3A_107 = arith.constant 48 : i32
      %add3A_108 = arith.addi %mul3A_106, %add3A_107 : i32
      %swap3A_109 = arith.index_cast %add3A_108 : i32 to index
      %swap3A_110 = tpu.vector_load %arg8[%swap3A_109] {strides = array<i32>} : memref<16768xi32, #tpu.memory_space<vmem>>, vector<16xi32>,
      tpu.vector_store %arg8[%swap3A_109], %broadcast_in_dim3A_87 {strides = array<i32>} : memref<16768xi32, #tpu.memory_space<vmem>>, vector<16xi32>,
      %mul3A_111 = arith.constant 128 : i32
      %mul3A_112 = arith.muli %scan3A_86, %mul3A_111 : i32
      %add3A_113 = arith.constant 64 : i32
      %add3A_114 = arith.addi %mul3A_112, %add3A_113 : i32
      %swap3A_115 = arith.index_cast %add3A_114 : i32 to index
      %swap3A_116 = tpu.vector_load %arg8[%swap3A_115] {strides = array<i32>} : memref<16768xi32, #tpu.memory_space<vmem>>, vector<16xi32>,
      tpu.vector_store %arg8[%swap3A_115], %broadcast_in_dim3A_87 {strides = array<i32>} : memref<16768xi32, #tpu.memory_space<vmem>>, vector<16xi32>,
      %mul3A_117 = arith.constant 128 : i32
      %mul3A_118 = arith.muli %scan3A_86, %mul3A_117 : i32
      %add3A_119 = arith.constant 80 : i32
      %add3A_120 = arith.addi %mul3A_118, %add3A_119 : i32
      %swap3A_121 = arith.index_cast %add3A_120 : i32 to index
      %swap3A_122 = tpu.vector_load %arg8[%swap3A_121] {strides = array<i32>} : memref<16768xi32, #tpu.memory_space<vmem>>, vector<16xi32>,
      tpu.vector_store %arg8[%swap3A_121], %broadcast_in_dim3A_87 {strides = array<i32>} : memref<16768xi32, #tpu.memory_space<vmem>>, vector<16xi32>,
      %mul3A_123 = arith.constant 128 : i32
      %mul3A_124 = arith.muli %scan3A_86, %mul3A_123 : i32
      %add3A_125 = arith.constant 96 : i32
      %add3A_126 = arith.addi %mul3A_124, %add3A_125 : i32
      %swap3A_127 = arith.index_cast %add3A_126 : i32 to index
      %swap3A_128 = tpu.vector_load %arg8[%swap3A_127] {strides = array<i32>} : memref<16768xi32, #tpu.memory_space<vmem>>, vector<16xi32>,
      tpu.vector_store %arg8[%swap3A_127], %broadcast_in_dim3A_87 {strides = array<i32>} : memref<16768xi32, #tpu.memory_space<vmem>>, vector<16xi32>,
      %mul3A_129 = arith.constant 128 : i32
      %mul3A_130 = arith.muli %scan3A_86, %mul3A_129 : i32
      %add3A_131 = arith.constant 112 : i32
      %add3A_132 = arith.addi %mul3A_130, %add3A_131 : i32
      %swap3A_133 = arith.index_cast %add3A_132 : i32 to index
      %swap3A_134 = tpu.vector_load %arg8[%swap3A_133] {strides = array<i32>} : memref<16768xi32, #tpu.memory_space<vmem>>, vector<16xi32>,
      tpu.vector_store %arg8[%swap3A_133], %broadcast_in_dim3A_87 {strides = array<i32>} : memref<16768xi32, #tpu.memory_space<vmem>>, vector<16xi32>,
    }
    %scan3A_9 = arith.constant 131 : i32
    %iota3A = tpu.iota {dimensions = array<i32: 0>} : vector<16xi32>
    %scan3A_10 = arith.constant 0 : i32
    %scan3A_11 = arith.constant 0 : i32
    %scan3A_12 = arith.constant 64 : i32
    %scan3A_13 = arith.addi %scan3A_11, %scan3A_12 : i32
    %scan3A_14 = arith.constant 1 : i32
    scf.for %scan3A_86 = %scan3A_11 to %scan3A_13 step %scan3A_14  : i32 {
      %mul3A_87 = arith.constant 16 : i32
      %mul3A_88 = arith.muli %scan3A_86, %mul3A_87 : i32
      %get3A = arith.index_cast %mul3A_88 : i32 to index
      %get3A_89 = tpu.vector_load %arg6[%get3A] {strides = array<i32>} : memref<1024xi32, #tpu.memory_space<vmem>>, vector<16xi32>,
      %mul3A_90 = arith.constant 129 : i32
      %mul3A_91 = vector.broadcast %mul3A_90 : i32 to vector<16xi32>
      %mul3A_92 = arith.muli %get3A_89, %mul3A_91 : vector<16xi32>
      %get3A_93 = arith.index_cast %mul3A_88 : i32 to index
      %get3A_94 = tpu.vector_load %arg7[%get3A_93] {strides = array<i32>} : memref<1024xi32, #tpu.memory_space<vmem>>, vector<16xi32>,
      %add3A_95 = arith.addi %mul3A_92, %get3A_94 : vector<16xi32>
      %mul3A_96 = arith.constant 1024 : i32
      %mul3A_97 = arith.muli %add3A, %mul3A_96 : i32
      %mul3A_98 = arith.constant 16 : i32
      %mul3A_99 = arith.muli %scan3A_86, %mul3A_98 : i32
      %add3A_100 = arith.addi %mul3A_97, %mul3A_99 : i32
      %add3A_101 = vector.broadcast %add3A_100 : i32 to vector<16xi32>
      %add3A_102 = arith.addi %add3A_101, %iota3A : vector<16xi32>
      %mul3A_103 = arith.constant 32768 : i32
      %mul3A_104 = vector.broadcast %mul3A_103 : i32 to vector<16xi32>
      %mul3A_105 = arith.muli %add3A_95, %mul3A_104 : vector<16xi32>
      %add3A_106 = arith.addi %mul3A_105, %add3A_102 : vector<16xi32>
      %masked_sort3A = arith.constant dense<true> : vector<16xi1>
      %masked_sort3A_107 = arith.constant -2147483648 : i32
      %masked_sort3A_108 = vector.broadcast %masked_sort3A_107 : i32 to vector<16xi32>
      %masked_sort3A_109 = arith.xori %add3A_106, %masked_sort3A_108 : vector<16xi32>
      %masked_sort3A_110, %masked_sort3A_111, %masked_sort3A_112 = tpu.sort %masked_sort3A_109, %add3A_102 masked %masked_sort3A : (vector<16xi32>, vector<16xi32>, vector<16xi1>) -> (vector<16xi1>, vector<16xi32>, vector<16xi32>)
      %masked_sort3A_113 = arith.xori %masked_sort3A_111, %masked_sort3A_108 : vector<16xi32>
      %shift_right_arithmetic3A = arith.constant 15 : i32
      %shift_right_arithmetic3A_114 = vector.broadcast %shift_right_arithmetic3A : i32 to vector<16xi32>
      %shift_right_arithmetic3A_115 = arith.shrsi %masked_sort3A_113, %shift_right_arithmetic3A_114 : vector<16xi32>
      %add3A_116 = arith.constant 1 : i32
      %add3A_117 = vector.broadcast %add3A_116 : i32 to vector<16xi32>
      %add3A_118 = arith.addi %iota3A, %add3A_117 : vector<16xi32>
      %min3A = arith.constant 15 : i32
      %min3A_119 = vector.broadcast %min3A : i32 to vector<16xi32>
      %min3A_120 = arith.minsi %add3A_118, %min3A_119 : vector<16xi32>
      %broadcast_in_dim3A = vector.shape_cast %min3A_120 : vector<16xi32> to vector<16x1xi32>
      %gather3A = vector.shape_cast %broadcast_in_dim3A : vector<16x1xi32> to vector<16xi32>
      %gather3A_121 = tpu.dynamic_gather %shift_right_arithmetic3A_115[%gather3A] in [0] : vector<16xi32>, vector<16xi32> -> vector<16xi32>
      %ne3A_122 = arith.cmpi ne, %shift_right_arithmetic3A_115, %gather3A_121 : vector<16xi32>
      %eq3A = arith.constant 15 : i32
      %eq3A_123 = vector.broadcast %eq3A : i32 to vector<16xi32>
      %eq3A_124 = arith.cmpi eq, %iota3A, %eq3A_123 : vector<16xi32>
      %or3A = arith.ori %ne3A_122, %eq3A_124 : vector<16xi1>
      tpu.vector_store_idx %arg8[%shift_right_arithmetic3A_115], %masked_sort3A_112 masked %or3A : memref<16768xi32, #tpu.memory_space<vmem>>[vector<16xi32>], vector<16xi32>, vector<16xi1>
    }
    %scan3A_15 = arith.constant 64 : i32
    "tpu.region"() ({
      %run_scoped3A = tpu.sem_alloc : memref<!tpu.dma_semaphore, #tpu.memory_space<semaphore_mem>>
      %dma_start3A = arith.constant 0 : i32
      %dma_start3A_86 = tpu.memref_slice %arg10[%arg1, %dma_start3A] : memref<16x16768xi32, #tpu.memory_space<vmem_shared>> -> memref<1x16768xi32, #tpu.memory_space<vmem_shared>>
      %dma_start3A_87 = tpu.memref_squeeze %dma_start3A_86 : memref<1x16768xi32, #tpu.memory_space<vmem_shared>> -> memref<16768xi32, #tpu.memory_space<vmem_shared>>
      %dma_start3A_88 = arith.constant 0 : i32
      %dma_start3A_89 = tpu.memref_slice %arg10[%arg1, %dma_start3A_88] : memref<16x16768xi32, #tpu.memory_space<vmem_shared>> -> memref<1x16768xi32, #tpu.memory_space<vmem_shared>>
      %dma_start3A_90 = tpu.memref_squeeze %dma_start3A_89 : memref<1x16768xi32, #tpu.memory_space<vmem_shared>> -> memref<16768xi32, #tpu.memory_space<vmem_shared>>
      tpu.enqueue_dma source(%arg8 : memref<16768xi32, #tpu.memory_space<vmem>>) target(%dma_start3A_90 : memref<16768xi32, #tpu.memory_space<vmem_shared>>) target_semaphore(%run_scoped3A : memref<!tpu.dma_semaphore, #tpu.memory_space<semaphore_mem>>)
      %dma_wait3A = arith.constant 0 : i32
      %dma_wait3A_91 = tpu.memref_slice %arg10[%arg1, %dma_wait3A] : memref<16x16768xi32, #tpu.memory_space<vmem_shared>> -> memref<1x16768xi32, #tpu.memory_space<vmem_shared>>
      %dma_wait3A_92 = tpu.memref_squeeze %dma_wait3A_91 : memref<1x16768xi32, #tpu.memory_space<vmem_shared>> -> memref<16768xi32, #tpu.memory_space<vmem_shared>>
      %dma_wait3A_93 = arith.constant 0 : i32
      %dma_wait3A_94 = tpu.memref_slice %arg10[%arg1, %dma_wait3A_93] : memref<16x16768xi32, #tpu.memory_space<vmem_shared>> -> memref<1x16768xi32, #tpu.memory_space<vmem_shared>>
      %dma_wait3A_95 = tpu.memref_squeeze %dma_wait3A_94 : memref<1x16768xi32, #tpu.memory_space<vmem_shared>> -> memref<16768xi32, #tpu.memory_space<vmem_shared>>
      tpu.wait_dma2 semaphore(%run_scoped3A : memref<!tpu.dma_semaphore, #tpu.memory_space<semaphore_mem>>) src(%arg8 : memref<16768xi32, #tpu.memory_space<vmem>>) dst(%dma_wait3A_95 : memref<16768xi32, #tpu.memory_space<vmem_shared>>)
      tpu.yield
    }) : () -> ()
    %barrier3A = arith.constant 0 : index
    tpu.barrier barrier_id(%barrier3A)
    %jit3A = arith.constant 8 : i32
    %div3A = arith.divsi %arg1, %jit3A : i32
    %sign3A = arith.constant 0 : i32
    %sign3A_16 = arith.cmpi sgt, %arg1, %sign3A : i32
    %sign3A_17 = arith.extui %sign3A_16 : i1 to i32
    %sign3A_18 = arith.constant 0 : i32
    %sign3A_19 = arith.cmpi slt, %arg1, %sign3A_18 : i32
    %sign3A_20 = arith.extui %sign3A_19 : i1 to i32
    %sign3A_21 = arith.subi %sign3A_17, %sign3A_20 : i32
    %sign3A_22 = arith.constant 0 : i32
    %sign3A_23 = arith.cmpi sgt, %jit3A, %sign3A_22 : i32
    %sign3A_24 = arith.extui %sign3A_23 : i1 to i32
    %sign3A_25 = arith.constant 0 : i32
    %sign3A_26 = arith.cmpi slt, %jit3A, %sign3A_25 : i32
    %sign3A_27 = arith.extui %sign3A_26 : i1 to i32
    %sign3A_28 = arith.subi %sign3A_24, %sign3A_27 : i32
    %ne3A = arith.cmpi ne, %sign3A_21, %sign3A_28 : i32
    %rem3A = arith.remsi %arg1, %jit3A : i32
    %ne3A_29 = arith.constant 0 : i32
    %ne3A_30 = arith.cmpi ne, %rem3A, %ne3A_29 : i32
    %and3A = arith.andi %ne3A, %ne3A_30 : i1
    %sub3A = arith.constant 1 : i32
    %sub3A_31 = arith.subi %div3A, %sub3A : i32
    %select_n3A = arith.select %and3A, %sub3A_31, %div3A : i32
    %mul3A_32 = arith.constant 8 : i32
    %mul3A_33 = arith.muli %select_n3A, %mul3A_32 : i32
    %add3A_34 = arith.constant 0 : i32
    %add3A_35 = arith.addi %mul3A_33, %add3A_34 : i32
    %ne3A_36 = arith.cmpi ne, %add3A_35, %arg1 : i32
    %convert_element_type3A = arith.extui %ne3A_36 : i1 to i32
    %cond3A = arith.constant 0 : i32
    %cond3A_37 = arith.cmpi ne, %convert_element_type3A, %cond3A : i32
    scf.if %cond3A_37 {
      %add3A_86 = arith.constant 0 : i32
      %add3A_87 = arith.addi %mul3A_33, %add3A_86 : i32
      "tpu.region"() ({
        %run_scoped3A = tpu.sem_alloc : memref<!tpu.dma_semaphore, #tpu.memory_space<semaphore_mem>>
        %dma_start3A = arith.constant 0 : i32
        %dma_start3A_94 = tpu.memref_slice %arg10[%add3A_87, %dma_start3A] : memref<16x16768xi32, #tpu.memory_space<vmem_shared>> -> memref<1x16768xi32, #tpu.memory_space<vmem_shared>>
        %dma_start3A_95 = tpu.memref_squeeze %dma_start3A_94 : memref<1x16768xi32, #tpu.memory_space<vmem_shared>> -> memref<16768xi32, #tpu.memory_space<vmem_shared>>
        %dma_start3A_96 = arith.constant 0 : i32
        %dma_start3A_97 = tpu.memref_slice %arg10[%add3A_87, %dma_start3A_96] : memref<16x16768xi32, #tpu.memory_space<vmem_shared>> -> memref<1x16768xi32, #tpu.memory_space<vmem_shared>>
        %dma_start3A_98 = tpu.memref_squeeze %dma_start3A_97 : memref<1x16768xi32, #tpu.memory_space<vmem_shared>> -> memref<16768xi32, #tpu.memory_space<vmem_shared>>
        tpu.enqueue_dma source(%dma_start3A_98 : memref<16768xi32, #tpu.memory_space<vmem_shared>>) target(%arg9 : memref<16768xi32, #tpu.memory_space<vmem>>) target_semaphore(%run_scoped3A : memref<!tpu.dma_semaphore, #tpu.memory_space<semaphore_mem>>)
        %dma_wait3A = arith.constant 0 : i32
        %dma_wait3A_99 = tpu.memref_slice %arg10[%add3A_87, %dma_wait3A] : memref<16x16768xi32, #tpu.memory_space<vmem_shared>> -> memref<1x16768xi32, #tpu.memory_space<vmem_shared>>
        %dma_wait3A_100 = tpu.memref_squeeze %dma_wait3A_99 : memref<1x16768xi32, #tpu.memory_space<vmem_shared>> -> memref<16768xi32, #tpu.memory_space<vmem_shared>>
        %dma_wait3A_101 = arith.constant 0 : i32
        %dma_wait3A_102 = tpu.memref_slice %arg10[%add3A_87, %dma_wait3A_101] : memref<16x16768xi32, #tpu.memory_space<vmem_shared>> -> memref<1x16768xi32, #tpu.memory_space<vmem_shared>>
        %dma_wait3A_103 = tpu.memref_squeeze %dma_wait3A_102 : memref<1x16768xi32, #tpu.memory_space<vmem_shared>> -> memref<16768xi32, #tpu.memory_space<vmem_shared>>
        tpu.wait_dma2 semaphore(%run_scoped3A : memref<!tpu.dma_semaphore, #tpu.memory_space<semaphore_mem>>) src(%dma_wait3A_103 : memref<16768xi32, #tpu.memory_space<vmem_shared>>) dst(%arg9 : memref<16768xi32, #tpu.memory_space<vmem>>)
        tpu.yield
      }) : () -> ()
      %scan3A_88 = arith.constant 0 : i32
      %scan3A_89 = arith.constant 0 : i32
      %scan3A_90 = arith.constant 131 : i32
      %scan3A_91 = arith.addi %scan3A_89, %scan3A_90 : i32
      %scan3A_92 = arith.constant 1 : i32
      scf.for %scan3A_94 = %scan3A_89 to %scan3A_91 step %scan3A_92  : i32 {
        %mul3A_95 = arith.constant 128 : i32
        %mul3A_96 = arith.muli %scan3A_94, %mul3A_95 : i32
        %add3A_97 = arith.constant 0 : i32
        %add3A_98 = arith.addi %mul3A_96, %add3A_97 : i32
        %get3A = arith.index_cast %add3A_98 : i32 to index
        %get3A_99 = tpu.vector_load %arg8[%get3A] {strides = array<i32>} : memref<16768xi32, #tpu.memory_space<vmem>>, vector<16xi32>,
        %get3A_100 = arith.index_cast %add3A_98 : i32 to index
        %get3A_101 = tpu.vector_load %arg9[%get3A_100] {strides = array<i32>} : memref<16768xi32, #tpu.memory_space<vmem>>, vector<16xi32>,
        %max3A = arith.maxsi %get3A_99, %get3A_101 : vector<16xi32>
        %swap3A = arith.index_cast %add3A_98 : i32 to index
        %swap3A_102 = tpu.vector_load %arg8[%swap3A] {strides = array<i32>} : memref<16768xi32, #tpu.memory_space<vmem>>, vector<16xi32>,
        tpu.vector_store %arg8[%swap3A], %max3A {strides = array<i32>} : memref<16768xi32, #tpu.memory_space<vmem>>, vector<16xi32>,
        %mul3A_103 = arith.constant 128 : i32
        %mul3A_104 = arith.muli %scan3A_94, %mul3A_103 : i32
        %add3A_105 = arith.constant 16 : i32
        %add3A_106 = arith.addi %mul3A_104, %add3A_105 : i32
        %get3A_107 = arith.index_cast %add3A_106 : i32 to index
        %get3A_108 = tpu.vector_load %arg8[%get3A_107] {strides = array<i32>} : memref<16768xi32, #tpu.memory_space<vmem>>, vector<16xi32>,
        %get3A_109 = arith.index_cast %add3A_106 : i32 to index
        %get3A_110 = tpu.vector_load %arg9[%get3A_109] {strides = array<i32>} : memref<16768xi32, #tpu.memory_space<vmem>>, vector<16xi32>,
        %max3A_111 = arith.maxsi %get3A_108, %get3A_110 : vector<16xi32>
        %swap3A_112 = arith.index_cast %add3A_106 : i32 to index
        %swap3A_113 = tpu.vector_load %arg8[%swap3A_112] {strides = array<i32>} : memref<16768xi32, #tpu.memory_space<vmem>>, vector<16xi32>,
        tpu.vector_store %arg8[%swap3A_112], %max3A_111 {strides = array<i32>} : memref<16768xi32, #tpu.memory_space<vmem>>, vector<16xi32>,
        %mul3A_114 = arith.constant 128 : i32
        %mul3A_115 = arith.muli %scan3A_94, %mul3A_114 : i32
        %add3A_116 = arith.constant 32 : i32
        %add3A_117 = arith.addi %mul3A_115, %add3A_116 : i32
        %get3A_118 = arith.index_cast %add3A_117 : i32 to index
        %get3A_119 = tpu.vector_load %arg8[%get3A_118] {strides = array<i32>} : memref<16768xi32, #tpu.memory_space<vmem>>, vector<16xi32>,
        %get3A_120 = arith.index_cast %add3A_117 : i32 to index
        %get3A_121 = tpu.vector_load %arg9[%get3A_120] {strides = array<i32>} : memref<16768xi32, #tpu.memory_space<vmem>>, vector<16xi32>,
        %max3A_122 = arith.maxsi %get3A_119, %get3A_121 : vector<16xi32>
        %swap3A_123 = arith.index_cast %add3A_117 : i32 to index
        %swap3A_124 = tpu.vector_load %arg8[%swap3A_123] {strides = array<i32>} : memref<16768xi32, #tpu.memory_space<vmem>>, vector<16xi32>,
        tpu.vector_store %arg8[%swap3A_123], %max3A_122 {strides = array<i32>} : memref<16768xi32, #tpu.memory_space<vmem>>, vector<16xi32>,
        %mul3A_125 = arith.constant 128 : i32
        %mul3A_126 = arith.muli %scan3A_94, %mul3A_125 : i32
        %add3A_127 = arith.constant 48 : i32
        %add3A_128 = arith.addi %mul3A_126, %add3A_127 : i32
        %get3A_129 = arith.index_cast %add3A_128 : i32 to index
        %get3A_130 = tpu.vector_load %arg8[%get3A_129] {strides = array<i32>} : memref<16768xi32, #tpu.memory_space<vmem>>, vector<16xi32>,
        %get3A_131 = arith.index_cast %add3A_128 : i32 to index
        %get3A_132 = tpu.vector_load %arg9[%get3A_131] {strides = array<i32>} : memref<16768xi32, #tpu.memory_space<vmem>>, vector<16xi32>,
        %max3A_133 = arith.maxsi %get3A_130, %get3A_132 : vector<16xi32>
        %swap3A_134 = arith.index_cast %add3A_128 : i32 to index
        %swap3A_135 = tpu.vector_load %arg8[%swap3A_134] {strides = array<i32>} : memref<16768xi32, #tpu.memory_space<vmem>>, vector<16xi32>,
        tpu.vector_store %arg8[%swap3A_134], %max3A_133 {strides = array<i32>} : memref<16768xi32, #tpu.memory_space<vmem>>, vector<16xi32>,
        %mul3A_136 = arith.constant 128 : i32
        %mul3A_137 = arith.muli %scan3A_94, %mul3A_136 : i32
        %add3A_138 = arith.constant 64 : i32
        %add3A_139 = arith.addi %mul3A_137, %add3A_138 : i32
        %get3A_140 = arith.index_cast %add3A_139 : i32 to index
        %get3A_141 = tpu.vector_load %arg8[%get3A_140] {strides = array<i32>} : memref<16768xi32, #tpu.memory_space<vmem>>, vector<16xi32>,
        %get3A_142 = arith.index_cast %add3A_139 : i32 to index
        %get3A_143 = tpu.vector_load %arg9[%get3A_142] {strides = array<i32>} : memref<16768xi32, #tpu.memory_space<vmem>>, vector<16xi32>,
        %max3A_144 = arith.maxsi %get3A_141, %get3A_143 : vector<16xi32>
        %swap3A_145 = arith.index_cast %add3A_139 : i32 to index
        %swap3A_146 = tpu.vector_load %arg8[%swap3A_145] {strides = array<i32>} : memref<16768xi32, #tpu.memory_space<vmem>>, vector<16xi32>,
        tpu.vector_store %arg8[%swap3A_145], %max3A_144 {strides = array<i32>} : memref<16768xi32, #tpu.memory_space<vmem>>, vector<16xi32>,
        %mul3A_147 = arith.constant 128 : i32
        %mul3A_148 = arith.muli %scan3A_94, %mul3A_147 : i32
        %add3A_149 = arith.constant 80 : i32
        %add3A_150 = arith.addi %mul3A_148, %add3A_149 : i32
        %get3A_151 = arith.index_cast %add3A_150 : i32 to index
        %get3A_152 = tpu.vector_load %arg8[%get3A_151] {strides = array<i32>} : memref<16768xi32, #tpu.memory_space<vmem>>, vector<16xi32>,
        %get3A_153 = arith.index_cast %add3A_150 : i32 to index
        %get3A_154 = tpu.vector_load %arg9[%get3A_153] {strides = array<i32>} : memref<16768xi32, #tpu.memory_space<vmem>>, vector<16xi32>,
        %max3A_155 = arith.maxsi %get3A_152, %get3A_154 : vector<16xi32>
        %swap3A_156 = arith.index_cast %add3A_150 : i32 to index
        %swap3A_157 = tpu.vector_load %arg8[%swap3A_156] {strides = array<i32>} : memref<16768xi32, #tpu.memory_space<vmem>>, vector<16xi32>,
        tpu.vector_store %arg8[%swap3A_156], %max3A_155 {strides = array<i32>} : memref<16768xi32, #tpu.memory_space<vmem>>, vector<16xi32>,
        %mul3A_158 = arith.constant 128 : i32
        %mul3A_159 = arith.muli %scan3A_94, %mul3A_158 : i32
        %add3A_160 = arith.constant 96 : i32
        %add3A_161 = arith.addi %mul3A_159, %add3A_160 : i32
        %get3A_162 = arith.index_cast %add3A_161 : i32 to index
        %get3A_163 = tpu.vector_load %arg8[%get3A_162] {strides = array<i32>} : memref<16768xi32, #tpu.memory_space<vmem>>, vector<16xi32>,
        %get3A_164 = arith.index_cast %add3A_161 : i32 to index
        %get3A_165 = tpu.vector_load %arg9[%get3A_164] {strides = array<i32>} : memref<16768xi32, #tpu.memory_space<vmem>>, vector<16xi32>,
        %max3A_166 = arith.maxsi %get3A_163, %get3A_165 : vector<16xi32>
        %swap3A_167 = arith.index_cast %add3A_161 : i32 to index
        %swap3A_168 = tpu.vector_load %arg8[%swap3A_167] {strides = array<i32>} : memref<16768xi32, #tpu.memory_space<vmem>>, vector<16xi32>,
        tpu.vector_store %arg8[%swap3A_167], %max3A_166 {strides = array<i32>} : memref<16768xi32, #tpu.memory_space<vmem>>, vector<16xi32>,
        %mul3A_169 = arith.constant 128 : i32
        %mul3A_170 = arith.muli %scan3A_94, %mul3A_169 : i32
        %add3A_171 = arith.constant 112 : i32
        %add3A_172 = arith.addi %mul3A_170, %add3A_171 : i32
        %get3A_173 = arith.index_cast %add3A_172 : i32 to index
        %get3A_174 = tpu.vector_load %arg8[%get3A_173] {strides = array<i32>} : memref<16768xi32, #tpu.memory_space<vmem>>, vector<16xi32>,
        %get3A_175 = arith.index_cast %add3A_172 : i32 to index
        %get3A_176 = tpu.vector_load %arg9[%get3A_175] {strides = array<i32>} : memref<16768xi32, #tpu.memory_space<vmem>>, vector<16xi32>,
        %max3A_177 = arith.maxsi %get3A_174, %get3A_176 : vector<16xi32>
        %swap3A_178 = arith.index_cast %add3A_172 : i32 to index
        %swap3A_179 = tpu.vector_load %arg8[%swap3A_178] {strides = array<i32>} : memref<16768xi32, #tpu.memory_space<vmem>>, vector<16xi32>,
        tpu.vector_store %arg8[%swap3A_178], %max3A_177 {strides = array<i32>} : memref<16768xi32, #tpu.memory_space<vmem>>, vector<16xi32>,
      }
      %scan3A_93 = arith.constant 131 : i32
    } else {
    }
    %add3A_38 = arith.constant 1 : i32
    %add3A_39 = arith.addi %mul3A_33, %add3A_38 : i32
    %ne3A_40 = arith.cmpi ne, %add3A_39, %arg1 : i32
    %convert_element_type3A_41 = arith.extui %ne3A_40 : i1 to i32
    %cond3A_42 = arith.constant 0 : i32
    %cond3A_43 = arith.cmpi ne, %convert_element_type3A_41, %cond3A_42 : i32
    scf.if %cond3A_43 {
      %add3A_86 = arith.constant 1 : i32
      %add3A_87 = arith.addi %mul3A_33, %add3A_86 : i32
      "tpu.region"() ({
        %run_scoped3A = tpu.sem_alloc : memref<!tpu.dma_semaphore, #tpu.memory_space<semaphore_mem>>
        %dma_start3A = arith.constant 0 : i32
        %dma_start3A_94 = tpu.memref_slice %arg10[%add3A_87, %dma_start3A] : memref<16x16768xi32, #tpu.memory_space<vmem_shared>> -> memref<1x16768xi32, #tpu.memory_space<vmem_shared>>
        %dma_start3A_95 = tpu.memref_squeeze %dma_start3A_94 : memref<1x16768xi32, #tpu.memory_space<vmem_shared>> -> memref<16768xi32, #tpu.memory_space<vmem_shared>>
        %dma_start3A_96 = arith.constant 0 : i32
        %dma_start3A_97 = tpu.memref_slice %arg10[%add3A_87, %dma_start3A_96] : memref<16x16768xi32, #tpu.memory_space<vmem_shared>> -> memref<1x16768xi32, #tpu.memory_space<vmem_shared>>
        %dma_start3A_98 = tpu.memref_squeeze %dma_start3A_97 : memref<1x16768xi32, #tpu.memory_space<vmem_shared>> -> memref<16768xi32, #tpu.memory_space<vmem_shared>>
        tpu.enqueue_dma source(%dma_start3A_98 : memref<16768xi32, #tpu.memory_space<vmem_shared>>) target(%arg9 : memref<16768xi32, #tpu.memory_space<vmem>>) target_semaphore(%run_scoped3A : memref<!tpu.dma_semaphore, #tpu.memory_space<semaphore_mem>>)
        %dma_wait3A = arith.constant 0 : i32
        %dma_wait3A_99 = tpu.memref_slice %arg10[%add3A_87, %dma_wait3A] : memref<16x16768xi32, #tpu.memory_space<vmem_shared>> -> memref<1x16768xi32, #tpu.memory_space<vmem_shared>>
        %dma_wait3A_100 = tpu.memref_squeeze %dma_wait3A_99 : memref<1x16768xi32, #tpu.memory_space<vmem_shared>> -> memref<16768xi32, #tpu.memory_space<vmem_shared>>
        %dma_wait3A_101 = arith.constant 0 : i32
        %dma_wait3A_102 = tpu.memref_slice %arg10[%add3A_87, %dma_wait3A_101] : memref<16x16768xi32, #tpu.memory_space<vmem_shared>> -> memref<1x16768xi32, #tpu.memory_space<vmem_shared>>
        %dma_wait3A_103 = tpu.memref_squeeze %dma_wait3A_102 : memref<1x16768xi32, #tpu.memory_space<vmem_shared>> -> memref<16768xi32, #tpu.memory_space<vmem_shared>>
        tpu.wait_dma2 semaphore(%run_scoped3A : memref<!tpu.dma_semaphore, #tpu.memory_space<semaphore_mem>>) src(%dma_wait3A_103 : memref<16768xi32, #tpu.memory_space<vmem_shared>>) dst(%arg9 : memref<16768xi32, #tpu.memory_space<vmem>>)
        tpu.yield
      }) : () -> ()
      %scan3A_88 = arith.constant 0 : i32
      %scan3A_89 = arith.constant 0 : i32
      %scan3A_90 = arith.constant 131 : i32
      %scan3A_91 = arith.addi %scan3A_89, %scan3A_90 : i32
      %scan3A_92 = arith.constant 1 : i32
      scf.for %scan3A_94 = %scan3A_89 to %scan3A_91 step %scan3A_92  : i32 {
        %mul3A_95 = arith.constant 128 : i32
        %mul3A_96 = arith.muli %scan3A_94, %mul3A_95 : i32
        %add3A_97 = arith.constant 0 : i32
        %add3A_98 = arith.addi %mul3A_96, %add3A_97 : i32
        %get3A = arith.index_cast %add3A_98 : i32 to index
        %get3A_99 = tpu.vector_load %arg8[%get3A] {strides = array<i32>} : memref<16768xi32, #tpu.memory_space<vmem>>, vector<16xi32>,
        %get3A_100 = arith.index_cast %add3A_98 : i32 to index
        %get3A_101 = tpu.vector_load %arg9[%get3A_100] {strides = array<i32>} : memref<16768xi32, #tpu.memory_space<vmem>>, vector<16xi32>,
        %max3A = arith.maxsi %get3A_99, %get3A_101 : vector<16xi32>
        %swap3A = arith.index_cast %add3A_98 : i32 to index
        %swap3A_102 = tpu.vector_load %arg8[%swap3A] {strides = array<i32>} : memref<16768xi32, #tpu.memory_space<vmem>>, vector<16xi32>,
        tpu.vector_store %arg8[%swap3A], %max3A {strides = array<i32>} : memref<16768xi32, #tpu.memory_space<vmem>>, vector<16xi32>,
        %mul3A_103 = arith.constant 128 : i32
        %mul3A_104 = arith.muli %scan3A_94, %mul3A_103 : i32
        %add3A_105 = arith.constant 16 : i32
        %add3A_106 = arith.addi %mul3A_104, %add3A_105 : i32
        %get3A_107 = arith.index_cast %add3A_106 : i32 to index
        %get3A_108 = tpu.vector_load %arg8[%get3A_107] {strides = array<i32>} : memref<16768xi32, #tpu.memory_space<vmem>>, vector<16xi32>,
        %get3A_109 = arith.index_cast %add3A_106 : i32 to index
        %get3A_110 = tpu.vector_load %arg9[%get3A_109] {strides = array<i32>} : memref<16768xi32, #tpu.memory_space<vmem>>, vector<16xi32>,
        %max3A_111 = arith.maxsi %get3A_108, %get3A_110 : vector<16xi32>
        %swap3A_112 = arith.index_cast %add3A_106 : i32 to index
        %swap3A_113 = tpu.vector_load %arg8[%swap3A_112] {strides = array<i32>} : memref<16768xi32, #tpu.memory_space<vmem>>, vector<16xi32>,
        tpu.vector_store %arg8[%swap3A_112], %max3A_111 {strides = array<i32>} : memref<16768xi32, #tpu.memory_space<vmem>>, vector<16xi32>,
        %mul3A_114 = arith.constant 128 : i32
        %mul3A_115 = arith.muli %scan3A_94, %mul3A_114 : i32
        %add3A_116 = arith.constant 32 : i32
        %add3A_117 = arith.addi %mul3A_115, %add3A_116 : i32
        %get3A_118 = arith.index_cast %add3A_117 : i32 to index
        %get3A_119 = tpu.vector_load %arg8[%get3A_118] {strides = array<i32>} : memref<16768xi32, #tpu.memory_space<vmem>>, vector<16xi32>,
        %get3A_120 = arith.index_cast %add3A_117 : i32 to index
        %get3A_121 = tpu.vector_load %arg9[%get3A_120] {strides = array<i32>} : memref<16768xi32, #tpu.memory_space<vmem>>, vector<16xi32>,
        %max3A_122 = arith.maxsi %get3A_119, %get3A_121 : vector<16xi32>
        %swap3A_123 = arith.index_cast %add3A_117 : i32 to index
        %swap3A_124 = tpu.vector_load %arg8[%swap3A_123] {strides = array<i32>} : memref<16768xi32, #tpu.memory_space<vmem>>, vector<16xi32>,
        tpu.vector_store %arg8[%swap3A_123], %max3A_122 {strides = array<i32>} : memref<16768xi32, #tpu.memory_space<vmem>>, vector<16xi32>,
        %mul3A_125 = arith.constant 128 : i32
        %mul3A_126 = arith.muli %scan3A_94, %mul3A_125 : i32
        %add3A_127 = arith.constant 48 : i32
        %add3A_128 = arith.addi %mul3A_126, %add3A_127 : i32
        %get3A_129 = arith.index_cast %add3A_128 : i32 to index
        %get3A_130 = tpu.vector_load %arg8[%get3A_129] {strides = array<i32>} : memref<16768xi32, #tpu.memory_space<vmem>>, vector<16xi32>,
        %get3A_131 = arith.index_cast %add3A_128 : i32 to index
        %get3A_132 = tpu.vector_load %arg9[%get3A_131] {strides = array<i32>} : memref<16768xi32, #tpu.memory_space<vmem>>, vector<16xi32>,
        %max3A_133 = arith.maxsi %get3A_130, %get3A_132 : vector<16xi32>
        %swap3A_134 = arith.index_cast %add3A_128 : i32 to index
        %swap3A_135 = tpu.vector_load %arg8[%swap3A_134] {strides = array<i32>} : memref<16768xi32, #tpu.memory_space<vmem>>, vector<16xi32>,
        tpu.vector_store %arg8[%swap3A_134], %max3A_133 {strides = array<i32>} : memref<16768xi32, #tpu.memory_space<vmem>>, vector<16xi32>,
        %mul3A_136 = arith.constant 128 : i32
        %mul3A_137 = arith.muli %scan3A_94, %mul3A_136 : i32
        %add3A_138 = arith.constant 64 : i32
        %add3A_139 = arith.addi %mul3A_137, %add3A_138 : i32
        %get3A_140 = arith.index_cast %add3A_139 : i32 to index
        %get3A_141 = tpu.vector_load %arg8[%get3A_140] {strides = array<i32>} : memref<16768xi32, #tpu.memory_space<vmem>>, vector<16xi32>,
        %get3A_142 = arith.index_cast %add3A_139 : i32 to index
        %get3A_143 = tpu.vector_load %arg9[%get3A_142] {strides = array<i32>} : memref<16768xi32, #tpu.memory_space<vmem>>, vector<16xi32>,
        %max3A_144 = arith.maxsi %get3A_141, %get3A_143 : vector<16xi32>
        %swap3A_145 = arith.index_cast %add3A_139 : i32 to index
        %swap3A_146 = tpu.vector_load %arg8[%swap3A_145] {strides = array<i32>} : memref<16768xi32, #tpu.memory_space<vmem>>, vector<16xi32>,
        tpu.vector_store %arg8[%swap3A_145], %max3A_144 {strides = array<i32>} : memref<16768xi32, #tpu.memory_space<vmem>>, vector<16xi32>,
        %mul3A_147 = arith.constant 128 : i32
        %mul3A_148 = arith.muli %scan3A_94, %mul3A_147 : i32
        %add3A_149 = arith.constant 80 : i32
        %add3A_150 = arith.addi %mul3A_148, %add3A_149 : i32
        %get3A_151 = arith.index_cast %add3A_150 : i32 to index
        %get3A_152 = tpu.vector_load %arg8[%get3A_151] {strides = array<i32>} : memref<16768xi32, #tpu.memory_space<vmem>>, vector<16xi32>,
        %get3A_153 = arith.index_cast %add3A_150 : i32 to index
        %get3A_154 = tpu.vector_load %arg9[%get3A_153] {strides = array<i32>} : memref<16768xi32, #tpu.memory_space<vmem>>, vector<16xi32>,
        %max3A_155 = arith.maxsi %get3A_152, %get3A_154 : vector<16xi32>
        %swap3A_156 = arith.index_cast %add3A_150 : i32 to index
        %swap3A_157 = tpu.vector_load %arg8[%swap3A_156] {strides = array<i32>} : memref<16768xi32, #tpu.memory_space<vmem>>, vector<16xi32>,
        tpu.vector_store %arg8[%swap3A_156], %max3A_155 {strides = array<i32>} : memref<16768xi32, #tpu.memory_space<vmem>>, vector<16xi32>,
        %mul3A_158 = arith.constant 128 : i32
        %mul3A_159 = arith.muli %scan3A_94, %mul3A_158 : i32
        %add3A_160 = arith.constant 96 : i32
        %add3A_161 = arith.addi %mul3A_159, %add3A_160 : i32
        %get3A_162 = arith.index_cast %add3A_161 : i32 to index
        %get3A_163 = tpu.vector_load %arg8[%get3A_162] {strides = array<i32>} : memref<16768xi32, #tpu.memory_space<vmem>>, vector<16xi32>,
        %get3A_164 = arith.index_cast %add3A_161 : i32 to index
        %get3A_165 = tpu.vector_load %arg9[%get3A_164] {strides = array<i32>} : memref<16768xi32, #tpu.memory_space<vmem>>, vector<16xi32>,
        %max3A_166 = arith.maxsi %get3A_163, %get3A_165 : vector<16xi32>
        %swap3A_167 = arith.index_cast %add3A_161 : i32 to index
        %swap3A_168 = tpu.vector_load %arg8[%swap3A_167] {strides = array<i32>} : memref<16768xi32, #tpu.memory_space<vmem>>, vector<16xi32>,
        tpu.vector_store %arg8[%swap3A_167], %max3A_166 {strides = array<i32>} : memref<16768xi32, #tpu.memory_space<vmem>>, vector<16xi32>,
        %mul3A_169 = arith.constant 128 : i32
        %mul3A_170 = arith.muli %scan3A_94, %mul3A_169 : i32
        %add3A_171 = arith.constant 112 : i32
        %add3A_172 = arith.addi %mul3A_170, %add3A_171 : i32
        %get3A_173 = arith.index_cast %add3A_172 : i32 to index
        %get3A_174 = tpu.vector_load %arg8[%get3A_173] {strides = array<i32>} : memref<16768xi32, #tpu.memory_space<vmem>>, vector<16xi32>,
        %get3A_175 = arith.index_cast %add3A_172 : i32 to index
        %get3A_176 = tpu.vector_load %arg9[%get3A_175] {strides = array<i32>} : memref<16768xi32, #tpu.memory_space<vmem>>, vector<16xi32>,
        %max3A_177 = arith.maxsi %get3A_174, %get3A_176 : vector<16xi32>
        %swap3A_178 = arith.index_cast %add3A_172 : i32 to index
        %swap3A_179 = tpu.vector_load %arg8[%swap3A_178] {strides = array<i32>} : memref<16768xi32, #tpu.memory_space<vmem>>, vector<16xi32>,
        tpu.vector_store %arg8[%swap3A_178], %max3A_177 {strides = array<i32>} : memref<16768xi32, #tpu.memory_space<vmem>>, vector<16xi32>,
      }
      %scan3A_93 = arith.constant 131 : i32
    } else {
    }
    %add3A_44 = arith.constant 2 : i32
    %add3A_45 = arith.addi %mul3A_33, %add3A_44 : i32
    %ne3A_46 = arith.cmpi ne, %add3A_45, %arg1 : i32
    %convert_element_type3A_47 = arith.extui %ne3A_46 : i1 to i32
    %cond3A_48 = arith.constant 0 : i32
    %cond3A_49 = arith.cmpi ne, %convert_element_type3A_47, %cond3A_48 : i32
    scf.if %cond3A_49 {
      %add3A_86 = arith.constant 2 : i32
      %add3A_87 = arith.addi %mul3A_33, %add3A_86 : i32
      "tpu.region"() ({
        %run_scoped3A = tpu.sem_alloc : memref<!tpu.dma_semaphore, #tpu.memory_space<semaphore_mem>>
        %dma_start3A = arith.constant 0 : i32
        %dma_start3A_94 = tpu.memref_slice %arg10[%add3A_87, %dma_start3A] : memref<16x16768xi32, #tpu.memory_space<vmem_shared>> -> memref<1x16768xi32, #tpu.memory_space<vmem_shared>>
        %dma_start3A_95 = tpu.memref_squeeze %dma_start3A_94 : memref<1x16768xi32, #tpu.memory_space<vmem_shared>> -> memref<16768xi32, #tpu.memory_space<vmem_shared>>
        %dma_start3A_96 = arith.constant 0 : i32
        %dma_start3A_97 = tpu.memref_slice %arg10[%add3A_87, %dma_start3A_96] : memref<16x16768xi32, #tpu.memory_space<vmem_shared>> -> memref<1x16768xi32, #tpu.memory_space<vmem_shared>>
        %dma_start3A_98 = tpu.memref_squeeze %dma_start3A_97 : memref<1x16768xi32, #tpu.memory_space<vmem_shared>> -> memref<16768xi32, #tpu.memory_space<vmem_shared>>
        tpu.enqueue_dma source(%dma_start3A_98 : memref<16768xi32, #tpu.memory_space<vmem_shared>>) target(%arg9 : memref<16768xi32, #tpu.memory_space<vmem>>) target_semaphore(%run_scoped3A : memref<!tpu.dma_semaphore, #tpu.memory_space<semaphore_mem>>)
        %dma_wait3A = arith.constant 0 : i32
        %dma_wait3A_99 = tpu.memref_slice %arg10[%add3A_87, %dma_wait3A] : memref<16x16768xi32, #tpu.memory_space<vmem_shared>> -> memref<1x16768xi32, #tpu.memory_space<vmem_shared>>
        %dma_wait3A_100 = tpu.memref_squeeze %dma_wait3A_99 : memref<1x16768xi32, #tpu.memory_space<vmem_shared>> -> memref<16768xi32, #tpu.memory_space<vmem_shared>>
        %dma_wait3A_101 = arith.constant 0 : i32
        %dma_wait3A_102 = tpu.memref_slice %arg10[%add3A_87, %dma_wait3A_101] : memref<16x16768xi32, #tpu.memory_space<vmem_shared>> -> memref<1x16768xi32, #tpu.memory_space<vmem_shared>>
        %dma_wait3A_103 = tpu.memref_squeeze %dma_wait3A_102 : memref<1x16768xi32, #tpu.memory_space<vmem_shared>> -> memref<16768xi32, #tpu.memory_space<vmem_shared>>
        tpu.wait_dma2 semaphore(%run_scoped3A : memref<!tpu.dma_semaphore, #tpu.memory_space<semaphore_mem>>) src(%dma_wait3A_103 : memref<16768xi32, #tpu.memory_space<vmem_shared>>) dst(%arg9 : memref<16768xi32, #tpu.memory_space<vmem>>)
        tpu.yield
      }) : () -> ()
      %scan3A_88 = arith.constant 0 : i32
      %scan3A_89 = arith.constant 0 : i32
      %scan3A_90 = arith.constant 131 : i32
      %scan3A_91 = arith.addi %scan3A_89, %scan3A_90 : i32
      %scan3A_92 = arith.constant 1 : i32
      scf.for %scan3A_94 = %scan3A_89 to %scan3A_91 step %scan3A_92  : i32 {
        %mul3A_95 = arith.constant 128 : i32
        %mul3A_96 = arith.muli %scan3A_94, %mul3A_95 : i32
        %add3A_97 = arith.constant 0 : i32
        %add3A_98 = arith.addi %mul3A_96, %add3A_97 : i32
        %get3A = arith.index_cast %add3A_98 : i32 to index
        %get3A_99 = tpu.vector_load %arg8[%get3A] {strides = array<i32>} : memref<16768xi32, #tpu.memory_space<vmem>>, vector<16xi32>,
        %get3A_100 = arith.index_cast %add3A_98 : i32 to index
        %get3A_101 = tpu.vector_load %arg9[%get3A_100] {strides = array<i32>} : memref<16768xi32, #tpu.memory_space<vmem>>, vector<16xi32>,
        %max3A = arith.maxsi %get3A_99, %get3A_101 : vector<16xi32>
        %swap3A = arith.index_cast %add3A_98 : i32 to index
        %swap3A_102 = tpu.vector_load %arg8[%swap3A] {strides = array<i32>} : memref<16768xi32, #tpu.memory_space<vmem>>, vector<16xi32>,
        tpu.vector_store %arg8[%swap3A], %max3A {strides = array<i32>} : memref<16768xi32, #tpu.memory_space<vmem>>, vector<16xi32>,
        %mul3A_103 = arith.constant 128 : i32
        %mul3A_104 = arith.muli %scan3A_94, %mul3A_103 : i32
        %add3A_105 = arith.constant 16 : i32
        %add3A_106 = arith.addi %mul3A_104, %add3A_105 : i32
        %get3A_107 = arith.index_cast %add3A_106 : i32 to index
        %get3A_108 = tpu.vector_load %arg8[%get3A_107] {strides = array<i32>} : memref<16768xi32, #tpu.memory_space<vmem>>, vector<16xi32>,
        %get3A_109 = arith.index_cast %add3A_106 : i32 to index
        %get3A_110 = tpu.vector_load %arg9[%get3A_109] {strides = array<i32>} : memref<16768xi32, #tpu.memory_space<vmem>>, vector<16xi32>,
        %max3A_111 = arith.maxsi %get3A_108, %get3A_110 : vector<16xi32>
        %swap3A_112 = arith.index_cast %add3A_106 : i32 to index
        %swap3A_113 = tpu.vector_load %arg8[%swap3A_112] {strides = array<i32>} : memref<16768xi32, #tpu.memory_space<vmem>>, vector<16xi32>,
        tpu.vector_store %arg8[%swap3A_112], %max3A_111 {strides = array<i32>} : memref<16768xi32, #tpu.memory_space<vmem>>, vector<16xi32>,
        %mul3A_114 = arith.constant 128 : i32
        %mul3A_115 = arith.muli %scan3A_94, %mul3A_114 : i32
        %add3A_116 = arith.constant 32 : i32
        %add3A_117 = arith.addi %mul3A_115, %add3A_116 : i32
        %get3A_118 = arith.index_cast %add3A_117 : i32 to index
        %get3A_119 = tpu.vector_load %arg8[%get3A_118] {strides = array<i32>} : memref<16768xi32, #tpu.memory_space<vmem>>, vector<16xi32>,
        %get3A_120 = arith.index_cast %add3A_117 : i32 to index
        %get3A_121 = tpu.vector_load %arg9[%get3A_120] {strides = array<i32>} : memref<16768xi32, #tpu.memory_space<vmem>>, vector<16xi32>,
        %max3A_122 = arith.maxsi %get3A_119, %get3A_121 : vector<16xi32>
        %swap3A_123 = arith.index_cast %add3A_117 : i32 to index
        %swap3A_124 = tpu.vector_load %arg8[%swap3A_123] {strides = array<i32>} : memref<16768xi32, #tpu.memory_space<vmem>>, vector<16xi32>,
        tpu.vector_store %arg8[%swap3A_123], %max3A_122 {strides = array<i32>} : memref<16768xi32, #tpu.memory_space<vmem>>, vector<16xi32>,
        %mul3A_125 = arith.constant 128 : i32
        %mul3A_126 = arith.muli %scan3A_94, %mul3A_125 : i32
        %add3A_127 = arith.constant 48 : i32
        %add3A_128 = arith.addi %mul3A_126, %add3A_127 : i32
        %get3A_129 = arith.index_cast %add3A_128 : i32 to index
        %get3A_130 = tpu.vector_load %arg8[%get3A_129] {strides = array<i32>} : memref<16768xi32, #tpu.memory_space<vmem>>, vector<16xi32>,
        %get3A_131 = arith.index_cast %add3A_128 : i32 to index
        %get3A_132 = tpu.vector_load %arg9[%get3A_131] {strides = array<i32>} : memref<16768xi32, #tpu.memory_space<vmem>>, vector<16xi32>,
        %max3A_133 = arith.maxsi %get3A_130, %get3A_132 : vector<16xi32>
        %swap3A_134 = arith.index_cast %add3A_128 : i32 to index
        %swap3A_135 = tpu.vector_load %arg8[%swap3A_134] {strides = array<i32>} : memref<16768xi32, #tpu.memory_space<vmem>>, vector<16xi32>,
        tpu.vector_store %arg8[%swap3A_134], %max3A_133 {strides = array<i32>} : memref<16768xi32, #tpu.memory_space<vmem>>, vector<16xi32>,
        %mul3A_136 = arith.constant 128 : i32
        %mul3A_137 = arith.muli %scan3A_94, %mul3A_136 : i32
        %add3A_138 = arith.constant 64 : i32
        %add3A_139 = arith.addi %mul3A_137, %add3A_138 : i32
        %get3A_140 = arith.index_cast %add3A_139 : i32 to index
        %get3A_141 = tpu.vector_load %arg8[%get3A_140] {strides = array<i32>} : memref<16768xi32, #tpu.memory_space<vmem>>, vector<16xi32>,
        %get3A_142 = arith.index_cast %add3A_139 : i32 to index
        %get3A_143 = tpu.vector_load %arg9[%get3A_142] {strides = array<i32>} : memref<16768xi32, #tpu.memory_space<vmem>>, vector<16xi32>,
        %max3A_144 = arith.maxsi %get3A_141, %get3A_143 : vector<16xi32>
        %swap3A_145 = arith.index_cast %add3A_139 : i32 to index
        %swap3A_146 = tpu.vector_load %arg8[%swap3A_145] {strides = array<i32>} : memref<16768xi32, #tpu.memory_space<vmem>>, vector<16xi32>,
        tpu.vector_store %arg8[%swap3A_145], %max3A_144 {strides = array<i32>} : memref<16768xi32, #tpu.memory_space<vmem>>, vector<16xi32>,
        %mul3A_147 = arith.constant 128 : i32
        %mul3A_148 = arith.muli %scan3A_94, %mul3A_147 : i32
        %add3A_149 = arith.constant 80 : i32
        %add3A_150 = arith.addi %mul3A_148, %add3A_149 : i32
        %get3A_151 = arith.index_cast %add3A_150 : i32 to index
        %get3A_152 = tpu.vector_load %arg8[%get3A_151] {strides = array<i32>} : memref<16768xi32, #tpu.memory_space<vmem>>, vector<16xi32>,
        %get3A_153 = arith.index_cast %add3A_150 : i32 to index
        %get3A_154 = tpu.vector_load %arg9[%get3A_153] {strides = array<i32>} : memref<16768xi32, #tpu.memory_space<vmem>>, vector<16xi32>,
        %max3A_155 = arith.maxsi %get3A_152, %get3A_154 : vector<16xi32>
        %swap3A_156 = arith.index_cast %add3A_150 : i32 to index
        %swap3A_157 = tpu.vector_load %arg8[%swap3A_156] {strides = array<i32>} : memref<16768xi32, #tpu.memory_space<vmem>>, vector<16xi32>,
        tpu.vector_store %arg8[%swap3A_156], %max3A_155 {strides = array<i32>} : memref<16768xi32, #tpu.memory_space<vmem>>, vector<16xi32>,
        %mul3A_158 = arith.constant 128 : i32
        %mul3A_159 = arith.muli %scan3A_94, %mul3A_158 : i32
        %add3A_160 = arith.constant 96 : i32
        %add3A_161 = arith.addi %mul3A_159, %add3A_160 : i32
        %get3A_162 = arith.index_cast %add3A_161 : i32 to index
        %get3A_163 = tpu.vector_load %arg8[%get3A_162] {strides = array<i32>} : memref<16768xi32, #tpu.memory_space<vmem>>, vector<16xi32>,
        %get3A_164 = arith.index_cast %add3A_161 : i32 to index
        %get3A_165 = tpu.vector_load %arg9[%get3A_164] {strides = array<i32>} : memref<16768xi32, #tpu.memory_space<vmem>>, vector<16xi32>,
        %max3A_166 = arith.maxsi %get3A_163, %get3A_165 : vector<16xi32>
        %swap3A_167 = arith.index_cast %add3A_161 : i32 to index
        %swap3A_168 = tpu.vector_load %arg8[%swap3A_167] {strides = array<i32>} : memref<16768xi32, #tpu.memory_space<vmem>>, vector<16xi32>,
        tpu.vector_store %arg8[%swap3A_167], %max3A_166 {strides = array<i32>} : memref<16768xi32, #tpu.memory_space<vmem>>, vector<16xi32>,
        %mul3A_169 = arith.constant 128 : i32
        %mul3A_170 = arith.muli %scan3A_94, %mul3A_169 : i32
        %add3A_171 = arith.constant 112 : i32
        %add3A_172 = arith.addi %mul3A_170, %add3A_171 : i32
        %get3A_173 = arith.index_cast %add3A_172 : i32 to index
        %get3A_174 = tpu.vector_load %arg8[%get3A_173] {strides = array<i32>} : memref<16768xi32, #tpu.memory_space<vmem>>, vector<16xi32>,
        %get3A_175 = arith.index_cast %add3A_172 : i32 to index
        %get3A_176 = tpu.vector_load %arg9[%get3A_175] {strides = array<i32>} : memref<16768xi32, #tpu.memory_space<vmem>>, vector<16xi32>,
        %max3A_177 = arith.maxsi %get3A_174, %get3A_176 : vector<16xi32>
        %swap3A_178 = arith.index_cast %add3A_172 : i32 to index
        %swap3A_179 = tpu.vector_load %arg8[%swap3A_178] {strides = array<i32>} : memref<16768xi32, #tpu.memory_space<vmem>>, vector<16xi32>,
        tpu.vector_store %arg8[%swap3A_178], %max3A_177 {strides = array<i32>} : memref<16768xi32, #tpu.memory_space<vmem>>, vector<16xi32>,
      }
      %scan3A_93 = arith.constant 131 : i32
    } else {
    }
    %add3A_50 = arith.constant 3 : i32
    %add3A_51 = arith.addi %mul3A_33, %add3A_50 : i32
    %ne3A_52 = arith.cmpi ne, %add3A_51, %arg1 : i32
    %convert_element_type3A_53 = arith.extui %ne3A_52 : i1 to i32
    %cond3A_54 = arith.constant 0 : i32
    %cond3A_55 = arith.cmpi ne, %convert_element_type3A_53, %cond3A_54 : i32
    scf.if %cond3A_55 {
      %add3A_86 = arith.constant 3 : i32
      %add3A_87 = arith.addi %mul3A_33, %add3A_86 : i32
      "tpu.region"() ({
        %run_scoped3A = tpu.sem_alloc : memref<!tpu.dma_semaphore, #tpu.memory_space<semaphore_mem>>
        %dma_start3A = arith.constant 0 : i32
        %dma_start3A_94 = tpu.memref_slice %arg10[%add3A_87, %dma_start3A] : memref<16x16768xi32, #tpu.memory_space<vmem_shared>> -> memref<1x16768xi32, #tpu.memory_space<vmem_shared>>
        %dma_start3A_95 = tpu.memref_squeeze %dma_start3A_94 : memref<1x16768xi32, #tpu.memory_space<vmem_shared>> -> memref<16768xi32, #tpu.memory_space<vmem_shared>>
        %dma_start3A_96 = arith.constant 0 : i32
        %dma_start3A_97 = tpu.memref_slice %arg10[%add3A_87, %dma_start3A_96] : memref<16x16768xi32, #tpu.memory_space<vmem_shared>> -> memref<1x16768xi32, #tpu.memory_space<vmem_shared>>
        %dma_start3A_98 = tpu.memref_squeeze %dma_start3A_97 : memref<1x16768xi32, #tpu.memory_space<vmem_shared>> -> memref<16768xi32, #tpu.memory_space<vmem_shared>>
        tpu.enqueue_dma source(%dma_start3A_98 : memref<16768xi32, #tpu.memory_space<vmem_shared>>) target(%arg9 : memref<16768xi32, #tpu.memory_space<vmem>>) target_semaphore(%run_scoped3A : memref<!tpu.dma_semaphore, #tpu.memory_space<semaphore_mem>>)
        %dma_wait3A = arith.constant 0 : i32
        %dma_wait3A_99 = tpu.memref_slice %arg10[%add3A_87, %dma_wait3A] : memref<16x16768xi32, #tpu.memory_space<vmem_shared>> -> memref<1x16768xi32, #tpu.memory_space<vmem_shared>>
        %dma_wait3A_100 = tpu.memref_squeeze %dma_wait3A_99 : memref<1x16768xi32, #tpu.memory_space<vmem_shared>> -> memref<16768xi32, #tpu.memory_space<vmem_shared>>
        %dma_wait3A_101 = arith.constant 0 : i32
        %dma_wait3A_102 = tpu.memref_slice %arg10[%add3A_87, %dma_wait3A_101] : memref<16x16768xi32, #tpu.memory_space<vmem_shared>> -> memref<1x16768xi32, #tpu.memory_space<vmem_shared>>
        %dma_wait3A_103 = tpu.memref_squeeze %dma_wait3A_102 : memref<1x16768xi32, #tpu.memory_space<vmem_shared>> -> memref<16768xi32, #tpu.memory_space<vmem_shared>>
        tpu.wait_dma2 semaphore(%run_scoped3A : memref<!tpu.dma_semaphore, #tpu.memory_space<semaphore_mem>>) src(%dma_wait3A_103 : memref<16768xi32, #tpu.memory_space<vmem_shared>>) dst(%arg9 : memref<16768xi32, #tpu.memory_space<vmem>>)
        tpu.yield
      }) : () -> ()
      %scan3A_88 = arith.constant 0 : i32
      %scan3A_89 = arith.constant 0 : i32
      %scan3A_90 = arith.constant 131 : i32
      %scan3A_91 = arith.addi %scan3A_89, %scan3A_90 : i32
      %scan3A_92 = arith.constant 1 : i32
      scf.for %scan3A_94 = %scan3A_89 to %scan3A_91 step %scan3A_92  : i32 {
        %mul3A_95 = arith.constant 128 : i32
        %mul3A_96 = arith.muli %scan3A_94, %mul3A_95 : i32
        %add3A_97 = arith.constant 0 : i32
        %add3A_98 = arith.addi %mul3A_96, %add3A_97 : i32
        %get3A = arith.index_cast %add3A_98 : i32 to index
        %get3A_99 = tpu.vector_load %arg8[%get3A] {strides = array<i32>} : memref<16768xi32, #tpu.memory_space<vmem>>, vector<16xi32>,
        %get3A_100 = arith.index_cast %add3A_98 : i32 to index
        %get3A_101 = tpu.vector_load %arg9[%get3A_100] {strides = array<i32>} : memref<16768xi32, #tpu.memory_space<vmem>>, vector<16xi32>,
        %max3A = arith.maxsi %get3A_99, %get3A_101 : vector<16xi32>
        %swap3A = arith.index_cast %add3A_98 : i32 to index
        %swap3A_102 = tpu.vector_load %arg8[%swap3A] {strides = array<i32>} : memref<16768xi32, #tpu.memory_space<vmem>>, vector<16xi32>,
        tpu.vector_store %arg8[%swap3A], %max3A {strides = array<i32>} : memref<16768xi32, #tpu.memory_space<vmem>>, vector<16xi32>,
        %mul3A_103 = arith.constant 128 : i32
        %mul3A_104 = arith.muli %scan3A_94, %mul3A_103 : i32
        %add3A_105 = arith.constant 16 : i32
        %add3A_106 = arith.addi %mul3A_104, %add3A_105 : i32
        %get3A_107 = arith.index_cast %add3A_106 : i32 to index
        %get3A_108 = tpu.vector_load %arg8[%get3A_107] {strides = array<i32>} : memref<16768xi32, #tpu.memory_space<vmem>>, vector<16xi32>,
        %get3A_109 = arith.index_cast %add3A_106 : i32 to index
        %get3A_110 = tpu.vector_load %arg9[%get3A_109] {strides = array<i32>} : memref<16768xi32, #tpu.memory_space<vmem>>, vector<16xi32>,
        %max3A_111 = arith.maxsi %get3A_108, %get3A_110 : vector<16xi32>
        %swap3A_112 = arith.index_cast %add3A_106 : i32 to index
        %swap3A_113 = tpu.vector_load %arg8[%swap3A_112] {strides = array<i32>} : memref<16768xi32, #tpu.memory_space<vmem>>, vector<16xi32>,
        tpu.vector_store %arg8[%swap3A_112], %max3A_111 {strides = array<i32>} : memref<16768xi32, #tpu.memory_space<vmem>>, vector<16xi32>,
        %mul3A_114 = arith.constant 128 : i32
        %mul3A_115 = arith.muli %scan3A_94, %mul3A_114 : i32
        %add3A_116 = arith.constant 32 : i32
        %add3A_117 = arith.addi %mul3A_115, %add3A_116 : i32
        %get3A_118 = arith.index_cast %add3A_117 : i32 to index
        %get3A_119 = tpu.vector_load %arg8[%get3A_118] {strides = array<i32>} : memref<16768xi32, #tpu.memory_space<vmem>>, vector<16xi32>,
        %get3A_120 = arith.index_cast %add3A_117 : i32 to index
        %get3A_121 = tpu.vector_load %arg9[%get3A_120] {strides = array<i32>} : memref<16768xi32, #tpu.memory_space<vmem>>, vector<16xi32>,
        %max3A_122 = arith.maxsi %get3A_119, %get3A_121 : vector<16xi32>
        %swap3A_123 = arith.index_cast %add3A_117 : i32 to index
        %swap3A_124 = tpu.vector_load %arg8[%swap3A_123] {strides = array<i32>} : memref<16768xi32, #tpu.memory_space<vmem>>, vector<16xi32>,
        tpu.vector_store %arg8[%swap3A_123], %max3A_122 {strides = array<i32>} : memref<16768xi32, #tpu.memory_space<vmem>>, vector<16xi32>,
        %mul3A_125 = arith.constant 128 : i32
        %mul3A_126 = arith.muli %scan3A_94, %mul3A_125 : i32
        %add3A_127 = arith.constant 48 : i32
        %add3A_128 = arith.addi %mul3A_126, %add3A_127 : i32
        %get3A_129 = arith.index_cast %add3A_128 : i32 to index
        %get3A_130 = tpu.vector_load %arg8[%get3A_129] {strides = array<i32>} : memref<16768xi32, #tpu.memory_space<vmem>>, vector<16xi32>,
        %get3A_131 = arith.index_cast %add3A_128 : i32 to index
        %get3A_132 = tpu.vector_load %arg9[%get3A_131] {strides = array<i32>} : memref<16768xi32, #tpu.memory_space<vmem>>, vector<16xi32>,
        %max3A_133 = arith.maxsi %get3A_130, %get3A_132 : vector<16xi32>
        %swap3A_134 = arith.index_cast %add3A_128 : i32 to index
        %swap3A_135 = tpu.vector_load %arg8[%swap3A_134] {strides = array<i32>} : memref<16768xi32, #tpu.memory_space<vmem>>, vector<16xi32>,
        tpu.vector_store %arg8[%swap3A_134], %max3A_133 {strides = array<i32>} : memref<16768xi32, #tpu.memory_space<vmem>>, vector<16xi32>,
        %mul3A_136 = arith.constant 128 : i32
        %mul3A_137 = arith.muli %scan3A_94, %mul3A_136 : i32
        %add3A_138 = arith.constant 64 : i32
        %add3A_139 = arith.addi %mul3A_137, %add3A_138 : i32
        %get3A_140 = arith.index_cast %add3A_139 : i32 to index
        %get3A_141 = tpu.vector_load %arg8[%get3A_140] {strides = array<i32>} : memref<16768xi32, #tpu.memory_space<vmem>>, vector<16xi32>,
        %get3A_142 = arith.index_cast %add3A_139 : i32 to index
        %get3A_143 = tpu.vector_load %arg9[%get3A_142] {strides = array<i32>} : memref<16768xi32, #tpu.memory_space<vmem>>, vector<16xi32>,
        %max3A_144 = arith.maxsi %get3A_141, %get3A_143 : vector<16xi32>
        %swap3A_145 = arith.index_cast %add3A_139 : i32 to index
        %swap3A_146 = tpu.vector_load %arg8[%swap3A_145] {strides = array<i32>} : memref<16768xi32, #tpu.memory_space<vmem>>, vector<16xi32>,
        tpu.vector_store %arg8[%swap3A_145], %max3A_144 {strides = array<i32>} : memref<16768xi32, #tpu.memory_space<vmem>>, vector<16xi32>,
        %mul3A_147 = arith.constant 128 : i32
        %mul3A_148 = arith.muli %scan3A_94, %mul3A_147 : i32
        %add3A_149 = arith.constant 80 : i32
        %add3A_150 = arith.addi %mul3A_148, %add3A_149 : i32
        %get3A_151 = arith.index_cast %add3A_150 : i32 to index
        %get3A_152 = tpu.vector_load %arg8[%get3A_151] {strides = array<i32>} : memref<16768xi32, #tpu.memory_space<vmem>>, vector<16xi32>,
        %get3A_153 = arith.index_cast %add3A_150 : i32 to index
        %get3A_154 = tpu.vector_load %arg9[%get3A_153] {strides = array<i32>} : memref<16768xi32, #tpu.memory_space<vmem>>, vector<16xi32>,
        %max3A_155 = arith.maxsi %get3A_152, %get3A_154 : vector<16xi32>
        %swap3A_156 = arith.index_cast %add3A_150 : i32 to index
        %swap3A_157 = tpu.vector_load %arg8[%swap3A_156] {strides = array<i32>} : memref<16768xi32, #tpu.memory_space<vmem>>, vector<16xi32>,
        tpu.vector_store %arg8[%swap3A_156], %max3A_155 {strides = array<i32>} : memref<16768xi32, #tpu.memory_space<vmem>>, vector<16xi32>,
        %mul3A_158 = arith.constant 128 : i32
        %mul3A_159 = arith.muli %scan3A_94, %mul3A_158 : i32
        %add3A_160 = arith.constant 96 : i32
        %add3A_161 = arith.addi %mul3A_159, %add3A_160 : i32
        %get3A_162 = arith.index_cast %add3A_161 : i32 to index
        %get3A_163 = tpu.vector_load %arg8[%get3A_162] {strides = array<i32>} : memref<16768xi32, #tpu.memory_space<vmem>>, vector<16xi32>,
        %get3A_164 = arith.index_cast %add3A_161 : i32 to index
        %get3A_165 = tpu.vector_load %arg9[%get3A_164] {strides = array<i32>} : memref<16768xi32, #tpu.memory_space<vmem>>, vector<16xi32>,
        %max3A_166 = arith.maxsi %get3A_163, %get3A_165 : vector<16xi32>
        %swap3A_167 = arith.index_cast %add3A_161 : i32 to index
        %swap3A_168 = tpu.vector_load %arg8[%swap3A_167] {strides = array<i32>} : memref<16768xi32, #tpu.memory_space<vmem>>, vector<16xi32>,
        tpu.vector_store %arg8[%swap3A_167], %max3A_166 {strides = array<i32>} : memref<16768xi32, #tpu.memory_space<vmem>>, vector<16xi32>,
        %mul3A_169 = arith.constant 128 : i32
        %mul3A_170 = arith.muli %scan3A_94, %mul3A_169 : i32
        %add3A_171 = arith.constant 112 : i32
        %add3A_172 = arith.addi %mul3A_170, %add3A_171 : i32
        %get3A_173 = arith.index_cast %add3A_172 : i32 to index
        %get3A_174 = tpu.vector_load %arg8[%get3A_173] {strides = array<i32>} : memref<16768xi32, #tpu.memory_space<vmem>>, vector<16xi32>,
        %get3A_175 = arith.index_cast %add3A_172 : i32 to index
        %get3A_176 = tpu.vector_load %arg9[%get3A_175] {strides = array<i32>} : memref<16768xi32, #tpu.memory_space<vmem>>, vector<16xi32>,
        %max3A_177 = arith.maxsi %get3A_174, %get3A_176 : vector<16xi32>
        %swap3A_178 = arith.index_cast %add3A_172 : i32 to index
        %swap3A_179 = tpu.vector_load %arg8[%swap3A_178] {strides = array<i32>} : memref<16768xi32, #tpu.memory_space<vmem>>, vector<16xi32>,
        tpu.vector_store %arg8[%swap3A_178], %max3A_177 {strides = array<i32>} : memref<16768xi32, #tpu.memory_space<vmem>>, vector<16xi32>,
      }
      %scan3A_93 = arith.constant 131 : i32
    } else {
    }
    %add3A_56 = arith.constant 4 : i32
    %add3A_57 = arith.addi %mul3A_33, %add3A_56 : i32
    %ne3A_58 = arith.cmpi ne, %add3A_57, %arg1 : i32
    %convert_element_type3A_59 = arith.extui %ne3A_58 : i1 to i32
    %cond3A_60 = arith.constant 0 : i32
    %cond3A_61 = arith.cmpi ne, %convert_element_type3A_59, %cond3A_60 : i32
    scf.if %cond3A_61 {
      %add3A_86 = arith.constant 4 : i32
      %add3A_87 = arith.addi %mul3A_33, %add3A_86 : i32
      "tpu.region"() ({
        %run_scoped3A = tpu.sem_alloc : memref<!tpu.dma_semaphore, #tpu.memory_space<semaphore_mem>>
        %dma_start3A = arith.constant 0 : i32
        %dma_start3A_94 = tpu.memref_slice %arg10[%add3A_87, %dma_start3A] : memref<16x16768xi32, #tpu.memory_space<vmem_shared>> -> memref<1x16768xi32, #tpu.memory_space<vmem_shared>>
        %dma_start3A_95 = tpu.memref_squeeze %dma_start3A_94 : memref<1x16768xi32, #tpu.memory_space<vmem_shared>> -> memref<16768xi32, #tpu.memory_space<vmem_shared>>
        %dma_start3A_96 = arith.constant 0 : i32
        %dma_start3A_97 = tpu.memref_slice %arg10[%add3A_87, %dma_start3A_96] : memref<16x16768xi32, #tpu.memory_space<vmem_shared>> -> memref<1x16768xi32, #tpu.memory_space<vmem_shared>>
        %dma_start3A_98 = tpu.memref_squeeze %dma_start3A_97 : memref<1x16768xi32, #tpu.memory_space<vmem_shared>> -> memref<16768xi32, #tpu.memory_space<vmem_shared>>
        tpu.enqueue_dma source(%dma_start3A_98 : memref<16768xi32, #tpu.memory_space<vmem_shared>>) target(%arg9 : memref<16768xi32, #tpu.memory_space<vmem>>) target_semaphore(%run_scoped3A : memref<!tpu.dma_semaphore, #tpu.memory_space<semaphore_mem>>)
        %dma_wait3A = arith.constant 0 : i32
        %dma_wait3A_99 = tpu.memref_slice %arg10[%add3A_87, %dma_wait3A] : memref<16x16768xi32, #tpu.memory_space<vmem_shared>> -> memref<1x16768xi32, #tpu.memory_space<vmem_shared>>
        %dma_wait3A_100 = tpu.memref_squeeze %dma_wait3A_99 : memref<1x16768xi32, #tpu.memory_space<vmem_shared>> -> memref<16768xi32, #tpu.memory_space<vmem_shared>>
        %dma_wait3A_101 = arith.constant 0 : i32
        %dma_wait3A_102 = tpu.memref_slice %arg10[%add3A_87, %dma_wait3A_101] : memref<16x16768xi32, #tpu.memory_space<vmem_shared>> -> memref<1x16768xi32, #tpu.memory_space<vmem_shared>>
        %dma_wait3A_103 = tpu.memref_squeeze %dma_wait3A_102 : memref<1x16768xi32, #tpu.memory_space<vmem_shared>> -> memref<16768xi32, #tpu.memory_space<vmem_shared>>
        tpu.wait_dma2 semaphore(%run_scoped3A : memref<!tpu.dma_semaphore, #tpu.memory_space<semaphore_mem>>) src(%dma_wait3A_103 : memref<16768xi32, #tpu.memory_space<vmem_shared>>) dst(%arg9 : memref<16768xi32, #tpu.memory_space<vmem>>)
        tpu.yield
      }) : () -> ()
      %scan3A_88 = arith.constant 0 : i32
      %scan3A_89 = arith.constant 0 : i32
      %scan3A_90 = arith.constant 131 : i32
      %scan3A_91 = arith.addi %scan3A_89, %scan3A_90 : i32
      %scan3A_92 = arith.constant 1 : i32
      scf.for %scan3A_94 = %scan3A_89 to %scan3A_91 step %scan3A_92  : i32 {
        %mul3A_95 = arith.constant 128 : i32
        %mul3A_96 = arith.muli %scan3A_94, %mul3A_95 : i32
        %add3A_97 = arith.constant 0 : i32
        %add3A_98 = arith.addi %mul3A_96, %add3A_97 : i32
        %get3A = arith.index_cast %add3A_98 : i32 to index
        %get3A_99 = tpu.vector_load %arg8[%get3A] {strides = array<i32>} : memref<16768xi32, #tpu.memory_space<vmem>>, vector<16xi32>,
        %get3A_100 = arith.index_cast %add3A_98 : i32 to index
        %get3A_101 = tpu.vector_load %arg9[%get3A_100] {strides = array<i32>} : memref<16768xi32, #tpu.memory_space<vmem>>, vector<16xi32>,
        %max3A = arith.maxsi %get3A_99, %get3A_101 : vector<16xi32>
        %swap3A = arith.index_cast %add3A_98 : i32 to index
        %swap3A_102 = tpu.vector_load %arg8[%swap3A] {strides = array<i32>} : memref<16768xi32, #tpu.memory_space<vmem>>, vector<16xi32>,
        tpu.vector_store %arg8[%swap3A], %max3A {strides = array<i32>} : memref<16768xi32, #tpu.memory_space<vmem>>, vector<16xi32>,
        %mul3A_103 = arith.constant 128 : i32
        %mul3A_104 = arith.muli %scan3A_94, %mul3A_103 : i32
        %add3A_105 = arith.constant 16 : i32
        %add3A_106 = arith.addi %mul3A_104, %add3A_105 : i32
        %get3A_107 = arith.index_cast %add3A_106 : i32 to index
        %get3A_108 = tpu.vector_load %arg8[%get3A_107] {strides = array<i32>} : memref<16768xi32, #tpu.memory_space<vmem>>, vector<16xi32>,
        %get3A_109 = arith.index_cast %add3A_106 : i32 to index
        %get3A_110 = tpu.vector_load %arg9[%get3A_109] {strides = array<i32>} : memref<16768xi32, #tpu.memory_space<vmem>>, vector<16xi32>,
        %max3A_111 = arith.maxsi %get3A_108, %get3A_110 : vector<16xi32>
        %swap3A_112 = arith.index_cast %add3A_106 : i32 to index
        %swap3A_113 = tpu.vector_load %arg8[%swap3A_112] {strides = array<i32>} : memref<16768xi32, #tpu.memory_space<vmem>>, vector<16xi32>,
        tpu.vector_store %arg8[%swap3A_112], %max3A_111 {strides = array<i32>} : memref<16768xi32, #tpu.memory_space<vmem>>, vector<16xi32>,
        %mul3A_114 = arith.constant 128 : i32
        %mul3A_115 = arith.muli %scan3A_94, %mul3A_114 : i32
        %add3A_116 = arith.constant 32 : i32
        %add3A_117 = arith.addi %mul3A_115, %add3A_116 : i32
        %get3A_118 = arith.index_cast %add3A_117 : i32 to index
        %get3A_119 = tpu.vector_load %arg8[%get3A_118] {strides = array<i32>} : memref<16768xi32, #tpu.memory_space<vmem>>, vector<16xi32>,
        %get3A_120 = arith.index_cast %add3A_117 : i32 to index
        %get3A_121 = tpu.vector_load %arg9[%get3A_120] {strides = array<i32>} : memref<16768xi32, #tpu.memory_space<vmem>>, vector<16xi32>,
        %max3A_122 = arith.maxsi %get3A_119, %get3A_121 : vector<16xi32>
        %swap3A_123 = arith.index_cast %add3A_117 : i32 to index
        %swap3A_124 = tpu.vector_load %arg8[%swap3A_123] {strides = array<i32>} : memref<16768xi32, #tpu.memory_space<vmem>>, vector<16xi32>,
        tpu.vector_store %arg8[%swap3A_123], %max3A_122 {strides = array<i32>} : memref<16768xi32, #tpu.memory_space<vmem>>, vector<16xi32>,
        %mul3A_125 = arith.constant 128 : i32
        %mul3A_126 = arith.muli %scan3A_94, %mul3A_125 : i32
        %add3A_127 = arith.constant 48 : i32
        %add3A_128 = arith.addi %mul3A_126, %add3A_127 : i32
        %get3A_129 = arith.index_cast %add3A_128 : i32 to index
        %get3A_130 = tpu.vector_load %arg8[%get3A_129] {strides = array<i32>} : memref<16768xi32, #tpu.memory_space<vmem>>, vector<16xi32>,
        %get3A_131 = arith.index_cast %add3A_128 : i32 to index
        %get3A_132 = tpu.vector_load %arg9[%get3A_131] {strides = array<i32>} : memref<16768xi32, #tpu.memory_space<vmem>>, vector<16xi32>,
        %max3A_133 = arith.maxsi %get3A_130, %get3A_132 : vector<16xi32>
        %swap3A_134 = arith.index_cast %add3A_128 : i32 to index
        %swap3A_135 = tpu.vector_load %arg8[%swap3A_134] {strides = array<i32>} : memref<16768xi32, #tpu.memory_space<vmem>>, vector<16xi32>,
        tpu.vector_store %arg8[%swap3A_134], %max3A_133 {strides = array<i32>} : memref<16768xi32, #tpu.memory_space<vmem>>, vector<16xi32>,
        %mul3A_136 = arith.constant 128 : i32
        %mul3A_137 = arith.muli %scan3A_94, %mul3A_136 : i32
        %add3A_138 = arith.constant 64 : i32
        %add3A_139 = arith.addi %mul3A_137, %add3A_138 : i32
        %get3A_140 = arith.index_cast %add3A_139 : i32 to index
        %get3A_141 = tpu.vector_load %arg8[%get3A_140] {strides = array<i32>} : memref<16768xi32, #tpu.memory_space<vmem>>, vector<16xi32>,
        %get3A_142 = arith.index_cast %add3A_139 : i32 to index
        %get3A_143 = tpu.vector_load %arg9[%get3A_142] {strides = array<i32>} : memref<16768xi32, #tpu.memory_space<vmem>>, vector<16xi32>,
        %max3A_144 = arith.maxsi %get3A_141, %get3A_143 : vector<16xi32>
        %swap3A_145 = arith.index_cast %add3A_139 : i32 to index
        %swap3A_146 = tpu.vector_load %arg8[%swap3A_145] {strides = array<i32>} : memref<16768xi32, #tpu.memory_space<vmem>>, vector<16xi32>,
        tpu.vector_store %arg8[%swap3A_145], %max3A_144 {strides = array<i32>} : memref<16768xi32, #tpu.memory_space<vmem>>, vector<16xi32>,
        %mul3A_147 = arith.constant 128 : i32
        %mul3A_148 = arith.muli %scan3A_94, %mul3A_147 : i32
        %add3A_149 = arith.constant 80 : i32
        %add3A_150 = arith.addi %mul3A_148, %add3A_149 : i32
        %get3A_151 = arith.index_cast %add3A_150 : i32 to index
        %get3A_152 = tpu.vector_load %arg8[%get3A_151] {strides = array<i32>} : memref<16768xi32, #tpu.memory_space<vmem>>, vector<16xi32>,
        %get3A_153 = arith.index_cast %add3A_150 : i32 to index
        %get3A_154 = tpu.vector_load %arg9[%get3A_153] {strides = array<i32>} : memref<16768xi32, #tpu.memory_space<vmem>>, vector<16xi32>,
        %max3A_155 = arith.maxsi %get3A_152, %get3A_154 : vector<16xi32>
        %swap3A_156 = arith.index_cast %add3A_150 : i32 to index
        %swap3A_157 = tpu.vector_load %arg8[%swap3A_156] {strides = array<i32>} : memref<16768xi32, #tpu.memory_space<vmem>>, vector<16xi32>,
        tpu.vector_store %arg8[%swap3A_156], %max3A_155 {strides = array<i32>} : memref<16768xi32, #tpu.memory_space<vmem>>, vector<16xi32>,
        %mul3A_158 = arith.constant 128 : i32
        %mul3A_159 = arith.muli %scan3A_94, %mul3A_158 : i32
        %add3A_160 = arith.constant 96 : i32
        %add3A_161 = arith.addi %mul3A_159, %add3A_160 : i32
        %get3A_162 = arith.index_cast %add3A_161 : i32 to index
        %get3A_163 = tpu.vector_load %arg8[%get3A_162] {strides = array<i32>} : memref<16768xi32, #tpu.memory_space<vmem>>, vector<16xi32>,
        %get3A_164 = arith.index_cast %add3A_161 : i32 to index
        %get3A_165 = tpu.vector_load %arg9[%get3A_164] {strides = array<i32>} : memref<16768xi32, #tpu.memory_space<vmem>>, vector<16xi32>,
        %max3A_166 = arith.maxsi %get3A_163, %get3A_165 : vector<16xi32>
        %swap3A_167 = arith.index_cast %add3A_161 : i32 to index
        %swap3A_168 = tpu.vector_load %arg8[%swap3A_167] {strides = array<i32>} : memref<16768xi32, #tpu.memory_space<vmem>>, vector<16xi32>,
        tpu.vector_store %arg8[%swap3A_167], %max3A_166 {strides = array<i32>} : memref<16768xi32, #tpu.memory_space<vmem>>, vector<16xi32>,
        %mul3A_169 = arith.constant 128 : i32
        %mul3A_170 = arith.muli %scan3A_94, %mul3A_169 : i32
        %add3A_171 = arith.constant 112 : i32
        %add3A_172 = arith.addi %mul3A_170, %add3A_171 : i32
        %get3A_173 = arith.index_cast %add3A_172 : i32 to index
        %get3A_174 = tpu.vector_load %arg8[%get3A_173] {strides = array<i32>} : memref<16768xi32, #tpu.memory_space<vmem>>, vector<16xi32>,
        %get3A_175 = arith.index_cast %add3A_172 : i32 to index
        %get3A_176 = tpu.vector_load %arg9[%get3A_175] {strides = array<i32>} : memref<16768xi32, #tpu.memory_space<vmem>>, vector<16xi32>,
        %max3A_177 = arith.maxsi %get3A_174, %get3A_176 : vector<16xi32>
        %swap3A_178 = arith.index_cast %add3A_172 : i32 to index
        %swap3A_179 = tpu.vector_load %arg8[%swap3A_178] {strides = array<i32>} : memref<16768xi32, #tpu.memory_space<vmem>>, vector<16xi32>,
        tpu.vector_store %arg8[%swap3A_178], %max3A_177 {strides = array<i32>} : memref<16768xi32, #tpu.memory_space<vmem>>, vector<16xi32>,
      }
      %scan3A_93 = arith.constant 131 : i32
    } else {
    }
    %add3A_62 = arith.constant 5 : i32
    %add3A_63 = arith.addi %mul3A_33, %add3A_62 : i32
    %ne3A_64 = arith.cmpi ne, %add3A_63, %arg1 : i32
    %convert_element_type3A_65 = arith.extui %ne3A_64 : i1 to i32
    %cond3A_66 = arith.constant 0 : i32
    %cond3A_67 = arith.cmpi ne, %convert_element_type3A_65, %cond3A_66 : i32
    scf.if %cond3A_67 {
      %add3A_86 = arith.constant 5 : i32
      %add3A_87 = arith.addi %mul3A_33, %add3A_86 : i32
      "tpu.region"() ({
        %run_scoped3A = tpu.sem_alloc : memref<!tpu.dma_semaphore, #tpu.memory_space<semaphore_mem>>
        %dma_start3A = arith.constant 0 : i32
        %dma_start3A_94 = tpu.memref_slice %arg10[%add3A_87, %dma_start3A] : memref<16x16768xi32, #tpu.memory_space<vmem_shared>> -> memref<1x16768xi32, #tpu.memory_space<vmem_shared>>
        %dma_start3A_95 = tpu.memref_squeeze %dma_start3A_94 : memref<1x16768xi32, #tpu.memory_space<vmem_shared>> -> memref<16768xi32, #tpu.memory_space<vmem_shared>>
        %dma_start3A_96 = arith.constant 0 : i32
        %dma_start3A_97 = tpu.memref_slice %arg10[%add3A_87, %dma_start3A_96] : memref<16x16768xi32, #tpu.memory_space<vmem_shared>> -> memref<1x16768xi32, #tpu.memory_space<vmem_shared>>
        %dma_start3A_98 = tpu.memref_squeeze %dma_start3A_97 : memref<1x16768xi32, #tpu.memory_space<vmem_shared>> -> memref<16768xi32, #tpu.memory_space<vmem_shared>>
        tpu.enqueue_dma source(%dma_start3A_98 : memref<16768xi32, #tpu.memory_space<vmem_shared>>) target(%arg9 : memref<16768xi32, #tpu.memory_space<vmem>>) target_semaphore(%run_scoped3A : memref<!tpu.dma_semaphore, #tpu.memory_space<semaphore_mem>>)
        %dma_wait3A = arith.constant 0 : i32
        %dma_wait3A_99 = tpu.memref_slice %arg10[%add3A_87, %dma_wait3A] : memref<16x16768xi32, #tpu.memory_space<vmem_shared>> -> memref<1x16768xi32, #tpu.memory_space<vmem_shared>>
        %dma_wait3A_100 = tpu.memref_squeeze %dma_wait3A_99 : memref<1x16768xi32, #tpu.memory_space<vmem_shared>> -> memref<16768xi32, #tpu.memory_space<vmem_shared>>
        %dma_wait3A_101 = arith.constant 0 : i32
        %dma_wait3A_102 = tpu.memref_slice %arg10[%add3A_87, %dma_wait3A_101] : memref<16x16768xi32, #tpu.memory_space<vmem_shared>> -> memref<1x16768xi32, #tpu.memory_space<vmem_shared>>
        %dma_wait3A_103 = tpu.memref_squeeze %dma_wait3A_102 : memref<1x16768xi32, #tpu.memory_space<vmem_shared>> -> memref<16768xi32, #tpu.memory_space<vmem_shared>>
        tpu.wait_dma2 semaphore(%run_scoped3A : memref<!tpu.dma_semaphore, #tpu.memory_space<semaphore_mem>>) src(%dma_wait3A_103 : memref<16768xi32, #tpu.memory_space<vmem_shared>>) dst(%arg9 : memref<16768xi32, #tpu.memory_space<vmem>>)
        tpu.yield
      }) : () -> ()
      %scan3A_88 = arith.constant 0 : i32
      %scan3A_89 = arith.constant 0 : i32
      %scan3A_90 = arith.constant 131 : i32
      %scan3A_91 = arith.addi %scan3A_89, %scan3A_90 : i32
      %scan3A_92 = arith.constant 1 : i32
      scf.for %scan3A_94 = %scan3A_89 to %scan3A_91 step %scan3A_92  : i32 {
        %mul3A_95 = arith.constant 128 : i32
        %mul3A_96 = arith.muli %scan3A_94, %mul3A_95 : i32
        %add3A_97 = arith.constant 0 : i32
        %add3A_98 = arith.addi %mul3A_96, %add3A_97 : i32
        %get3A = arith.index_cast %add3A_98 : i32 to index
        %get3A_99 = tpu.vector_load %arg8[%get3A] {strides = array<i32>} : memref<16768xi32, #tpu.memory_space<vmem>>, vector<16xi32>,
        %get3A_100 = arith.index_cast %add3A_98 : i32 to index
        %get3A_101 = tpu.vector_load %arg9[%get3A_100] {strides = array<i32>} : memref<16768xi32, #tpu.memory_space<vmem>>, vector<16xi32>,
        %max3A = arith.maxsi %get3A_99, %get3A_101 : vector<16xi32>
        %swap3A = arith.index_cast %add3A_98 : i32 to index
        %swap3A_102 = tpu.vector_load %arg8[%swap3A] {strides = array<i32>} : memref<16768xi32, #tpu.memory_space<vmem>>, vector<16xi32>,
        tpu.vector_store %arg8[%swap3A], %max3A {strides = array<i32>} : memref<16768xi32, #tpu.memory_space<vmem>>, vector<16xi32>,
        %mul3A_103 = arith.constant 128 : i32
        %mul3A_104 = arith.muli %scan3A_94, %mul3A_103 : i32
        %add3A_105 = arith.constant 16 : i32
        %add3A_106 = arith.addi %mul3A_104, %add3A_105 : i32
        %get3A_107 = arith.index_cast %add3A_106 : i32 to index
        %get3A_108 = tpu.vector_load %arg8[%get3A_107] {strides = array<i32>} : memref<16768xi32, #tpu.memory_space<vmem>>, vector<16xi32>,
        %get3A_109 = arith.index_cast %add3A_106 : i32 to index
        %get3A_110 = tpu.vector_load %arg9[%get3A_109] {strides = array<i32>} : memref<16768xi32, #tpu.memory_space<vmem>>, vector<16xi32>,
        %max3A_111 = arith.maxsi %get3A_108, %get3A_110 : vector<16xi32>
        %swap3A_112 = arith.index_cast %add3A_106 : i32 to index
        %swap3A_113 = tpu.vector_load %arg8[%swap3A_112] {strides = array<i32>} : memref<16768xi32, #tpu.memory_space<vmem>>, vector<16xi32>,
        tpu.vector_store %arg8[%swap3A_112], %max3A_111 {strides = array<i32>} : memref<16768xi32, #tpu.memory_space<vmem>>, vector<16xi32>,
        %mul3A_114 = arith.constant 128 : i32
        %mul3A_115 = arith.muli %scan3A_94, %mul3A_114 : i32
        %add3A_116 = arith.constant 32 : i32
        %add3A_117 = arith.addi %mul3A_115, %add3A_116 : i32
        %get3A_118 = arith.index_cast %add3A_117 : i32 to index
        %get3A_119 = tpu.vector_load %arg8[%get3A_118] {strides = array<i32>} : memref<16768xi32, #tpu.memory_space<vmem>>, vector<16xi32>,
        %get3A_120 = arith.index_cast %add3A_117 : i32 to index
        %get3A_121 = tpu.vector_load %arg9[%get3A_120] {strides = array<i32>} : memref<16768xi32, #tpu.memory_space<vmem>>, vector<16xi32>,
        %max3A_122 = arith.maxsi %get3A_119, %get3A_121 : vector<16xi32>
        %swap3A_123 = arith.index_cast %add3A_117 : i32 to index
        %swap3A_124 = tpu.vector_load %arg8[%swap3A_123] {strides = array<i32>} : memref<16768xi32, #tpu.memory_space<vmem>>, vector<16xi32>,
        tpu.vector_store %arg8[%swap3A_123], %max3A_122 {strides = array<i32>} : memref<16768xi32, #tpu.memory_space<vmem>>, vector<16xi32>,
        %mul3A_125 = arith.constant 128 : i32
        %mul3A_126 = arith.muli %scan3A_94, %mul3A_125 : i32
        %add3A_127 = arith.constant 48 : i32
        %add3A_128 = arith.addi %mul3A_126, %add3A_127 : i32
        %get3A_129 = arith.index_cast %add3A_128 : i32 to index
        %get3A_130 = tpu.vector_load %arg8[%get3A_129] {strides = array<i32>} : memref<16768xi32, #tpu.memory_space<vmem>>, vector<16xi32>,
        %get3A_131 = arith.index_cast %add3A_128 : i32 to index
        %get3A_132 = tpu.vector_load %arg9[%get3A_131] {strides = array<i32>} : memref<16768xi32, #tpu.memory_space<vmem>>, vector<16xi32>,
        %max3A_133 = arith.maxsi %get3A_130, %get3A_132 : vector<16xi32>
        %swap3A_134 = arith.index_cast %add3A_128 : i32 to index
        %swap3A_135 = tpu.vector_load %arg8[%swap3A_134] {strides = array<i32>} : memref<16768xi32, #tpu.memory_space<vmem>>, vector<16xi32>,
        tpu.vector_store %arg8[%swap3A_134], %max3A_133 {strides = array<i32>} : memref<16768xi32, #tpu.memory_space<vmem>>, vector<16xi32>,
        %mul3A_136 = arith.constant 128 : i32
        %mul3A_137 = arith.muli %scan3A_94, %mul3A_136 : i32
        %add3A_138 = arith.constant 64 : i32
        %add3A_139 = arith.addi %mul3A_137, %add3A_138 : i32
        %get3A_140 = arith.index_cast %add3A_139 : i32 to index
        %get3A_141 = tpu.vector_load %arg8[%get3A_140] {strides = array<i32>} : memref<16768xi32, #tpu.memory_space<vmem>>, vector<16xi32>,
        %get3A_142 = arith.index_cast %add3A_139 : i32 to index
        %get3A_143 = tpu.vector_load %arg9[%get3A_142] {strides = array<i32>} : memref<16768xi32, #tpu.memory_space<vmem>>, vector<16xi32>,
        %max3A_144 = arith.maxsi %get3A_141, %get3A_143 : vector<16xi32>
        %swap3A_145 = arith.index_cast %add3A_139 : i32 to index
        %swap3A_146 = tpu.vector_load %arg8[%swap3A_145] {strides = array<i32>} : memref<16768xi32, #tpu.memory_space<vmem>>, vector<16xi32>,
        tpu.vector_store %arg8[%swap3A_145], %max3A_144 {strides = array<i32>} : memref<16768xi32, #tpu.memory_space<vmem>>, vector<16xi32>,
        %mul3A_147 = arith.constant 128 : i32
        %mul3A_148 = arith.muli %scan3A_94, %mul3A_147 : i32
        %add3A_149 = arith.constant 80 : i32
        %add3A_150 = arith.addi %mul3A_148, %add3A_149 : i32
        %get3A_151 = arith.index_cast %add3A_150 : i32 to index
        %get3A_152 = tpu.vector_load %arg8[%get3A_151] {strides = array<i32>} : memref<16768xi32, #tpu.memory_space<vmem>>, vector<16xi32>,
        %get3A_153 = arith.index_cast %add3A_150 : i32 to index
        %get3A_154 = tpu.vector_load %arg9[%get3A_153] {strides = array<i32>} : memref<16768xi32, #tpu.memory_space<vmem>>, vector<16xi32>,
        %max3A_155 = arith.maxsi %get3A_152, %get3A_154 : vector<16xi32>
        %swap3A_156 = arith.index_cast %add3A_150 : i32 to index
        %swap3A_157 = tpu.vector_load %arg8[%swap3A_156] {strides = array<i32>} : memref<16768xi32, #tpu.memory_space<vmem>>, vector<16xi32>,
        tpu.vector_store %arg8[%swap3A_156], %max3A_155 {strides = array<i32>} : memref<16768xi32, #tpu.memory_space<vmem>>, vector<16xi32>,
        %mul3A_158 = arith.constant 128 : i32
        %mul3A_159 = arith.muli %scan3A_94, %mul3A_158 : i32
        %add3A_160 = arith.constant 96 : i32
        %add3A_161 = arith.addi %mul3A_159, %add3A_160 : i32
        %get3A_162 = arith.index_cast %add3A_161 : i32 to index
        %get3A_163 = tpu.vector_load %arg8[%get3A_162] {strides = array<i32>} : memref<16768xi32, #tpu.memory_space<vmem>>, vector<16xi32>,
        %get3A_164 = arith.index_cast %add3A_161 : i32 to index
        %get3A_165 = tpu.vector_load %arg9[%get3A_164] {strides = array<i32>} : memref<16768xi32, #tpu.memory_space<vmem>>, vector<16xi32>,
        %max3A_166 = arith.maxsi %get3A_163, %get3A_165 : vector<16xi32>
        %swap3A_167 = arith.index_cast %add3A_161 : i32 to index
        %swap3A_168 = tpu.vector_load %arg8[%swap3A_167] {strides = array<i32>} : memref<16768xi32, #tpu.memory_space<vmem>>, vector<16xi32>,
        tpu.vector_store %arg8[%swap3A_167], %max3A_166 {strides = array<i32>} : memref<16768xi32, #tpu.memory_space<vmem>>, vector<16xi32>,
        %mul3A_169 = arith.constant 128 : i32
        %mul3A_170 = arith.muli %scan3A_94, %mul3A_169 : i32
        %add3A_171 = arith.constant 112 : i32
        %add3A_172 = arith.addi %mul3A_170, %add3A_171 : i32
        %get3A_173 = arith.index_cast %add3A_172 : i32 to index
        %get3A_174 = tpu.vector_load %arg8[%get3A_173] {strides = array<i32>} : memref<16768xi32, #tpu.memory_space<vmem>>, vector<16xi32>,
        %get3A_175 = arith.index_cast %add3A_172 : i32 to index
        %get3A_176 = tpu.vector_load %arg9[%get3A_175] {strides = array<i32>} : memref<16768xi32, #tpu.memory_space<vmem>>, vector<16xi32>,
        %max3A_177 = arith.maxsi %get3A_174, %get3A_176 : vector<16xi32>
        %swap3A_178 = arith.index_cast %add3A_172 : i32 to index
        %swap3A_179 = tpu.vector_load %arg8[%swap3A_178] {strides = array<i32>} : memref<16768xi32, #tpu.memory_space<vmem>>, vector<16xi32>,
        tpu.vector_store %arg8[%swap3A_178], %max3A_177 {strides = array<i32>} : memref<16768xi32, #tpu.memory_space<vmem>>, vector<16xi32>,
      }
      %scan3A_93 = arith.constant 131 : i32
    } else {
    }
    %add3A_68 = arith.constant 6 : i32
    %add3A_69 = arith.addi %mul3A_33, %add3A_68 : i32
    %ne3A_70 = arith.cmpi ne, %add3A_69, %arg1 : i32
    %convert_element_type3A_71 = arith.extui %ne3A_70 : i1 to i32
    %cond3A_72 = arith.constant 0 : i32
    %cond3A_73 = arith.cmpi ne, %convert_element_type3A_71, %cond3A_72 : i32
    scf.if %cond3A_73 {
      %add3A_86 = arith.constant 6 : i32
      %add3A_87 = arith.addi %mul3A_33, %add3A_86 : i32
      "tpu.region"() ({
        %run_scoped3A = tpu.sem_alloc : memref<!tpu.dma_semaphore, #tpu.memory_space<semaphore_mem>>
        %dma_start3A = arith.constant 0 : i32
        %dma_start3A_94 = tpu.memref_slice %arg10[%add3A_87, %dma_start3A] : memref<16x16768xi32, #tpu.memory_space<vmem_shared>> -> memref<1x16768xi32, #tpu.memory_space<vmem_shared>>
        %dma_start3A_95 = tpu.memref_squeeze %dma_start3A_94 : memref<1x16768xi32, #tpu.memory_space<vmem_shared>> -> memref<16768xi32, #tpu.memory_space<vmem_shared>>
        %dma_start3A_96 = arith.constant 0 : i32
        %dma_start3A_97 = tpu.memref_slice %arg10[%add3A_87, %dma_start3A_96] : memref<16x16768xi32, #tpu.memory_space<vmem_shared>> -> memref<1x16768xi32, #tpu.memory_space<vmem_shared>>
        %dma_start3A_98 = tpu.memref_squeeze %dma_start3A_97 : memref<1x16768xi32, #tpu.memory_space<vmem_shared>> -> memref<16768xi32, #tpu.memory_space<vmem_shared>>
        tpu.enqueue_dma source(%dma_start3A_98 : memref<16768xi32, #tpu.memory_space<vmem_shared>>) target(%arg9 : memref<16768xi32, #tpu.memory_space<vmem>>) target_semaphore(%run_scoped3A : memref<!tpu.dma_semaphore, #tpu.memory_space<semaphore_mem>>)
        %dma_wait3A = arith.constant 0 : i32
        %dma_wait3A_99 = tpu.memref_slice %arg10[%add3A_87, %dma_wait3A] : memref<16x16768xi32, #tpu.memory_space<vmem_shared>> -> memref<1x16768xi32, #tpu.memory_space<vmem_shared>>
        %dma_wait3A_100 = tpu.memref_squeeze %dma_wait3A_99 : memref<1x16768xi32, #tpu.memory_space<vmem_shared>> -> memref<16768xi32, #tpu.memory_space<vmem_shared>>
        %dma_wait3A_101 = arith.constant 0 : i32
        %dma_wait3A_102 = tpu.memref_slice %arg10[%add3A_87, %dma_wait3A_101] : memref<16x16768xi32, #tpu.memory_space<vmem_shared>> -> memref<1x16768xi32, #tpu.memory_space<vmem_shared>>
        %dma_wait3A_103 = tpu.memref_squeeze %dma_wait3A_102 : memref<1x16768xi32, #tpu.memory_space<vmem_shared>> -> memref<16768xi32, #tpu.memory_space<vmem_shared>>
        tpu.wait_dma2 semaphore(%run_scoped3A : memref<!tpu.dma_semaphore, #tpu.memory_space<semaphore_mem>>) src(%dma_wait3A_103 : memref<16768xi32, #tpu.memory_space<vmem_shared>>) dst(%arg9 : memref<16768xi32, #tpu.memory_space<vmem>>)
        tpu.yield
      }) : () -> ()
      %scan3A_88 = arith.constant 0 : i32
      %scan3A_89 = arith.constant 0 : i32
      %scan3A_90 = arith.constant 131 : i32
      %scan3A_91 = arith.addi %scan3A_89, %scan3A_90 : i32
      %scan3A_92 = arith.constant 1 : i32
      scf.for %scan3A_94 = %scan3A_89 to %scan3A_91 step %scan3A_92  : i32 {
        %mul3A_95 = arith.constant 128 : i32
        %mul3A_96 = arith.muli %scan3A_94, %mul3A_95 : i32
        %add3A_97 = arith.constant 0 : i32
        %add3A_98 = arith.addi %mul3A_96, %add3A_97 : i32
        %get3A = arith.index_cast %add3A_98 : i32 to index
        %get3A_99 = tpu.vector_load %arg8[%get3A] {strides = array<i32>} : memref<16768xi32, #tpu.memory_space<vmem>>, vector<16xi32>,
        %get3A_100 = arith.index_cast %add3A_98 : i32 to index
        %get3A_101 = tpu.vector_load %arg9[%get3A_100] {strides = array<i32>} : memref<16768xi32, #tpu.memory_space<vmem>>, vector<16xi32>,
        %max3A = arith.maxsi %get3A_99, %get3A_101 : vector<16xi32>
        %swap3A = arith.index_cast %add3A_98 : i32 to index
        %swap3A_102 = tpu.vector_load %arg8[%swap3A] {strides = array<i32>} : memref<16768xi32, #tpu.memory_space<vmem>>, vector<16xi32>,
        tpu.vector_store %arg8[%swap3A], %max3A {strides = array<i32>} : memref<16768xi32, #tpu.memory_space<vmem>>, vector<16xi32>,
        %mul3A_103 = arith.constant 128 : i32
        %mul3A_104 = arith.muli %scan3A_94, %mul3A_103 : i32
        %add3A_105 = arith.constant 16 : i32
        %add3A_106 = arith.addi %mul3A_104, %add3A_105 : i32
        %get3A_107 = arith.index_cast %add3A_106 : i32 to index
        %get3A_108 = tpu.vector_load %arg8[%get3A_107] {strides = array<i32>} : memref<16768xi32, #tpu.memory_space<vmem>>, vector<16xi32>,
        %get3A_109 = arith.index_cast %add3A_106 : i32 to index
        %get3A_110 = tpu.vector_load %arg9[%get3A_109] {strides = array<i32>} : memref<16768xi32, #tpu.memory_space<vmem>>, vector<16xi32>,
        %max3A_111 = arith.maxsi %get3A_108, %get3A_110 : vector<16xi32>
        %swap3A_112 = arith.index_cast %add3A_106 : i32 to index
        %swap3A_113 = tpu.vector_load %arg8[%swap3A_112] {strides = array<i32>} : memref<16768xi32, #tpu.memory_space<vmem>>, vector<16xi32>,
        tpu.vector_store %arg8[%swap3A_112], %max3A_111 {strides = array<i32>} : memref<16768xi32, #tpu.memory_space<vmem>>, vector<16xi32>,
        %mul3A_114 = arith.constant 128 : i32
        %mul3A_115 = arith.muli %scan3A_94, %mul3A_114 : i32
        %add3A_116 = arith.constant 32 : i32
        %add3A_117 = arith.addi %mul3A_115, %add3A_116 : i32
        %get3A_118 = arith.index_cast %add3A_117 : i32 to index
        %get3A_119 = tpu.vector_load %arg8[%get3A_118] {strides = array<i32>} : memref<16768xi32, #tpu.memory_space<vmem>>, vector<16xi32>,
        %get3A_120 = arith.index_cast %add3A_117 : i32 to index
        %get3A_121 = tpu.vector_load %arg9[%get3A_120] {strides = array<i32>} : memref<16768xi32, #tpu.memory_space<vmem>>, vector<16xi32>,
        %max3A_122 = arith.maxsi %get3A_119, %get3A_121 : vector<16xi32>
        %swap3A_123 = arith.index_cast %add3A_117 : i32 to index
        %swap3A_124 = tpu.vector_load %arg8[%swap3A_123] {strides = array<i32>} : memref<16768xi32, #tpu.memory_space<vmem>>, vector<16xi32>,
        tpu.vector_store %arg8[%swap3A_123], %max3A_122 {strides = array<i32>} : memref<16768xi32, #tpu.memory_space<vmem>>, vector<16xi32>,
        %mul3A_125 = arith.constant 128 : i32
        %mul3A_126 = arith.muli %scan3A_94, %mul3A_125 : i32
        %add3A_127 = arith.constant 48 : i32
        %add3A_128 = arith.addi %mul3A_126, %add3A_127 : i32
        %get3A_129 = arith.index_cast %add3A_128 : i32 to index
        %get3A_130 = tpu.vector_load %arg8[%get3A_129] {strides = array<i32>} : memref<16768xi32, #tpu.memory_space<vmem>>, vector<16xi32>,
        %get3A_131 = arith.index_cast %add3A_128 : i32 to index
        %get3A_132 = tpu.vector_load %arg9[%get3A_131] {strides = array<i32>} : memref<16768xi32, #tpu.memory_space<vmem>>, vector<16xi32>,
        %max3A_133 = arith.maxsi %get3A_130, %get3A_132 : vector<16xi32>
        %swap3A_134 = arith.index_cast %add3A_128 : i32 to index
        %swap3A_135 = tpu.vector_load %arg8[%swap3A_134] {strides = array<i32>} : memref<16768xi32, #tpu.memory_space<vmem>>, vector<16xi32>,
        tpu.vector_store %arg8[%swap3A_134], %max3A_133 {strides = array<i32>} : memref<16768xi32, #tpu.memory_space<vmem>>, vector<16xi32>,
        %mul3A_136 = arith.constant 128 : i32
        %mul3A_137 = arith.muli %scan3A_94, %mul3A_136 : i32
        %add3A_138 = arith.constant 64 : i32
        %add3A_139 = arith.addi %mul3A_137, %add3A_138 : i32
        %get3A_140 = arith.index_cast %add3A_139 : i32 to index
        %get3A_141 = tpu.vector_load %arg8[%get3A_140] {strides = array<i32>} : memref<16768xi32, #tpu.memory_space<vmem>>, vector<16xi32>,
        %get3A_142 = arith.index_cast %add3A_139 : i32 to index
        %get3A_143 = tpu.vector_load %arg9[%get3A_142] {strides = array<i32>} : memref<16768xi32, #tpu.memory_space<vmem>>, vector<16xi32>,
        %max3A_144 = arith.maxsi %get3A_141, %get3A_143 : vector<16xi32>
        %swap3A_145 = arith.index_cast %add3A_139 : i32 to index
        %swap3A_146 = tpu.vector_load %arg8[%swap3A_145] {strides = array<i32>} : memref<16768xi32, #tpu.memory_space<vmem>>, vector<16xi32>,
        tpu.vector_store %arg8[%swap3A_145], %max3A_144 {strides = array<i32>} : memref<16768xi32, #tpu.memory_space<vmem>>, vector<16xi32>,
        %mul3A_147 = arith.constant 128 : i32
        %mul3A_148 = arith.muli %scan3A_94, %mul3A_147 : i32
        %add3A_149 = arith.constant 80 : i32
        %add3A_150 = arith.addi %mul3A_148, %add3A_149 : i32
        %get3A_151 = arith.index_cast %add3A_150 : i32 to index
        %get3A_152 = tpu.vector_load %arg8[%get3A_151] {strides = array<i32>} : memref<16768xi32, #tpu.memory_space<vmem>>, vector<16xi32>,
        %get3A_153 = arith.index_cast %add3A_150 : i32 to index
        %get3A_154 = tpu.vector_load %arg9[%get3A_153] {strides = array<i32>} : memref<16768xi32, #tpu.memory_space<vmem>>, vector<16xi32>,
        %max3A_155 = arith.maxsi %get3A_152, %get3A_154 : vector<16xi32>
        %swap3A_156 = arith.index_cast %add3A_150 : i32 to index
        %swap3A_157 = tpu.vector_load %arg8[%swap3A_156] {strides = array<i32>} : memref<16768xi32, #tpu.memory_space<vmem>>, vector<16xi32>,
        tpu.vector_store %arg8[%swap3A_156], %max3A_155 {strides = array<i32>} : memref<16768xi32, #tpu.memory_space<vmem>>, vector<16xi32>,
        %mul3A_158 = arith.constant 128 : i32
        %mul3A_159 = arith.muli %scan3A_94, %mul3A_158 : i32
        %add3A_160 = arith.constant 96 : i32
        %add3A_161 = arith.addi %mul3A_159, %add3A_160 : i32
        %get3A_162 = arith.index_cast %add3A_161 : i32 to index
        %get3A_163 = tpu.vector_load %arg8[%get3A_162] {strides = array<i32>} : memref<16768xi32, #tpu.memory_space<vmem>>, vector<16xi32>,
        %get3A_164 = arith.index_cast %add3A_161 : i32 to index
        %get3A_165 = tpu.vector_load %arg9[%get3A_164] {strides = array<i32>} : memref<16768xi32, #tpu.memory_space<vmem>>, vector<16xi32>,
        %max3A_166 = arith.maxsi %get3A_163, %get3A_165 : vector<16xi32>
        %swap3A_167 = arith.index_cast %add3A_161 : i32 to index
        %swap3A_168 = tpu.vector_load %arg8[%swap3A_167] {strides = array<i32>} : memref<16768xi32, #tpu.memory_space<vmem>>, vector<16xi32>,
        tpu.vector_store %arg8[%swap3A_167], %max3A_166 {strides = array<i32>} : memref<16768xi32, #tpu.memory_space<vmem>>, vector<16xi32>,
        %mul3A_169 = arith.constant 128 : i32
        %mul3A_170 = arith.muli %scan3A_94, %mul3A_169 : i32
        %add3A_171 = arith.constant 112 : i32
        %add3A_172 = arith.addi %mul3A_170, %add3A_171 : i32
        %get3A_173 = arith.index_cast %add3A_172 : i32 to index
        %get3A_174 = tpu.vector_load %arg8[%get3A_173] {strides = array<i32>} : memref<16768xi32, #tpu.memory_space<vmem>>, vector<16xi32>,
        %get3A_175 = arith.index_cast %add3A_172 : i32 to index
        %get3A_176 = tpu.vector_load %arg9[%get3A_175] {strides = array<i32>} : memref<16768xi32, #tpu.memory_space<vmem>>, vector<16xi32>,
        %max3A_177 = arith.maxsi %get3A_174, %get3A_176 : vector<16xi32>
        %swap3A_178 = arith.index_cast %add3A_172 : i32 to index
        %swap3A_179 = tpu.vector_load %arg8[%swap3A_178] {strides = array<i32>} : memref<16768xi32, #tpu.memory_space<vmem>>, vector<16xi32>,
        tpu.vector_store %arg8[%swap3A_178], %max3A_177 {strides = array<i32>} : memref<16768xi32, #tpu.memory_space<vmem>>, vector<16xi32>,
      }
      %scan3A_93 = arith.constant 131 : i32
    } else {
    }
    %add3A_74 = arith.constant 7 : i32
    %add3A_75 = arith.addi %mul3A_33, %add3A_74 : i32
    %ne3A_76 = arith.cmpi ne, %add3A_75, %arg1 : i32
    %convert_element_type3A_77 = arith.extui %ne3A_76 : i1 to i32
    %cond3A_78 = arith.constant 0 : i32
    %cond3A_79 = arith.cmpi ne, %convert_element_type3A_77, %cond3A_78 : i32
    scf.if %cond3A_79 {
      %add3A_86 = arith.constant 7 : i32
      %add3A_87 = arith.addi %mul3A_33, %add3A_86 : i32
      "tpu.region"() ({
        %run_scoped3A = tpu.sem_alloc : memref<!tpu.dma_semaphore, #tpu.memory_space<semaphore_mem>>
        %dma_start3A = arith.constant 0 : i32
        %dma_start3A_94 = tpu.memref_slice %arg10[%add3A_87, %dma_start3A] : memref<16x16768xi32, #tpu.memory_space<vmem_shared>> -> memref<1x16768xi32, #tpu.memory_space<vmem_shared>>
        %dma_start3A_95 = tpu.memref_squeeze %dma_start3A_94 : memref<1x16768xi32, #tpu.memory_space<vmem_shared>> -> memref<16768xi32, #tpu.memory_space<vmem_shared>>
        %dma_start3A_96 = arith.constant 0 : i32
        %dma_start3A_97 = tpu.memref_slice %arg10[%add3A_87, %dma_start3A_96] : memref<16x16768xi32, #tpu.memory_space<vmem_shared>> -> memref<1x16768xi32, #tpu.memory_space<vmem_shared>>
        %dma_start3A_98 = tpu.memref_squeeze %dma_start3A_97 : memref<1x16768xi32, #tpu.memory_space<vmem_shared>> -> memref<16768xi32, #tpu.memory_space<vmem_shared>>
        tpu.enqueue_dma source(%dma_start3A_98 : memref<16768xi32, #tpu.memory_space<vmem_shared>>) target(%arg9 : memref<16768xi32, #tpu.memory_space<vmem>>) target_semaphore(%run_scoped3A : memref<!tpu.dma_semaphore, #tpu.memory_space<semaphore_mem>>)
        %dma_wait3A = arith.constant 0 : i32
        %dma_wait3A_99 = tpu.memref_slice %arg10[%add3A_87, %dma_wait3A] : memref<16x16768xi32, #tpu.memory_space<vmem_shared>> -> memref<1x16768xi32, #tpu.memory_space<vmem_shared>>
        %dma_wait3A_100 = tpu.memref_squeeze %dma_wait3A_99 : memref<1x16768xi32, #tpu.memory_space<vmem_shared>> -> memref<16768xi32, #tpu.memory_space<vmem_shared>>
        %dma_wait3A_101 = arith.constant 0 : i32
        %dma_wait3A_102 = tpu.memref_slice %arg10[%add3A_87, %dma_wait3A_101] : memref<16x16768xi32, #tpu.memory_space<vmem_shared>> -> memref<1x16768xi32, #tpu.memory_space<vmem_shared>>
        %dma_wait3A_103 = tpu.memref_squeeze %dma_wait3A_102 : memref<1x16768xi32, #tpu.memory_space<vmem_shared>> -> memref<16768xi32, #tpu.memory_space<vmem_shared>>
        tpu.wait_dma2 semaphore(%run_scoped3A : memref<!tpu.dma_semaphore, #tpu.memory_space<semaphore_mem>>) src(%dma_wait3A_103 : memref<16768xi32, #tpu.memory_space<vmem_shared>>) dst(%arg9 : memref<16768xi32, #tpu.memory_space<vmem>>)
        tpu.yield
      }) : () -> ()
      %scan3A_88 = arith.constant 0 : i32
      %scan3A_89 = arith.constant 0 : i32
      %scan3A_90 = arith.constant 131 : i32
      %scan3A_91 = arith.addi %scan3A_89, %scan3A_90 : i32
      %scan3A_92 = arith.constant 1 : i32
      scf.for %scan3A_94 = %scan3A_89 to %scan3A_91 step %scan3A_92  : i32 {
        %mul3A_95 = arith.constant 128 : i32
        %mul3A_96 = arith.muli %scan3A_94, %mul3A_95 : i32
        %add3A_97 = arith.constant 0 : i32
        %add3A_98 = arith.addi %mul3A_96, %add3A_97 : i32
        %get3A = arith.index_cast %add3A_98 : i32 to index
        %get3A_99 = tpu.vector_load %arg8[%get3A] {strides = array<i32>} : memref<16768xi32, #tpu.memory_space<vmem>>, vector<16xi32>,
        %get3A_100 = arith.index_cast %add3A_98 : i32 to index
        %get3A_101 = tpu.vector_load %arg9[%get3A_100] {strides = array<i32>} : memref<16768xi32, #tpu.memory_space<vmem>>, vector<16xi32>,
        %max3A = arith.maxsi %get3A_99, %get3A_101 : vector<16xi32>
        %swap3A = arith.index_cast %add3A_98 : i32 to index
        %swap3A_102 = tpu.vector_load %arg8[%swap3A] {strides = array<i32>} : memref<16768xi32, #tpu.memory_space<vmem>>, vector<16xi32>,
        tpu.vector_store %arg8[%swap3A], %max3A {strides = array<i32>} : memref<16768xi32, #tpu.memory_space<vmem>>, vector<16xi32>,
        %mul3A_103 = arith.constant 128 : i32
        %mul3A_104 = arith.muli %scan3A_94, %mul3A_103 : i32
        %add3A_105 = arith.constant 16 : i32
        %add3A_106 = arith.addi %mul3A_104, %add3A_105 : i32
        %get3A_107 = arith.index_cast %add3A_106 : i32 to index
        %get3A_108 = tpu.vector_load %arg8[%get3A_107] {strides = array<i32>} : memref<16768xi32, #tpu.memory_space<vmem>>, vector<16xi32>,
        %get3A_109 = arith.index_cast %add3A_106 : i32 to index
        %get3A_110 = tpu.vector_load %arg9[%get3A_109] {strides = array<i32>} : memref<16768xi32, #tpu.memory_space<vmem>>, vector<16xi32>,
        %max3A_111 = arith.maxsi %get3A_108, %get3A_110 : vector<16xi32>
        %swap3A_112 = arith.index_cast %add3A_106 : i32 to index
        %swap3A_113 = tpu.vector_load %arg8[%swap3A_112] {strides = array<i32>} : memref<16768xi32, #tpu.memory_space<vmem>>, vector<16xi32>,
        tpu.vector_store %arg8[%swap3A_112], %max3A_111 {strides = array<i32>} : memref<16768xi32, #tpu.memory_space<vmem>>, vector<16xi32>,
        %mul3A_114 = arith.constant 128 : i32
        %mul3A_115 = arith.muli %scan3A_94, %mul3A_114 : i32
        %add3A_116 = arith.constant 32 : i32
        %add3A_117 = arith.addi %mul3A_115, %add3A_116 : i32
        %get3A_118 = arith.index_cast %add3A_117 : i32 to index
        %get3A_119 = tpu.vector_load %arg8[%get3A_118] {strides = array<i32>} : memref<16768xi32, #tpu.memory_space<vmem>>, vector<16xi32>,
        %get3A_120 = arith.index_cast %add3A_117 : i32 to index
        %get3A_121 = tpu.vector_load %arg9[%get3A_120] {strides = array<i32>} : memref<16768xi32, #tpu.memory_space<vmem>>, vector<16xi32>,
        %max3A_122 = arith.maxsi %get3A_119, %get3A_121 : vector<16xi32>
        %swap3A_123 = arith.index_cast %add3A_117 : i32 to index
        %swap3A_124 = tpu.vector_load %arg8[%swap3A_123] {strides = array<i32>} : memref<16768xi32, #tpu.memory_space<vmem>>, vector<16xi32>,
        tpu.vector_store %arg8[%swap3A_123], %max3A_122 {strides = array<i32>} : memref<16768xi32, #tpu.memory_space<vmem>>, vector<16xi32>,
        %mul3A_125 = arith.constant 128 : i32
        %mul3A_126 = arith.muli %scan3A_94, %mul3A_125 : i32
        %add3A_127 = arith.constant 48 : i32
        %add3A_128 = arith.addi %mul3A_126, %add3A_127 : i32
        %get3A_129 = arith.index_cast %add3A_128 : i32 to index
        %get3A_130 = tpu.vector_load %arg8[%get3A_129] {strides = array<i32>} : memref<16768xi32, #tpu.memory_space<vmem>>, vector<16xi32>,
        %get3A_131 = arith.index_cast %add3A_128 : i32 to index
        %get3A_132 = tpu.vector_load %arg9[%get3A_131] {strides = array<i32>} : memref<16768xi32, #tpu.memory_space<vmem>>, vector<16xi32>,
        %max3A_133 = arith.maxsi %get3A_130, %get3A_132 : vector<16xi32>
        %swap3A_134 = arith.index_cast %add3A_128 : i32 to index
        %swap3A_135 = tpu.vector_load %arg8[%swap3A_134] {strides = array<i32>} : memref<16768xi32, #tpu.memory_space<vmem>>, vector<16xi32>,
        tpu.vector_store %arg8[%swap3A_134], %max3A_133 {strides = array<i32>} : memref<16768xi32, #tpu.memory_space<vmem>>, vector<16xi32>,
        %mul3A_136 = arith.constant 128 : i32
        %mul3A_137 = arith.muli %scan3A_94, %mul3A_136 : i32
        %add3A_138 = arith.constant 64 : i32
        %add3A_139 = arith.addi %mul3A_137, %add3A_138 : i32
        %get3A_140 = arith.index_cast %add3A_139 : i32 to index
        %get3A_141 = tpu.vector_load %arg8[%get3A_140] {strides = array<i32>} : memref<16768xi32, #tpu.memory_space<vmem>>, vector<16xi32>,
        %get3A_142 = arith.index_cast %add3A_139 : i32 to index
        %get3A_143 = tpu.vector_load %arg9[%get3A_142] {strides = array<i32>} : memref<16768xi32, #tpu.memory_space<vmem>>, vector<16xi32>,
        %max3A_144 = arith.maxsi %get3A_141, %get3A_143 : vector<16xi32>
        %swap3A_145 = arith.index_cast %add3A_139 : i32 to index
        %swap3A_146 = tpu.vector_load %arg8[%swap3A_145] {strides = array<i32>} : memref<16768xi32, #tpu.memory_space<vmem>>, vector<16xi32>,
        tpu.vector_store %arg8[%swap3A_145], %max3A_144 {strides = array<i32>} : memref<16768xi32, #tpu.memory_space<vmem>>, vector<16xi32>,
        %mul3A_147 = arith.constant 128 : i32
        %mul3A_148 = arith.muli %scan3A_94, %mul3A_147 : i32
        %add3A_149 = arith.constant 80 : i32
        %add3A_150 = arith.addi %mul3A_148, %add3A_149 : i32
        %get3A_151 = arith.index_cast %add3A_150 : i32 to index
        %get3A_152 = tpu.vector_load %arg8[%get3A_151] {strides = array<i32>} : memref<16768xi32, #tpu.memory_space<vmem>>, vector<16xi32>,
        %get3A_153 = arith.index_cast %add3A_150 : i32 to index
        %get3A_154 = tpu.vector_load %arg9[%get3A_153] {strides = array<i32>} : memref<16768xi32, #tpu.memory_space<vmem>>, vector<16xi32>,
        %max3A_155 = arith.maxsi %get3A_152, %get3A_154 : vector<16xi32>
        %swap3A_156 = arith.index_cast %add3A_150 : i32 to index
        %swap3A_157 = tpu.vector_load %arg8[%swap3A_156] {strides = array<i32>} : memref<16768xi32, #tpu.memory_space<vmem>>, vector<16xi32>,
        tpu.vector_store %arg8[%swap3A_156], %max3A_155 {strides = array<i32>} : memref<16768xi32, #tpu.memory_space<vmem>>, vector<16xi32>,
        %mul3A_158 = arith.constant 128 : i32
        %mul3A_159 = arith.muli %scan3A_94, %mul3A_158 : i32
        %add3A_160 = arith.constant 96 : i32
        %add3A_161 = arith.addi %mul3A_159, %add3A_160 : i32
        %get3A_162 = arith.index_cast %add3A_161 : i32 to index
        %get3A_163 = tpu.vector_load %arg8[%get3A_162] {strides = array<i32>} : memref<16768xi32, #tpu.memory_space<vmem>>, vector<16xi32>,
        %get3A_164 = arith.index_cast %add3A_161 : i32 to index
        %get3A_165 = tpu.vector_load %arg9[%get3A_164] {strides = array<i32>} : memref<16768xi32, #tpu.memory_space<vmem>>, vector<16xi32>,
        %max3A_166 = arith.maxsi %get3A_163, %get3A_165 : vector<16xi32>
        %swap3A_167 = arith.index_cast %add3A_161 : i32 to index
        %swap3A_168 = tpu.vector_load %arg8[%swap3A_167] {strides = array<i32>} : memref<16768xi32, #tpu.memory_space<vmem>>, vector<16xi32>,
        tpu.vector_store %arg8[%swap3A_167], %max3A_166 {strides = array<i32>} : memref<16768xi32, #tpu.memory_space<vmem>>, vector<16xi32>,
        %mul3A_169 = arith.constant 128 : i32
        %mul3A_170 = arith.muli %scan3A_94, %mul3A_169 : i32
        %add3A_171 = arith.constant 112 : i32
        %add3A_172 = arith.addi %mul3A_170, %add3A_171 : i32
        %get3A_173 = arith.index_cast %add3A_172 : i32 to index
        %get3A_174 = tpu.vector_load %arg8[%get3A_173] {strides = array<i32>} : memref<16768xi32, #tpu.memory_space<vmem>>, vector<16xi32>,
        %get3A_175 = arith.index_cast %add3A_172 : i32 to index
        %get3A_176 = tpu.vector_load %arg9[%get3A_175] {strides = array<i32>} : memref<16768xi32, #tpu.memory_space<vmem>>, vector<16xi32>,
        %max3A_177 = arith.maxsi %get3A_174, %get3A_176 : vector<16xi32>
        %swap3A_178 = arith.index_cast %add3A_172 : i32 to index
        %swap3A_179 = tpu.vector_load %arg8[%swap3A_178] {strides = array<i32>} : memref<16768xi32, #tpu.memory_space<vmem>>, vector<16xi32>,
        tpu.vector_store %arg8[%swap3A_178], %max3A_177 {strides = array<i32>} : memref<16768xi32, #tpu.memory_space<vmem>>, vector<16xi32>,
      }
      %scan3A_93 = arith.constant 131 : i32
    } else {
    }
    %scan3A_80 = arith.constant 0 : i32
    %scan3A_81 = arith.constant 0 : i32
    %scan3A_82 = arith.constant 64 : i32
    %scan3A_83 = arith.addi %scan3A_81, %scan3A_82 : i32
    %scan3A_84 = arith.constant 1 : i32
    scf.for %scan3A_86 = %scan3A_81 to %scan3A_83 step %scan3A_84  : i32 {
      %mul3A_87 = arith.constant 16 : i32
      %mul3A_88 = arith.muli %scan3A_86, %mul3A_87 : i32
      %get3A = arith.index_cast %mul3A_88 : i32 to index
      %get3A_89 = tpu.vector_load %arg6[%get3A] {strides = array<i32>} : memref<1024xi32, #tpu.memory_space<vmem>>, vector<16xi32>,
      %get3A_90 = arith.index_cast %mul3A_88 : i32 to index
      %get3A_91 = tpu.vector_load %arg7[%get3A_90] {strides = array<i32>} : memref<1024xi32, #tpu.memory_space<vmem>>, vector<16xi32>,
      %iota3A_92 = tpu.iota {dimensions = array<i32: 0>} : vector<16xi32>
      %mul3A_93 = arith.constant 1024 : i32
      %mul3A_94 = arith.muli %add3A, %mul3A_93 : i32
      %mul3A_95 = arith.constant 16 : i32
      %mul3A_96 = arith.muli %scan3A_86, %mul3A_95 : i32
      %add3A_97 = arith.addi %mul3A_94, %mul3A_96 : i32
      %add3A_98 = vector.broadcast %add3A_97 : i32 to vector<16xi32>
      %add3A_99 = arith.addi %add3A_98, %iota3A_92 : vector<16xi32>
      %and3A_100 = arith.constant 511 : i32
      %and3A_101 = vector.broadcast %and3A_100 : i32 to vector<16xi32>
      %and3A_102 = arith.andi %add3A_99, %and3A_101 : vector<16xi32>
      %add3A_103 = arith.constant 32768 : i32
      %add3A_104 = vector.broadcast %add3A_103 : i32 to vector<16xi32>
      %add3A_105 = arith.addi %add3A_104, %and3A_102 : vector<16xi32>
      %add3A_106 = arith.constant -1 : i32
      %add3A_107 = vector.broadcast %add3A_106 : i32 to vector<16xi32>
      %add3A_108 = arith.addi %get3A_89, %add3A_107 : vector<16xi32>
      %add3A_109 = arith.constant -1 : i32
      %add3A_110 = vector.broadcast %add3A_109 : i32 to vector<16xi32>
      %add3A_111 = arith.addi %get3A_91, %add3A_110 : vector<16xi32>
      %ge3A = arith.constant 0 : i32
      %ge3A_112 = vector.broadcast %ge3A : i32 to vector<16xi32>
      %ge3A_113 = arith.cmpi sge, %add3A_108, %ge3A_112 : vector<16xi32>
      %lt3A = arith.constant 129 : i32
      %lt3A_114 = vector.broadcast %lt3A : i32 to vector<16xi32>
      %lt3A_115 = arith.cmpi slt, %add3A_108, %lt3A_114 : vector<16xi32>
      %and3A_116 = arith.andi %ge3A_113, %lt3A_115 : vector<16xi1>
      %ge3A_117 = arith.constant 0 : i32
      %ge3A_118 = vector.broadcast %ge3A_117 : i32 to vector<16xi32>
      %ge3A_119 = arith.cmpi sge, %add3A_111, %ge3A_118 : vector<16xi32>
      %and3A_120 = arith.andi %and3A_116, %ge3A_119 : vector<16xi1>
      %lt3A_121 = arith.constant 129 : i32
      %lt3A_122 = vector.broadcast %lt3A_121 : i32 to vector<16xi32>
      %lt3A_123 = arith.cmpi slt, %add3A_111, %lt3A_122 : vector<16xi32>
      %and3A_124 = arith.andi %and3A_120, %lt3A_123 : vector<16xi1>
      %jit3A_125 = arith.constant 0 : i32
      %jit3A_126 = arith.constant 128 : i32
      %max3A = vector.broadcast %jit3A_125 : i32 to vector<16xi32>
      %max3A_127 = arith.maxsi %max3A, %add3A_108 : vector<16xi32>
      %min3A = vector.broadcast %jit3A_126 : i32 to vector<16xi32>
      %min3A_128 = arith.minsi %min3A, %max3A_127 : vector<16xi32>
      %mul3A_129 = arith.constant 129 : i32
      %mul3A_130 = vector.broadcast %mul3A_129 : i32 to vector<16xi32>
      %mul3A_131 = arith.muli %min3A_128, %mul3A_130 : vector<16xi32>
      %jit3A_132 = arith.constant 0 : i32
      %jit3A_133 = arith.constant 128 : i32
      %max3A_134 = vector.broadcast %jit3A_132 : i32 to vector<16xi32>
      %max3A_135 = arith.maxsi %max3A_134, %add3A_111 : vector<16xi32>
      %min3A_136 = vector.broadcast %jit3A_133 : i32 to vector<16xi32>
      %min3A_137 = arith.minsi %min3A_136, %max3A_135 : vector<16xi32>
      %add3A_138 = arith.addi %mul3A_131, %min3A_137 : vector<16xi32>
      %gather3A = tpu.vector_load_idx %arg8[%add3A_138] : memref<16768xi32, #tpu.memory_space<vmem>>[vector<16xi32>], vector<16xi32>,
      %ge3A_139 = arith.constant 0 : i32
      %ge3A_140 = vector.broadcast %ge3A_139 : i32 to vector<16xi32>
      %ge3A_141 = arith.cmpi sge, %gather3A, %ge3A_140 : vector<16xi32>
      %and3A_142 = arith.andi %and3A_124, %ge3A_141 : vector<16xi1>
      %add3A_143 = arith.constant 0 : i32
      %add3A_144 = vector.broadcast %add3A_143 : i32 to vector<16xi32>
      %add3A_145 = arith.addi %add3A_144, %gather3A : vector<16xi32>
      %select_n3A_146 = arith.select %and3A_142, %add3A_145, %add3A_105 : vector<16xi1>, vector<16xi32>
      %swap3A = arith.constant 0 : i32
      %swap3A_147 = arith.index_cast %swap3A : i32 to index
      %swap3A_148 = arith.index_cast %mul3A_88 : i32 to index
      %swap3A_149 = tpu.vector_load %arg5[%swap3A_147, %swap3A_148] {strides = array<i32>} : memref<9x1024xi32, #tpu.memory_space<vmem>>, vector<16xi32>,
      tpu.vector_store %arg5[%swap3A_147, %swap3A_148], %select_n3A_146 {strides = array<i32>} : memref<9x1024xi32, #tpu.memory_space<vmem>>, vector<16xi32>,
      %add3A_150 = arith.constant -1 : i32
      %add3A_151 = vector.broadcast %add3A_150 : i32 to vector<16xi32>
      %add3A_152 = arith.addi %get3A_89, %add3A_151 : vector<16xi32>
      %add3A_153 = arith.constant 0 : i32
      %add3A_154 = vector.broadcast %add3A_153 : i32 to vector<16xi32>
      %add3A_155 = arith.addi %get3A_91, %add3A_154 : vector<16xi32>
      %ge3A_156 = arith.constant 0 : i32
      %ge3A_157 = vector.broadcast %ge3A_156 : i32 to vector<16xi32>
      %ge3A_158 = arith.cmpi sge, %add3A_152, %ge3A_157 : vector<16xi32>
      %lt3A_159 = arith.constant 129 : i32
      %lt3A_160 = vector.broadcast %lt3A_159 : i32 to vector<16xi32>
      %lt3A_161 = arith.cmpi slt, %add3A_152, %lt3A_160 : vector<16xi32>
      %and3A_162 = arith.andi %ge3A_158, %lt3A_161 : vector<16xi1>
      %ge3A_163 = arith.constant 0 : i32
      %ge3A_164 = vector.broadcast %ge3A_163 : i32 to vector<16xi32>
      %ge3A_165 = arith.cmpi sge, %add3A_155, %ge3A_164 : vector<16xi32>
      %and3A_166 = arith.andi %and3A_162, %ge3A_165 : vector<16xi1>
      %lt3A_167 = arith.constant 129 : i32
      %lt3A_168 = vector.broadcast %lt3A_167 : i32 to vector<16xi32>
      %lt3A_169 = arith.cmpi slt, %add3A_155, %lt3A_168 : vector<16xi32>
      %and3A_170 = arith.andi %and3A_166, %lt3A_169 : vector<16xi1>
      %jit3A_171 = arith.constant 0 : i32
      %jit3A_172 = arith.constant 128 : i32
      %max3A_173 = vector.broadcast %jit3A_171 : i32 to vector<16xi32>
      %max3A_174 = arith.maxsi %max3A_173, %add3A_152 : vector<16xi32>
      %min3A_175 = vector.broadcast %jit3A_172 : i32 to vector<16xi32>
      %min3A_176 = arith.minsi %min3A_175, %max3A_174 : vector<16xi32>
      %mul3A_177 = arith.constant 129 : i32
      %mul3A_178 = vector.broadcast %mul3A_177 : i32 to vector<16xi32>
      %mul3A_179 = arith.muli %min3A_176, %mul3A_178 : vector<16xi32>
      %jit3A_180 = arith.constant 0 : i32
      %jit3A_181 = arith.constant 128 : i32
      %max3A_182 = vector.broadcast %jit3A_180 : i32 to vector<16xi32>
      %max3A_183 = arith.maxsi %max3A_182, %add3A_155 : vector<16xi32>
      %min3A_184 = vector.broadcast %jit3A_181 : i32 to vector<16xi32>
      %min3A_185 = arith.minsi %min3A_184, %max3A_183 : vector<16xi32>
      %add3A_186 = arith.addi %mul3A_179, %min3A_185 : vector<16xi32>
      %gather3A_187 = tpu.vector_load_idx %arg8[%add3A_186] : memref<16768xi32, #tpu.memory_space<vmem>>[vector<16xi32>], vector<16xi32>,
      %ge3A_188 = arith.constant 0 : i32
      %ge3A_189 = vector.broadcast %ge3A_188 : i32 to vector<16xi32>
      %ge3A_190 = arith.cmpi sge, %gather3A_187, %ge3A_189 : vector<16xi32>
      %and3A_191 = arith.andi %and3A_170, %ge3A_190 : vector<16xi1>
      %add3A_192 = arith.constant 33280 : i32
      %add3A_193 = vector.broadcast %add3A_192 : i32 to vector<16xi32>
      %add3A_194 = arith.addi %add3A_193, %gather3A_187 : vector<16xi32>
      %select_n3A_195 = arith.select %and3A_191, %add3A_194, %add3A_105 : vector<16xi1>, vector<16xi32>
      %swap3A_196 = arith.constant 1 : i32
      %swap3A_197 = arith.index_cast %swap3A_196 : i32 to index
      %swap3A_198 = arith.index_cast %mul3A_88 : i32 to index
      %swap3A_199 = tpu.vector_load %arg5[%swap3A_197, %swap3A_198] {strides = array<i32>} : memref<9x1024xi32, #tpu.memory_space<vmem>>, vector<16xi32>,
      tpu.vector_store %arg5[%swap3A_197, %swap3A_198], %select_n3A_195 {strides = array<i32>} : memref<9x1024xi32, #tpu.memory_space<vmem>>, vector<16xi32>,
      %add3A_200 = arith.constant -1 : i32
      %add3A_201 = vector.broadcast %add3A_200 : i32 to vector<16xi32>
      %add3A_202 = arith.addi %get3A_89, %add3A_201 : vector<16xi32>
      %add3A_203 = arith.constant 1 : i32
      %add3A_204 = vector.broadcast %add3A_203 : i32 to vector<16xi32>
      %add3A_205 = arith.addi %get3A_91, %add3A_204 : vector<16xi32>
      %ge3A_206 = arith.constant 0 : i32
      %ge3A_207 = vector.broadcast %ge3A_206 : i32 to vector<16xi32>
      %ge3A_208 = arith.cmpi sge, %add3A_202, %ge3A_207 : vector<16xi32>
      %lt3A_209 = arith.constant 129 : i32
      %lt3A_210 = vector.broadcast %lt3A_209 : i32 to vector<16xi32>
      %lt3A_211 = arith.cmpi slt, %add3A_202, %lt3A_210 : vector<16xi32>
      %and3A_212 = arith.andi %ge3A_208, %lt3A_211 : vector<16xi1>
      %ge3A_213 = arith.constant 0 : i32
      %ge3A_214 = vector.broadcast %ge3A_213 : i32 to vector<16xi32>
      %ge3A_215 = arith.cmpi sge, %add3A_205, %ge3A_214 : vector<16xi32>
      %and3A_216 = arith.andi %and3A_212, %ge3A_215 : vector<16xi1>
      %lt3A_217 = arith.constant 129 : i32
      %lt3A_218 = vector.broadcast %lt3A_217 : i32 to vector<16xi32>
      %lt3A_219 = arith.cmpi slt, %add3A_205, %lt3A_218 : vector<16xi32>
      %and3A_220 = arith.andi %and3A_216, %lt3A_219 : vector<16xi1>
      %jit3A_221 = arith.constant 0 : i32
      %jit3A_222 = arith.constant 128 : i32
      %max3A_223 = vector.broadcast %jit3A_221 : i32 to vector<16xi32>
      %max3A_224 = arith.maxsi %max3A_223, %add3A_202 : vector<16xi32>
      %min3A_225 = vector.broadcast %jit3A_222 : i32 to vector<16xi32>
      %min3A_226 = arith.minsi %min3A_225, %max3A_224 : vector<16xi32>
      %mul3A_227 = arith.constant 129 : i32
      %mul3A_228 = vector.broadcast %mul3A_227 : i32 to vector<16xi32>
      %mul3A_229 = arith.muli %min3A_226, %mul3A_228 : vector<16xi32>
      %jit3A_230 = arith.constant 0 : i32
      %jit3A_231 = arith.constant 128 : i32
      %max3A_232 = vector.broadcast %jit3A_230 : i32 to vector<16xi32>
      %max3A_233 = arith.maxsi %max3A_232, %add3A_205 : vector<16xi32>
      %min3A_234 = vector.broadcast %jit3A_231 : i32 to vector<16xi32>
      %min3A_235 = arith.minsi %min3A_234, %max3A_233 : vector<16xi32>
      %add3A_236 = arith.addi %mul3A_229, %min3A_235 : vector<16xi32>
      %gather3A_237 = tpu.vector_load_idx %arg8[%add3A_236] : memref<16768xi32, #tpu.memory_space<vmem>>[vector<16xi32>], vector<16xi32>,
      %ge3A_238 = arith.constant 0 : i32
      %ge3A_239 = vector.broadcast %ge3A_238 : i32 to vector<16xi32>
      %ge3A_240 = arith.cmpi sge, %gather3A_237, %ge3A_239 : vector<16xi32>
      %and3A_241 = arith.andi %and3A_220, %ge3A_240 : vector<16xi1>
      %add3A_242 = arith.constant 66560 : i32
      %add3A_243 = vector.broadcast %add3A_242 : i32 to vector<16xi32>
      %add3A_244 = arith.addi %add3A_243, %gather3A_237 : vector<16xi32>
      %select_n3A_245 = arith.select %and3A_241, %add3A_244, %add3A_105 : vector<16xi1>, vector<16xi32>
      %swap3A_246 = arith.constant 2 : i32
      %swap3A_247 = arith.index_cast %swap3A_246 : i32 to index
      %swap3A_248 = arith.index_cast %mul3A_88 : i32 to index
      %swap3A_249 = tpu.vector_load %arg5[%swap3A_247, %swap3A_248] {strides = array<i32>} : memref<9x1024xi32, #tpu.memory_space<vmem>>, vector<16xi32>,
      tpu.vector_store %arg5[%swap3A_247, %swap3A_248], %select_n3A_245 {strides = array<i32>} : memref<9x1024xi32, #tpu.memory_space<vmem>>, vector<16xi32>,
      %add3A_250 = arith.constant 0 : i32
      %add3A_251 = vector.broadcast %add3A_250 : i32 to vector<16xi32>
      %add3A_252 = arith.addi %get3A_89, %add3A_251 : vector<16xi32>
      %add3A_253 = arith.constant -1 : i32
      %add3A_254 = vector.broadcast %add3A_253 : i32 to vector<16xi32>
      %add3A_255 = arith.addi %get3A_91, %add3A_254 : vector<16xi32>
      %ge3A_256 = arith.constant 0 : i32
      %ge3A_257 = vector.broadcast %ge3A_256 : i32 to vector<16xi32>
      %ge3A_258 = arith.cmpi sge, %add3A_252, %ge3A_257 : vector<16xi32>
      %lt3A_259 = arith.constant 129 : i32
      %lt3A_260 = vector.broadcast %lt3A_259 : i32 to vector<16xi32>
      %lt3A_261 = arith.cmpi slt, %add3A_252, %lt3A_260 : vector<16xi32>
      %and3A_262 = arith.andi %ge3A_258, %lt3A_261 : vector<16xi1>
      %ge3A_263 = arith.constant 0 : i32
      %ge3A_264 = vector.broadcast %ge3A_263 : i32 to vector<16xi32>
      %ge3A_265 = arith.cmpi sge, %add3A_255, %ge3A_264 : vector<16xi32>
      %and3A_266 = arith.andi %and3A_262, %ge3A_265 : vector<16xi1>
      %lt3A_267 = arith.constant 129 : i32
      %lt3A_268 = vector.broadcast %lt3A_267 : i32 to vector<16xi32>
      %lt3A_269 = arith.cmpi slt, %add3A_255, %lt3A_268 : vector<16xi32>
      %and3A_270 = arith.andi %and3A_266, %lt3A_269 : vector<16xi1>
      %jit3A_271 = arith.constant 0 : i32
      %jit3A_272 = arith.constant 128 : i32
      %max3A_273 = vector.broadcast %jit3A_271 : i32 to vector<16xi32>
      %max3A_274 = arith.maxsi %max3A_273, %add3A_252 : vector<16xi32>
      %min3A_275 = vector.broadcast %jit3A_272 : i32 to vector<16xi32>
      %min3A_276 = arith.minsi %min3A_275, %max3A_274 : vector<16xi32>
      %mul3A_277 = arith.constant 129 : i32
      %mul3A_278 = vector.broadcast %mul3A_277 : i32 to vector<16xi32>
      %mul3A_279 = arith.muli %min3A_276, %mul3A_278 : vector<16xi32>
      %jit3A_280 = arith.constant 0 : i32
      %jit3A_281 = arith.constant 128 : i32
      %max3A_282 = vector.broadcast %jit3A_280 : i32 to vector<16xi32>
      %max3A_283 = arith.maxsi %max3A_282, %add3A_255 : vector<16xi32>
      %min3A_284 = vector.broadcast %jit3A_281 : i32 to vector<16xi32>
      %min3A_285 = arith.minsi %min3A_284, %max3A_283 : vector<16xi32>
      %add3A_286 = arith.addi %mul3A_279, %min3A_285 : vector<16xi32>
      %gather3A_287 = tpu.vector_load_idx %arg8[%add3A_286] : memref<16768xi32, #tpu.memory_space<vmem>>[vector<16xi32>], vector<16xi32>,
      %ge3A_288 = arith.constant 0 : i32
      %ge3A_289 = vector.broadcast %ge3A_288 : i32 to vector<16xi32>
      %ge3A_290 = arith.cmpi sge, %gather3A_287, %ge3A_289 : vector<16xi32>
      %and3A_291 = arith.andi %and3A_270, %ge3A_290 : vector<16xi1>
      %add3A_292 = arith.constant 99840 : i32
      %add3A_293 = vector.broadcast %add3A_292 : i32 to vector<16xi32>
      %add3A_294 = arith.addi %add3A_293, %gather3A_287 : vector<16xi32>
      %select_n3A_295 = arith.select %and3A_291, %add3A_294, %add3A_105 : vector<16xi1>, vector<16xi32>
      %swap3A_296 = arith.constant 3 : i32
      %swap3A_297 = arith.index_cast %swap3A_296 : i32 to index
      %swap3A_298 = arith.index_cast %mul3A_88 : i32 to index
      %swap3A_299 = tpu.vector_load %arg5[%swap3A_297, %swap3A_298] {strides = array<i32>} : memref<9x1024xi32, #tpu.memory_space<vmem>>, vector<16xi32>,
      tpu.vector_store %arg5[%swap3A_297, %swap3A_298], %select_n3A_295 {strides = array<i32>} : memref<9x1024xi32, #tpu.memory_space<vmem>>, vector<16xi32>,
      %add3A_300 = arith.constant 0 : i32
      %add3A_301 = vector.broadcast %add3A_300 : i32 to vector<16xi32>
      %add3A_302 = arith.addi %get3A_89, %add3A_301 : vector<16xi32>
      %add3A_303 = arith.constant 0 : i32
      %add3A_304 = vector.broadcast %add3A_303 : i32 to vector<16xi32>
      %add3A_305 = arith.addi %get3A_91, %add3A_304 : vector<16xi32>
      %ge3A_306 = arith.constant 0 : i32
      %ge3A_307 = vector.broadcast %ge3A_306 : i32 to vector<16xi32>
      %ge3A_308 = arith.cmpi sge, %add3A_302, %ge3A_307 : vector<16xi32>
      %lt3A_309 = arith.constant 129 : i32
      %lt3A_310 = vector.broadcast %lt3A_309 : i32 to vector<16xi32>
      %lt3A_311 = arith.cmpi slt, %add3A_302, %lt3A_310 : vector<16xi32>
      %and3A_312 = arith.andi %ge3A_308, %lt3A_311 : vector<16xi1>
      %ge3A_313 = arith.constant 0 : i32
      %ge3A_314 = vector.broadcast %ge3A_313 : i32 to vector<16xi32>
      %ge3A_315 = arith.cmpi sge, %add3A_305, %ge3A_314 : vector<16xi32>
      %and3A_316 = arith.andi %and3A_312, %ge3A_315 : vector<16xi1>
      %lt3A_317 = arith.constant 129 : i32
      %lt3A_318 = vector.broadcast %lt3A_317 : i32 to vector<16xi32>
      %lt3A_319 = arith.cmpi slt, %add3A_305, %lt3A_318 : vector<16xi32>
      %and3A_320 = arith.andi %and3A_316, %lt3A_319 : vector<16xi1>
      %jit3A_321 = arith.constant 0 : i32
      %jit3A_322 = arith.constant 128 : i32
      %max3A_323 = vector.broadcast %jit3A_321 : i32 to vector<16xi32>
      %max3A_324 = arith.maxsi %max3A_323, %add3A_302 : vector<16xi32>
      %min3A_325 = vector.broadcast %jit3A_322 : i32 to vector<16xi32>
      %min3A_326 = arith.minsi %min3A_325, %max3A_324 : vector<16xi32>
      %mul3A_327 = arith.constant 129 : i32
      %mul3A_328 = vector.broadcast %mul3A_327 : i32 to vector<16xi32>
      %mul3A_329 = arith.muli %min3A_326, %mul3A_328 : vector<16xi32>
      %jit3A_330 = arith.constant 0 : i32
      %jit3A_331 = arith.constant 128 : i32
      %max3A_332 = vector.broadcast %jit3A_330 : i32 to vector<16xi32>
      %max3A_333 = arith.maxsi %max3A_332, %add3A_305 : vector<16xi32>
      %min3A_334 = vector.broadcast %jit3A_331 : i32 to vector<16xi32>
      %min3A_335 = arith.minsi %min3A_334, %max3A_333 : vector<16xi32>
      %add3A_336 = arith.addi %mul3A_329, %min3A_335 : vector<16xi32>
      %gather3A_337 = tpu.vector_load_idx %arg8[%add3A_336] : memref<16768xi32, #tpu.memory_space<vmem>>[vector<16xi32>], vector<16xi32>,
      %ge3A_338 = arith.constant 0 : i32
      %ge3A_339 = vector.broadcast %ge3A_338 : i32 to vector<16xi32>
      %ge3A_340 = arith.cmpi sge, %gather3A_337, %ge3A_339 : vector<16xi32>
      %and3A_341 = arith.andi %and3A_320, %ge3A_340 : vector<16xi1>
      %add3A_342 = arith.constant 133120 : i32
      %add3A_343 = vector.broadcast %add3A_342 : i32 to vector<16xi32>
      %add3A_344 = arith.addi %add3A_343, %gather3A_337 : vector<16xi32>
      %select_n3A_345 = arith.select %and3A_341, %add3A_344, %add3A_105 : vector<16xi1>, vector<16xi32>
      %swap3A_346 = arith.constant 4 : i32
      %swap3A_347 = arith.index_cast %swap3A_346 : i32 to index
      %swap3A_348 = arith.index_cast %mul3A_88 : i32 to index
      %swap3A_349 = tpu.vector_load %arg5[%swap3A_347, %swap3A_348] {strides = array<i32>} : memref<9x1024xi32, #tpu.memory_space<vmem>>, vector<16xi32>,
      tpu.vector_store %arg5[%swap3A_347, %swap3A_348], %select_n3A_345 {strides = array<i32>} : memref<9x1024xi32, #tpu.memory_space<vmem>>, vector<16xi32>,
      %add3A_350 = arith.constant 0 : i32
      %add3A_351 = vector.broadcast %add3A_350 : i32 to vector<16xi32>
      %add3A_352 = arith.addi %get3A_89, %add3A_351 : vector<16xi32>
      %add3A_353 = arith.constant 1 : i32
      %add3A_354 = vector.broadcast %add3A_353 : i32 to vector<16xi32>
      %add3A_355 = arith.addi %get3A_91, %add3A_354 : vector<16xi32>
      %ge3A_356 = arith.constant 0 : i32
      %ge3A_357 = vector.broadcast %ge3A_356 : i32 to vector<16xi32>
      %ge3A_358 = arith.cmpi sge, %add3A_352, %ge3A_357 : vector<16xi32>
      %lt3A_359 = arith.constant 129 : i32
      %lt3A_360 = vector.broadcast %lt3A_359 : i32 to vector<16xi32>
      %lt3A_361 = arith.cmpi slt, %add3A_352, %lt3A_360 : vector<16xi32>
      %and3A_362 = arith.andi %ge3A_358, %lt3A_361 : vector<16xi1>
      %ge3A_363 = arith.constant 0 : i32
      %ge3A_364 = vector.broadcast %ge3A_363 : i32 to vector<16xi32>
      %ge3A_365 = arith.cmpi sge, %add3A_355, %ge3A_364 : vector<16xi32>
      %and3A_366 = arith.andi %and3A_362, %ge3A_365 : vector<16xi1>
      %lt3A_367 = arith.constant 129 : i32
      %lt3A_368 = vector.broadcast %lt3A_367 : i32 to vector<16xi32>
      %lt3A_369 = arith.cmpi slt, %add3A_355, %lt3A_368 : vector<16xi32>
      %and3A_370 = arith.andi %and3A_366, %lt3A_369 : vector<16xi1>
      %jit3A_371 = arith.constant 0 : i32
      %jit3A_372 = arith.constant 128 : i32
      %max3A_373 = vector.broadcast %jit3A_371 : i32 to vector<16xi32>
      %max3A_374 = arith.maxsi %max3A_373, %add3A_352 : vector<16xi32>
      %min3A_375 = vector.broadcast %jit3A_372 : i32 to vector<16xi32>
      %min3A_376 = arith.minsi %min3A_375, %max3A_374 : vector<16xi32>
      %mul3A_377 = arith.constant 129 : i32
      %mul3A_378 = vector.broadcast %mul3A_377 : i32 to vector<16xi32>
      %mul3A_379 = arith.muli %min3A_376, %mul3A_378 : vector<16xi32>
      %jit3A_380 = arith.constant 0 : i32
      %jit3A_381 = arith.constant 128 : i32
      %max3A_382 = vector.broadcast %jit3A_380 : i32 to vector<16xi32>
      %max3A_383 = arith.maxsi %max3A_382, %add3A_355 : vector<16xi32>
      %min3A_384 = vector.broadcast %jit3A_381 : i32 to vector<16xi32>
      %min3A_385 = arith.minsi %min3A_384, %max3A_383 : vector<16xi32>
      %add3A_386 = arith.addi %mul3A_379, %min3A_385 : vector<16xi32>
      %gather3A_387 = tpu.vector_load_idx %arg8[%add3A_386] : memref<16768xi32, #tpu.memory_space<vmem>>[vector<16xi32>], vector<16xi32>,
      %ge3A_388 = arith.constant 0 : i32
      %ge3A_389 = vector.broadcast %ge3A_388 : i32 to vector<16xi32>
      %ge3A_390 = arith.cmpi sge, %gather3A_387, %ge3A_389 : vector<16xi32>
      %and3A_391 = arith.andi %and3A_370, %ge3A_390 : vector<16xi1>
      %add3A_392 = arith.constant 166400 : i32
      %add3A_393 = vector.broadcast %add3A_392 : i32 to vector<16xi32>
      %add3A_394 = arith.addi %add3A_393, %gather3A_387 : vector<16xi32>
      %select_n3A_395 = arith.select %and3A_391, %add3A_394, %add3A_105 : vector<16xi1>, vector<16xi32>
      %swap3A_396 = arith.constant 5 : i32
      %swap3A_397 = arith.index_cast %swap3A_396 : i32 to index
      %swap3A_398 = arith.index_cast %mul3A_88 : i32 to index
      %swap3A_399 = tpu.vector_load %arg5[%swap3A_397, %swap3A_398] {strides = array<i32>} : memref<9x1024xi32, #tpu.memory_space<vmem>>, vector<16xi32>,
      tpu.vector_store %arg5[%swap3A_397, %swap3A_398], %select_n3A_395 {strides = array<i32>} : memref<9x1024xi32, #tpu.memory_space<vmem>>, vector<16xi32>,
      %add3A_400 = arith.constant 1 : i32
      %add3A_401 = vector.broadcast %add3A_400 : i32 to vector<16xi32>
      %add3A_402 = arith.addi %get3A_89, %add3A_401 : vector<16xi32>
      %add3A_403 = arith.constant -1 : i32
      %add3A_404 = vector.broadcast %add3A_403 : i32 to vector<16xi32>
      %add3A_405 = arith.addi %get3A_91, %add3A_404 : vector<16xi32>
      %ge3A_406 = arith.constant 0 : i32
      %ge3A_407 = vector.broadcast %ge3A_406 : i32 to vector<16xi32>
      %ge3A_408 = arith.cmpi sge, %add3A_402, %ge3A_407 : vector<16xi32>
      %lt3A_409 = arith.constant 129 : i32
      %lt3A_410 = vector.broadcast %lt3A_409 : i32 to vector<16xi32>
      %lt3A_411 = arith.cmpi slt, %add3A_402, %lt3A_410 : vector<16xi32>
      %and3A_412 = arith.andi %ge3A_408, %lt3A_411 : vector<16xi1>
      %ge3A_413 = arith.constant 0 : i32
      %ge3A_414 = vector.broadcast %ge3A_413 : i32 to vector<16xi32>
      %ge3A_415 = arith.cmpi sge, %add3A_405, %ge3A_414 : vector<16xi32>
      %and3A_416 = arith.andi %and3A_412, %ge3A_415 : vector<16xi1>
      %lt3A_417 = arith.constant 129 : i32
      %lt3A_418 = vector.broadcast %lt3A_417 : i32 to vector<16xi32>
      %lt3A_419 = arith.cmpi slt, %add3A_405, %lt3A_418 : vector<16xi32>
      %and3A_420 = arith.andi %and3A_416, %lt3A_419 : vector<16xi1>
      %jit3A_421 = arith.constant 0 : i32
      %jit3A_422 = arith.constant 128 : i32
      %max3A_423 = vector.broadcast %jit3A_421 : i32 to vector<16xi32>
      %max3A_424 = arith.maxsi %max3A_423, %add3A_402 : vector<16xi32>
      %min3A_425 = vector.broadcast %jit3A_422 : i32 to vector<16xi32>
      %min3A_426 = arith.minsi %min3A_425, %max3A_424 : vector<16xi32>
      %mul3A_427 = arith.constant 129 : i32
      %mul3A_428 = vector.broadcast %mul3A_427 : i32 to vector<16xi32>
      %mul3A_429 = arith.muli %min3A_426, %mul3A_428 : vector<16xi32>
      %jit3A_430 = arith.constant 0 : i32
      %jit3A_431 = arith.constant 128 : i32
      %max3A_432 = vector.broadcast %jit3A_430 : i32 to vector<16xi32>
      %max3A_433 = arith.maxsi %max3A_432, %add3A_405 : vector<16xi32>
      %min3A_434 = vector.broadcast %jit3A_431 : i32 to vector<16xi32>
      %min3A_435 = arith.minsi %min3A_434, %max3A_433 : vector<16xi32>
      %add3A_436 = arith.addi %mul3A_429, %min3A_435 : vector<16xi32>
      %gather3A_437 = tpu.vector_load_idx %arg8[%add3A_436] : memref<16768xi32, #tpu.memory_space<vmem>>[vector<16xi32>], vector<16xi32>,
      %ge3A_438 = arith.constant 0 : i32
      %ge3A_439 = vector.broadcast %ge3A_438 : i32 to vector<16xi32>
      %ge3A_440 = arith.cmpi sge, %gather3A_437, %ge3A_439 : vector<16xi32>
      %and3A_441 = arith.andi %and3A_420, %ge3A_440 : vector<16xi1>
      %add3A_442 = arith.constant 199680 : i32
      %add3A_443 = vector.broadcast %add3A_442 : i32 to vector<16xi32>
      %add3A_444 = arith.addi %add3A_443, %gather3A_437 : vector<16xi32>
      %select_n3A_445 = arith.select %and3A_441, %add3A_444, %add3A_105 : vector<16xi1>, vector<16xi32>
      %swap3A_446 = arith.constant 6 : i32
      %swap3A_447 = arith.index_cast %swap3A_446 : i32 to index
      %swap3A_448 = arith.index_cast %mul3A_88 : i32 to index
      %swap3A_449 = tpu.vector_load %arg5[%swap3A_447, %swap3A_448] {strides = array<i32>} : memref<9x1024xi32, #tpu.memory_space<vmem>>, vector<16xi32>,
      tpu.vector_store %arg5[%swap3A_447, %swap3A_448], %select_n3A_445 {strides = array<i32>} : memref<9x1024xi32, #tpu.memory_space<vmem>>, vector<16xi32>,
      %add3A_450 = arith.constant 1 : i32
      %add3A_451 = vector.broadcast %add3A_450 : i32 to vector<16xi32>
      %add3A_452 = arith.addi %get3A_89, %add3A_451 : vector<16xi32>
      %add3A_453 = arith.constant 0 : i32
      %add3A_454 = vector.broadcast %add3A_453 : i32 to vector<16xi32>
      %add3A_455 = arith.addi %get3A_91, %add3A_454 : vector<16xi32>
      %ge3A_456 = arith.constant 0 : i32
      %ge3A_457 = vector.broadcast %ge3A_456 : i32 to vector<16xi32>
      %ge3A_458 = arith.cmpi sge, %add3A_452, %ge3A_457 : vector<16xi32>
      %lt3A_459 = arith.constant 129 : i32
      %lt3A_460 = vector.broadcast %lt3A_459 : i32 to vector<16xi32>
      %lt3A_461 = arith.cmpi slt, %add3A_452, %lt3A_460 : vector<16xi32>
      %and3A_462 = arith.andi %ge3A_458, %lt3A_461 : vector<16xi1>
      %ge3A_463 = arith.constant 0 : i32
      %ge3A_464 = vector.broadcast %ge3A_463 : i32 to vector<16xi32>
      %ge3A_465 = arith.cmpi sge, %add3A_455, %ge3A_464 : vector<16xi32>
      %and3A_466 = arith.andi %and3A_462, %ge3A_465 : vector<16xi1>
      %lt3A_467 = arith.constant 129 : i32
      %lt3A_468 = vector.broadcast %lt3A_467 : i32 to vector<16xi32>
      %lt3A_469 = arith.cmpi slt, %add3A_455, %lt3A_468 : vector<16xi32>
      %and3A_470 = arith.andi %and3A_466, %lt3A_469 : vector<16xi1>
      %jit3A_471 = arith.constant 0 : i32
      %jit3A_472 = arith.constant 128 : i32
      %max3A_473 = vector.broadcast %jit3A_471 : i32 to vector<16xi32>
      %max3A_474 = arith.maxsi %max3A_473, %add3A_452 : vector<16xi32>
      %min3A_475 = vector.broadcast %jit3A_472 : i32 to vector<16xi32>
      %min3A_476 = arith.minsi %min3A_475, %max3A_474 : vector<16xi32>
      %mul3A_477 = arith.constant 129 : i32
      %mul3A_478 = vector.broadcast %mul3A_477 : i32 to vector<16xi32>
      %mul3A_479 = arith.muli %min3A_476, %mul3A_478 : vector<16xi32>
      %jit3A_480 = arith.constant 0 : i32
      %jit3A_481 = arith.constant 128 : i32
      %max3A_482 = vector.broadcast %jit3A_480 : i32 to vector<16xi32>
      %max3A_483 = arith.maxsi %max3A_482, %add3A_455 : vector<16xi32>
      %min3A_484 = vector.broadcast %jit3A_481 : i32 to vector<16xi32>
      %min3A_485 = arith.minsi %min3A_484, %max3A_483 : vector<16xi32>
      %add3A_486 = arith.addi %mul3A_479, %min3A_485 : vector<16xi32>
      %gather3A_487 = tpu.vector_load_idx %arg8[%add3A_486] : memref<16768xi32, #tpu.memory_space<vmem>>[vector<16xi32>], vector<16xi32>,
      %ge3A_488 = arith.constant 0 : i32
      %ge3A_489 = vector.broadcast %ge3A_488 : i32 to vector<16xi32>
      %ge3A_490 = arith.cmpi sge, %gather3A_487, %ge3A_489 : vector<16xi32>
      %and3A_491 = arith.andi %and3A_470, %ge3A_490 : vector<16xi1>
      %add3A_492 = arith.constant 232960 : i32
      %add3A_493 = vector.broadcast %add3A_492 : i32 to vector<16xi32>
      %add3A_494 = arith.addi %add3A_493, %gather3A_487 : vector<16xi32>
      %select_n3A_495 = arith.select %and3A_491, %add3A_494, %add3A_105 : vector<16xi1>, vector<16xi32>
      %swap3A_496 = arith.constant 7 : i32
      %swap3A_497 = arith.index_cast %swap3A_496 : i32 to index
      %swap3A_498 = arith.index_cast %mul3A_88 : i32 to index
      %swap3A_499 = tpu.vector_load %arg5[%swap3A_497, %swap3A_498] {strides = array<i32>} : memref<9x1024xi32, #tpu.memory_space<vmem>>, vector<16xi32>,
      tpu.vector_store %arg5[%swap3A_497, %swap3A_498], %select_n3A_495 {strides = array<i32>} : memref<9x1024xi32, #tpu.memory_space<vmem>>, vector<16xi32>,
      %add3A_500 = arith.constant 1 : i32
      %add3A_501 = vector.broadcast %add3A_500 : i32 to vector<16xi32>
      %add3A_502 = arith.addi %get3A_89, %add3A_501 : vector<16xi32>
      %add3A_503 = arith.constant 1 : i32
      %add3A_504 = vector.broadcast %add3A_503 : i32 to vector<16xi32>
      %add3A_505 = arith.addi %get3A_91, %add3A_504 : vector<16xi32>
      %ge3A_506 = arith.constant 0 : i32
      %ge3A_507 = vector.broadcast %ge3A_506 : i32 to vector<16xi32>
      %ge3A_508 = arith.cmpi sge, %add3A_502, %ge3A_507 : vector<16xi32>
      %lt3A_509 = arith.constant 129 : i32
      %lt3A_510 = vector.broadcast %lt3A_509 : i32 to vector<16xi32>
      %lt3A_511 = arith.cmpi slt, %add3A_502, %lt3A_510 : vector<16xi32>
      %and3A_512 = arith.andi %ge3A_508, %lt3A_511 : vector<16xi1>
      %ge3A_513 = arith.constant 0 : i32
      %ge3A_514 = vector.broadcast %ge3A_513 : i32 to vector<16xi32>
      %ge3A_515 = arith.cmpi sge, %add3A_505, %ge3A_514 : vector<16xi32>
      %and3A_516 = arith.andi %and3A_512, %ge3A_515 : vector<16xi1>
      %lt3A_517 = arith.constant 129 : i32
      %lt3A_518 = vector.broadcast %lt3A_517 : i32 to vector<16xi32>
      %lt3A_519 = arith.cmpi slt, %add3A_505, %lt3A_518 : vector<16xi32>
      %and3A_520 = arith.andi %and3A_516, %lt3A_519 : vector<16xi1>
      %jit3A_521 = arith.constant 0 : i32
      %jit3A_522 = arith.constant 128 : i32
      %max3A_523 = vector.broadcast %jit3A_521 : i32 to vector<16xi32>
      %max3A_524 = arith.maxsi %max3A_523, %add3A_502 : vector<16xi32>
      %min3A_525 = vector.broadcast %jit3A_522 : i32 to vector<16xi32>
      %min3A_526 = arith.minsi %min3A_525, %max3A_524 : vector<16xi32>
      %mul3A_527 = arith.constant 129 : i32
      %mul3A_528 = vector.broadcast %mul3A_527 : i32 to vector<16xi32>
      %mul3A_529 = arith.muli %min3A_526, %mul3A_528 : vector<16xi32>
      %jit3A_530 = arith.constant 0 : i32
      %jit3A_531 = arith.constant 128 : i32
      %max3A_532 = vector.broadcast %jit3A_530 : i32 to vector<16xi32>
      %max3A_533 = arith.maxsi %max3A_532, %add3A_505 : vector<16xi32>
      %min3A_534 = vector.broadcast %jit3A_531 : i32 to vector<16xi32>
      %min3A_535 = arith.minsi %min3A_534, %max3A_533 : vector<16xi32>
      %add3A_536 = arith.addi %mul3A_529, %min3A_535 : vector<16xi32>
      %gather3A_537 = tpu.vector_load_idx %arg8[%add3A_536] : memref<16768xi32, #tpu.memory_space<vmem>>[vector<16xi32>], vector<16xi32>,
      %ge3A_538 = arith.constant 0 : i32
      %ge3A_539 = vector.broadcast %ge3A_538 : i32 to vector<16xi32>
      %ge3A_540 = arith.cmpi sge, %gather3A_537, %ge3A_539 : vector<16xi32>
      %and3A_541 = arith.andi %and3A_520, %ge3A_540 : vector<16xi1>
      %add3A_542 = arith.constant 266240 : i32
      %add3A_543 = vector.broadcast %add3A_542 : i32 to vector<16xi32>
      %add3A_544 = arith.addi %add3A_543, %gather3A_537 : vector<16xi32>
      %select_n3A_545 = arith.select %and3A_541, %add3A_544, %add3A_105 : vector<16xi1>, vector<16xi32>
      %swap3A_546 = arith.constant 8 : i32
      %swap3A_547 = arith.index_cast %swap3A_546 : i32 to index
      %swap3A_548 = arith.index_cast %mul3A_88 : i32 to index
      %swap3A_549 = tpu.vector_load %arg5[%swap3A_547, %swap3A_548] {strides = array<i32>} : memref<9x1024xi32, #tpu.memory_space<vmem>>, vector<16xi32>,
      tpu.vector_store %arg5[%swap3A_547, %swap3A_548], %select_n3A_545 {strides = array<i32>} : memref<9x1024xi32, #tpu.memory_space<vmem>>, vector<16xi32>,
    }
    %scan3A_85 = arith.constant 64 : i32
    "tpu.region"() ({
      %run_scoped3A = tpu.sem_alloc : memref<!tpu.dma_semaphore, #tpu.memory_space<semaphore_mem>>
      %dma_start3A = arith.constant 0 : i32
      %dma_start3A_86 = arith.constant 0 : i32
      %dma_start3A_87 = tpu.memref_slice %arg4[%add3A, %dma_start3A, %dma_start3A_86] : memref<32x9x1024xi32, #tpu.memory_space<hbm>> -> memref<1x9x1024xi32, #tpu.memory_space<hbm>>
      %dma_start3A_88 = tpu.memref_squeeze %dma_start3A_87 : memref<1x9x1024xi32, #tpu.memory_space<hbm>> -> memref<9x1024xi32, #tpu.memory_space<hbm>>
      %dma_start3A_89 = arith.constant 0 : i32
      %dma_start3A_90 = arith.constant 0 : i32
      %dma_start3A_91 = tpu.memref_slice %arg4[%add3A, %dma_start3A_89, %dma_start3A_90] : memref<32x9x1024xi32, #tpu.memory_space<hbm>> -> memref<1x9x1024xi32, #tpu.memory_space<hbm>>
      %dma_start3A_92 = tpu.memref_squeeze %dma_start3A_91 : memref<1x9x1024xi32, #tpu.memory_space<hbm>> -> memref<9x1024xi32, #tpu.memory_space<hbm>>
      tpu.enqueue_dma source(%arg5 : memref<9x1024xi32, #tpu.memory_space<vmem>>) target(%dma_start3A_92 : memref<9x1024xi32, #tpu.memory_space<hbm>>) target_semaphore(%run_scoped3A : memref<!tpu.dma_semaphore, #tpu.memory_space<semaphore_mem>>)
      %dma_wait3A = arith.constant 0 : i32
      %dma_wait3A_93 = arith.constant 0 : i32
      %dma_wait3A_94 = tpu.memref_slice %arg4[%add3A, %dma_wait3A, %dma_wait3A_93] : memref<32x9x1024xi32, #tpu.memory_space<hbm>> -> memref<1x9x1024xi32, #tpu.memory_space<hbm>>
      %dma_wait3A_95 = tpu.memref_squeeze %dma_wait3A_94 : memref<1x9x1024xi32, #tpu.memory_space<hbm>> -> memref<9x1024xi32, #tpu.memory_space<hbm>>
      %dma_wait3A_96 = arith.constant 0 : i32
      %dma_wait3A_97 = arith.constant 0 : i32
      %dma_wait3A_98 = tpu.memref_slice %arg4[%add3A, %dma_wait3A_96, %dma_wait3A_97] : memref<32x9x1024xi32, #tpu.memory_space<hbm>> -> memref<1x9x1024xi32, #tpu.memory_space<hbm>>
      %dma_wait3A_99 = tpu.memref_squeeze %dma_wait3A_98 : memref<1x9x1024xi32, #tpu.memory_space<hbm>> -> memref<9x1024xi32, #tpu.memory_space<hbm>>
      tpu.wait_dma2 semaphore(%run_scoped3A : memref<!tpu.dma_semaphore, #tpu.memory_space<semaphore_mem>>) src(%arg5 : memref<9x1024xi32, #tpu.memory_space<vmem>>) dst(%dma_wait3A_99 : memref<9x1024xi32, #tpu.memory_space<hbm>>)
      tpu.yield
    }) : () -> ()
    return
  }
}

module attributes {stable_mosaic.version = 14 : i64} {
  func.func @_mm_body(%arg0: i32, %arg1: memref<512x128xbf16, #tpu.memory_space<vmem>>, %arg2: memref<9x128x128xbf16, #tpu.memory_space<vmem>>, %arg3: memref<9x512x128xf32, #tpu.memory_space<vmem>>) attributes {dimension_semantics = [#tpu.dimension_semantics<arbitrary>], iteration_bounds = array<i64: 65>, scalar_prefetch = 0 : i64, scratch_operands = 0 : i64, tpu.core_type = #tpu.core_type<tc>, window_params = [{transform_indices = @transform_0, window_bounds = array<i64: 512, 128>}, {pipeline_mode = #tpu.pipeline_mode<synchronous>, transform_indices = @transform_1, window_bounds = array<i64: 9, 128, 128>}, {transform_indices = @transform_2, window_bounds = array<i64: 9, 512, 128>}]} {
    %get3A = arith.constant 0 : index
    %get3A_0 = arith.constant 0 : index
    %get3A_1 = vector.load %arg1[%get3A, %get3A_0] : memref<512x128xbf16, #tpu.memory_space<vmem>>, vector<512x128xbf16>
    %get3A_2 = arith.constant 0 : index
    %get3A_3 = arith.constant 0 : index
    %get3A_4 = arith.constant 0 : index
    %get3A_5 = vector.load %arg2[%get3A_2, %get3A_3, %get3A_4] : memref<9x128x128xbf16, #tpu.memory_space<vmem>>, vector<1x128x128xbf16>
    %get3A_6 = vector.shape_cast %get3A_5 : vector<1x128x128xbf16> to vector<128x128xbf16>
    %dot_general3A = arith.constant dense<0.000000e+00> : vector<512x128xf32>
    %dot_general3A_7 = tpu.matmul %get3A_1, %get3A_6, %dot_general3A {dimension_numbers = #tpu.dot_dimension_numbers<[1], [0], [0], [1], [0, 0, 1, 1], [], []>, transpose_lhs_hint = false} : vector<512x128xbf16>, vector<128x128xbf16>, vector<512x128xf32> -> vector<512x128xf32>
    %swap3A = arith.constant 0 : index
    %swap3A_8 = arith.constant 0 : index
    %swap3A_9 = arith.constant 0 : index
    %swap3A_10 = vector.load %arg3[%swap3A, %swap3A_8, %swap3A_9] : memref<9x512x128xf32, #tpu.memory_space<vmem>>, vector<1x512x128xf32>
    %swap3A_11 = vector.shape_cast %swap3A_10 : vector<1x512x128xf32> to vector<512x128xf32>
    %swap3A_12 = vector.shape_cast %dot_general3A_7 : vector<512x128xf32> to vector<1x512x128xf32>
    tpu.vector_store %arg3[%swap3A, %swap3A_8, %swap3A_9], %swap3A_12 {strides = array<i32>} : memref<9x512x128xf32, #tpu.memory_space<vmem>>, vector<1x512x128xf32>,
    %get3A_13 = arith.constant 1 : index
    %get3A_14 = arith.constant 0 : index
    %get3A_15 = arith.constant 0 : index
    %get3A_16 = vector.load %arg2[%get3A_13, %get3A_14, %get3A_15] : memref<9x128x128xbf16, #tpu.memory_space<vmem>>, vector<1x128x128xbf16>
    %get3A_17 = vector.shape_cast %get3A_16 : vector<1x128x128xbf16> to vector<128x128xbf16>
    %dot_general3A_18 = arith.constant dense<0.000000e+00> : vector<512x128xf32>
    %dot_general3A_19 = tpu.matmul %get3A_1, %get3A_17, %dot_general3A_18 {dimension_numbers = #tpu.dot_dimension_numbers<[1], [0], [0], [1], [0, 0, 1, 1], [], []>, transpose_lhs_hint = false} : vector<512x128xbf16>, vector<128x128xbf16>, vector<512x128xf32> -> vector<512x128xf32>
    %swap3A_20 = arith.constant 1 : index
    %swap3A_21 = arith.constant 0 : index
    %swap3A_22 = arith.constant 0 : index
    %swap3A_23 = vector.load %arg3[%swap3A_20, %swap3A_21, %swap3A_22] : memref<9x512x128xf32, #tpu.memory_space<vmem>>, vector<1x512x128xf32>
    %swap3A_24 = vector.shape_cast %swap3A_23 : vector<1x512x128xf32> to vector<512x128xf32>
    %swap3A_25 = vector.shape_cast %dot_general3A_19 : vector<512x128xf32> to vector<1x512x128xf32>
    tpu.vector_store %arg3[%swap3A_20, %swap3A_21, %swap3A_22], %swap3A_25 {strides = array<i32>} : memref<9x512x128xf32, #tpu.memory_space<vmem>>, vector<1x512x128xf32>,
    %get3A_26 = arith.constant 2 : index
    %get3A_27 = arith.constant 0 : index
    %get3A_28 = arith.constant 0 : index
    %get3A_29 = vector.load %arg2[%get3A_26, %get3A_27, %get3A_28] : memref<9x128x128xbf16, #tpu.memory_space<vmem>>, vector<1x128x128xbf16>
    %get3A_30 = vector.shape_cast %get3A_29 : vector<1x128x128xbf16> to vector<128x128xbf16>
    %dot_general3A_31 = arith.constant dense<0.000000e+00> : vector<512x128xf32>
    %dot_general3A_32 = tpu.matmul %get3A_1, %get3A_30, %dot_general3A_31 {dimension_numbers = #tpu.dot_dimension_numbers<[1], [0], [0], [1], [0, 0, 1, 1], [], []>, transpose_lhs_hint = false} : vector<512x128xbf16>, vector<128x128xbf16>, vector<512x128xf32> -> vector<512x128xf32>
    %swap3A_33 = arith.constant 2 : index
    %swap3A_34 = arith.constant 0 : index
    %swap3A_35 = arith.constant 0 : index
    %swap3A_36 = vector.load %arg3[%swap3A_33, %swap3A_34, %swap3A_35] : memref<9x512x128xf32, #tpu.memory_space<vmem>>, vector<1x512x128xf32>
    %swap3A_37 = vector.shape_cast %swap3A_36 : vector<1x512x128xf32> to vector<512x128xf32>
    %swap3A_38 = vector.shape_cast %dot_general3A_32 : vector<512x128xf32> to vector<1x512x128xf32>
    tpu.vector_store %arg3[%swap3A_33, %swap3A_34, %swap3A_35], %swap3A_38 {strides = array<i32>} : memref<9x512x128xf32, #tpu.memory_space<vmem>>, vector<1x512x128xf32>,
    %get3A_39 = arith.constant 3 : index
    %get3A_40 = arith.constant 0 : index
    %get3A_41 = arith.constant 0 : index
    %get3A_42 = vector.load %arg2[%get3A_39, %get3A_40, %get3A_41] : memref<9x128x128xbf16, #tpu.memory_space<vmem>>, vector<1x128x128xbf16>
    %get3A_43 = vector.shape_cast %get3A_42 : vector<1x128x128xbf16> to vector<128x128xbf16>
    %dot_general3A_44 = arith.constant dense<0.000000e+00> : vector<512x128xf32>
    %dot_general3A_45 = tpu.matmul %get3A_1, %get3A_43, %dot_general3A_44 {dimension_numbers = #tpu.dot_dimension_numbers<[1], [0], [0], [1], [0, 0, 1, 1], [], []>, transpose_lhs_hint = false} : vector<512x128xbf16>, vector<128x128xbf16>, vector<512x128xf32> -> vector<512x128xf32>
    %swap3A_46 = arith.constant 3 : index
    %swap3A_47 = arith.constant 0 : index
    %swap3A_48 = arith.constant 0 : index
    %swap3A_49 = vector.load %arg3[%swap3A_46, %swap3A_47, %swap3A_48] : memref<9x512x128xf32, #tpu.memory_space<vmem>>, vector<1x512x128xf32>
    %swap3A_50 = vector.shape_cast %swap3A_49 : vector<1x512x128xf32> to vector<512x128xf32>
    %swap3A_51 = vector.shape_cast %dot_general3A_45 : vector<512x128xf32> to vector<1x512x128xf32>
    tpu.vector_store %arg3[%swap3A_46, %swap3A_47, %swap3A_48], %swap3A_51 {strides = array<i32>} : memref<9x512x128xf32, #tpu.memory_space<vmem>>, vector<1x512x128xf32>,
    %get3A_52 = arith.constant 4 : index
    %get3A_53 = arith.constant 0 : index
    %get3A_54 = arith.constant 0 : index
    %get3A_55 = vector.load %arg2[%get3A_52, %get3A_53, %get3A_54] : memref<9x128x128xbf16, #tpu.memory_space<vmem>>, vector<1x128x128xbf16>
    %get3A_56 = vector.shape_cast %get3A_55 : vector<1x128x128xbf16> to vector<128x128xbf16>
    %dot_general3A_57 = arith.constant dense<0.000000e+00> : vector<512x128xf32>
    %dot_general3A_58 = tpu.matmul %get3A_1, %get3A_56, %dot_general3A_57 {dimension_numbers = #tpu.dot_dimension_numbers<[1], [0], [0], [1], [0, 0, 1, 1], [], []>, transpose_lhs_hint = false} : vector<512x128xbf16>, vector<128x128xbf16>, vector<512x128xf32> -> vector<512x128xf32>
    %swap3A_59 = arith.constant 4 : index
    %swap3A_60 = arith.constant 0 : index
    %swap3A_61 = arith.constant 0 : index
    %swap3A_62 = vector.load %arg3[%swap3A_59, %swap3A_60, %swap3A_61] : memref<9x512x128xf32, #tpu.memory_space<vmem>>, vector<1x512x128xf32>
    %swap3A_63 = vector.shape_cast %swap3A_62 : vector<1x512x128xf32> to vector<512x128xf32>
    %swap3A_64 = vector.shape_cast %dot_general3A_58 : vector<512x128xf32> to vector<1x512x128xf32>
    tpu.vector_store %arg3[%swap3A_59, %swap3A_60, %swap3A_61], %swap3A_64 {strides = array<i32>} : memref<9x512x128xf32, #tpu.memory_space<vmem>>, vector<1x512x128xf32>,
    %get3A_65 = arith.constant 5 : index
    %get3A_66 = arith.constant 0 : index
    %get3A_67 = arith.constant 0 : index
    %get3A_68 = vector.load %arg2[%get3A_65, %get3A_66, %get3A_67] : memref<9x128x128xbf16, #tpu.memory_space<vmem>>, vector<1x128x128xbf16>
    %get3A_69 = vector.shape_cast %get3A_68 : vector<1x128x128xbf16> to vector<128x128xbf16>
    %dot_general3A_70 = arith.constant dense<0.000000e+00> : vector<512x128xf32>
    %dot_general3A_71 = tpu.matmul %get3A_1, %get3A_69, %dot_general3A_70 {dimension_numbers = #tpu.dot_dimension_numbers<[1], [0], [0], [1], [0, 0, 1, 1], [], []>, transpose_lhs_hint = false} : vector<512x128xbf16>, vector<128x128xbf16>, vector<512x128xf32> -> vector<512x128xf32>
    %swap3A_72 = arith.constant 5 : index
    %swap3A_73 = arith.constant 0 : index
    %swap3A_74 = arith.constant 0 : index
    %swap3A_75 = vector.load %arg3[%swap3A_72, %swap3A_73, %swap3A_74] : memref<9x512x128xf32, #tpu.memory_space<vmem>>, vector<1x512x128xf32>
    %swap3A_76 = vector.shape_cast %swap3A_75 : vector<1x512x128xf32> to vector<512x128xf32>
    %swap3A_77 = vector.shape_cast %dot_general3A_71 : vector<512x128xf32> to vector<1x512x128xf32>
    tpu.vector_store %arg3[%swap3A_72, %swap3A_73, %swap3A_74], %swap3A_77 {strides = array<i32>} : memref<9x512x128xf32, #tpu.memory_space<vmem>>, vector<1x512x128xf32>,
    %get3A_78 = arith.constant 6 : index
    %get3A_79 = arith.constant 0 : index
    %get3A_80 = arith.constant 0 : index
    %get3A_81 = vector.load %arg2[%get3A_78, %get3A_79, %get3A_80] : memref<9x128x128xbf16, #tpu.memory_space<vmem>>, vector<1x128x128xbf16>
    %get3A_82 = vector.shape_cast %get3A_81 : vector<1x128x128xbf16> to vector<128x128xbf16>
    %dot_general3A_83 = arith.constant dense<0.000000e+00> : vector<512x128xf32>
    %dot_general3A_84 = tpu.matmul %get3A_1, %get3A_82, %dot_general3A_83 {dimension_numbers = #tpu.dot_dimension_numbers<[1], [0], [0], [1], [0, 0, 1, 1], [], []>, transpose_lhs_hint = false} : vector<512x128xbf16>, vector<128x128xbf16>, vector<512x128xf32> -> vector<512x128xf32>
    %swap3A_85 = arith.constant 6 : index
    %swap3A_86 = arith.constant 0 : index
    %swap3A_87 = arith.constant 0 : index
    %swap3A_88 = vector.load %arg3[%swap3A_85, %swap3A_86, %swap3A_87] : memref<9x512x128xf32, #tpu.memory_space<vmem>>, vector<1x512x128xf32>
    %swap3A_89 = vector.shape_cast %swap3A_88 : vector<1x512x128xf32> to vector<512x128xf32>
    %swap3A_90 = vector.shape_cast %dot_general3A_84 : vector<512x128xf32> to vector<1x512x128xf32>
    tpu.vector_store %arg3[%swap3A_85, %swap3A_86, %swap3A_87], %swap3A_90 {strides = array<i32>} : memref<9x512x128xf32, #tpu.memory_space<vmem>>, vector<1x512x128xf32>,
    %get3A_91 = arith.constant 7 : index
    %get3A_92 = arith.constant 0 : index
    %get3A_93 = arith.constant 0 : index
    %get3A_94 = vector.load %arg2[%get3A_91, %get3A_92, %get3A_93] : memref<9x128x128xbf16, #tpu.memory_space<vmem>>, vector<1x128x128xbf16>
    %get3A_95 = vector.shape_cast %get3A_94 : vector<1x128x128xbf16> to vector<128x128xbf16>
    %dot_general3A_96 = arith.constant dense<0.000000e+00> : vector<512x128xf32>
    %dot_general3A_97 = tpu.matmul %get3A_1, %get3A_95, %dot_general3A_96 {dimension_numbers = #tpu.dot_dimension_numbers<[1], [0], [0], [1], [0, 0, 1, 1], [], []>, transpose_lhs_hint = false} : vector<512x128xbf16>, vector<128x128xbf16>, vector<512x128xf32> -> vector<512x128xf32>
    %swap3A_98 = arith.constant 7 : index
    %swap3A_99 = arith.constant 0 : index
    %swap3A_100 = arith.constant 0 : index
    %swap3A_101 = vector.load %arg3[%swap3A_98, %swap3A_99, %swap3A_100] : memref<9x512x128xf32, #tpu.memory_space<vmem>>, vector<1x512x128xf32>
    %swap3A_102 = vector.shape_cast %swap3A_101 : vector<1x512x128xf32> to vector<512x128xf32>
    %swap3A_103 = vector.shape_cast %dot_general3A_97 : vector<512x128xf32> to vector<1x512x128xf32>
    tpu.vector_store %arg3[%swap3A_98, %swap3A_99, %swap3A_100], %swap3A_103 {strides = array<i32>} : memref<9x512x128xf32, #tpu.memory_space<vmem>>, vector<1x512x128xf32>,
    %get3A_104 = arith.constant 8 : index
    %get3A_105 = arith.constant 0 : index
    %get3A_106 = arith.constant 0 : index
    %get3A_107 = vector.load %arg2[%get3A_104, %get3A_105, %get3A_106] : memref<9x128x128xbf16, #tpu.memory_space<vmem>>, vector<1x128x128xbf16>
    %get3A_108 = vector.shape_cast %get3A_107 : vector<1x128x128xbf16> to vector<128x128xbf16>
    %dot_general3A_109 = arith.constant dense<0.000000e+00> : vector<512x128xf32>
    %dot_general3A_110 = tpu.matmul %get3A_1, %get3A_108, %dot_general3A_109 {dimension_numbers = #tpu.dot_dimension_numbers<[1], [0], [0], [1], [0, 0, 1, 1], [], []>, transpose_lhs_hint = false} : vector<512x128xbf16>, vector<128x128xbf16>, vector<512x128xf32> -> vector<512x128xf32>
    %swap3A_111 = arith.constant 8 : index
    %swap3A_112 = arith.constant 0 : index
    %swap3A_113 = arith.constant 0 : index
    %swap3A_114 = vector.load %arg3[%swap3A_111, %swap3A_112, %swap3A_113] : memref<9x512x128xf32, #tpu.memory_space<vmem>>, vector<1x512x128xf32>
    %swap3A_115 = vector.shape_cast %swap3A_114 : vector<1x512x128xf32> to vector<512x128xf32>
    %swap3A_116 = vector.shape_cast %dot_general3A_110 : vector<512x128xf32> to vector<1x512x128xf32>
    tpu.vector_store %arg3[%swap3A_111, %swap3A_112, %swap3A_113], %swap3A_116 {strides = array<i32>} : memref<9x512x128xf32, #tpu.memory_space<vmem>>, vector<1x512x128xf32>,
    return
  }
  func.func @transform_0(%arg0: i32) -> (i32, i32) {
    %c0_i32 = arith.constant 0 : i32
    %c0_i32_0 = arith.constant 0 : i32
    return %arg0, %c0_i32 : i32, i32
  }
  func.func @transform_1(%arg0: i32) -> (i32, i32, i32) {
    %c0_i32 = arith.constant 0 : i32
    %c0_i32_0 = arith.constant 0 : i32
    %c0_i32_1 = arith.constant 0 : i32
    %c0_i32_2 = arith.constant 0 : i32
    return %c0_i32, %c0_i32_0, %c0_i32_1 : i32, i32, i32
  }
  func.func @transform_2(%arg0: i32) -> (i32, i32, i32) {
    %c0_i32 = arith.constant 0 : i32
    %c0_i32_0 = arith.constant 0 : i32
    %c0_i32_1 = arith.constant 0 : i32
    return %c0_i32, %arg0, %c0_i32_0 : i32, i32, i32
  }
}

</mosaic_0001>

<sc_bundles>
// kernel: kernel.5.cloned.1.call-start
scs
__scs_entry_jumppad:
0x0: {  	(pc) =	sbr.rel $0x88, $3  }
0x1: {  	(tag) =	ssettag $0x0;
	lr =	simm.s32 $0x1  }
0x2: {  	[smem:$0x3F9E] =	sst lr;
	_ =	strace $0xD0000000  }
0x3: {  	_ = 	snop  }
0x4: {  	_ = 	snop  }
0x5: {  	_ = 	snop  }
0x6: {  	_ = 	snop  }
0x7: {  	_ = 	snop  }
__scs_overlays_trampoline_lowered:
0x8: {  	[smem:$0x3FAD] =	sst s0  }
0x9: {  	[smem:$0x3FAE] =	sst s1  }
0xa: {  	[smem:$0x3FAF] =	sst s2  }
0xb: {  	[smem:$0x3FB0] =	sst s3  }
0xc: {  	[smem:$0x3FB1] =	sst s4  }
0xd: {  	[smem:$0x3FB2] =	sst s5  }
0xe: {  	[smem:$0x3FB3] =	sst s6  }
0xf: {  	[smem:$0x3FB4] =	sst s7  }
0x10: {  	[smem:$0x3FB5] =	sst s8  }
0x11: {  	[smem:$0x3FB6] =	sst s9;
	s0 =	simm.s32 @!p0 $0x0  }
0x12: {  	s1 =	sld [smem:$0x3F9C];
	s0 =	simm.s32 @p0 $0x1  }
0x13: {  	[smem:$0x3FB7] =	sst s0;
	s0 =	simm.s32 @!p1 $0x0  }
0x14: {  	s2 =	sld [smem:$0x3F9B];
	s0 =	simm.s32 @p1 $0x1  }
0x15: {  	[smem:$0x3FB8] =	sst s0;
	s0 =	simm.s32 @!p2 $0x0  }
0x16: {  	s3 =	sld [smem:$0x3FDB];
	s0 =	simm.s32 @p2 $0x1  }
0x17: {  	s4 =	simm.s32 $0x1BF5;
	[smem:$0x3FBA] =	sst s0  }
0x18: {  	s0 =	sld [smem:$0x3F9D];
	_ =	swait.ge [sflag:s4], $0x0  }
0x19: {  	s7 =	sld [smem:$0x3F9E]  }
0x1a: {  	s8 =	sadd.s32 $0xFFFFE003, lr  }
0x1b: {  	s9 =	sadd.s32 $0xFFFFFEF7, lr;
	s5 =	simm.s32 $0xFFFFFFFF;
	p2 =	slt.u32 s8, $0xFFFFF086  }
0x1c: {  	p1 =	slt.u32 s9, $0xF7A;
	s5 =	simm.s32 @!p2 $0x0  }
0x1d: {  	s5 =	simm.s32 @p1 $0x1;
	p0 =	seq.s32 s7, s2  }
0x1e: {  	s7 =	smul.u32 @!p0 $0xF7A, s2;
	p2 =	seq.s32 @!p0 s5, $0x0  }
0x1f: {  	s9 =	smul.u32 $0xF7A, s1;
	s8 =	simm.s32 @!p0 $0x1BF5;
	p2 =	por !p2, p0  }
0x20: {  	[sflag:s8] =	ssyncset.s32 @!p0 $0xFFFFF086;
	s6 =	sadd.s32 @!p0 s3, s7;
	s7 =	simm.s32 @!p0 $0x108  }
0x21: {  	s3 =	sadd.s32 s3, s9;
	s6 =	sadd.s32 @!p0 $0x88, s6;
	s7 =	simm.s32 @p2 $0x1082  }
0x22: {  	[simem:s7], [sflag:s8] =	dma.local @!p0 [hbm:s6], $0xF7A  }
0x23: {  	s9 =	sor.u32 $0xD0000000, s2;
	s6 =	simm.s32 $0x108;
	_ =	swait.ge @!p0 [sflag:s8], $0x0  }
0x24: {  	s3 =	sadd.s32 $0x88, s3;
	s6 =	simm.s32 @!p1 $0x1082;
	[sflag:s4] =	ssyncset.s32 $0xFFFFF086  }
0x25: {  	[simem:s6], [sflag:s4] =	dma.local [hbm:s3], $0xF7A  }
0x26: {  	[smem:$0x3F9E] =	sst s1;
	(tag) =	ssettag s2;
	_ =	strace s9  }
0x27: {  	s1 =	sld [smem:$0x3FAE]  }
0x28: {  	s2 =	sld [smem:$0x3FAF]  }
0x29: {  	s4 =	sld [smem:$0x3FB1]  }
0x2a: {  	p0 =	seq.s32 s5, $0x0;
	s5 =	sld [smem:$0x3FB2]  }
0x2b: {  	s6 =	sld [smem:$0x3FB3]  }
0x2c: {  	s7 =	sld [smem:$0x3FB4]  }
0x2d: {  	s3 =	simm.s32 $0x108;
	s8 =	sld [smem:$0x3FB5]  }
0x2e: {  	s3 =	simm.s32 @!p0 $0x1082;
	s9 =	sld [smem:$0x3FB6]  }
0x2f: {  	lr =	sadd.s32 s0, s3;
	s0 =	sld [smem:$0x3FAD]  }
0x30: {  	s3 =	sld [smem:$0x3FB0]  }
0x31: {  	[smem:$0x3FB9] =	sst s10  }
0x32: {  	s10 =	sld [smem:$0x3FB7];
	_ =	sdelay $0x3  }
0x33: {  	p0 =	seq.s32 s10, $0x1;
	s10 =	sld [smem:$0x3FB9];
	_ =	sdelay $0x3  }
0x34: {  	[smem:$0x3FB9] =	sst s10  }
0x35: {  	s10 =	sld [smem:$0x3FB8];
	_ =	sdelay $0x3  }
0x36: {  	p1 =	seq.s32 s10, $0x1;
	s10 =	sld [smem:$0x3FB9];
	_ =	sdelay $0x3  }
0x37: {  	[smem:$0x3FB9] =	sst s10  }
0x38: {  	s10 =	sld [smem:$0x3FBA]  }
0x39: {  	_ = 	snop;
	(pc) =	sbr.ind lr, $3  }
0x3a: {  	_ = 	snop  }
0x3b: {  	_ = 	snop  }
0x3c: {  	p2 =	seq.s32 s10, $0x1;
	s10 =	sld [smem:$0x3FB9]  }
0x3d: {  	_ =	shalt  }
0x3e: {  	_ =	shalt  }
0x3f: {  	_ =	shalt  }
0x40: {  	_ =	shalt  }
0x41: {  	_ =	shalt  }
0x42: {  	_ =	shalt  }
0x43: {  	_ =	shalt  }
0x44: {  	_ =	shalt  }
0x45: {  	_ =	shalt  }
0x46: {  	_ =	shalt  }
0x47: {  	_ =	shalt  }
0x48: {  	_ =	shalt  }
0x49: {  	_ =	shalt  }
0x4a: {  	_ =	shalt  }
0x4b: {  	_ =	shalt  }
0x4c: {  	_ =	shalt  }
0x4d: {  	_ =	shalt  }
0x4e: {  	_ =	shalt  }
0x4f: {  	_ =	shalt  }
0x50: {  	_ =	shalt  }
0x51: {  	_ =	shalt  }
0x52: {  	_ =	shalt  }
0x53: {  	_ =	shalt  }
0x54: {  	_ =	shalt  }
0x55: {  	_ =	shalt  }
0x56: {  	_ =	shalt  }
0x57: {  	_ =	shalt  }
0x58: {  	_ =	shalt  }
0x59: {  	_ =	shalt  }
0x5a: {  	_ =	shalt  }
0x5b: {  	_ =	shalt  }
0x5c: {  	_ =	shalt  }
0x5d: {  	_ =	shalt  }
0x5e: {  	_ =	shalt  }
0x5f: {  	_ =	shalt  }
0x60: {  	_ =	shalt  }
0x61: {  	_ =	shalt  }
0x62: {  	_ =	shalt  }
0x63: {  	_ =	shalt  }
0x64: {  	_ =	shalt  }
0x65: {  	_ =	shalt  }
0x66: {  	_ =	shalt  }
0x67: {  	_ =	shalt  }
0x68: {  	_ =	shalt  }
0x69: {  	_ =	shalt  }
0x6a: {  	_ =	shalt  }
0x6b: {  	_ =	shalt  }
0x6c: {  	_ =	shalt  }
0x6d: {  	_ =	shalt  }
0x6e: {  	_ =	shalt  }
0x6f: {  	_ =	shalt  }
0x70: {  	_ =	shalt  }
0x71: {  	_ =	shalt  }
0x72: {  	_ =	shalt  }
0x73: {  	_ =	shalt  }
0x74: {  	_ =	shalt  }
0x75: {  	_ =	shalt  }
0x76: {  	_ =	shalt  }
0x77: {  	_ =	shalt  }
0x78: {  	_ =	shalt  }
0x79: {  	_ =	shalt  }
0x7a: {  	_ =	shalt  }
0x7b: {  	_ =	shalt  }
0x7c: {  	_ =	shalt  }
0x7d: {  	_ =	shalt  }
0x7e: {  	_ =	shalt  }
0x7f: {  	_ =	shalt  }
0x80: {  	_ =	shalt  }
0x81: {  	_ =	shalt  }
0x82: {  	_ =	shalt  }
0x83: {  	_ =	shalt  }
0x84: {  	_ =	shalt  }
0x85: {  	_ =	shalt  }
0x86: {  	_ =	shalt  }
0x87: {  	_ =	shalt  }
.Lfunc_end0:
.L_simem_size_0:
called_computation_lowered:
.L_overlay_start_0:
0x88: {  	s2 =	sld [smem:$0x3FD9]  }
0x89: {  	s3 =	sld [smem:$0x3FFE];
	_ =	sdelay $0x1  }
0x8a: {  	s1 =	srdreg.scid  }
0x8b: {  	s0 =	sand.u32 $0x1, s1  }
0x8c: {  	s17 =	sshll.u32 s0, $0xA;
	s2 =	sadd.s32 s3, s2  }
0x8d: {  	s2 =	sadd.s32 s2, s17  }
0x8e: {  	[smem:$0x3FC5] =	sst s2  }
0x8f: {  	_ = 	snop  }
0x90: {  	s2 =	sld [smem:$0x3FD0];
	(tm) =	ssettm $0x1  }
0x91: {  	s18 =	sld [smem:$0x3FFB];
	_ =	sdelay $0x3  }
0x92: {  	_ =	strace s18  }
0x93: {  	s3 =	sld [smem:$0x3FFC];
	_ =	sdelay $0x3  }
0x94: {  	_ =	strace s3  }
0x95: {  	s3 =	sld [smem:$0x3FFD];
	_ =	sdelay $0x3  }
0x96: {  	_ =	strace s3  }
0x97: {  	_ =	strace $0x8FFFFFFF  }
0x98: {  	s19 =	sld [smem:$0x3FDB];
	_ =	sdelay $0x1  }
0x99: {  	s4 =	simm.s32 $_scs_section_size  }
0x9a: {  	s5 =	simm.s32 $_size__tile_overlayer_lowered;
	s6 =	simm.s32 $_tile_overlayer_lowered  }
0x9b: {  	s22 =	simm.s32 $0x1BFF;
	s21 =	sshll.u32 s6, $0x1;
	s3 =	sadd.s32 s4, s19  }
0x9c: {  	s7 =	simm.s32 $0x0;
	s20 =	sshll.u32 s5, $0x1;
	s5 =	sadd.s32 s21, s3  }
0x9d: {  	[timem:s7], [sflag:s22] =	dma.local [hbm:s5], s20  }
0x9e: {  	_ =	swait.ge [sflag:s22], s20  }
0x9f: {  	s4 =	ssub.s32 $0x0, s20;
	[sflag:s22] =	ssyncset.done $0x0  }
0xa0: {  	[sflag:s22] =	ssyncadd.s32 s4;
	_ =	sdelay $0x1  }
0xa1: {  	s23 =	simm.s32 $0x1B8B  }
0xa2: {  	_ =	swait.ge [sflag:s23], $0x1  }
0xa3: {  	[sflag:s23] =	ssyncset.done $0x0  }
0xa4: {  	s25 =	simm.s32 $0x1B8E;
	s24 =	sld [smem:$0x3FFE];
	[sflag:s23] =	ssyncadd.s32 $0xFFFFFFFF  }
0xa5: {  	s26 =	simm.s32 $execute0_lowered;
	[smem:$0x3FD2] =	sst s25  }
0xa6: {  	s5 =	sshll.u32 s26, $0x1;
	_ =	strace $0x80000046;
	[dreg:$0x1] =	wrdreg $0xFFFFFFFF  }
0xa7: {  	s28 =	simm.s32 $_size_execute0_lowered;
	s3 =	sadd.s32 s3, s5;
	[dreg:$0x0] =	wrdreg $0x0  }
0xa8: {  	s5 =	sshll.u32 s28, $0x1;
	[dreg:$0x2] =	wrdreg s3  }
0xa9: {  	[dreg:$0x3] =	wrdreg s5  }
0xaa: {  	[dreg:$0x4] =	wrdreg $0xC0  }
0xab: {  	_ =	task [dreg:s7], $0x5FFFF  }
0xac: {  	[dreg:$0x1] =	wrdreg $0xFFFFFFFF  }
0xad: {  	[dreg:$0x0] =	wrdreg $0x60  }
0xae: {  	[dreg:$0x2] =	wrdreg s24  }
0xaf: {  	[dreg:$0x3] =	wrdreg s2  }
0xb0: {  	[dreg:$0x4] =	wrdreg $0xCB000  }
0xb1: {  	[dreg:$0x5] =	wrdreg $0x9  }
0xb2: {  	_ =	task.clear_ibuf [dreg:s7], $0x6FFFF;
	_ =	strace $0x90000046  }
0xb3: {  	s29 =	simm.s32 $0x9;
	_ =	strace $0x80000048  }
0xb4: {  	_ =	swait.ge [sflag:s29], $0x1  }
0xb5: {  	[sflag:s29] =	ssyncadd.s32 $0xFFFFFFFF  }
0xb6: {  	_ =	strace $0x90000048  }
0xb7: {  	_ =	sfence  }
0xb8: {  	s30 =	sld [smem:$0x0];
	_ =	sdelay $0x2  }
0xb9: {  	s31 =	sshll.u32 s1, $0xD;
	s1 =	sshrl.u32 s1, $0x2  }
0xba: {  	s3 =	sand.u32 $0x4000, s31;
	s1 =	sadd.s32 s1, s30  }
0xbb: {  	s0 =	sor.u32 s3, s0;
	s1 =	sshll.u32 s1, $0x11  }
0xbc: {  	s0 =	sor.u32 s1, s0  }
0xbd: {  	s0 =	sadd.s32 $0x8F2B, s0  }
0xbe: {  	[sflag:s0] =	ssyncadd.remote.s32 $0x1  }
0xbf: {  	_ =	sfence.sel $0xFFFF  }
0xc0: {  	[dreg:$0x0] =	wrdreg $0xFFFFFFFF;
	(pc) =	sbr.abs _section_cstart, $3  }
0xc1: {  	[dreg:$0x1] =	wrdreg $0xFFFFFFFF  }
0xc2: {  	_ =	task.clear_ibuf [dreg:s7], $0x2FFFF;
	_ =	strace $0x9FFFFFFF  }
0xc3: {  	(tm) =	ssettm $0x7FFFFFFF  }
tec
execute0_lowered:
.L_overlay_start_1:
0x0: {  	(tag) =	ssettag $0x1  }
0x1: {  	s3 =	rddreg [dreg:$0x0]  }
0x2: {  	s4 =	rddreg [dreg:$0x1];
	s1 =	srdreg.scid  }
0x3: {  	s5 =	rddreg [dreg:$0x2];
	s2 =	simm.s32 $0x0;
	s15 =	sand.u32 $0x1, s1  }
0x4: {  	s1 =	stileid.u32;
	[smem:$0x7FF] =	sst s2;
	s6 =	sshll.u32 s15, $0x4  }
0x5: {  	_ =	strace $0x80000047;
	s9 =	ssub.s32 $0x2, s15;
	s10 =	sshrl.u32 s1, $0x3  }
0x6: {  	s30 =	sshll.u32 s1, $0x7;
	s18 =	sand.u32 $0x8, s1;
	s25 =	sand.u32 $0x7, s1  }
0x7: {  	s17 =	sshll.u32 s15, $0xE;
	s26 =	sshll.u32 s1, $0xA;
	s6 =	sor.u32 s1, s6  }
0x8: {  	s11 =	sshrl.u32 s9, $0x1;
	s10 =	smul.u32 $0x83000, s10;
	s19 =	sor.u32 $0x1, s18  }
0x9: {  	s20 =	sor.u32 $0x2, s18;
	s21 =	sor.u32 $0x3, s18;
	s22 =	sor.u32 $0x4, s18  }
0xa: {  	s23 =	sor.u32 $0x5, s18;
	s24 =	sor.u32 $0x6, s18;
	p0 =	seq.s32 s18, s1  }
0xb: {  	s18 =	simm.s32 $0x1;
	s7 =	sshll.u32 s6, $0x7;
	s6 =	sshll.u32 s6, $0xB  }
0xc: {  	s16 =	ssub.s32 s9, s11;
	s0 =	simm.s32 @!p0 $0x0;
	p2 =	seq.s32 s20, s1  }
0xd: {  	s20 =	simm.s32 $0x4800;
	p3 =	seq.s32 s21, s1;
	s21 =	simm.s32 $0x80  }
0xe: {  	p4 =	seq.s32 s22, s1;
	s22 =	simm.s32 $0x400;
	p5 =	seq.s32 s23, s1  }
0xf: {  	p6 =	seq.s32 s24, s1;
	s23 =	simm.s32 $0x8980;
	s24 =	simm.s32 $0x0  }
0x10: {  	s8 =	sadd.s32 s7, s3;
	s14 =	sadd.s32 s6, s3;
	s4 =	sadd.s32 s4, s7  }
0x11: {  	s31 =	sshrl.u32 s10, $0x2;
	s6 =	sand.u32 $0x380, s30;
	s15 =	smax.u32 s16, $0x1  }
0x12: {  	s16 =	sor.u32 s26, s17;
	s17 =	simm.s32 $0x4000;
	s0 =	simm.s32 @p0 $0x1  }
0x13: {  	v0 =	vimm.s32 $0xFFEDCBA9;
	v1 =	vimm.s32 $0x87654321;
	p0 =	seq.s32 s19, s1;
	s19 =	simm.s32 $0x4400;
	s3 =	sadd.s32 $0xA00, s8  }
0x14: {  	v0 =	vunpack.c.l.s4.s8 v0;
	v1 =	vunpack.c.l.s4.s8 v1;
	s5 =	sadd.s32 s31, s5;
	s14 =	sadd.s32 $0x1A00, s14;
	[smem:$0x7FC] =	sst s0  }
0x15: {  	s0 =	simm.s32 @!p0 $0x0;
	s6 =	sadd.s32 s6, s5;
	s7 =	sadd.s32 $0x80, s5  }
0x16: {  	v2 =	vunpack.c.0.s8.s32 v0;
	v3 =	vunpack.c.0.s8.s32 v1;
	s8 =	sadd.s32 $0x100, s5;
	s9 =	sadd.s32 $0x180, s5;
	s10 =	sadd.s32 $0x200, s5  }
0x17: {  	vm0 =	vcmask $0x3F3C;
	s11 =	sadd.s32 $0x280, s5;
	s12 =	sadd.s32 $0x300, s5;
	s0 =	simm.s32 @p0 $0x1  }
0x18: {  	v0 =	vimm.s32 $0xFFFFFFFF;
	v1 =	vlaneseq.u32;
	v2 =	vcombine.low v3, v2;
	s13 =	sadd.s32 $0x380, s5;
	p0 =	seq.s32 s25, $0x7;
	[smem:$0x7FD] =	sst s0  }
.LBB2_1:
0x19: {  	[tilespmem:s17], [sflag:$0x1] =	stream.linear.gather [hbm4b:s3+s2], $0x400, $0x38;
	[tilespmem:$0x10C80] =	vst v63  }
0x1a: {  	_ =	swait.ge [sflag:s18], $0x400  }
0x1b: {  	[sflag:s18] =	ssyncset.done $0x0  }
0x1c: {  	[sflag:s18] =	ssyncadd.s32 $0xFFFFFC00  }
0x1d: {  	[tilespmem:s19], [sflag:$0x1] =	stream.linear.gather [hbm4b:s4+s2], $0x400, $0x38;
	[tilespmem:$0x10C80] =	vst v63  }
0x1e: {  	_ =	swait.ge [sflag:s18], $0x400  }
0x1f: {  	[sflag:s18] =	ssyncset.done $0x0  }
0x20: {  	s25 =	simm.s32 $0x0;
	s26 =	simm.s32 $0x200;
	[sflag:s18] =	ssyncadd.s32 $0xFFFFFC00  }
.LBB2_2:
0x21: {  	p1 =	sne.s32 s26, $0x10400;
	[tilespmem:s25+$0x4870] =	vst v0  }
0x22: {  	[tilespmem:s25+$0x4800] =	vst v0  }
0x23: {  	[tilespmem:s25+$0x4810] =	vst v0  }
.Ltmp0:
0x24: {  	[tilespmem:s25+$0x4820] =	vst v0;
	(pc) =	sbr.rel @p1 .LBB2_2-.Ltmp0, $4  }
0x25: {  	[tilespmem:s25+$0x4830] =	vst v0  }
0x26: {  	[tilespmem:s25+$0x4840] =	vst v0  }
0x27: {  	[tilespmem:s25+$0x4850] =	vst v0  }
0x28: {  	[tilespmem:s25+$0x4860] =	vst v0;
	s25 =	sshra.s32 s26, $0x2;
	s26 =	sadd.s32 $0x200, s26  }
0x29: {  	[tilespmem:s25+$0x4870] =	vst v0  }
0x2a: {  	[tilespmem:s25+$0x4800] =	vst v0  }
0x2b: {  	[tilespmem:s25+$0x4810] =	vst v0  }
0x2c: {  	[tilespmem:s25+$0x4820] =	vst v0  }
0x2d: {  	[tilespmem:s25+$0x4830] =	vst v0  }
0x2e: {  	[tilespmem:s25+$0x4840] =	vst v0  }
0x2f: {  	[tilespmem:s25+$0x4850] =	vst v0  }
0x30: {  	[tilespmem:s25+$0x4860] =	vst v0;
	s31 =	simm.s32 $0x0  }
0x31: {  	v3 =	vld [tilespmem:s31+$0x4000];
	_ =	sdelay $0x1  }
0x32: {  	v4 =	vld [tilespmem:s31+$0x4400];
	_ =	sdelay $0x2  }
0x33: {  	v3 =	vmul.u32 $0x81, v3;
	_ =	sdelay $0x1  }
0x34: {  	v3 =	vadd.s32 v4, v3  }
0x35: {  	v63 =	vor.u32 s16, v1;
	v3 =	vshll.u32 v3, $0xF  }
0x36: {  	v3 =	vadd.s32 v63, v3  }
0x37: {  	v3 =	vxor.u32 $0x80000000, v3  }
0x38: {  	(xrf1) =	vsort.ascd.msk.u32 $0xffff, v3, v63;
	_ =	sdelay $0xd  }
0x39: {  	v3, v4, _ =	vpop (xrf1)  }
0x3a: {  	v3 =	vshra.s32 v3, $0xF  }
0x3b: {  	v3 =	vxor.u32 $0xFFFF0000, v3  }
0x3c: {  	v5 =	vperm.xlane v3, v2;
	_ =	sdelay $0x1  }
0x3d: {  	vm1 =	vne.s32 v3, v5  }
0x3e: {  	vm1 =	vmor vm1, vm0;
	_ =	sdelay $0x5  }
0x3f: {  	s28 =	simm.s32 $0x10;
	s26 =	simm.s32 $0x80;
	s25 =	smov.u32 s16;
	[tilespmem:v3+s20+$0x0] =	vst.idx.msk vm1, v4  }
.LBB2_4:
0x40: {  	p1 =	sne.s32 s26, $0xFC0;
	v3 =	vld [tilespmem:s28+$0x4000];
	_ =	sdelay $0x1  }
0x41: {  	v4 =	vld [tilespmem:s28+$0x4400];
	_ =	sdelay $0x2  }
0x42: {  	v3 =	vmul.u32 $0x81, v3;
	_ =	sdelay $0x1  }
0x43: {  	s25 =	sadd.s32 $0x10, s25;
	v3 =	vadd.s32 v4, v3  }
0x44: {  	v4 =	vor.u32 s25, v1;
	v3 =	vshll.u32 v3, $0xF  }
0x45: {  	v3 =	vadd.s32 v4, v3  }
0x46: {  	v3 =	vxor.u32 $0x80000000, v3  }
0x47: {  	(xrf1) =	vsort.ascd.msk.u32 $0xffff, v3, v4;
	_ =	sdelay $0xd  }
0x48: {  	v3, v4, _ =	vpop (xrf1)  }
0x49: {  	v3 =	vshra.s32 v3, $0xF  }
0x4a: {  	v3 =	vxor.u32 $0xFFFF0000, v3  }
0x4b: {  	v5 =	vperm.xlane v3, v2;
	_ =	sdelay $0x1  }
0x4c: {  	vm1 =	vne.s32 v3, v5  }
0x4d: {  	vm1 =	vmor vm1, vm0;
	_ =	sdelay $0x1  }
.Ltmp1:
0x4e: {  	(pc) =	sbr.rel @p1 .LBB2_4-.Ltmp1, $2  }
0x4f: {  	_ =	sdelay $0x2  }
0x50: {  	s28 =	sshra.s32 s26, $0x2;
	s26 =	sadd.s32 $0x40, s26;
	[tilespmem:v3+s20+$0x0] =	vst.idx.msk vm1, v4  }
0x51: {  	v3 =	vld [tilespmem:s28+$0x4000];
	_ =	sdelay $0x1  }
0x52: {  	v4 =	vld [tilespmem:s28+$0x4400];
	_ =	sdelay $0x2  }
0x53: {  	v3 =	vmul.u32 $0x81, v3;
	_ =	sdelay $0x1  }
0x54: {  	s25 =	sadd.s32 $0x10, s25;
	v3 =	vadd.s32 v4, v3  }
0x55: {  	v63 =	vor.u32 s25, v1;
	v3 =	vshll.u32 v3, $0xF  }
0x56: {  	v3 =	vadd.s32 v63, v3  }
0x57: {  	v3 =	vxor.u32 $0x80000000, v3  }
0x58: {  	(xrf1) =	vsort.ascd.msk.u32 $0xffff, v3, v63;
	_ =	sdelay $0xd  }
0x59: {  	v3, v4, _ =	vpop (xrf1)  }
0x5a: {  	v3 =	vshra.s32 v3, $0xF  }
0x5b: {  	v3 =	vxor.u32 $0xFFFF0000, v3  }
0x5c: {  	v5 =	vperm.xlane v3, v2;
	_ =	sdelay $0x1  }
0x5d: {  	vm1 =	vne.s32 v3, v5  }
0x5e: {  	vm1 =	vmor vm1, vm0;
	_ =	sdelay $0x5  }
0x5f: {  	[tilespmem:v3+s20+$0x0] =	vst.idx.msk vm1, v4  }
0x60: {  	[spmem:s6] =	stream.strided.scatter [tilespmem:s20], [sflag:$0x1], $0x4180, s22, s21, $0x38;
	[tilespmem:$0x10C80] =	vst v63  }
0x61: {  	_ =	swait.ge [sflag:s18], $0x4180  }
0x62: {  	[sflag:s18] =	ssyncset.done $0x0  }
0x63: {  	[sflag:s18] =	ssyncadd.s32 $0xFFFFBE80  }
0x64: {  	[bflag:$0x0] =	sbarrier.arrive $0xFFFF  }
0x65: {  	s0 =	sld [smem:$0x7FC];
	_ =	sdelay $0x2  }
0x66: {  	p1 =	seq.s32 s0, $0x1  }
.Ltmp2:
0x67: {  	_ = 	snop;
	(pc) =	sbr.rel @p1 .LBB2_9-.Ltmp2, $1  }
0x68: {  	_ =	sdelay $0x3  }
0x69: {  	[tilespmem:s23], [sflag:$0x1] =	stream.strided.gather [spmem:s5], $0x4180, s22, s21, $0x38;
	[tilespmem:$0x10C80] =	vst v63  }
0x6a: {  	_ =	swait.ge [sflag:s18], $0x4180  }
0x6b: {  	[sflag:s18] =	ssyncset.done $0x0  }
0x6c: {  	s25 =	simm.s32 $0x0;
	[sflag:s18] =	ssyncadd.s32 $0xFFFFBE80  }
0x6d: {  	v10 =	vld [tilespmem:s25+$0x8980]  }
0x6e: {  	v9 =	vld [tilespmem:s25+$0x8990]  }
0x6f: {  	v8 =	vld [tilespmem:s25+$0x89A0]  }
0x70: {  	v7 =	vld [tilespmem:s25+$0x89B0]  }
0x71: {  	v6 =	vld [tilespmem:s25+$0x89C0]  }
0x72: {  	v5 =	vld [tilespmem:s25+$0x89D0]  }
0x73: {  	v4 =	vld [tilespmem:s25+$0x89E0]  }
0x74: {  	v3 =	vld [tilespmem:s25+$0x89F0]  }
0x75: {  	v16 =	vld [tilespmem:s25+$0x4800]  }
0x76: {  	v15 =	vld [tilespmem:s25+$0x4810]  }
0x77: {  	v14 =	vld [tilespmem:s25+$0x4820]  }
0x78: {  	v13 =	vld [tilespmem:s25+$0x4830]  }
0x79: {  	v12 =	vld [tilespmem:s25+$0x4840]  }
0x7a: {  	v11 =	vld [tilespmem:s25+$0x4850];
	vm1 =	vgt.s32 v16, v10  }
0x7b: {  	s26 =	simm.s32 $0x200;
	v16 =	vsel vm1, v16, v10;
	vm1 =	vgt.s32 v15, v9;
	v10 =	vld [tilespmem:s25+$0x4860]  }
.LBB2_7:
0x7c: {  	s28 =	sshra.s32 s26, $0x2;
	p1 =	sne.s32 s26, $0x10400;
	[tilespmem:s25+$0x4800] =	vst v16;
	v9 =	vsel vm1, v15, v9;
	vm1 =	vgt.s32 v14, v8;
	v15 =	vld [tilespmem:s25+$0x4870]  }
0x7d: {  	v16 =	vld [tilespmem:s28+$0x8980];
	[tilespmem:s25+$0x4810] =	vst v9;
	v8 =	vsel vm1, v14, v8;
	vm1 =	vgt.s32 v13, v7  }
0x7e: {  	v9 =	vld [tilespmem:s28+$0x8990];
	[tilespmem:s25+$0x4820] =	vst v8;
	v7 =	vsel vm1, v13, v7;
	vm1 =	vgt.s32 v12, v6  }
0x7f: {  	v8 =	vld [tilespmem:s28+$0x89A0];
	[tilespmem:s25+$0x4830] =	vst v7;
	v6 =	vsel vm1, v12, v6;
	vm1 =	vgt.s32 v11, v5  }
0x80: {  	v7 =	vld [tilespmem:s28+$0x89B0];
	[tilespmem:s25+$0x4840] =	vst v6;
	v5 =	vsel vm1, v11, v5;
	vm1 =	vgt.s32 v10, v4  }
0x81: {  	v6 =	vld [tilespmem:s28+$0x89C0];
	[tilespmem:s25+$0x4850] =	vst v5;
	v4 =	vsel vm1, v10, v4;
	vm1 =	vgt.s32 v15, v3  }
0x82: {  	v5 =	vld [tilespmem:s28+$0x89D0];
	[tilespmem:s25+$0x4860] =	vst v4;
	v3 =	vsel vm1, v15, v3  }
0x83: {  	v4 =	vld [tilespmem:s28+$0x89E0];
	[tilespmem:s25+$0x4870] =	vst v3;
	s25 =	smov.u32 s28  }
0x84: {  	v3 =	vld [tilespmem:s25+$0x89F0]  }
0x85: {  	v10 =	vld [tilespmem:s25+$0x4800]  }
0x86: {  	v15 =	vld [tilespmem:s25+$0x4810]  }
.Ltmp3:
0x87: {  	v14 =	vld [tilespmem:s25+$0x4820];
	(pc) =	sbr.rel @p1 .LBB2_7-.Ltmp3, $4  }
0x88: {  	v13 =	vld [tilespmem:s25+$0x4830]  }
0x89: {  	v12 =	vld [tilespmem:s25+$0x4840]  }
0x8a: {  	vm1 =	vgt.s32 v10, v16;
	v11 =	vld [tilespmem:s25+$0x4850]  }
0x8b: {  	s26 =	sadd.s32 $0x200, s26;
	v16 =	vsel vm1, v10, v16;
	vm1 =	vgt.s32 v15, v9;
	v10 =	vld [tilespmem:s25+$0x4860]  }
0x8c: {  	[tilespmem:s25+$0x4800] =	vst v16;
	v9 =	vsel vm1, v15, v9;
	vm1 =	vgt.s32 v14, v8;
	v63 =	vld [tilespmem:s25+$0x4870]  }
0x8d: {  	[tilespmem:s25+$0x4810] =	vst v9;
	v8 =	vsel vm1, v14, v8;
	vm1 =	vgt.s32 v13, v7  }
0x8e: {  	[tilespmem:s25+$0x4820] =	vst v8;
	v7 =	vsel vm1, v13, v7;
	vm1 =	vgt.s32 v12, v6  }
0x8f: {  	[tilespmem:s25+$0x4830] =	vst v7;
	v6 =	vsel vm1, v12, v6;
	vm1 =	vgt.s32 v11, v5  }
0x90: {  	[tilespmem:s25+$0x4840] =	vst v6;
	v5 =	vsel vm1, v11, v5;
	vm1 =	vgt.s32 v10, v4  }
0x91: {  	[tilespmem:s25+$0x4850] =	vst v5;
	v4 =	vsel vm1, v10, v4;
	vm1 =	vgt.s32 v63, v3  }
0x92: {  	[tilespmem:s25+$0x4860] =	vst v4;
	v3 =	vsel vm1, v63, v3  }
0x93: {  	[tilespmem:s25+$0x4870] =	vst v3  }
.LBB2_9:
0x94: {  	s0 =	sld [smem:$0x7FD];
	_ =	sdelay $0x2  }
0x95: {  	p1 =	seq.s32 s0, $0x1  }
.Ltmp4:
0x96: {  	_ = 	snop;
	(pc) =	sbr.rel @p1 .LBB2_13-.Ltmp4, $1  }
0x97: {  	_ =	sdelay $0x3  }
0x98: {  	[tilespmem:s23], [sflag:$0x1] =	stream.strided.gather [spmem:s7], $0x4180, s22, s21, $0x38;
	[tilespmem:$0x10C80] =	vst v63  }
0x99: {  	_ =	swait.ge [sflag:s18], $0x4180  }
0x9a: {  	[sflag:s18] =	ssyncset.done $0x0  }
0x9b: {  	s25 =	simm.s32 $0x0;
	[sflag:s18] =	ssyncadd.s32 $0xFFFFBE80  }
0x9c: {  	v10 =	vld [tilespmem:s25+$0x8980]  }
0x9d: {  	v9 =	vld [tilespmem:s25+$0x8990]  }
0x9e: {  	v8 =	vld [tilespmem:s25+$0x89A0]  }
0x9f: {  	v7 =	vld [tilespmem:s25+$0x89B0]  }
0xa0: {  	v6 =	vld [tilespmem:s25+$0x89C0]  }
0xa1: {  	v5 =	vld [tilespmem:s25+$0x89D0]  }
0xa2: {  	v4 =	vld [tilespmem:s25+$0x89E0]  }
0xa3: {  	v3 =	vld [tilespmem:s25+$0x89F0]  }
0xa4: {  	v16 =	vld [tilespmem:s25+$0x4800]  }
0xa5: {  	v15 =	vld [tilespmem:s25+$0x4810]  }
0xa6: {  	v14 =	vld [tilespmem:s25+$0x4820]  }
0xa7: {  	v13 =	vld [tilespmem:s25+$0x4830]  }
0xa8: {  	v12 =	vld [tilespmem:s25+$0x4840]  }
0xa9: {  	v11 =	vld [tilespmem:s25+$0x4850];
	vm1 =	vgt.s32 v16, v10  }
0xaa: {  	s26 =	simm.s32 $0x200;
	v16 =	vsel vm1, v16, v10;
	vm1 =	vgt.s32 v15, v9;
	v10 =	vld [tilespmem:s25+$0x4860]  }
.LBB2_11:
0xab: {  	s28 =	sshra.s32 s26, $0x2;
	p1 =	sne.s32 s26, $0x10400;
	[tilespmem:s25+$0x4800] =	vst v16;
	v9 =	vsel vm1, v15, v9;
	vm1 =	vgt.s32 v14, v8;
	v15 =	vld [tilespmem:s25+$0x4870]  }
0xac: {  	v16 =	vld [tilespmem:s28+$0x8980];
	[tilespmem:s25+$0x4810] =	vst v9;
	v8 =	vsel vm1, v14, v8;
	vm1 =	vgt.s32 v13, v7  }
0xad: {  	v9 =	vld [tilespmem:s28+$0x8990];
	[tilespmem:s25+$0x4820] =	vst v8;
	v7 =	vsel vm1, v13, v7;
	vm1 =	vgt.s32 v12, v6  }
0xae: {  	v8 =	vld [tilespmem:s28+$0x89A0];
	[tilespmem:s25+$0x4830] =	vst v7;
	v6 =	vsel vm1, v12, v6;
	vm1 =	vgt.s32 v11, v5  }
0xaf: {  	v7 =	vld [tilespmem:s28+$0x89B0];
	[tilespmem:s25+$0x4840] =	vst v6;
	v5 =	vsel vm1, v11, v5;
	vm1 =	vgt.s32 v10, v4  }
0xb0: {  	v6 =	vld [tilespmem:s28+$0x89C0];
	[tilespmem:s25+$0x4850] =	vst v5;
	v4 =	vsel vm1, v10, v4;
	vm1 =	vgt.s32 v15, v3  }
0xb1: {  	v5 =	vld [tilespmem:s28+$0x89D0];
	[tilespmem:s25+$0x4860] =	vst v4;
	v3 =	vsel vm1, v15, v3  }
0xb2: {  	v4 =	vld [tilespmem:s28+$0x89E0];
	[tilespmem:s25+$0x4870] =	vst v3;
	s25 =	smov.u32 s28  }
0xb3: {  	v3 =	vld [tilespmem:s25+$0x89F0]  }
0xb4: {  	v10 =	vld [tilespmem:s25+$0x4800]  }
0xb5: {  	v15 =	vld [tilespmem:s25+$0x4810]  }
.Ltmp5:
0xb6: {  	v14 =	vld [tilespmem:s25+$0x4820];
	(pc) =	sbr.rel @p1 .LBB2_11-.Ltmp5, $4  }
0xb7: {  	v13 =	vld [tilespmem:s25+$0x4830]  }
0xb8: {  	v12 =	vld [tilespmem:s25+$0x4840]  }
0xb9: {  	vm1 =	vgt.s32 v10, v16;
	v11 =	vld [tilespmem:s25+$0x4850]  }
0xba: {  	s26 =	sadd.s32 $0x200, s26;
	v16 =	vsel vm1, v10, v16;
	vm1 =	vgt.s32 v15, v9;
	v10 =	vld [tilespmem:s25+$0x4860]  }
0xbb: {  	[tilespmem:s25+$0x4800] =	vst v16;
	v9 =	vsel vm1, v15, v9;
	vm1 =	vgt.s32 v14, v8;
	v63 =	vld [tilespmem:s25+$0x4870]  }
0xbc: {  	[tilespmem:s25+$0x4810] =	vst v9;
	v8 =	vsel vm1, v14, v8;
	vm1 =	vgt.s32 v13, v7  }
0xbd: {  	[tilespmem:s25+$0x4820] =	vst v8;
	v7 =	vsel vm1, v13, v7;
	vm1 =	vgt.s32 v12, v6  }
0xbe: {  	[tilespmem:s25+$0x4830] =	vst v7;
	v6 =	vsel vm1, v12, v6;
	vm1 =	vgt.s32 v11, v5  }
0xbf: {  	[tilespmem:s25+$0x4840] =	vst v6;
	v5 =	vsel vm1, v11, v5;
	vm1 =	vgt.s32 v10, v4  }
0xc0: {  	[tilespmem:s25+$0x4850] =	vst v5;
	v4 =	vsel vm1, v10, v4;
	vm1 =	vgt.s32 v63, v3  }
0xc1: {  	[tilespmem:s25+$0x4860] =	vst v4;
	v3 =	vsel vm1, v63, v3  }
0xc2: {  	[tilespmem:s25+$0x4870] =	vst v3  }
.LBB2_13:
.Ltmp6:
0xc3: {  	(pc) =	sbr.rel @p2 .LBB2_17-.Ltmp6, $1  }
0xc4: {  	_ =	sdelay $0x3  }
0xc5: {  	[tilespmem:s23], [sflag:$0x1] =	stream.strided.gather [spmem:s8], $0x4180, s22, s21, $0x38;
	[tilespmem:$0x10C80] =	vst v63  }
0xc6: {  	_ =	swait.ge [sflag:s18], $0x4180  }
0xc7: {  	[sflag:s18] =	ssyncset.done $0x0  }
0xc8: {  	s25 =	simm.s32 $0x0;
	[sflag:s18] =	ssyncadd.s32 $0xFFFFBE80  }
0xc9: {  	v10 =	vld [tilespmem:s25+$0x8980]  }
0xca: {  	v9 =	vld [tilespmem:s25+$0x8990]  }
0xcb: {  	v8 =	vld [tilespmem:s25+$0x89A0]  }
0xcc: {  	v7 =	vld [tilespmem:s25+$0x89B0]  }
0xcd: {  	v6 =	vld [tilespmem:s25+$0x89C0]  }
0xce: {  	v5 =	vld [tilespmem:s25+$0x89D0]  }
0xcf: {  	v4 =	vld [tilespmem:s25+$0x89E0]  }
0xd0: {  	v3 =	vld [tilespmem:s25+$0x89F0]  }
0xd1: {  	v16 =	vld [tilespmem:s25+$0x4800]  }
0xd2: {  	v15 =	vld [tilespmem:s25+$0x4810]  }
0xd3: {  	v14 =	vld [tilespmem:s25+$0x4820]  }
0xd4: {  	v13 =	vld [tilespmem:s25+$0x4830]  }
0xd5: {  	v12 =	vld [tilespmem:s25+$0x4840]  }
0xd6: {  	v11 =	vld [tilespmem:s25+$0x4850];
	vm1 =	vgt.s32 v16, v10  }
0xd7: {  	s26 =	simm.s32 $0x200;
	v16 =	vsel vm1, v16, v10;
	vm1 =	vgt.s32 v15, v9;
	v10 =	vld [tilespmem:s25+$0x4860]  }
.LBB2_15:
0xd8: {  	s28 =	sshra.s32 s26, $0x2;
	p1 =	sne.s32 s26, $0x10400;
	[tilespmem:s25+$0x4800] =	vst v16;
	v9 =	vsel vm1, v15, v9;
	vm1 =	vgt.s32 v14, v8;
	v15 =	vld [tilespmem:s25+$0x4870]  }
0xd9: {  	v16 =	vld [tilespmem:s28+$0x8980];
	[tilespmem:s25+$0x4810] =	vst v9;
	v8 =	vsel vm1, v14, v8;
	vm1 =	vgt.s32 v13, v7  }
0xda: {  	v9 =	vld [tilespmem:s28+$0x8990];
	[tilespmem:s25+$0x4820] =	vst v8;
	v7 =	vsel vm1, v13, v7;
	vm1 =	vgt.s32 v12, v6  }
0xdb: {  	v8 =	vld [tilespmem:s28+$0x89A0];
	[tilespmem:s25+$0x4830] =	vst v7;
	v6 =	vsel vm1, v12, v6;
	vm1 =	vgt.s32 v11, v5  }
0xdc: {  	v7 =	vld [tilespmem:s28+$0x89B0];
	[tilespmem:s25+$0x4840] =	vst v6;
	v5 =	vsel vm1, v11, v5;
	vm1 =	vgt.s32 v10, v4  }
0xdd: {  	v6 =	vld [tilespmem:s28+$0x89C0];
	[tilespmem:s25+$0x4850] =	vst v5;
	v4 =	vsel vm1, v10, v4;
	vm1 =	vgt.s32 v15, v3  }
0xde: {  	v5 =	vld [tilespmem:s28+$0x89D0];
	[tilespmem:s25+$0x4860] =	vst v4;
	v3 =	vsel vm1, v15, v3  }
0xdf: {  	v4 =	vld [tilespmem:s28+$0x89E0];
	[tilespmem:s25+$0x4870] =	vst v3;
	s25 =	smov.u32 s28  }
0xe0: {  	v3 =	vld [tilespmem:s25+$0x89F0]  }
0xe1: {  	v10 =	vld [tilespmem:s25+$0x4800]  }
0xe2: {  	v15 =	vld [tilespmem:s25+$0x4810]  }
.Ltmp7:
0xe3: {  	v14 =	vld [tilespmem:s25+$0x4820];
	(pc) =	sbr.rel @p1 .LBB2_15-.Ltmp7, $4  }
0xe4: {  	v13 =	vld [tilespmem:s25+$0x4830]  }
0xe5: {  	v12 =	vld [tilespmem:s25+$0x4840]  }
0xe6: {  	vm1 =	vgt.s32 v10, v16;
	v11 =	vld [tilespmem:s25+$0x4850]  }
0xe7: {  	s26 =	sadd.s32 $0x200, s26;
	v16 =	vsel vm1, v10, v16;
	vm1 =	vgt.s32 v15, v9;
	v10 =	vld [tilespmem:s25+$0x4860]  }
0xe8: {  	[tilespmem:s25+$0x4800] =	vst v16;
	v9 =	vsel vm1, v15, v9;
	vm1 =	vgt.s32 v14, v8;
	v63 =	vld [tilespmem:s25+$0x4870]  }
0xe9: {  	[tilespmem:s25+$0x4810] =	vst v9;
	v8 =	vsel vm1, v14, v8;
	vm1 =	vgt.s32 v13, v7  }
0xea: {  	[tilespmem:s25+$0x4820] =	vst v8;
	v7 =	vsel vm1, v13, v7;
	vm1 =	vgt.s32 v12, v6  }
0xeb: {  	[tilespmem:s25+$0x4830] =	vst v7;
	v6 =	vsel vm1, v12, v6;
	vm1 =	vgt.s32 v11, v5  }
0xec: {  	[tilespmem:s25+$0x4840] =	vst v6;
	v5 =	vsel vm1, v11, v5;
	vm1 =	vgt.s32 v10, v4  }
0xed: {  	[tilespmem:s25+$0x4850] =	vst v5;
	v4 =	vsel vm1, v10, v4;
	vm1 =	vgt.s32 v63, v3  }
0xee: {  	[tilespmem:s25+$0x4860] =	vst v4;
	v3 =	vsel vm1, v63, v3  }
0xef: {  	[tilespmem:s25+$0x4870] =	vst v3  }
.LBB2_17:
.Ltmp8:
0xf0: {  	(pc) =	sbr.rel @p3 .LBB2_21-.Ltmp8, $1  }
0xf1: {  	_ =	sdelay $0x3  }
0xf2: {  	[tilespmem:s23], [sflag:$0x1] =	stream.strided.gather [spmem:s9], $0x4180, s22, s21, $0x38;
	[tilespmem:$0x10C80] =	vst v63  }
0xf3: {  	_ =	swait.ge [sflag:s18], $0x4180  }
0xf4: {  	[sflag:s18] =	ssyncset.done $0x0  }
0xf5: {  	s25 =	simm.s32 $0x0;
	[sflag:s18] =	ssyncadd.s32 $0xFFFFBE80  }
0xf6: {  	v10 =	vld [tilespmem:s25+$0x8980]  }
0xf7: {  	v9 =	vld [tilespmem:s25+$0x8990]  }
0xf8: {  	v8 =	vld [tilespmem:s25+$0x89A0]  }
0xf9: {  	v7 =	vld [tilespmem:s25+$0x89B0]  }
0xfa: {  	v6 =	vld [tilespmem:s25+$0x89C0]  }
0xfb: {  	v5 =	vld [tilespmem:s25+$0x89D0]  }
0xfc: {  	v4 =	vld [tilespmem:s25+$0x89E0]  }
0xfd: {  	v3 =	vld [tilespmem:s25+$0x89F0]  }
0xfe: {  	v16 =	vld [tilespmem:s25+$0x4800]  }
0xff: {  	v15 =	vld [tilespmem:s25+$0x4810]  }
0x100: {  	v14 =	vld [tilespmem:s25+$0x4820]  }
0x101: {  	v13 =	vld [tilespmem:s25+$0x4830]  }
0x102: {  	v12 =	vld [tilespmem:s25+$0x4840]  }
0x103: {  	v11 =	vld [tilespmem:s25+$0x4850];
	vm1 =	vgt.s32 v16, v10  }
0x104: {  	s26 =	simm.s32 $0x200;
	v16 =	vsel vm1, v16, v10;
	vm1 =	vgt.s32 v15, v9;
	v10 =	vld [tilespmem:s25+$0x4860]  }
.LBB2_19:
0x105: {  	s28 =	sshra.s32 s26, $0x2;
	p1 =	sne.s32 s26, $0x10400;
	[tilespmem:s25+$0x4800] =	vst v16;
	v9 =	vsel vm1, v15, v9;
	vm1 =	vgt.s32 v14, v8;
	v15 =	vld [tilespmem:s25+$0x4870]  }
0x106: {  	v16 =	vld [tilespmem:s28+$0x8980];
	[tilespmem:s25+$0x4810] =	vst v9;
	v8 =	vsel vm1, v14, v8;
	vm1 =	vgt.s32 v13, v7  }
0x107: {  	v9 =	vld [tilespmem:s28+$0x8990];
	[tilespmem:s25+$0x4820] =	vst v8;
	v7 =	vsel vm1, v13, v7;
	vm1 =	vgt.s32 v12, v6  }
0x108: {  	v8 =	vld [tilespmem:s28+$0x89A0];
	[tilespmem:s25+$0x4830] =	vst v7;
	v6 =	vsel vm1, v12, v6;
	vm1 =	vgt.s32 v11, v5  }
0x109: {  	v7 =	vld [tilespmem:s28+$0x89B0];
	[tilespmem:s25+$0x4840] =	vst v6;
	v5 =	vsel vm1, v11, v5;
	vm1 =	vgt.s32 v10, v4  }
0x10a: {  	v6 =	vld [tilespmem:s28+$0x89C0];
	[tilespmem:s25+$0x4850] =	vst v5;
	v4 =	vsel vm1, v10, v4;
	vm1 =	vgt.s32 v15, v3  }
0x10b: {  	v5 =	vld [tilespmem:s28+$0x89D0];
	[tilespmem:s25+$0x4860] =	vst v4;
	v3 =	vsel vm1, v15, v3  }
0x10c: {  	v4 =	vld [tilespmem:s28+$0x89E0];
	[tilespmem:s25+$0x4870] =	vst v3;
	s25 =	smov.u32 s28  }
0x10d: {  	v3 =	vld [tilespmem:s25+$0x89F0]  }
0x10e: {  	v10 =	vld [tilespmem:s25+$0x4800]  }
0x10f: {  	v15 =	vld [tilespmem:s25+$0x4810]  }
.Ltmp9:
0x110: {  	v14 =	vld [tilespmem:s25+$0x4820];
	(pc) =	sbr.rel @p1 .LBB2_19-.Ltmp9, $4  }
0x111: {  	v13 =	vld [tilespmem:s25+$0x4830]  }
0x112: {  	v12 =	vld [tilespmem:s25+$0x4840]  }
0x113: {  	vm1 =	vgt.s32 v10, v16;
	v11 =	vld [tilespmem:s25+$0x4850]  }
0x114: {  	s26 =	sadd.s32 $0x200, s26;
	v16 =	vsel vm1, v10, v16;
	vm1 =	vgt.s32 v15, v9;
	v10 =	vld [tilespmem:s25+$0x4860]  }
0x115: {  	[tilespmem:s25+$0x4800] =	vst v16;
	v9 =	vsel vm1, v15, v9;
	vm1 =	vgt.s32 v14, v8;
	v63 =	vld [tilespmem:s25+$0x4870]  }
0x116: {  	[tilespmem:s25+$0x4810] =	vst v9;
	v8 =	vsel vm1, v14, v8;
	vm1 =	vgt.s32 v13, v7  }
0x117: {  	[tilespmem:s25+$0x4820] =	vst v8;
	v7 =	vsel vm1, v13, v7;
	vm1 =	vgt.s32 v12, v6  }
0x118: {  	[tilespmem:s25+$0x4830] =	vst v7;
	v6 =	vsel vm1, v12, v6;
	vm1 =	vgt.s32 v11, v5  }
0x119: {  	[tilespmem:s25+$0x4840] =	vst v6;
	v5 =	vsel vm1, v11, v5;
	vm1 =	vgt.s32 v10, v4  }
0x11a: {  	[tilespmem:s25+$0x4850] =	vst v5;
	v4 =	vsel vm1, v10, v4;
	vm1 =	vgt.s32 v63, v3  }
0x11b: {  	[tilespmem:s25+$0x4860] =	vst v4;
	v3 =	vsel vm1, v63, v3  }
0x11c: {  	[tilespmem:s25+$0x4870] =	vst v3  }
.LBB2_21:
.Ltmp10:
0x11d: {  	(pc) =	sbr.rel @p4 .LBB2_25-.Ltmp10, $1  }
0x11e: {  	_ =	sdelay $0x3  }
0x11f: {  	[tilespmem:s23], [sflag:$0x1] =	stream.strided.gather [spmem:s10], $0x4180, s22, s21, $0x38;
	[tilespmem:$0x10C80] =	vst v63  }
0x120: {  	_ =	swait.ge [sflag:s18], $0x4180  }
0x121: {  	[sflag:s18] =	ssyncset.done $0x0  }
0x122: {  	s25 =	simm.s32 $0x0;
	[sflag:s18] =	ssyncadd.s32 $0xFFFFBE80  }
0x123: {  	v10 =	vld [tilespmem:s25+$0x8980]  }
0x124: {  	v9 =	vld [tilespmem:s25+$0x8990]  }
0x125: {  	v8 =	vld [tilespmem:s25+$0x89A0]  }
0x126: {  	v7 =	vld [tilespmem:s25+$0x89B0]  }
0x127: {  	v6 =	vld [tilespmem:s25+$0x89C0]  }
0x128: {  	v5 =	vld [tilespmem:s25+$0x89D0]  }
0x129: {  	v4 =	vld [tilespmem:s25+$0x89E0]  }
0x12a: {  	v3 =	vld [tilespmem:s25+$0x89F0]  }
0x12b: {  	v16 =	vld [tilespmem:s25+$0x4800]  }
0x12c: {  	v15 =	vld [tilespmem:s25+$0x4810]  }
0x12d: {  	v14 =	vld [tilespmem:s25+$0x4820]  }
0x12e: {  	v13 =	vld [tilespmem:s25+$0x4830]  }
0x12f: {  	v12 =	vld [tilespmem:s25+$0x4840]  }
0x130: {  	v11 =	vld [tilespmem:s25+$0x4850];
	vm1 =	vgt.s32 v16, v10  }
0x131: {  	s26 =	simm.s32 $0x200;
	v16 =	vsel vm1, v16, v10;
	vm1 =	vgt.s32 v15, v9;
	v10 =	vld [tilespmem:s25+$0x4860]  }
.LBB2_23:
0x132: {  	s28 =	sshra.s32 s26, $0x2;
	p1 =	sne.s32 s26, $0x10400;
	[tilespmem:s25+$0x4800] =	vst v16;
	v9 =	vsel vm1, v15, v9;
	vm1 =	vgt.s32 v14, v8;
	v15 =	vld [tilespmem:s25+$0x4870]  }
0x133: {  	v16 =	vld [tilespmem:s28+$0x8980];
	[tilespmem:s25+$0x4810] =	vst v9;
	v8 =	vsel vm1, v14, v8;
	vm1 =	vgt.s32 v13, v7  }
0x134: {  	v9 =	vld [tilespmem:s28+$0x8990];
	[tilespmem:s25+$0x4820] =	vst v8;
	v7 =	vsel vm1, v13, v7;
	vm1 =	vgt.s32 v12, v6  }
0x135: {  	v8 =	vld [tilespmem:s28+$0x89A0];
	[tilespmem:s25+$0x4830] =	vst v7;
	v6 =	vsel vm1, v12, v6;
	vm1 =	vgt.s32 v11, v5  }
0x136: {  	v7 =	vld [tilespmem:s28+$0x89B0];
	[tilespmem:s25+$0x4840] =	vst v6;
	v5 =	vsel vm1, v11, v5;
	vm1 =	vgt.s32 v10, v4  }
0x137: {  	v6 =	vld [tilespmem:s28+$0x89C0];
	[tilespmem:s25+$0x4850] =	vst v5;
	v4 =	vsel vm1, v10, v4;
	vm1 =	vgt.s32 v15, v3  }
0x138: {  	v5 =	vld [tilespmem:s28+$0x89D0];
	[tilespmem:s25+$0x4860] =	vst v4;
	v3 =	vsel vm1, v15, v3  }
0x139: {  	v4 =	vld [tilespmem:s28+$0x89E0];
	[tilespmem:s25+$0x4870] =	vst v3;
	s25 =	smov.u32 s28  }
0x13a: {  	v3 =	vld [tilespmem:s25+$0x89F0]  }
0x13b: {  	v10 =	vld [tilespmem:s25+$0x4800]  }
0x13c: {  	v15 =	vld [tilespmem:s25+$0x4810]  }
.Ltmp11:
0x13d: {  	v14 =	vld [tilespmem:s25+$0x4820];
	(pc) =	sbr.rel @p1 .LBB2_23-.Ltmp11, $4  }
0x13e: {  	v13 =	vld [tilespmem:s25+$0x4830]  }
0x13f: {  	v12 =	vld [tilespmem:s25+$0x4840]  }
0x140: {  	vm1 =	vgt.s32 v10, v16;
	v11 =	vld [tilespmem:s25+$0x4850]  }
0x141: {  	s26 =	sadd.s32 $0x200, s26;
	v16 =	vsel vm1, v10, v16;
	vm1 =	vgt.s32 v15, v9;
	v10 =	vld [tilespmem:s25+$0x4860]  }
0x142: {  	[tilespmem:s25+$0x4800] =	vst v16;
	v9 =	vsel vm1, v15, v9;
	vm1 =	vgt.s32 v14, v8;
	v63 =	vld [tilespmem:s25+$0x4870]  }
0x143: {  	[tilespmem:s25+$0x4810] =	vst v9;
	v8 =	vsel vm1, v14, v8;
	vm1 =	vgt.s32 v13, v7  }
0x144: {  	[tilespmem:s25+$0x4820] =	vst v8;
	v7 =	vsel vm1, v13, v7;
	vm1 =	vgt.s32 v12, v6  }
0x145: {  	[tilespmem:s25+$0x4830] =	vst v7;
	v6 =	vsel vm1, v12, v6;
	vm1 =	vgt.s32 v11, v5  }
0x146: {  	[tilespmem:s25+$0x4840] =	vst v6;
	v5 =	vsel vm1, v11, v5;
	vm1 =	vgt.s32 v10, v4  }
0x147: {  	[tilespmem:s25+$0x4850] =	vst v5;
	v4 =	vsel vm1, v10, v4;
	vm1 =	vgt.s32 v63, v3  }
0x148: {  	[tilespmem:s25+$0x4860] =	vst v4;
	v3 =	vsel vm1, v63, v3  }
0x149: {  	[tilespmem:s25+$0x4870] =	vst v3  }
.LBB2_25:
.Ltmp12:
0x14a: {  	(pc) =	sbr.rel @p5 .LBB2_29-.Ltmp12, $1  }
0x14b: {  	_ =	sdelay $0x3  }
0x14c: {  	[tilespmem:s23], [sflag:$0x1] =	stream.strided.gather [spmem:s11], $0x4180, s22, s21, $0x38;
	[tilespmem:$0x10C80] =	vst v63  }
0x14d: {  	_ =	swait.ge [sflag:s18], $0x4180  }
0x14e: {  	[sflag:s18] =	ssyncset.done $0x0  }
0x14f: {  	s25 =	simm.s32 $0x0;
	[sflag:s18] =	ssyncadd.s32 $0xFFFFBE80  }
0x150: {  	v10 =	vld [tilespmem:s25+$0x8980]  }
0x151: {  	v9 =	vld [tilespmem:s25+$0x8990]  }
0x152: {  	v8 =	vld [tilespmem:s25+$0x89A0]  }
0x153: {  	v7 =	vld [tilespmem:s25+$0x89B0]  }
0x154: {  	v6 =	vld [tilespmem:s25+$0x89C0]  }
0x155: {  	v5 =	vld [tilespmem:s25+$0x89D0]  }
0x156: {  	v4 =	vld [tilespmem:s25+$0x89E0]  }
0x157: {  	v3 =	vld [tilespmem:s25+$0x89F0]  }
0x158: {  	v16 =	vld [tilespmem:s25+$0x4800]  }
0x159: {  	v15 =	vld [tilespmem:s25+$0x4810]  }
0x15a: {  	v14 =	vld [tilespmem:s25+$0x4820]  }
0x15b: {  	v13 =	vld [tilespmem:s25+$0x4830]  }
0x15c: {  	v12 =	vld [tilespmem:s25+$0x4840]  }
0x15d: {  	v11 =	vld [tilespmem:s25+$0x4850];
	vm1 =	vgt.s32 v16, v10  }
0x15e: {  	s26 =	simm.s32 $0x200;
	v16 =	vsel vm1, v16, v10;
	vm1 =	vgt.s32 v15, v9;
	v10 =	vld [tilespmem:s25+$0x4860]  }
.LBB2_27:
0x15f: {  	s28 =	sshra.s32 s26, $0x2;
	p1 =	sne.s32 s26, $0x10400;
	[tilespmem:s25+$0x4800] =	vst v16;
	v9 =	vsel vm1, v15, v9;
	vm1 =	vgt.s32 v14, v8;
	v15 =	vld [tilespmem:s25+$0x4870]  }
0x160: {  	v16 =	vld [tilespmem:s28+$0x8980];
	[tilespmem:s25+$0x4810] =	vst v9;
	v8 =	vsel vm1, v14, v8;
	vm1 =	vgt.s32 v13, v7  }
0x161: {  	v9 =	vld [tilespmem:s28+$0x8990];
	[tilespmem:s25+$0x4820] =	vst v8;
	v7 =	vsel vm1, v13, v7;
	vm1 =	vgt.s32 v12, v6  }
0x162: {  	v8 =	vld [tilespmem:s28+$0x89A0];
	[tilespmem:s25+$0x4830] =	vst v7;
	v6 =	vsel vm1, v12, v6;
	vm1 =	vgt.s32 v11, v5  }
0x163: {  	v7 =	vld [tilespmem:s28+$0x89B0];
	[tilespmem:s25+$0x4840] =	vst v6;
	v5 =	vsel vm1, v11, v5;
	vm1 =	vgt.s32 v10, v4  }
0x164: {  	v6 =	vld [tilespmem:s28+$0x89C0];
	[tilespmem:s25+$0x4850] =	vst v5;
	v4 =	vsel vm1, v10, v4;
	vm1 =	vgt.s32 v15, v3  }
0x165: {  	v5 =	vld [tilespmem:s28+$0x89D0];
	[tilespmem:s25+$0x4860] =	vst v4;
	v3 =	vsel vm1, v15, v3  }
0x166: {  	v4 =	vld [tilespmem:s28+$0x89E0];
	[tilespmem:s25+$0x4870] =	vst v3;
	s25 =	smov.u32 s28  }
0x167: {  	v3 =	vld [tilespmem:s25+$0x89F0]  }
0x168: {  	v10 =	vld [tilespmem:s25+$0x4800]  }
0x169: {  	v15 =	vld [tilespmem:s25+$0x4810]  }
.Ltmp13:
0x16a: {  	v14 =	vld [tilespmem:s25+$0x4820];
	(pc) =	sbr.rel @p1 .LBB2_27-.Ltmp13, $4  }
0x16b: {  	v13 =	vld [tilespmem:s25+$0x4830]  }
0x16c: {  	v12 =	vld [tilespmem:s25+$0x4840]  }
0x16d: {  	vm1 =	vgt.s32 v10, v16;
	v11 =	vld [tilespmem:s25+$0x4850]  }
0x16e: {  	s26 =	sadd.s32 $0x200, s26;
	v16 =	vsel vm1, v10, v16;
	vm1 =	vgt.s32 v15, v9;
	v10 =	vld [tilespmem:s25+$0x4860]  }
0x16f: {  	[tilespmem:s25+$0x4800] =	vst v16;
	v9 =	vsel vm1, v15, v9;
	vm1 =	vgt.s32 v14, v8;
	v63 =	vld [tilespmem:s25+$0x4870]  }
0x170: {  	[tilespmem:s25+$0x4810] =	vst v9;
	v8 =	vsel vm1, v14, v8;
	vm1 =	vgt.s32 v13, v7  }
0x171: {  	[tilespmem:s25+$0x4820] =	vst v8;
	v7 =	vsel vm1, v13, v7;
	vm1 =	vgt.s32 v12, v6  }
0x172: {  	[tilespmem:s25+$0x4830] =	vst v7;
	v6 =	vsel vm1, v12, v6;
	vm1 =	vgt.s32 v11, v5  }
0x173: {  	[tilespmem:s25+$0x4840] =	vst v6;
	v5 =	vsel vm1, v11, v5;
	vm1 =	vgt.s32 v10, v4  }
0x174: {  	[tilespmem:s25+$0x4850] =	vst v5;
	v4 =	vsel vm1, v10, v4;
	vm1 =	vgt.s32 v63, v3  }
0x175: {  	[tilespmem:s25+$0x4860] =	vst v4;
	v3 =	vsel vm1, v63, v3  }
0x176: {  	[tilespmem:s25+$0x4870] =	vst v3  }
.LBB2_29:
.Ltmp14:
0x177: {  	(pc) =	sbr.rel @p6 .LBB2_33-.Ltmp14, $1  }
0x178: {  	_ =	sdelay $0x3  }
0x179: {  	[tilespmem:s23], [sflag:$0x1] =	stream.strided.gather [spmem:s12], $0x4180, s22, s21, $0x38;
	[tilespmem:$0x10C80] =	vst v63  }
0x17a: {  	_ =	swait.ge [sflag:s18], $0x4180  }
0x17b: {  	[sflag:s18] =	ssyncset.done $0x0  }
0x17c: {  	s25 =	simm.s32 $0x0;
	[sflag:s18] =	ssyncadd.s32 $0xFFFFBE80  }
0x17d: {  	v10 =	vld [tilespmem:s25+$0x8980]  }
0x17e: {  	v9 =	vld [tilespmem:s25+$0x8990]  }
0x17f: {  	v8 =	vld [tilespmem:s25+$0x89A0]  }
0x180: {  	v7 =	vld [tilespmem:s25+$0x89B0]  }
0x181: {  	v6 =	vld [tilespmem:s25+$0x89C0]  }
0x182: {  	v5 =	vld [tilespmem:s25+$0x89D0]  }
0x183: {  	v4 =	vld [tilespmem:s25+$0x89E0]  }
0x184: {  	v3 =	vld [tilespmem:s25+$0x89F0]  }
0x185: {  	v16 =	vld [tilespmem:s25+$0x4800]  }
0x186: {  	v15 =	vld [tilespmem:s25+$0x4810]  }
0x187: {  	v14 =	vld [tilespmem:s25+$0x4820]  }
0x188: {  	v13 =	vld [tilespmem:s25+$0x4830]  }
0x189: {  	v12 =	vld [tilespmem:s25+$0x4840]  }
0x18a: {  	v11 =	vld [tilespmem:s25+$0x4850];
	vm1 =	vgt.s32 v16, v10  }
0x18b: {  	s26 =	simm.s32 $0x200;
	v16 =	vsel vm1, v16, v10;
	vm1 =	vgt.s32 v15, v9;
	v10 =	vld [tilespmem:s25+$0x4860]  }
.LBB2_31:
0x18c: {  	s28 =	sshra.s32 s26, $0x2;
	p1 =	sne.s32 s26, $0x10400;
	[tilespmem:s25+$0x4800] =	vst v16;
	v9 =	vsel vm1, v15, v9;
	vm1 =	vgt.s32 v14, v8;
	v15 =	vld [tilespmem:s25+$0x4870]  }
0x18d: {  	v16 =	vld [tilespmem:s28+$0x8980];
	[tilespmem:s25+$0x4810] =	vst v9;
	v8 =	vsel vm1, v14, v8;
	vm1 =	vgt.s32 v13, v7  }
0x18e: {  	v9 =	vld [tilespmem:s28+$0x8990];
	[tilespmem:s25+$0x4820] =	vst v8;
	v7 =	vsel vm1, v13, v7;
	vm1 =	vgt.s32 v12, v6  }
0x18f: {  	v8 =	vld [tilespmem:s28+$0x89A0];
	[tilespmem:s25+$0x4830] =	vst v7;
	v6 =	vsel vm1, v12, v6;
	vm1 =	vgt.s32 v11, v5  }
0x190: {  	v7 =	vld [tilespmem:s28+$0x89B0];
	[tilespmem:s25+$0x4840] =	vst v6;
	v5 =	vsel vm1, v11, v5;
	vm1 =	vgt.s32 v10, v4  }
0x191: {  	v6 =	vld [tilespmem:s28+$0x89C0];
	[tilespmem:s25+$0x4850] =	vst v5;
	v4 =	vsel vm1, v10, v4;
	vm1 =	vgt.s32 v15, v3  }
0x192: {  	v5 =	vld [tilespmem:s28+$0x89D0];
	[tilespmem:s25+$0x4860] =	vst v4;
	v3 =	vsel vm1, v15, v3  }
0x193: {  	v4 =	vld [tilespmem:s28+$0x89E0];
	[tilespmem:s25+$0x4870] =	vst v3;
	s25 =	smov.u32 s28  }
0x194: {  	v3 =	vld [tilespmem:s25+$0x89F0]  }
0x195: {  	v10 =	vld [tilespmem:s25+$0x4800]  }
0x196: {  	v15 =	vld [tilespmem:s25+$0x4810]  }
.Ltmp15:
0x197: {  	v14 =	vld [tilespmem:s25+$0x4820];
	(pc) =	sbr.rel @p1 .LBB2_31-.Ltmp15, $4  }
0x198: {  	v13 =	vld [tilespmem:s25+$0x4830]  }
0x199: {  	v12 =	vld [tilespmem:s25+$0x4840]  }
0x19a: {  	vm1 =	vgt.s32 v10, v16;
	v11 =	vld [tilespmem:s25+$0x4850]  }
0x19b: {  	s26 =	sadd.s32 $0x200, s26;
	v16 =	vsel vm1, v10, v16;
	vm1 =	vgt.s32 v15, v9;
	v10 =	vld [tilespmem:s25+$0x4860]  }
0x19c: {  	[tilespmem:s25+$0x4800] =	vst v16;
	v9 =	vsel vm1, v15, v9;
	vm1 =	vgt.s32 v14, v8;
	v63 =	vld [tilespmem:s25+$0x4870]  }
0x19d: {  	[tilespmem:s25+$0x4810] =	vst v9;
	v8 =	vsel vm1, v14, v8;
	vm1 =	vgt.s32 v13, v7  }
0x19e: {  	[tilespmem:s25+$0x4820] =	vst v8;
	v7 =	vsel vm1, v13, v7;
	vm1 =	vgt.s32 v12, v6  }
0x19f: {  	[tilespmem:s25+$0x4830] =	vst v7;
	v6 =	vsel vm1, v12, v6;
	vm1 =	vgt.s32 v11, v5  }
0x1a0: {  	[tilespmem:s25+$0x4840] =	vst v6;
	v5 =	vsel vm1, v11, v5;
	vm1 =	vgt.s32 v10, v4  }
0x1a1: {  	[tilespmem:s25+$0x4850] =	vst v5;
	v4 =	vsel vm1, v10, v4;
	vm1 =	vgt.s32 v63, v3  }
0x1a2: {  	[tilespmem:s25+$0x4860] =	vst v4;
	v3 =	vsel vm1, v63, v3  }
0x1a3: {  	[tilespmem:s25+$0x4870] =	vst v3  }
.LBB2_33:
.Ltmp16:
0x1a4: {  	(pc) =	sbr.rel @p0 .LBB2_37-.Ltmp16, $1  }
0x1a5: {  	_ =	sdelay $0x3  }
0x1a6: {  	[tilespmem:s23], [sflag:$0x1] =	stream.strided.gather [spmem:s13], $0x4180, s22, s21, $0x38;
	[tilespmem:$0x10C80] =	vst v63  }
0x1a7: {  	_ =	swait.ge [sflag:s18], $0x4180  }
0x1a8: {  	[sflag:s18] =	ssyncset.done $0x0  }
0x1a9: {  	s25 =	simm.s32 $0x0;
	[sflag:s18] =	ssyncadd.s32 $0xFFFFBE80  }
0x1aa: {  	v10 =	vld [tilespmem:s25+$0x8980]  }
0x1ab: {  	v9 =	vld [tilespmem:s25+$0x8990]  }
0x1ac: {  	v8 =	vld [tilespmem:s25+$0x89A0]  }
0x1ad: {  	v7 =	vld [tilespmem:s25+$0x89B0]  }
0x1ae: {  	v6 =	vld [tilespmem:s25+$0x89C0]  }
0x1af: {  	v5 =	vld [tilespmem:s25+$0x89D0]  }
0x1b0: {  	v4 =	vld [tilespmem:s25+$0x89E0]  }
0x1b1: {  	v3 =	vld [tilespmem:s25+$0x89F0]  }
0x1b2: {  	v16 =	vld [tilespmem:s25+$0x4800]  }
0x1b3: {  	v15 =	vld [tilespmem:s25+$0x4810]  }
0x1b4: {  	v14 =	vld [tilespmem:s25+$0x4820]  }
0x1b5: {  	v13 =	vld [tilespmem:s25+$0x4830]  }
0x1b6: {  	v12 =	vld [tilespmem:s25+$0x4840]  }
0x1b7: {  	v11 =	vld [tilespmem:s25+$0x4850];
	vm1 =	vgt.s32 v16, v10  }
0x1b8: {  	s26 =	simm.s32 $0x200;
	v16 =	vsel vm1, v16, v10;
	vm1 =	vgt.s32 v15, v9;
	v10 =	vld [tilespmem:s25+$0x4860]  }
.LBB2_35:
0x1b9: {  	s28 =	sshra.s32 s26, $0x2;
	p1 =	sne.s32 s26, $0x10400;
	[tilespmem:s25+$0x4800] =	vst v16;
	v9 =	vsel vm1, v15, v9;
	vm1 =	vgt.s32 v14, v8;
	v15 =	vld [tilespmem:s25+$0x4870]  }
0x1ba: {  	v16 =	vld [tilespmem:s28+$0x8980];
	[tilespmem:s25+$0x4810] =	vst v9;
	v8 =	vsel vm1, v14, v8;
	vm1 =	vgt.s32 v13, v7  }
0x1bb: {  	v9 =	vld [tilespmem:s28+$0x8990];
	[tilespmem:s25+$0x4820] =	vst v8;
	v7 =	vsel vm1, v13, v7;
	vm1 =	vgt.s32 v12, v6  }
0x1bc: {  	v8 =	vld [tilespmem:s28+$0x89A0];
	[tilespmem:s25+$0x4830] =	vst v7;
	v6 =	vsel vm1, v12, v6;
	vm1 =	vgt.s32 v11, v5  }
0x1bd: {  	v7 =	vld [tilespmem:s28+$0x89B0];
	[tilespmem:s25+$0x4840] =	vst v6;
	v5 =	vsel vm1, v11, v5;
	vm1 =	vgt.s32 v10, v4  }
0x1be: {  	v6 =	vld [tilespmem:s28+$0x89C0];
	[tilespmem:s25+$0x4850] =	vst v5;
	v4 =	vsel vm1, v10, v4;
	vm1 =	vgt.s32 v15, v3  }
0x1bf: {  	v5 =	vld [tilespmem:s28+$0x89D0];
	[tilespmem:s25+$0x4860] =	vst v4;
	v3 =	vsel vm1, v15, v3  }
0x1c0: {  	v4 =	vld [tilespmem:s28+$0x89E0];
	[tilespmem:s25+$0x4870] =	vst v3;
	s25 =	smov.u32 s28  }
0x1c1: {  	v3 =	vld [tilespmem:s25+$0x89F0]  }
0x1c2: {  	v10 =	vld [tilespmem:s25+$0x4800]  }
0x1c3: {  	v15 =	vld [tilespmem:s25+$0x4810]  }
.Ltmp17:
0x1c4: {  	v14 =	vld [tilespmem:s25+$0x4820];
	(pc) =	sbr.rel @p1 .LBB2_35-.Ltmp17, $4  }
0x1c5: {  	v13 =	vld [tilespmem:s25+$0x4830]  }
0x1c6: {  	v12 =	vld [tilespmem:s25+$0x4840]  }
0x1c7: {  	vm1 =	vgt.s32 v10, v16;
	v11 =	vld [tilespmem:s25+$0x4850]  }
0x1c8: {  	s26 =	sadd.s32 $0x200, s26;
	v16 =	vsel vm1, v10, v16;
	vm1 =	vgt.s32 v15, v9;
	v10 =	vld [tilespmem:s25+$0x4860]  }
0x1c9: {  	[tilespmem:s25+$0x4800] =	vst v16;
	v9 =	vsel vm1, v15, v9;
	vm1 =	vgt.s32 v14, v8;
	v63 =	vld [tilespmem:s25+$0x4870]  }
0x1ca: {  	[tilespmem:s25+$0x4810] =	vst v9;
	v8 =	vsel vm1, v14, v8;
	vm1 =	vgt.s32 v13, v7  }
0x1cb: {  	[tilespmem:s25+$0x4820] =	vst v8;
	v7 =	vsel vm1, v13, v7;
	vm1 =	vgt.s32 v12, v6  }
0x1cc: {  	[tilespmem:s25+$0x4830] =	vst v7;
	v6 =	vsel vm1, v12, v6;
	vm1 =	vgt.s32 v11, v5  }
0x1cd: {  	[tilespmem:s25+$0x4840] =	vst v6;
	v5 =	vsel vm1, v11, v5;
	vm1 =	vgt.s32 v10, v4  }
0x1ce: {  	[tilespmem:s25+$0x4850] =	vst v5;
	v4 =	vsel vm1, v10, v4;
	vm1 =	vgt.s32 v63, v3  }
0x1cf: {  	[tilespmem:s25+$0x4860] =	vst v4;
	v3 =	vsel vm1, v63, v3  }
0x1d0: {  	[tilespmem:s25+$0x4870] =	vst v3  }
.LBB2_37:
0x1d1: {  	s25 =	simm.s32 $0x4000  }
0x1d2: {  	v3 =	vld [tilespmem:s25+$0x0]  }
0x1d3: {  	s26 =	simm.s32 $0x4400  }
0x1d4: {  	v4 =	vld [tilespmem:s26+$0x0];
	_ =	sdelay $0x2  }
0x1d5: {  	v5 =	vadd.s32 $0xFFFFFFFF, v3  }
0x1d6: {  	vm1 =	vgt.s32 v5, $0x0  }
0x1d7: {  	v6 =	vadd.s32 $0xFFFFFFFF, v4;
	v7 =	vnsel vm1, $0x0, v5  }
0x1d8: {  	vm1 =	vgt.s32 v6, $0x0;
	v7 =	vmin.u32 v7, $0x80  }
0x1d9: {  	v8 =	vnsel vm1, $0x0, v6;
	v7 =	vmul.u32 $0x81, v7  }
0x1da: {  	v8 =	vmin.u32 v8, $0x80  }
0x1db: {  	v9 =	vadd.s32 v8, v7;
	_ =	sdelay $0x4  }
0x1dc: {  	v9 =	vld.idx.msk [tilespmem:v9+s20+$0x0], $0xffff  }
0x1dd: {  	vm1 =	vgt.s32 v4, $0x0  }
0x1de: {  	v10 =	vnsel vm1, $0x0, v4  }
0x1df: {  	s28 =	sadd.s32 $0x0, s16;
	vm4 =	vlt.u32 v5, $0x81;
	v5 =	vmin.u32 v10, $0x80  }
0x1e0: {  	v58 =	vor.u32 s28, v1;
	vm1 =	vlt.u32 v6, $0x81;
	v10 =	vadd.s32 v5, v7  }
0x1e1: {  	s28 =	simm.s32 $0x0;
	v6 =	vand.u32 $0x1FF, v58;
	vm2 =	vmand vm1, vm4;
	vm3 =	vgt.s32 v9, $0xFFFFFFFF  }
0x1e2: {  	s29 =	sand.u32 $0x70, s28;
	s30 =	sand.u32 $0x1C00, s28;
	v6 =	vor.u32 $0x8000, v6;
	vm2 =	vmand vm2, vm3  }
0x1e3: {  	s29 =	sor.u32 s29, s30;
	v9 =	vsel vm2, v9, v6  }
0x1e4: {  	[tilespmem:s29+$0x0] =	vst v9  }
0x1e5: {  	v59 =	vadd.s32 $0x1, v4;
	v10 =	vld.idx.msk [tilespmem:v10+s20+$0x0], $0xffff  }
0x1e6: {  	vm2 =	vgt.s32 v59, $0x0  }
0x1e7: {  	v11 =	vnsel vm2, $0x0, v59  }
0x1e8: {  	v11 =	vmin.u32 v11, $0x80  }
0x1e9: {  	vm2 =	vlt.u32 v4, $0x81;
	v4 =	vadd.s32 v11, v7  }
0x1ea: {  	vm3 =	vmand vm2, vm4;
	vm5 =	vgt.s32 v10, $0xFFFFFFFF  }
0x1eb: {  	v60 =	vadd.s32 $0x8200, v10;
	vm3 =	vmand vm3, vm5  }
0x1ec: {  	v7 =	vsel vm3, v60, v6  }
0x1ed: {  	vm3 =	vgt.s32 v3, $0x0;
	[tilespmem:s29+$0x80] =	vst v7  }
0x1ee: {  	v61 =	vnsel vm3, $0x0, v3;
	v4 =	vld.idx.msk [tilespmem:v4+s20+$0x0], $0xffff  }
0x1ef: {  	v7 =	vmin.u32 v61, $0x80  }
0x1f0: {  	v7 =	vmul.u32 $0x81, v7;
	_ =	sdelay $0x1  }
0x1f1: {  	vm3 =	vlt.u32 v59, $0x81;
	v62 =	vadd.s32 v7, v8  }
0x1f2: {  	vm4 =	vmand vm3, vm4;
	vm14 =	vgt.s32 v4, $0xFFFFFFFF  }
0x1f3: {  	v4 =	vadd.s32 $0x10400, v4;
	vm4 =	vmand vm4, vm14  }
0x1f4: {  	v4 =	vsel vm4, v4, v6  }
0x1f5: {  	[tilespmem:s29+$0x100] =	vst v4  }
0x1f6: {  	v4 =	vld.idx.msk [tilespmem:v62+s20+$0x0], $0xffff;
	_ =	sdelay $0x3  }
0x1f7: {  	vm15 =	vlt.u32 v3, $0x81;
	v63 =	vadd.s32 v5, v7  }
0x1f8: {  	vm6 =	vmand vm1, vm15;
	vm9 =	vgt.s32 v4, $0xFFFFFFFF  }
0x1f9: {  	v4 =	vadd.s32 $0x18600, v4;
	vm5 =	vmand vm6, vm9  }
0x1fa: {  	v4 =	vsel vm5, v4, v6  }
0x1fb: {  	[tilespmem:s29+$0x180] =	vst v4  }
0x1fc: {  	v4 =	vld.idx.msk [tilespmem:v63+s20+$0x0], $0xffff;
	_ =	sdelay $0x3  }
0x1fd: {  	v7 =	vadd.s32 v7, v11  }
0x1fe: {  	vm10 =	vmand vm2, vm15;
	vm11 =	vgt.s32 v4, $0xFFFFFFFF  }
0x1ff: {  	v4 =	vadd.s32 $0x20800, v4;
	vm5 =	vmand vm10, vm11  }
0x200: {  	v3 =	vadd.s32 $0x1, v3;
	v4 =	vsel vm5, v4, v6  }
0x201: {  	vm12 =	vgt.s32 v3, $0x0;
	[tilespmem:s29+$0x200] =	vst v4  }
0x202: {  	v4 =	vnsel vm12, $0x0, v3;
	v7 =	vld.idx.msk [tilespmem:v7+s20+$0x0], $0xffff  }
0x203: {  	v4 =	vmin.u32 v4, $0x80  }
0x204: {  	v4 =	vmul.u32 $0x81, v4;
	_ =	sdelay $0x1  }
0x205: {  	v8 =	vadd.s32 v8, v4  }
0x206: {  	vm4 =	vmand vm3, vm15;
	vm13 =	vgt.s32 v7, $0xFFFFFFFF  }
0x207: {  	v7 =	vadd.s32 $0x28A00, v7;
	vm4 =	vmand vm4, vm13  }
0x208: {  	v7 =	vsel vm4, v7, v6  }
0x209: {  	[tilespmem:s29+$0x280] =	vst v7  }
0x20a: {  	v7 =	vld.idx.msk [tilespmem:v8+s20+$0x0], $0xffff;
	_ =	sdelay $0x3  }
0x20b: {  	vm14 =	vlt.u32 v3, $0x81;
	v5 =	vadd.s32 v5, v4  }
0x20c: {  	vm1 =	vmand vm1, vm14;
	vm15 =	vgt.s32 v7, $0xFFFFFFFF  }
0x20d: {  	v3 =	vadd.s32 $0x30C00, v7;
	vm1 =	vmand vm1, vm15  }
0x20e: {  	v3 =	vsel vm1, v3, v6  }
0x20f: {  	[tilespmem:s29+$0x300] =	vst v3  }
0x210: {  	v3 =	vld.idx.msk [tilespmem:v5+s20+$0x0], $0xffff;
	_ =	sdelay $0x3  }
0x211: {  	v4 =	vadd.s32 v11, v4  }
0x212: {  	vm1 =	vmand vm2, vm14;
	vm2 =	vgt.s32 v3, $0xFFFFFFFF  }
0x213: {  	s30 =	sor.u32 s28, s28;
	v3 =	vadd.s32 $0x38E00, v3;
	vm1 =	vmand vm1, vm2  }
0x214: {  	s30 =	sor.u32 $0x380, s30;
	v3 =	vsel vm1, v3, v6  }
0x215: {  	[tilespmem:s30+$0x0] =	vst v3  }
0x216: {  	v3 =	vld.idx.msk [tilespmem:v4+s20+$0x0], $0xffff;
	_ =	sdelay $0x4  }
0x217: {  	vm1 =	vmand vm3, vm14;
	vm2 =	vgt.s32 v3, $0xFFFFFFFF  }
0x218: {  	v3 =	vadd.s32 $0x41000, v3;
	vm1 =	vmand vm1, vm2  }
0x219: {  	s30 =	simm.s32 $0x10;
	v3 =	vsel vm1, v3, v6  }
.LBB2_38:
0x21a: {  	[tilespmem:s29+$0x2000] =	vst v3;
	s28 =	sadd.s32 $0x80, s28;
	s25 =	sadd.s32 $0x10, s25;
	s26 =	sadd.s32 $0x10, s26  }
0x21b: {  	p1 =	sne.s32 s30, $0x3F0;
	s31 =	smov.u32 s30;
	s30 =	sadd.s32 $0x10, s30;
	v6 =	vld [tilespmem:s25+$0x0]  }
0x21c: {  	_ = 	snop  }
0x21d: {  	v4 =	vld [tilespmem:s26+$0x0];
	_ =	sdelay $0x2  }
0x21e: {  	v5 =	vadd.s32 $0xFFFFFFFF, v6;
	vm1 =	vgt.s32 v6, $0x0;
	v3 =	vadd.s32 $0x1, v6  }
0x21f: {  	vm4 =	vlt.u32 v5, $0x81;
	vm2 =	vgt.s32 v5, $0x0;
	v7 =	vnsel vm1, $0x0, v6  }
0x220: {  	v8 =	vadd.s32 $0xFFFFFFFF, v4;
	v5 =	vnsel vm2, $0x0, v5;
	vm2 =	vgt.s32 v4, $0x0  }
0x221: {  	v9 =	vadd.s32 $0x1, v4;
	v5 =	vmin.u32 v5, $0x80;
	vm3 =	vgt.s32 v8, $0x0  }
0x222: {  	vm1 =	vlt.u32 v8, $0x81;
	v5 =	vmul.u32 $0x81, v5;
	v8 =	vnsel vm3, $0x0, v8  }
0x223: {  	v10 =	vnsel vm2, $0x0, v4;
	vm6 =	vmand vm1, vm4;
	v8 =	vmin.u32 v8, $0x80  }
0x224: {  	vm2 =	vlt.u32 v4, $0x81;
	vm3 =	vgt.s32 v9, $0x0;
	v11 =	vadd.s32 v8, v5  }
0x225: {  	v7 =	vmin.u32 v7, $0x80;
	vm5 =	vmand vm2, vm4;
	v4 =	vnsel vm3, $0x0, v9  }
0x226: {  	vm7 =	vgt.s32 v3, $0x0;
	vm3 =	vlt.u32 v9, $0x81;
	v9 =	vmin.u32 v4, $0x80  }
0x227: {  	vm4 =	vmand vm3, vm4;
	v4 =	vnsel vm7, $0x0, v3;
	v12 =	vadd.s32 v9, v5  }
0x228: {  	v4 =	vmin.u32 v4, $0x80  }
0x229: {  	v13 =	vmul.u32 $0x81, v4;
	v11 =	vld.idx.msk [tilespmem:v11+s20+$0x0], $0xffff;
	_ =	sdelay $0x1  }
0x22a: {  	v14 =	vadd.s32 v8, v13;
	v4 =	vadd.s32 v9, v13;
	_ =	sdelay $0x1  }
0x22b: {  	s29 =	sadd.s32 s31, s16;
	v10 =	vmin.u32 v10, $0x80  }
0x22c: {  	v15 =	vor.u32 s29, v1;
	v16 =	vadd.s32 v10, v5;
	v13 =	vadd.s32 v10, v13  }
0x22d: {  	v5 =	vand.u32 $0x1FF, v15;
	vm7 =	vgt.s32 v11, $0xFFFFFFFF  }
0x22e: {  	s0 =	sand.u32 $0x1C00, s28;
	s29 =	sand.u32 $0x70, s31;
	v5 =	vor.u32 $0x8000, v5;
	vm6 =	vmand vm6, vm7  }
0x22f: {  	s29 =	sor.u32 s29, s0;
	v11 =	vsel vm6, v11, v5  }
0x230: {  	[tilespmem:s29+$0x0] =	vst v11  }
0x231: {  	v11 =	vld.idx.msk [tilespmem:v16+s20+$0x0], $0xffff;
	_ =	sdelay $0x5  }
0x232: {  	vm6 =	vgt.s32 v11, $0xFFFFFFFF  }
0x233: {  	v11 =	vadd.s32 $0x8200, v11;
	vm5 =	vmand vm5, vm6  }
0x234: {  	v11 =	vsel vm5, v11, v5  }
0x235: {  	[tilespmem:s29+$0x80] =	vst v11  }
0x236: {  	v11 =	vld.idx.msk [tilespmem:v12+s20+$0x0], $0xffff;
	_ =	sdelay $0x2  }
0x237: {  	v7 =	vmul.u32 $0x81, v7;
	_ =	sdelay $0x1  }
0x238: {  	v8 =	vadd.s32 v7, v8;
	v9 =	vadd.s32 v7, v9  }
0x239: {  	vm5 =	vgt.s32 v11, $0xFFFFFFFF  }
0x23a: {  	v11 =	vadd.s32 $0x10400, v11;
	vm4 =	vmand vm4, vm5  }
0x23b: {  	v11 =	vsel vm4, v11, v5  }
0x23c: {  	[tilespmem:s29+$0x100] =	vst v11  }
0x23d: {  	v8 =	vld.idx.msk [tilespmem:v8+s20+$0x0], $0xffff;
	_ =	sdelay $0x4  }
0x23e: {  	vm4 =	vlt.u32 v6, $0x81;
	v6 =	vadd.s32 v10, v7  }
0x23f: {  	vm6 =	vmand vm1, vm4;
	vm7 =	vmand vm2, vm4;
	vm5 =	vgt.s32 v8, $0xFFFFFFFF  }
0x240: {  	vm4 =	vmand vm3, vm4;
	v7 =	vadd.s32 $0x18600, v8;
	vm5 =	vmand vm6, vm5  }
0x241: {  	v7 =	vsel vm5, v7, v5  }
0x242: {  	[tilespmem:s29+$0x180] =	vst v7  }
0x243: {  	v6 =	vld.idx.msk [tilespmem:v6+s20+$0x0], $0xffff;
	_ =	sdelay $0x5  }
0x244: {  	vm5 =	vgt.s32 v6, $0xFFFFFFFF  }
0x245: {  	v6 =	vadd.s32 $0x20800, v6;
	vm5 =	vmand vm7, vm5  }
0x246: {  	v6 =	vsel vm5, v6, v5  }
0x247: {  	[tilespmem:s29+$0x200] =	vst v6  }
0x248: {  	v6 =	vld.idx.msk [tilespmem:v9+s20+$0x0], $0xffff;
	_ =	sdelay $0x5  }
0x249: {  	vm5 =	vgt.s32 v6, $0xFFFFFFFF  }
0x24a: {  	v6 =	vadd.s32 $0x28A00, v6;
	vm4 =	vmand vm4, vm5  }
0x24b: {  	v6 =	vsel vm4, v6, v5  }
0x24c: {  	[tilespmem:s29+$0x280] =	vst v6  }
0x24d: {  	v6 =	vld.idx.msk [tilespmem:v14+s20+$0x0], $0xffff;
	_ =	sdelay $0x4  }
0x24e: {  	vm4 =	vlt.u32 v3, $0x81  }
0x24f: {  	vm1 =	vmand vm1, vm4;
	vm2 =	vmand vm2, vm4;
	vm5 =	vgt.s32 v6, $0xFFFFFFFF  }
0x250: {  	v3 =	vadd.s32 $0x30C00, v6;
	vm5 =	vmand vm1, vm5;
	vm1 =	vmand vm3, vm4  }
0x251: {  	v3 =	vsel vm5, v3, v5  }
0x252: {  	[tilespmem:s29+$0x300] =	vst v3  }
0x253: {  	v3 =	vld.idx.msk [tilespmem:v13+s20+$0x0], $0xffff;
	_ =	sdelay $0x5  }
0x254: {  	vm3 =	vgt.s32 v3, $0xFFFFFFFF  }
0x255: {  	s0 =	sor.u32 s28, s31;
	v3 =	vadd.s32 $0x38E00, v3;
	vm2 =	vmand vm2, vm3  }
0x256: {  	s0 =	sor.u32 $0x380, s0;
	v3 =	vsel vm2, v3, v5  }
0x257: {  	[tilespmem:s0+$0x0] =	vst v3  }
0x258: {  	v3 =	vld.idx.msk [tilespmem:v4+s20+$0x0], $0xffff;
	_ =	sdelay $0x3  }
.Ltmp18:
0x259: {  	(pc) =	sbr.rel @p1 .LBB2_38-.Ltmp18, $4  }
0x25a: {  	_ = 	snop  }
0x25b: {  	vm2 =	vgt.s32 v3, $0xFFFFFFFF  }
0x25c: {  	v3 =	vadd.s32 $0x41000, v3;
	vm1 =	vmand vm1, vm2  }
0x25d: {  	v3 =	vsel vm1, v3, v5  }
0x25e: {  	s24 =	sadd.s32 $0x1, s24  }
0x25f: {  	p1 =	sne.s32 s24, s15  }
.Ltmp19:
0x260: {  	[tilespmem:s29+$0x2000] =	vst v3;
	(pc) =	sbr.rel @p1 .LBB2_1-.Ltmp19, $4  }
0x261: {  	[hbm4b:s14+s2] =	stream.linear.scatter [tilespmem:s2], [sflag:$0x1], $0x4000, $0x38;
	[tilespmem:$0x10C80] =	vst v63  }
0x262: {  	_ =	swait.ge [sflag:s18], $0x4000  }
0x263: {  	[sflag:s18] =	ssyncset.done $0x0  }
0x264: {  	[sflag:s18] =	ssyncadd.s32 $0xFFFFC000  }
0x265: {  	_ =	sfence.sel $0x180000  }
0x266: {  	[bflag:$0x0] =	sbarrier.arrive $0xFFFF  }
0x267: {  	_ =	strace $0x90000047  }
0x268: {  	[bflag:$0x2] =	sbarrier.arrive $0xFFFF  }
0x269: {  	p0 =	sne.s32 s1, $0x0;
	s0 =	rddreg [dreg:$0x3]  }
0x26a: {  	s0 =	sadd.s32 @!p0 $0x100000, s0  }
0x26b: {  	[sflag:s0] =	ssyncadd.tile.s32 @!p0 $0x1;
	_ =	shalt  }
.Lfunc_end2:
_tile_overlayer_lowered:
.L_overlay_start_2:
0x26c: {  	(tag) =	ssettag $0x2  }
0x26d: {  	s0 =	rddreg [dreg:$0x0];
	s2 =	stileid.u32  }
0x26e: {  	s1 =	rddreg [dreg:$0x1];
	p0 =	sne.s32 s2, $0x0  }
0x26f: {  	s3 =	rddreg [dreg:$0x2];
	[bflag:$0x3] =	sbarrier.arrive $0xFFFF;
	s2 =	simm.s32 @!p0 $0x1C01  }
0x270: {  	[timem:s3], [sflag:s2] =	dma.local @!p0 [hbm:s0], s1  }
0x271: {  	s0 =	simm.s32 @!p0 $0x1  }
0x272: {  	_ =	swait.ge @!p0 [sflag:s0], s1  }
0x273: {  	s1 =	ssub.s32 @!p0 $0x0, s1;
	[sflag:s0] =	ssyncset.done @!p0 $0x0  }
0x274: {  	[sflag:s0] =	ssyncadd.s32 @!p0 s1  }
0x275: {  	[bflag:$0x3] =	sbarrier.arrive $0xFFFF  }
0x276: {  	_ =	shalt  }

// kernel: kernel.8.cloned.1.call-start
scs
__scs_entry_jumppad:
0x0: {  	(pc) =	sbr.rel $0x88, $3  }
0x1: {  	(tag) =	ssettag $0x0;
	lr =	simm.s32 $0x1  }
0x2: {  	[smem:$0x3F9E] =	sst lr;
	_ =	strace $0xD0000000  }
0x3: {  	_ = 	snop  }
0x4: {  	_ = 	snop  }
0x5: {  	_ = 	snop  }
0x6: {  	_ = 	snop  }
0x7: {  	_ = 	snop  }
__scs_overlays_trampoline_lowered:
0x8: {  	[smem:$0x3FAD] =	sst s0  }
0x9: {  	[smem:$0x3FAE] =	sst s1  }
0xa: {  	[smem:$0x3FAF] =	sst s2  }
0xb: {  	[smem:$0x3FB0] =	sst s3  }
0xc: {  	[smem:$0x3FB1] =	sst s4  }
0xd: {  	[smem:$0x3FB2] =	sst s5  }
0xe: {  	[smem:$0x3FB3] =	sst s6  }
0xf: {  	[smem:$0x3FB4] =	sst s7  }
0x10: {  	[smem:$0x3FB5] =	sst s8  }
0x11: {  	[smem:$0x3FB6] =	sst s9;
	s0 =	simm.s32 @!p0 $0x0  }
0x12: {  	s1 =	sld [smem:$0x3F9C];
	s0 =	simm.s32 @p0 $0x1  }
0x13: {  	[smem:$0x3FB7] =	sst s0;
	s0 =	simm.s32 @!p1 $0x0  }
0x14: {  	s2 =	sld [smem:$0x3F9B];
	s0 =	simm.s32 @p1 $0x1  }
0x15: {  	[smem:$0x3FB8] =	sst s0;
	s0 =	simm.s32 @!p2 $0x0  }
0x16: {  	s3 =	sld [smem:$0x3FDB];
	s0 =	simm.s32 @p2 $0x1  }
0x17: {  	s4 =	simm.s32 $0x1BF5;
	[smem:$0x3FBA] =	sst s0  }
0x18: {  	s0 =	sld [smem:$0x3F9D];
	_ =	swait.ge [sflag:s4], $0x0  }
0x19: {  	s7 =	sld [smem:$0x3F9E]  }
0x1a: {  	s8 =	sadd.s32 $0xFFFFE003, lr  }
0x1b: {  	s9 =	sadd.s32 $0xFFFFFEF7, lr;
	s5 =	simm.s32 $0xFFFFFFFF;
	p2 =	slt.u32 s8, $0xFFFFF086  }
0x1c: {  	p1 =	slt.u32 s9, $0xF7A;
	s5 =	simm.s32 @!p2 $0x0  }
0x1d: {  	s5 =	simm.s32 @p1 $0x1;
	p0 =	seq.s32 s7, s2  }
0x1e: {  	s7 =	smul.u32 @!p0 $0xF7A, s2;
	p2 =	seq.s32 @!p0 s5, $0x0  }
0x1f: {  	s9 =	smul.u32 $0xF7A, s1;
	s8 =	simm.s32 @!p0 $0x1BF5;
	p2 =	por !p2, p0  }
0x20: {  	[sflag:s8] =	ssyncset.s32 @!p0 $0xFFFFF086;
	s6 =	sadd.s32 @!p0 s3, s7;
	s7 =	simm.s32 @!p0 $0x108  }
0x21: {  	s3 =	sadd.s32 s3, s9;
	s6 =	sadd.s32 @!p0 $0x88, s6;
	s7 =	simm.s32 @p2 $0x1082  }
0x22: {  	[simem:s7], [sflag:s8] =	dma.local @!p0 [hbm:s6], $0xF7A  }
0x23: {  	s9 =	sor.u32 $0xD0000000, s2;
	s6 =	simm.s32 $0x108;
	_ =	swait.ge @!p0 [sflag:s8], $0x0  }
0x24: {  	s3 =	sadd.s32 $0x88, s3;
	s6 =	simm.s32 @!p1 $0x1082;
	[sflag:s4] =	ssyncset.s32 $0xFFFFF086  }
0x25: {  	[simem:s6], [sflag:s4] =	dma.local [hbm:s3], $0xF7A  }
0x26: {  	[smem:$0x3F9E] =	sst s1;
	(tag) =	ssettag s2;
	_ =	strace s9  }
0x27: {  	s1 =	sld [smem:$0x3FAE]  }
0x28: {  	s2 =	sld [smem:$0x3FAF]  }
0x29: {  	s4 =	sld [smem:$0x3FB1]  }
0x2a: {  	p0 =	seq.s32 s5, $0x0;
	s5 =	sld [smem:$0x3FB2]  }
0x2b: {  	s6 =	sld [smem:$0x3FB3]  }
0x2c: {  	s7 =	sld [smem:$0x3FB4]  }
0x2d: {  	s3 =	simm.s32 $0x108;
	s8 =	sld [smem:$0x3FB5]  }
0x2e: {  	s3 =	simm.s32 @!p0 $0x1082;
	s9 =	sld [smem:$0x3FB6]  }
0x2f: {  	lr =	sadd.s32 s0, s3;
	s0 =	sld [smem:$0x3FAD]  }
0x30: {  	s3 =	sld [smem:$0x3FB0]  }
0x31: {  	[smem:$0x3FB9] =	sst s10  }
0x32: {  	s10 =	sld [smem:$0x3FB7];
	_ =	sdelay $0x3  }
0x33: {  	p0 =	seq.s32 s10, $0x1;
	s10 =	sld [smem:$0x3FB9];
	_ =	sdelay $0x3  }
0x34: {  	[smem:$0x3FB9] =	sst s10  }
0x35: {  	s10 =	sld [smem:$0x3FB8];
	_ =	sdelay $0x3  }
0x36: {  	p1 =	seq.s32 s10, $0x1;
	s10 =	sld [smem:$0x3FB9];
	_ =	sdelay $0x3  }
0x37: {  	[smem:$0x3FB9] =	sst s10  }
0x38: {  	s10 =	sld [smem:$0x3FBA]  }
0x39: {  	_ = 	snop;
	(pc) =	sbr.ind lr, $3  }
0x3a: {  	_ = 	snop  }
0x3b: {  	_ = 	snop  }
0x3c: {  	p2 =	seq.s32 s10, $0x1;
	s10 =	sld [smem:$0x3FB9]  }
0x3d: {  	_ =	shalt  }
0x3e: {  	_ =	shalt  }
0x3f: {  	_ =	shalt  }
0x40: {  	_ =	shalt  }
0x41: {  	_ =	shalt  }
0x42: {  	_ =	shalt  }
0x43: {  	_ =	shalt  }
0x44: {  	_ =	shalt  }
0x45: {  	_ =	shalt  }
0x46: {  	_ =	shalt  }
0x47: {  	_ =	shalt  }
0x48: {  	_ =	shalt  }
0x49: {  	_ =	shalt  }
0x4a: {  	_ =	shalt  }
0x4b: {  	_ =	shalt  }
0x4c: {  	_ =	shalt  }
0x4d: {  	_ =	shalt  }
0x4e: {  	_ =	shalt  }
0x4f: {  	_ =	shalt  }
0x50: {  	_ =	shalt  }
0x51: {  	_ =	shalt  }
0x52: {  	_ =	shalt  }
0x53: {  	_ =	shalt  }
0x54: {  	_ =	shalt  }
0x55: {  	_ =	shalt  }
0x56: {  	_ =	shalt  }
0x57: {  	_ =	shalt  }
0x58: {  	_ =	shalt  }
0x59: {  	_ =	shalt  }
0x5a: {  	_ =	shalt  }
0x5b: {  	_ =	shalt  }
0x5c: {  	_ =	shalt  }
0x5d: {  	_ =	shalt  }
0x5e: {  	_ =	shalt  }
0x5f: {  	_ =	shalt  }
0x60: {  	_ =	shalt  }
0x61: {  	_ =	shalt  }
0x62: {  	_ =	shalt  }
0x63: {  	_ =	shalt  }
0x64: {  	_ =	shalt  }
0x65: {  	_ =	shalt  }
0x66: {  	_ =	shalt  }
0x67: {  	_ =	shalt  }
0x68: {  	_ =	shalt  }
0x69: {  	_ =	shalt  }
0x6a: {  	_ =	shalt  }
0x6b: {  	_ =	shalt  }
0x6c: {  	_ =	shalt  }
0x6d: {  	_ =	shalt  }
0x6e: {  	_ =	shalt  }
0x6f: {  	_ =	shalt  }
0x70: {  	_ =	shalt  }
0x71: {  	_ =	shalt  }
0x72: {  	_ =	shalt  }
0x73: {  	_ =	shalt  }
0x74: {  	_ =	shalt  }
0x75: {  	_ =	shalt  }
0x76: {  	_ =	shalt  }
0x77: {  	_ =	shalt  }
0x78: {  	_ =	shalt  }
0x79: {  	_ =	shalt  }
0x7a: {  	_ =	shalt  }
0x7b: {  	_ =	shalt  }
0x7c: {  	_ =	shalt  }
0x7d: {  	_ =	shalt  }
0x7e: {  	_ =	shalt  }
0x7f: {  	_ =	shalt  }
0x80: {  	_ =	shalt  }
0x81: {  	_ =	shalt  }
0x82: {  	_ =	shalt  }
0x83: {  	_ =	shalt  }
0x84: {  	_ =	shalt  }
0x85: {  	_ =	shalt  }
0x86: {  	_ =	shalt  }
0x87: {  	_ =	shalt  }
.Lfunc_end0:
.L_simem_size_0:
called_computation.1_lowered:
.L_overlay_start_0:
0x88: {  	s2 =	sld [smem:$0x3FD9]  }
0x89: {  	s3 =	sld [smem:$0x3FFE];
	_ =	sdelay $0x1  }
0x8a: {  	s1 =	srdreg.scid  }
0x8b: {  	s0 =	sand.u32 $0x1, s1  }
0x8c: {  	s17 =	sshll.u32 s0, $0xA;
	s2 =	sadd.s32 s3, s2  }
0x8d: {  	s2 =	sadd.s32 s2, s17  }
0x8e: {  	[smem:$0x3FC5] =	sst s2  }
0x8f: {  	_ = 	snop  }
0x90: {  	s2 =	sld [smem:$0x3FD0];
	(tm) =	ssettm $0x1  }
0x91: {  	s18 =	sld [smem:$0x3FFB];
	_ =	sdelay $0x3  }
0x92: {  	_ =	strace s18  }
0x93: {  	s3 =	sld [smem:$0x3FFC];
	_ =	sdelay $0x3  }
0x94: {  	_ =	strace s3  }
0x95: {  	s3 =	sld [smem:$0x3FFD];
	_ =	sdelay $0x3  }
0x96: {  	_ =	strace s3  }
0x97: {  	_ =	strace $0x8FFFFFFF  }
0x98: {  	s19 =	sld [smem:$0x3FDB];
	_ =	sdelay $0x1  }
0x99: {  	s4 =	simm.s32 $_scs_section_size  }
0x9a: {  	s5 =	simm.s32 $_size__tile_overlayer_lowered;
	s6 =	simm.s32 $_tile_overlayer_lowered  }
0x9b: {  	s22 =	simm.s32 $0x1BFF;
	s21 =	sshll.u32 s6, $0x1;
	s3 =	sadd.s32 s4, s19  }
0x9c: {  	s7 =	simm.s32 $0x0;
	s20 =	sshll.u32 s5, $0x1;
	s5 =	sadd.s32 s21, s3  }
0x9d: {  	[timem:s7], [sflag:s22] =	dma.local [hbm:s5], s20  }
0x9e: {  	_ =	swait.ge [sflag:s22], s20  }
0x9f: {  	s4 =	ssub.s32 $0x0, s20;
	[sflag:s22] =	ssyncset.done $0x0  }
0xa0: {  	[sflag:s22] =	ssyncadd.s32 s4;
	_ =	sdelay $0x1  }
0xa1: {  	s23 =	simm.s32 $0x1B8B  }
0xa2: {  	_ =	swait.ge [sflag:s23], $0x1  }
0xa3: {  	[sflag:s23] =	ssyncset.done $0x0  }
0xa4: {  	s25 =	simm.s32 $0x1B8E;
	s24 =	sld [smem:$0x3FFE];
	[sflag:s23] =	ssyncadd.s32 $0xFFFFFFFF  }
0xa5: {  	s26 =	simm.s32 $execute0_lowered;
	[smem:$0x3FD2] =	sst s25  }
0xa6: {  	s5 =	sshll.u32 s26, $0x1;
	_ =	strace $0x80000049;
	[dreg:$0x1] =	wrdreg $0xFFFFFFFF  }
0xa7: {  	s28 =	simm.s32 $_size_execute0_lowered;
	s3 =	sadd.s32 s3, s5;
	[dreg:$0x0] =	wrdreg $0x0  }
0xa8: {  	s5 =	sshll.u32 s28, $0x1;
	[dreg:$0x2] =	wrdreg s3  }
0xa9: {  	[dreg:$0x3] =	wrdreg s5  }
0xaa: {  	[dreg:$0x4] =	wrdreg $0xC0  }
0xab: {  	_ =	task [dreg:s7], $0x5FFFF  }
0xac: {  	[dreg:$0x1] =	wrdreg $0xFFFFFFFF  }
0xad: {  	[dreg:$0x0] =	wrdreg $0x60  }
0xae: {  	[dreg:$0x2] =	wrdreg s24  }
0xaf: {  	[dreg:$0x3] =	wrdreg s2  }
0xb0: {  	[dreg:$0x4] =	wrdreg $0x9  }
0xb1: {  	_ =	task.clear_ibuf [dreg:s7], $0x5FFFF;
	_ =	strace $0x90000049  }
0xb2: {  	s29 =	simm.s32 $0x9;
	_ =	strace $0x8000004B  }
0xb3: {  	_ =	swait.ge [sflag:s29], $0x1  }
0xb4: {  	[sflag:s29] =	ssyncadd.s32 $0xFFFFFFFF  }
0xb5: {  	_ =	strace $0x9000004B  }
0xb6: {  	_ =	sfence  }
0xb7: {  	s30 =	sld [smem:$0x0];
	_ =	sdelay $0x2  }
0xb8: {  	s31 =	sshll.u32 s1, $0xD;
	s1 =	sshrl.u32 s1, $0x2  }
0xb9: {  	s3 =	sand.u32 $0x4000, s31;
	s1 =	sadd.s32 s1, s30  }
0xba: {  	s0 =	sor.u32 s3, s0;
	s1 =	sshll.u32 s1, $0x11  }
0xbb: {  	s0 =	sor.u32 s1, s0  }
0xbc: {  	s0 =	sadd.s32 $0x8F2B, s0  }
0xbd: {  	[sflag:s0] =	ssyncadd.remote.s32 $0x1  }
0xbe: {  	_ =	sfence.sel $0xFFFF  }
0xbf: {  	[dreg:$0x0] =	wrdreg $0xFFFFFFFF;
	(pc) =	sbr.abs _section_cstart, $3  }
0xc0: {  	[dreg:$0x1] =	wrdreg $0xFFFFFFFF  }
0xc1: {  	_ =	task.clear_ibuf [dreg:s7], $0x2FFFF;
	_ =	strace $0x9FFFFFFF  }
0xc2: {  	(tm) =	ssettm $0x7FFFFFFF  }
0xc3: {  	_ =	shalt  }
tec
execute0_lowered:
.L_overlay_start_1:
0x0: {  	(tag) =	ssettag $0x1  }
0x1: {  	s0 =	rddreg [dreg:$0x0]  }
0x2: {  	s1 =	rddreg [dreg:$0x1]  }
0x3: {  	s2 =	srdreg.scid;
	s5 =	stileid.u32  }
0x4: {  	s7 =	simm.s32 $0x5;
	s8 =	simm.s32 $0x20;
	s26 =	simm.s32 $0xD000  }
0x5: {  	s29 =	simm.s32 $0xE000;
	s31 =	simm.s32 $0xF000;
	s10 =	simm.s32 $0x11000  }
0x6: {  	s12 =	simm.s32 $0x12000;
	s14 =	simm.s32 $0x13000;
	s16 =	simm.s32 $0x14000  }
0x7: {  	s18 =	simm.s32 $0x15000;
	s19 =	simm.s32 $0x1;
	s20 =	simm.s32 $0x16000  }
0x8: {  	s21 =	simm.s32 $0x2;
	s22 =	simm.s32 $0x17000;
	s23 =	simm.s32 $0x3  }
0x9: {  	s24 =	simm.s32 $0x4;
	s3 =	sand.u32 $0x1, s2;
	s2 =	simm.s32 $0x0  }
0xa: {  	s25 =	simm.s32 $0x0;
	s4 =	sshll.u32 s3, $0x4;
	[smem:$0x7FF] =	sst s2  }
.Ltmp0:
0xb: {  	s6 =	ssub.s32 $0x2, s3;
	s5 =	sor.u32 s5, s4;
	(pc) =	sbr.rel .LBB2_1-.Ltmp0, $4  }
0xc: {  	s3 =	sadd.s32 $0x11A00, s0;
	_ =	strace $0x8000004A;
	s4 =	sshll.u32 s5, $0xB  }
0xd: {  	s28 =	sshrl.u32 s6, $0x1;
	s30 =	sshll.u32 s5, $0xE;
	s0 =	sadd.s32 s4, s0  }
0xe: {  	s6 =	ssub.s32 s6, s28;
	s5 =	sadd.s32 s1, s30;
	s0 =	sadd.s32 $0x1A00, s0  }
0xf: {  	s6 =	smax.u32 s6, $0x1;
	s1 =	simm.s32 $0x10000;
	[dreg:$0x3] =	wrdreg s0  }
.LBB2_8:
0x10: {  	s25 =	sadd.s32 $0x1, s25  }
0x11: {  	_ =	swait.ge [sflag:s23], $0x1000;
	p0 =	sne.s32 s25, s6  }
.Ltmp1:
0x12: {  	[sflag:s23] =	ssyncset.done $0x0;
	(pc) =	sbr.rel @!p0 .LBB2_9-.Ltmp1, $4  }
0x13: {  	[sflag:s23] =	ssyncadd.s32 $0xFFFFF000  }
0x14: {  	_ =	swait.ge [sflag:s24], $0x1000  }
0x15: {  	[sflag:s24] =	ssyncset.done $0x0  }
0x16: {  	[sflag:s24] =	ssyncadd.s32 $0xFFFFF000  }
.LBB2_1:
0x17: {  	s0 =	rddreg [dreg:$0x3]  }
0x18: {  	[tilespmem:s2], [sflag:$0x5] =	stream.linear.gather [hbm4b:s0+s2], $0x4000, $0x38;
	[tilespmem:$0x18000] =	vst v63  }
0x19: {  	_ =	swait.ge [sflag:s7], $0x4000  }
0x1a: {  	[sflag:s7] =	ssyncset.done $0x0  }
0x1b: {  	s13 =	simm.s32 $0x4000;
	[sflag:s7] =	ssyncadd.s32 $0xFFFFC000  }
0x1c: {  	[tilespmem:s13], [sflag:$0x1] =	stream.indirect.gather [hbm4b:s3+s8], $0x80, s2, s8, $0xb8;
	[tilespmem:$0x18000] =	vst v63  }
0x1d: {  	s15 =	simm.s32 $0x80;
	s4 =	simm.s32 $0x5000  }
0x1e: {  	[tilespmem:s4], [sflag:$0x1] =	stream.indirect.gather [hbm4b:s3+s8], $0x80, s15, s8, $0xb8;
	[tilespmem:$0x18000] =	vst v63  }
0x1f: {  	s17 =	simm.s32 $0x100;
	s30 =	simm.s32 $0x6000  }
0x20: {  	[tilespmem:s30], [sflag:$0x1] =	stream.indirect.gather [hbm4b:s3+s8], $0x80, s17, s8, $0xb8;
	[tilespmem:$0x18000] =	vst v63  }
0x21: {  	s9 =	simm.s32 $0x180;
	s11 =	simm.s32 $0x7000  }
0x22: {  	[tilespmem:s11], [sflag:$0x1] =	stream.indirect.gather [hbm4b:s3+s8], $0x80, s9, s8, $0xb8;
	[tilespmem:$0x18000] =	vst v63  }
0x23: {  	s13 =	simm.s32 $0x200;
	s15 =	simm.s32 $0x8000  }
0x24: {  	[tilespmem:s15], [sflag:$0x1] =	stream.indirect.gather [hbm4b:s3+s8], $0x80, s13, s8, $0xb8;
	[tilespmem:$0x18000] =	vst v63  }
0x25: {  	s17 =	simm.s32 $0x280;
	s30 =	simm.s32 $0x9000  }
0x26: {  	[tilespmem:s30], [sflag:$0x1] =	stream.indirect.gather [hbm4b:s3+s8], $0x80, s17, s8, $0xb8;
	[tilespmem:$0x18000] =	vst v63  }
0x27: {  	s4 =	simm.s32 $0x300;
	s9 =	simm.s32 $0xA000  }
0x28: {  	[tilespmem:s9], [sflag:$0x1] =	stream.indirect.gather [hbm4b:s3+s8], $0x80, s4, s8, $0xb8;
	[tilespmem:$0x18000] =	vst v63  }
0x29: {  	s11 =	simm.s32 $0x380;
	s13 =	simm.s32 $0xB000  }
0x2a: {  	[tilespmem:s13], [sflag:$0x1] =	stream.indirect.gather [hbm4b:s3+s8], $0x80, s11, s8, $0xb8;
	[tilespmem:$0x18000] =	vst v63  }
0x2b: {  	s15 =	simm.s32 $0x2000;
	s17 =	simm.s32 $0xC000  }
0x2c: {  	[tilespmem:s17], [sflag:$0x1] =	stream.indirect.gather [hbm4b:s3+s8], $0x80, s15, s8, $0xb8;
	[tilespmem:$0x18000] =	vst v63  }
0x2d: {  	_ = 	snop  }
0x2e: {  	[tilespmem:s26], [sflag:$0x2] =	stream.indirect.gather [hbm4b:s3+s8], $0x80, s8, s8, $0xb8;
	[tilespmem:$0x18000] =	vst v63  }
0x2f: {  	s30 =	simm.s32 $0xA0  }
0x30: {  	[tilespmem:s29], [sflag:$0x2] =	stream.indirect.gather [hbm4b:s3+s8], $0x80, s30, s8, $0xb8;
	[tilespmem:$0x18000] =	vst v63  }
0x31: {  	s4 =	simm.s32 $0x120  }
0x32: {  	[tilespmem:s31], [sflag:$0x2] =	stream.indirect.gather [hbm4b:s3+s8], $0x80, s4, s8, $0xb8;
	[tilespmem:$0x18000] =	vst v63  }
0x33: {  	s9 =	simm.s32 $0x1A0  }
0x34: {  	[tilespmem:s1], [sflag:$0x2] =	stream.indirect.gather [hbm4b:s3+s8], $0x80, s9, s8, $0xb8;
	[tilespmem:$0x18000] =	vst v63  }
0x35: {  	s11 =	simm.s32 $0x220  }
0x36: {  	[tilespmem:s10], [sflag:$0x2] =	stream.indirect.gather [hbm4b:s3+s8], $0x80, s11, s8, $0xb8;
	[tilespmem:$0x18000] =	vst v63  }
0x37: {  	s13 =	simm.s32 $0x2A0  }
0x38: {  	[tilespmem:s12], [sflag:$0x2] =	stream.indirect.gather [hbm4b:s3+s8], $0x80, s13, s8, $0xb8;
	[tilespmem:$0x18000] =	vst v63  }
0x39: {  	s15 =	simm.s32 $0x320  }
0x3a: {  	[tilespmem:s14], [sflag:$0x2] =	stream.indirect.gather [hbm4b:s3+s8], $0x80, s15, s8, $0xb8;
	[tilespmem:$0x18000] =	vst v63  }
0x3b: {  	s17 =	simm.s32 $0x3A0  }
0x3c: {  	[tilespmem:s16], [sflag:$0x2] =	stream.indirect.gather [hbm4b:s3+s8], $0x80, s17, s8, $0xb8;
	[tilespmem:$0x18000] =	vst v63  }
0x3d: {  	s28 =	simm.s32 $0x0;
	s30 =	simm.s32 $0x2020  }
0x3e: {  	[tilespmem:s18], [sflag:$0x2] =	stream.indirect.gather [hbm4b:s3+s8], $0x80, s30, s8, $0xb8;
	[tilespmem:$0x18000] =	vst v63  }
.LBB2_2:
0x3f: {  	_ =	swait.ge [sflag:s19], $0x1000  }
0x40: {  	[sflag:s19] =	ssyncset.done $0x0  }
0x41: {  	[sflag:s19] =	ssyncadd.s32 $0xFFFFF000  }
0x42: {  	_ =	swait.ge [sflag:s19], $0x1000  }
0x43: {  	[sflag:s19] =	ssyncset.done $0x0  }
0x44: {  	[sflag:s19] =	ssyncadd.s32 $0xFFFFF000  }
0x45: {  	_ =	swait.ge [sflag:s19], $0x1000  }
0x46: {  	[sflag:s19] =	ssyncset.done $0x0  }
0x47: {  	[sflag:s19] =	ssyncadd.s32 $0xFFFFF000  }
0x48: {  	_ =	swait.ge [sflag:s19], $0x1000  }
0x49: {  	[sflag:s19] =	ssyncset.done $0x0  }
0x4a: {  	[sflag:s19] =	ssyncadd.s32 $0xFFFFF000  }
0x4b: {  	_ =	swait.ge [sflag:s19], $0x1000  }
0x4c: {  	[sflag:s19] =	ssyncset.done $0x0  }
0x4d: {  	[sflag:s19] =	ssyncadd.s32 $0xFFFFF000  }
0x4e: {  	_ =	swait.ge [sflag:s19], $0x1000  }
0x4f: {  	[sflag:s19] =	ssyncset.done $0x0  }
0x50: {  	[sflag:s19] =	ssyncadd.s32 $0xFFFFF000  }
0x51: {  	_ =	swait.ge [sflag:s19], $0x1000  }
0x52: {  	[sflag:s19] =	ssyncset.done $0x0  }
0x53: {  	[sflag:s19] =	ssyncadd.s32 $0xFFFFF000  }
0x54: {  	_ =	swait.ge [sflag:s19], $0x1000  }
0x55: {  	[sflag:s19] =	ssyncset.done $0x0  }
0x56: {  	[sflag:s19] =	ssyncadd.s32 $0xFFFFF000  }
0x57: {  	_ =	swait.ge [sflag:s19], $0x1000  }
0x58: {  	p0 =	seq.s32 s28, $0x0;
	[sflag:s19] =	ssyncset.done $0x0  }
0x59: {  	s0 =	simm.s32 @!p0 $0x3;
	[sflag:s19] =	ssyncadd.s32 $0xFFFFF000  }
0x5a: {  	_ =	swait.ge @!p0 [sflag:s0], $0x1000  }
0x5b: {  	[sflag:s0] =	ssyncset.done @!p0 $0x0  }
0x5c: {  	[sflag:s0] =	ssyncadd.s32 @!p0 $0xFFFFF000;
	s0 =	simm.s32 $0x0  }
0x5d: {  	v2 =	vld [tilespmem:s0+$0x4000];
	_ =	sdelay $0x3  }
0x5e: {  	v0 =	vld [tilespmem:s0+$0x40F0]  }
0x5f: {  	v1 =	vld [tilespmem:s0+$0x50F0];
	[tilespmem:$0x1FF00] =	vst v2  }
0x60: {  	v2 =	vld [tilespmem:s0+$0x5000];
	_ =	sdelay $0x4  }
0x61: {  	v3 =	vld [tilespmem:s0+$0x60F0];
	[tilespmem:$0x1FF10] =	vst v2  }
0x62: {  	v0 =	vadd.f32 v1, v0;
	v1 =	vld [tilespmem:s0+$0x5010];
	_ =	sdelay $0x2  }
0x63: {  	v5 =	vld [tilespmem:s0+$0x70F0]  }
0x64: {  	v6 =	vld [tilespmem:s0+$0x4010]  }
0x65: {  	v7 =	vld [tilespmem:s0+$0x80F0];
	[tilespmem:$0x1FF20] =	vst v1  }
0x66: {  	v8 =	vld [tilespmem:s0+$0x90F0]  }
0x67: {  	v0 =	vadd.f32 v3, v0;
	v3 =	vld [tilespmem:s0+$0x4020]  }
0x68: {  	v9 =	vld [tilespmem:s0+$0xA0F0]  }
0x69: {  	v0 =	vadd.f32 v5, v0;
	v5 =	vld [tilespmem:s0+$0x5020]  }
0x6a: {  	v10 =	vld [tilespmem:s0+$0xB0F0]  }
0x6b: {  	v11 =	vld [tilespmem:s0+$0xC0F0]  }
0x6c: {  	v12 =	vld [tilespmem:s0+$0x4040]  }
0x6d: {  	v13 =	vld [tilespmem:s0+$0x4050]  }
0x6e: {  	v14 =	vld [tilespmem:s0+$0x4060]  }
0x6f: {  	v15 =	vld [tilespmem:s0+$0x4070]  }
0x70: {  	v2 =	vld [tilespmem:s0+$0x5070]  }
0x71: {  	v16 =	vld [tilespmem:s0+$0x4080]  }
0x72: {  	v17 =	vld [tilespmem:s0+$0x5080]  }
0x73: {  	v18 =	vld [tilespmem:s0+$0x4090]  }
0x74: {  	v19 =	vld [tilespmem:s0+$0x5090]  }
0x75: {  	v20 =	vld [tilespmem:s0+$0x40A0]  }
0x76: {  	v21 =	vld [tilespmem:s0+$0x50A0]  }
0x77: {  	v22 =	vld [tilespmem:s0+$0x40B0]  }
0x78: {  	v23 =	vld [tilespmem:s0+$0x50B0]  }
0x79: {  	v24 =	vld [tilespmem:s0+$0x40C0]  }
0x7a: {  	v25 =	vld [tilespmem:s0+$0x50C0]  }
0x7b: {  	v26 =	vld [tilespmem:s0+$0x40D0]  }
0x7c: {  	v27 =	vld [tilespmem:s0+$0x50D0]  }
0x7d: {  	v28 =	vld [tilespmem:s0+$0x40E0]  }
0x7e: {  	v29 =	vld [tilespmem:s0+$0x50E0]  }
0x7f: {  	v30 =	vld [tilespmem:s0+$0x6000]  }
0x80: {  	v31 =	vld [tilespmem:s0+$0x6010]  }
0x81: {  	v32 =	vld [tilespmem:s0+$0x6020]  }
0x82: {  	v33 =	vld [tilespmem:s0+$0x6030]  }
0x83: {  	v34 =	vld [tilespmem:s0+$0x6040]  }
0x84: {  	v35 =	vld [tilespmem:s0+$0x6050]  }
0x85: {  	v36 =	vld [tilespmem:s0+$0x6060]  }
0x86: {  	v37 =	vld [tilespmem:s0+$0x6070]  }
0x87: {  	v38 =	vld [tilespmem:s0+$0x6080]  }
0x88: {  	v39 =	vld [tilespmem:s0+$0x6090]  }
0x89: {  	v40 =	vld [tilespmem:s0+$0x60A0]  }
0x8a: {  	v41 =	vld [tilespmem:s0+$0x60B0]  }
0x8b: {  	v42 =	vld [tilespmem:s0+$0x60C0]  }
0x8c: {  	v43 =	vld [tilespmem:s0+$0x60D0]  }
0x8d: {  	v44 =	vld [tilespmem:s0+$0x60E0]  }
0x8e: {  	v45 =	vld [tilespmem:s0+$0x7000]  }
0x8f: {  	v46 =	vld [tilespmem:s0+$0x7010]  }
0x90: {  	v47 =	vld [tilespmem:s0+$0x7020]  }
0x91: {  	v48 =	vld [tilespmem:s0+$0x7030]  }
0x92: {  	v49 =	vld [tilespmem:s0+$0x7040]  }
0x93: {  	v50 =	vld [tilespmem:s0+$0x7050]  }
0x94: {  	v51 =	vld [tilespmem:s0+$0x7060]  }
0x95: {  	v52 =	vld [tilespmem:s0+$0x7070]  }
0x96: {  	v53 =	vld [tilespmem:s0+$0x7080]  }
0x97: {  	v54 =	vld [tilespmem:s0+$0x7090]  }
0x98: {  	v55 =	vld [tilespmem:s0+$0x70A0];
	v0 =	vadd.f32 v7, v0  }
0x99: {  	v56 =	vld [tilespmem:s0+$0x70B0]  }
0x9a: {  	v57 =	vld [tilespmem:s0+$0x70C0];
	v0 =	vadd.f32 v8, v0  }
0x9b: {  	v58 =	vld [tilespmem:s0+$0x70D0]  }
0x9c: {  	v59 =	vld [tilespmem:s0+$0x70E0];
	v0 =	vadd.f32 v9, v0  }
0x9d: {  	v60 =	vld [tilespmem:s0+$0x8000]  }
0x9e: {  	v61 =	vld [tilespmem:s0+$0x8010];
	v0 =	vadd.f32 v10, v0  }
0x9f: {  	v62 =	vld [tilespmem:s0+$0x8020]  }
0xa0: {  	v63 =	vld [tilespmem:s0+$0x8030];
	v0 =	vadd.f32 v11, v0  }
0xa1: {  	v4 =	vld [tilespmem:s0+$0x8040]  }
0xa2: {  	[tilespmem:s0+$0x160F0] =	vst v0;
	v0 =	vld [tilespmem:s0+$0x8050]  }
0xa3: {  	v7 =	vld [tilespmem:s0+$0x4030]  }
0xa4: {  	v8 =	vld [tilespmem:s0+$0x5030]  }
0xa5: {  	v9 =	vld [tilespmem:s0+$0x5040]  }
0xa6: {  	v10 =	vld [tilespmem:s0+$0x5050]  }
0xa7: {  	v11 =	vld [tilespmem:s0+$0x5060];
	[tilespmem:$0x1FF30] =	vst v0  }
0xa8: {  	v0 =	vld [tilespmem:s0+$0x8060];
	_ =	sdelay $0x4  }
0xa9: {  	[tilespmem:$0x1FF40] =	vst v0  }
0xaa: {  	v0 =	vld [tilespmem:s0+$0x8070];
	_ =	sdelay $0x4  }
0xab: {  	[tilespmem:$0x1FF50] =	vst v0  }
0xac: {  	v0 =	vld [tilespmem:s0+$0x8080];
	_ =	sdelay $0x4  }
0xad: {  	[tilespmem:$0x1FF60] =	vst v0  }
0xae: {  	v0 =	vld [tilespmem:s0+$0x8090];
	_ =	sdelay $0x4  }
0xaf: {  	[tilespmem:$0x1FF70] =	vst v0  }
0xb0: {  	v0 =	vld [tilespmem:s0+$0x80A0];
	_ =	sdelay $0x4  }
0xb1: {  	[tilespmem:$0x1FF80] =	vst v0  }
0xb2: {  	v0 =	vld [tilespmem:s0+$0x80B0];
	_ =	sdelay $0x4  }
0xb3: {  	[tilespmem:$0x1FF90] =	vst v0  }
0xb4: {  	v0 =	vld [tilespmem:s0+$0x80C0];
	_ =	sdelay $0x4  }
0xb5: {  	[tilespmem:$0x1FFA0] =	vst v0  }
0xb6: {  	v0 =	vld [tilespmem:s0+$0x80D0];
	_ =	sdelay $0x4  }
0xb7: {  	[tilespmem:$0x1FFB0] =	vst v0  }
0xb8: {  	v0 =	vld [tilespmem:s0+$0x80E0];
	_ =	sdelay $0x4  }
0xb9: {  	[tilespmem:$0x1FFC0] =	vst v0  }
0xba: {  	v0 =	vld [tilespmem:s0+$0x9000];
	_ =	sdelay $0x4  }
0xbb: {  	[tilespmem:$0x1FFD0] =	vst v0  }
0xbc: {  	v3 =	vadd.f32 v5, v3;
	v0 =	vld [tilespmem:s0+$0x9010];
	_ =	sdelay $0x1  }
0xbd: {  	v3 =	vadd.f32 v32, v3  }
0xbe: {  	v5 =	vadd.f32 v8, v7;
	v8 =	vadd.f32 v9, v12  }
0xbf: {  	v1 =	vld [tilespmem:$0x1FF10];
	v9 =	vadd.f32 v10, v13;
	v13 =	vadd.f32 v17, v16  }
0xc0: {  	v16 =	vadd.f32 v21, v20;
	v17 =	vadd.f32 v23, v22;
	[tilespmem:$0x1FFE0] =	vst v0;
	v0 =	vld [tilespmem:$0x1FF00]  }
0xc1: {  	v20 =	vadd.f32 v27, v26;
	v11 =	vadd.f32 v11, v14  }
0xc2: {  	v14 =	vadd.f32 v19, v18;
	v13 =	vadd.f32 v38, v13  }
0xc3: {  	v22 =	vadd.f32 v29, v28;
	v19 =	vadd.f32 v25, v24  }
0xc4: {  	v14 =	vadd.f32 v39, v14;
	v13 =	vadd.f32 v53, v13;
	v53 =	vld [tilespmem:$0x1FF50]  }
0xc5: {  	v16 =	vadd.f32 v40, v16;
	v0 =	vadd.f32 v1, v0;
	v1 =	vld [tilespmem:$0x1FF20]  }
0xc6: {  	v17 =	vadd.f32 v41, v17;
	v14 =	vadd.f32 v54, v14;
	v54 =	vld [tilespmem:$0x1FF60]  }
0xc7: {  	v19 =	vadd.f32 v42, v19;
	v16 =	vadd.f32 v55, v16;
	v55 =	vld [tilespmem:$0x1FF70]  }
0xc8: {  	v20 =	vadd.f32 v43, v20;
	v17 =	vadd.f32 v56, v17;
	v56 =	vld [tilespmem:$0x1FF80]  }
0xc9: {  	v22 =	vadd.f32 v44, v22;
	v19 =	vadd.f32 v57, v19;
	v57 =	vld [tilespmem:$0x1FF90]  }
0xca: {  	v0 =	vadd.f32 v30, v0;
	v1 =	vadd.f32 v1, v6;
	v6 =	vld [tilespmem:s0+$0x9020]  }
0xcb: {  	v3 =	vadd.f32 v47, v3;
	v20 =	vadd.f32 v58, v20;
	v58 =	vld [tilespmem:$0x1FFA0]  }
0xcc: {  	v22 =	vadd.f32 v59, v22;
	v59 =	vld [tilespmem:$0x1FFB0];
	v0 =	vadd.f32 v45, v0  }
0xcd: {  	v3 =	vadd.f32 v62, v3;
	v62 =	vld [tilespmem:$0x1FFE0]  }
0xce: {  	v0 =	vadd.f32 v60, v0;
	v60 =	vld [tilespmem:$0x1FFC0]  }
0xcf: {  	[tilespmem:$0x1FFF0] =	vst v6;
	v6 =	vld [tilespmem:$0x1FF30]  }
0xd0: {  	v7 =	vld [tilespmem:s0+$0x9030]  }
0xd1: {  	v10 =	vld [tilespmem:s0+$0x9040]  }
0xd2: {  	v12 =	vld [tilespmem:s0+$0x9050]  }
0xd3: {  	v2 =	vadd.f32 v2, v15;
	v15 =	vld [tilespmem:s0+$0x9060]  }
0xd4: {  	v18 =	vld [tilespmem:s0+$0x9070]  }
0xd5: {  	v21 =	vld [tilespmem:s0+$0x9080]  }
0xd6: {  	v23 =	vld [tilespmem:s0+$0x9090]  }
0xd7: {  	v24 =	vld [tilespmem:s0+$0x90A0]  }
0xd8: {  	v25 =	vld [tilespmem:s0+$0x90B0]  }
0xd9: {  	v26 =	vld [tilespmem:s0+$0x90C0]  }
0xda: {  	v27 =	vld [tilespmem:s0+$0x90D0]  }
0xdb: {  	v28 =	vld [tilespmem:s0+$0x90E0]  }
0xdc: {  	v29 =	vld [tilespmem:s0+$0xA000]  }
0xdd: {  	v30 =	vld [tilespmem:s0+$0xA010]  }
0xde: {  	v1 =	vadd.f32 v31, v1;
	v31 =	vld [tilespmem:s0+$0xA020]  }
0xdf: {  	v32 =	vld [tilespmem:s0+$0xA030]  }
0xe0: {  	v5 =	vadd.f32 v33, v5;
	v33 =	vld [tilespmem:s0+$0xA040]  }
0xe1: {  	v8 =	vadd.f32 v34, v8;
	v34 =	vld [tilespmem:s0+$0xA050]  }
0xe2: {  	v9 =	vadd.f32 v35, v9;
	v35 =	vld [tilespmem:s0+$0xA060]  }
0xe3: {  	v11 =	vadd.f32 v36, v11;
	v36 =	vld [tilespmem:s0+$0xA070]  }
0xe4: {  	v2 =	vadd.f32 v37, v2;
	v37 =	vld [tilespmem:s0+$0xA080]  }
0xe5: {  	v8 =	vadd.f32 v49, v8;
	v38 =	vld [tilespmem:s0+$0xA090]  }
0xe6: {  	v39 =	vld [tilespmem:s0+$0xA0A0]  }
0xe7: {  	v5 =	vadd.f32 v48, v5;
	v4 =	vadd.f32 v4, v8;
	v8 =	vld [tilespmem:s0+$0xA0B0]  }
0xe8: {  	v2 =	vadd.f32 v52, v2;
	v1 =	vadd.f32 v46, v1;
	v40 =	vld [tilespmem:s0+$0xA0D0]  }
0xe9: {  	v5 =	vadd.f32 v63, v5;
	v9 =	vadd.f32 v50, v9;
	v41 =	vld [tilespmem:s0+$0xA0E0]  }
0xea: {  	v11 =	vadd.f32 v51, v11;
	v1 =	vadd.f32 v61, v1;
	v61 =	vld [tilespmem:$0x1FFD0]  }
0xeb: {  	v2 =	vadd.f32 v53, v2;
	v13 =	vadd.f32 v54, v13;
	v48 =	vld [tilespmem:$0x1FFF0]  }
0xec: {  	v14 =	vadd.f32 v55, v14;
	v16 =	vadd.f32 v56, v16;
	v42 =	vld [tilespmem:s0+$0xB000]  }
0xed: {  	v17 =	vadd.f32 v57, v17;
	v19 =	vadd.f32 v58, v19;
	v43 =	vld [tilespmem:s0+$0xB010]  }
0xee: {  	v20 =	vadd.f32 v59, v20;
	v22 =	vadd.f32 v60, v22;
	v63 =	vld [tilespmem:s0+$0xB020]  }
0xef: {  	v49 =	vld [tilespmem:s0+$0xB070];
	v1 =	vadd.f32 v62, v1;
	v9 =	vadd.f32 v6, v9  }
0xf0: {  	v50 =	vld [tilespmem:s0+$0xB080];
	v0 =	vadd.f32 v61, v0;
	v3 =	vadd.f32 v48, v3  }
0xf1: {  	v51 =	vld [tilespmem:s0+$0xB090];
	v5 =	vadd.f32 v7, v5;
	v4 =	vadd.f32 v10, v4  }
0xf2: {  	v52 =	vld [tilespmem:s0+$0xB0A0];
	v2 =	vadd.f32 v18, v2;
	v13 =	vadd.f32 v21, v13  }
0xf3: {  	v53 =	vld [tilespmem:s0+$0xB0B0];
	v14 =	vadd.f32 v23, v14;
	v16 =	vadd.f32 v24, v16  }
0xf4: {  	v54 =	vld [tilespmem:s0+$0xB0C0];
	v17 =	vadd.f32 v25, v17;
	v19 =	vadd.f32 v26, v19  }
0xf5: {  	v55 =	vld [tilespmem:s0+$0xB0D0];
	v20 =	vadd.f32 v27, v20;
	v22 =	vadd.f32 v28, v22  }
0xf6: {  	v56 =	vld [tilespmem:s0+$0xC000];
	v1 =	vadd.f32 v30, v1;
	v9 =	vadd.f32 v12, v9  }
0xf7: {  	v6 =	vld [tilespmem:$0x1FF40];
	v0 =	vadd.f32 v29, v0;
	v3 =	vadd.f32 v31, v3  }
0xf8: {  	v57 =	vld [tilespmem:s0+$0xC010];
	v5 =	vadd.f32 v32, v5;
	v4 =	vadd.f32 v33, v4  }
0xf9: {  	v60 =	vld [tilespmem:s0+$0xC020];
	v2 =	vadd.f32 v36, v2;
	v13 =	vadd.f32 v37, v13  }
0xfa: {  	v62 =	vld [tilespmem:s0+$0xC070];
	v14 =	vadd.f32 v38, v14;
	v16 =	vadd.f32 v39, v16  }
0xfb: {  	v7 =	vld [tilespmem:s0+$0xB030];
	v8 =	vadd.f32 v8, v17;
	v58 =	vadd.f32 v40, v20  }
0xfc: {  	v10 =	vld [tilespmem:s0+$0xB040];
	v59 =	vadd.f32 v41, v22;
	v6 =	vadd.f32 v6, v11  }
0xfd: {  	v12 =	vld [tilespmem:s0+$0xB050];
	v1 =	vadd.f32 v43, v1;
	v9 =	vadd.f32 v34, v9  }
0xfe: {  	v0 =	vadd.f32 v42, v0;
	v6 =	vadd.f32 v15, v6;
	v15 =	vld [tilespmem:s0+$0xB060]  }
0xff: {  	v61 =	vld [tilespmem:s0+$0xC030];
	v3 =	vadd.f32 v63, v3;
	v18 =	vadd.f32 v49, v2  }
0x100: {  	v11 =	vld [tilespmem:s0+$0xA0C0];
	v1 =	vadd.f32 v57, v1;
	v13 =	vadd.f32 v50, v13  }
0x101: {  	v5 =	vadd.f32 v7, v5;
	v7 =	vld [tilespmem:s0+$0xC040];
	v6 =	vadd.f32 v35, v6  }
0x102: {  	v4 =	vadd.f32 v10, v4;
	v10 =	vld [tilespmem:s0+$0xC050];
	v0 =	vadd.f32 v56, v0  }
0x103: {  	v9 =	vadd.f32 v12, v9;
	v12 =	vadd.f32 v15, v6;
	v15 =	vld [tilespmem:s0+$0xC060]  }
0x104: {  	v2 =	vld [tilespmem:s0+$0xB0E0];
	[tilespmem:s0+$0x16010] =	vst v1;
	v1 =	vadd.f32 v53, v8;
	v5 =	vadd.f32 v61, v5  }
0x105: {  	[tilespmem:s0+$0x16000] =	vst v0;
	v6 =	vadd.f32 v60, v3;
	v3 =	vadd.f32 v51, v14;
	v14 =	vld [tilespmem:s0+$0xC080]  }
0x106: {  	v0 =	vadd.f32 v52, v16;
	[tilespmem:s0+$0x16030] =	vst v5;
	v63 =	vadd.f32 v7, v4;
	v7 =	vld [tilespmem:s0+$0xC090]  }
0x107: {  	v11 =	vadd.f32 v11, v19;
	v9 =	vadd.f32 v10, v9;
	[tilespmem:s0+$0x16020] =	vst v6;
	v6 =	vld [tilespmem:s0+$0xC0A0]  }
0x108: {  	v8 =	vld [tilespmem:s0+$0xC0B0];
	v5 =	vadd.f32 v55, v58;
	[tilespmem:s0+$0x16040] =	vst v63;
	v10 =	vadd.f32 v15, v12  }
0x109: {  	v2 =	vadd.f32 v2, v59;
	[tilespmem:s0+$0x16050] =	vst v9;
	v9 =	vld [tilespmem:s0+$0xC0C0];
	v12 =	vadd.f32 v62, v18  }
0x10a: {  	s30 =	sshll.u32 s28, $0x1;
	s9 =	simm.s32 $0x0;
	s11 =	simm.s32 $0x400;
	v4 =	vadd.f32 v54, v11;
	v11 =	vadd.f32 v14, v13;
	[tilespmem:s0+$0x16060] =	vst v10;
	v10 =	vld [tilespmem:s0+$0xC0D0]  }
.LBB2_3:
0x10b: {  	s13 =	sshra.s32 s11, $0x2;
	[tilespmem:s0+$0x16070] =	vst v12;
	v3 =	vadd.f32 v7, v3;
	v7 =	vld [tilespmem:s0+$0xC0E0]  }
0x10c: {  	s9 =	sadd.s32 $0x2, s9;
	v12 =	vld [tilespmem:s13+$0x40F0];
	[tilespmem:s0+$0x16080] =	vst v11;
	v0 =	vadd.f32 v6, v0  }
0x10d: {  	p1 =	slt.u32 s9, $0x1E;
	v6 =	vld [tilespmem:s13+$0x50F0];
	[tilespmem:s0+$0x16090] =	vst v3;
	v1 =	vadd.f32 v8, v1  }
0x10e: {  	v3 =	vld [tilespmem:s13+$0x4000];
	[tilespmem:s0+$0x160A0] =	vst v0;
	v0 =	vadd.f32 v9, v4  }
0x10f: {  	v4 =	vld [tilespmem:s13+$0x60F0];
	[tilespmem:s0+$0x160B0] =	vst v1;
	v1 =	vadd.f32 v10, v5  }
0x110: {  	v5 =	vld [tilespmem:s13+$0x5000];
	[tilespmem:s0+$0x160C0] =	vst v0;
	v0 =	vadd.f32 v7, v2  }
0x111: {  	v2 =	vld [tilespmem:s13+$0x70F0];
	[tilespmem:s0+$0x160D0] =	vst v1  }
0x112: {  	v1 =	vld [tilespmem:s13+$0x4010];
	v6 =	vadd.f32 v6, v12;
	[tilespmem:s0+$0x160E0] =	vst v0;
	s0 =	smov.u32 s13  }
0x113: {  	v0 =	vld [tilespmem:s0+$0x80F0]  }
0x114: {  	v7 =	vld [tilespmem:s0+$0x5010];
	v4 =	vadd.f32 v4, v6  }
0x115: {  	v3 =	vadd.f32 v5, v3;
	v5 =	vld [tilespmem:s0+$0x90F0]  }
0x116: {  	v6 =	vld [tilespmem:s0+$0x4020];
	v2 =	vadd.f32 v2, v4  }
0x117: {  	v4 =	vld [tilespmem:s0+$0xA0F0]  }
0x118: {  	v8 =	vld [tilespmem:s0+$0x5020];
	v0 =	vadd.f32 v0, v2  }
0x119: {  	v1 =	vadd.f32 v7, v1;
	v2 =	vld [tilespmem:s0+$0xB0F0]  }
0x11a: {  	v7 =	vld [tilespmem:s0+$0x4030];
	v0 =	vadd.f32 v5, v0  }
0x11b: {  	v5 =	vld [tilespmem:s0+$0xC0F0]  }
0x11c: {  	v9 =	vld [tilespmem:s0+$0x5030];
	v0 =	vadd.f32 v4, v0  }
0x11d: {  	v4 =	vadd.f32 v8, v6;
	v6 =	vld [tilespmem:s0+$0x4040]  }
0x11e: {  	v8 =	vld [tilespmem:s0+$0x5040];
	v0 =	vadd.f32 v2, v0  }
0x11f: {  	v2 =	vld [tilespmem:s0+$0x4050]  }
0x120: {  	v10 =	vld [tilespmem:s0+$0x5050];
	v0 =	vadd.f32 v5, v0  }
0x121: {  	v5 =	vadd.f32 v9, v7;
	v7 =	vld [tilespmem:s0+$0x4060]  }
0x122: {  	v9 =	vld [tilespmem:s0+$0x5060];
	[tilespmem:s0+$0x160F0] =	vst v0  }
0x123: {  	v0 =	vadd.f32 v8, v6;
	v6 =	vld [tilespmem:s0+$0x4070]  }
0x124: {  	v8 =	vld [tilespmem:s0+$0x5070]  }
0x125: {  	v2 =	vadd.f32 v10, v2;
	v10 =	vld [tilespmem:s0+$0x4080]  }
0x126: {  	v11 =	vld [tilespmem:s0+$0x5080]  }
0x127: {  	v7 =	vadd.f32 v9, v7;
	v9 =	vld [tilespmem:s0+$0x4090]  }
0x128: {  	v12 =	vld [tilespmem:s0+$0x5090]  }
0x129: {  	v6 =	vadd.f32 v8, v6;
	v8 =	vld [tilespmem:s0+$0x40A0]  }
0x12a: {  	v13 =	vld [tilespmem:s0+$0x50A0]  }
0x12b: {  	v10 =	vadd.f32 v11, v10;
	v11 =	vld [tilespmem:s0+$0x40B0]  }
0x12c: {  	v14 =	vld [tilespmem:s0+$0x50B0]  }
0x12d: {  	v9 =	vadd.f32 v12, v9;
	v12 =	vld [tilespmem:s0+$0x40C0]  }
0x12e: {  	v15 =	vld [tilespmem:s0+$0x50C0]  }
0x12f: {  	v8 =	vadd.f32 v13, v8;
	v13 =	vld [tilespmem:s0+$0x40D0]  }
0x130: {  	v16 =	vld [tilespmem:s0+$0x50D0]  }
0x131: {  	v11 =	vadd.f32 v14, v11;
	v14 =	vld [tilespmem:s0+$0x40E0]  }
0x132: {  	v17 =	vld [tilespmem:s0+$0x50E0]  }
0x133: {  	v18 =	vld [tilespmem:s0+$0x6000];
	v12 =	vadd.f32 v15, v12  }
0x134: {  	v15 =	vld [tilespmem:s0+$0x6010]  }
0x135: {  	v19 =	vld [tilespmem:s0+$0x6020];
	v13 =	vadd.f32 v16, v13  }
0x136: {  	v16 =	vld [tilespmem:s0+$0x6030]  }
0x137: {  	v20 =	vld [tilespmem:s0+$0x6040];
	v14 =	vadd.f32 v17, v14  }
0x138: {  	v3 =	vadd.f32 v18, v3;
	v17 =	vld [tilespmem:s0+$0x6050]  }
0x139: {  	v1 =	vadd.f32 v15, v1;
	v15 =	vld [tilespmem:s0+$0x6060]  }
0x13a: {  	v4 =	vadd.f32 v19, v4;
	v18 =	vld [tilespmem:s0+$0x6070]  }
0x13b: {  	v5 =	vadd.f32 v16, v5;
	v16 =	vld [tilespmem:s0+$0x6080]  }
0x13c: {  	v0 =	vadd.f32 v20, v0;
	v19 =	vld [tilespmem:s0+$0x6090]  }
0x13d: {  	v2 =	vadd.f32 v17, v2;
	v17 =	vld [tilespmem:s0+$0x60A0]  }
0x13e: {  	v7 =	vadd.f32 v15, v7;
	v15 =	vld [tilespmem:s0+$0x60B0]  }
0x13f: {  	v6 =	vadd.f32 v18, v6;
	v18 =	vld [tilespmem:s0+$0x60C0]  }
0x140: {  	v10 =	vadd.f32 v16, v10;
	v16 =	vld [tilespmem:s0+$0x60D0]  }
0x141: {  	v9 =	vadd.f32 v19, v9;
	v19 =	vld [tilespmem:s0+$0x60E0]  }
0x142: {  	v20 =	vld [tilespmem:s0+$0x7000];
	v8 =	vadd.f32 v17, v8  }
0x143: {  	v17 =	vld [tilespmem:s0+$0x7010];
	v11 =	vadd.f32 v15, v11  }
0x144: {  	v15 =	vld [tilespmem:s0+$0x7020];
	v12 =	vadd.f32 v18, v12  }
0x145: {  	v18 =	vld [tilespmem:s0+$0x7030];
	v13 =	vadd.f32 v16, v13  }
0x146: {  	v16 =	vld [tilespmem:s0+$0x7040];
	v14 =	vadd.f32 v19, v14  }
0x147: {  	v3 =	vadd.f32 v20, v3;
	v19 =	vld [tilespmem:s0+$0x7050]  }
0x148: {  	v1 =	vadd.f32 v17, v1;
	v17 =	vld [tilespmem:s0+$0x7060]  }
0x149: {  	v4 =	vadd.f32 v15, v4;
	v15 =	vld [tilespmem:s0+$0x7070]  }
0x14a: {  	v5 =	vadd.f32 v18, v5;
	v18 =	vld [tilespmem:s0+$0x7080]  }
0x14b: {  	v0 =	vadd.f32 v16, v0;
	v16 =	vld [tilespmem:s0+$0x7090]  }
0x14c: {  	v2 =	vadd.f32 v19, v2;
	v19 =	vld [tilespmem:s0+$0x70A0]  }
0x14d: {  	v7 =	vadd.f32 v17, v7;
	v17 =	vld [tilespmem:s0+$0x70B0]  }
0x14e: {  	v6 =	vadd.f32 v15, v6;
	v15 =	vld [tilespmem:s0+$0x70C0]  }
0x14f: {  	v10 =	vadd.f32 v18, v10;
	v18 =	vld [tilespmem:s0+$0x70D0]  }
0x150: {  	v9 =	vadd.f32 v16, v9;
	v16 =	vld [tilespmem:s0+$0x70E0]  }
0x151: {  	v20 =	vld [tilespmem:s0+$0x8000];
	v8 =	vadd.f32 v19, v8  }
0x152: {  	v19 =	vld [tilespmem:s0+$0x8010];
	v11 =	vadd.f32 v17, v11  }
0x153: {  	v17 =	vld [tilespmem:s0+$0x8020];
	v12 =	vadd.f32 v15, v12  }
0x154: {  	v15 =	vld [tilespmem:s0+$0x8030];
	v13 =	vadd.f32 v18, v13  }
0x155: {  	v18 =	vld [tilespmem:s0+$0x8040];
	v14 =	vadd.f32 v16, v14  }
0x156: {  	v3 =	vadd.f32 v20, v3;
	v16 =	vld [tilespmem:s0+$0x8050]  }
0x157: {  	v1 =	vadd.f32 v19, v1;
	v19 =	vld [tilespmem:s0+$0x8060]  }
0x158: {  	v4 =	vadd.f32 v17, v4;
	v17 =	vld [tilespmem:s0+$0x8070]  }
0x159: {  	v5 =	vadd.f32 v15, v5;
	v15 =	vld [tilespmem:s0+$0x8080]  }
0x15a: {  	v0 =	vadd.f32 v18, v0;
	v18 =	vld [tilespmem:s0+$0x8090]  }
0x15b: {  	v2 =	vadd.f32 v16, v2;
	v16 =	vld [tilespmem:s0+$0x80A0]  }
0x15c: {  	v7 =	vadd.f32 v19, v7;
	v19 =	vld [tilespmem:s0+$0x80B0]  }
0x15d: {  	v6 =	vadd.f32 v17, v6;
	v17 =	vld [tilespmem:s0+$0x80C0]  }
0x15e: {  	v10 =	vadd.f32 v15, v10;
	v15 =	vld [tilespmem:s0+$0x80D0]  }
0x15f: {  	v9 =	vadd.f32 v18, v9;
	v18 =	vld [tilespmem:s0+$0x80E0]  }
0x160: {  	v20 =	vld [tilespmem:s0+$0x9000];
	v8 =	vadd.f32 v16, v8  }
0x161: {  	v16 =	vld [tilespmem:s0+$0x9010];
	v11 =	vadd.f32 v19, v11  }
0x162: {  	v19 =	vld [tilespmem:s0+$0x9020];
	v12 =	vadd.f32 v17, v12  }
0x163: {  	v17 =	vld [tilespmem:s0+$0x9030];
	v13 =	vadd.f32 v15, v13  }
0x164: {  	v15 =	vld [tilespmem:s0+$0x9040];
	v14 =	vadd.f32 v18, v14  }
0x165: {  	v3 =	vadd.f32 v20, v3;
	v18 =	vld [tilespmem:s0+$0x9050]  }
0x166: {  	v1 =	vadd.f32 v16, v1;
	v16 =	vld [tilespmem:s0+$0x9060]  }
0x167: {  	v4 =	vadd.f32 v19, v4;
	v19 =	vld [tilespmem:s0+$0x9070]  }
0x168: {  	v5 =	vadd.f32 v17, v5;
	v17 =	vld [tilespmem:s0+$0x9080]  }
0x169: {  	v0 =	vadd.f32 v15, v0;
	v15 =	vld [tilespmem:s0+$0x9090]  }
0x16a: {  	v2 =	vadd.f32 v18, v2;
	v18 =	vld [tilespmem:s0+$0x90A0]  }
0x16b: {  	v7 =	vadd.f32 v16, v7;
	v16 =	vld [tilespmem:s0+$0x90B0]  }
0x16c: {  	v6 =	vadd.f32 v19, v6;
	v19 =	vld [tilespmem:s0+$0x90C0]  }
0x16d: {  	v10 =	vadd.f32 v17, v10;
	v17 =	vld [tilespmem:s0+$0x90D0]  }
0x16e: {  	v9 =	vadd.f32 v15, v9;
	v15 =	vld [tilespmem:s0+$0x90E0]  }
0x16f: {  	v20 =	vld [tilespmem:s0+$0xA000];
	v8 =	vadd.f32 v18, v8  }
0x170: {  	v18 =	vld [tilespmem:s0+$0xA010];
	v11 =	vadd.f32 v16, v11  }
0x171: {  	v16 =	vld [tilespmem:s0+$0xA020];
	v12 =	vadd.f32 v19, v12  }
0x172: {  	v19 =	vld [tilespmem:s0+$0xA030];
	v13 =	vadd.f32 v17, v13  }
0x173: {  	v17 =	vld [tilespmem:s0+$0xA040];
	v14 =	vadd.f32 v15, v14  }
0x174: {  	v3 =	vadd.f32 v20, v3;
	v15 =	vld [tilespmem:s0+$0xA050]  }
0x175: {  	v1 =	vadd.f32 v18, v1;
	v18 =	vld [tilespmem:s0+$0xA060]  }
0x176: {  	v4 =	vadd.f32 v16, v4;
	v16 =	vld [tilespmem:s0+$0xA070]  }
0x177: {  	v5 =	vadd.f32 v19, v5;
	v19 =	vld [tilespmem:s0+$0xA080]  }
0x178: {  	v0 =	vadd.f32 v17, v0;
	v17 =	vld [tilespmem:s0+$0xA090]  }
0x179: {  	v2 =	vadd.f32 v15, v2;
	v15 =	vld [tilespmem:s0+$0xA0A0]  }
0x17a: {  	v7 =	vadd.f32 v18, v7;
	v18 =	vld [tilespmem:s0+$0xA0B0]  }
0x17b: {  	v6 =	vadd.f32 v16, v6;
	v16 =	vld [tilespmem:s0+$0xA0C0]  }
0x17c: {  	v10 =	vadd.f32 v19, v10;
	v19 =	vld [tilespmem:s0+$0xA0D0]  }
0x17d: {  	v9 =	vadd.f32 v17, v9;
	v17 =	vld [tilespmem:s0+$0xA0E0]  }
0x17e: {  	v20 =	vld [tilespmem:s0+$0xB000];
	v8 =	vadd.f32 v15, v8  }
0x17f: {  	v15 =	vld [tilespmem:s0+$0xB010];
	v11 =	vadd.f32 v18, v11  }
0x180: {  	v18 =	vld [tilespmem:s0+$0xB020];
	v12 =	vadd.f32 v16, v12  }
0x181: {  	v16 =	vld [tilespmem:s0+$0xB030];
	v13 =	vadd.f32 v19, v13  }
0x182: {  	v19 =	vld [tilespmem:s0+$0xB040];
	v14 =	vadd.f32 v17, v14  }
0x183: {  	v17 =	vadd.f32 v20, v3;
	v3 =	vld [tilespmem:s0+$0xB050]  }
0x184: {  	v15 =	vadd.f32 v15, v1;
	v1 =	vld [tilespmem:s0+$0xB060]  }
0x185: {  	v18 =	vadd.f32 v18, v4;
	v4 =	vld [tilespmem:s0+$0xB070]  }
0x186: {  	v16 =	vadd.f32 v16, v5;
	v5 =	vld [tilespmem:s0+$0xB080]  }
0x187: {  	v19 =	vadd.f32 v19, v0;
	v0 =	vld [tilespmem:s0+$0xB090]  }
0x188: {  	v20 =	vadd.f32 v3, v2;
	v2 =	vld [tilespmem:s0+$0xB0A0]  }
0x189: {  	v21 =	vadd.f32 v1, v7;
	v1 =	vld [tilespmem:s0+$0xB0B0]  }
0x18a: {  	v22 =	vadd.f32 v4, v6;
	v4 =	vld [tilespmem:s0+$0xB0C0]  }
0x18b: {  	v10 =	vadd.f32 v5, v10;
	v5 =	vld [tilespmem:s0+$0xB0D0]  }
0x18c: {  	v3 =	vadd.f32 v0, v9;
	v6 =	vld [tilespmem:s0+$0xB0E0]  }
0x18d: {  	v7 =	vld [tilespmem:s0+$0xC000];
	v0 =	vadd.f32 v2, v8  }
0x18e: {  	v8 =	vld [tilespmem:s0+$0xC010];
	v1 =	vadd.f32 v1, v11  }
0x18f: {  	v9 =	vld [tilespmem:s0+$0xC020];
	v4 =	vadd.f32 v4, v12  }
0x190: {  	v11 =	vld [tilespmem:s0+$0xC030];
	v5 =	vadd.f32 v5, v13  }
0x191: {  	v12 =	vld [tilespmem:s0+$0xC040];
	v2 =	vadd.f32 v6, v14  }
0x192: {  	v6 =	vadd.f32 v7, v17;
	v13 =	vld [tilespmem:s0+$0xC050]  }
0x193: {  	v7 =	vadd.f32 v8, v15;
	v8 =	vld [tilespmem:s0+$0xC060]  }
0x194: {  	[tilespmem:s0+$0x16000] =	vst v6;
	v6 =	vadd.f32 v9, v18;
	v9 =	vld [tilespmem:s0+$0xC070]  }
0x195: {  	[tilespmem:s0+$0x16010] =	vst v7;
	v11 =	vadd.f32 v11, v16;
	v14 =	vld [tilespmem:s0+$0xC080]  }
.Ltmp2:
0x196: {  	[tilespmem:s0+$0x16020] =	vst v6;
	v12 =	vadd.f32 v12, v19;
	v7 =	vld [tilespmem:s0+$0xC090];
	(pc) =	sbr.rel @p1 .LBB2_3-.Ltmp2, $4  }
0x197: {  	[tilespmem:s0+$0x16030] =	vst v11;
	v11 =	vadd.f32 v13, v20;
	v6 =	vld [tilespmem:s0+$0xC0A0]  }
0x198: {  	[tilespmem:s0+$0x16040] =	vst v12;
	v13 =	vadd.f32 v8, v21;
	v8 =	vld [tilespmem:s0+$0xC0B0]  }
0x199: {  	[tilespmem:s0+$0x16050] =	vst v11;
	v12 =	vadd.f32 v9, v22;
	v9 =	vld [tilespmem:s0+$0xC0C0]  }
0x19a: {  	s11 =	sadd.s32 $0x400, s11;
	[tilespmem:s0+$0x16060] =	vst v13;
	v11 =	vadd.f32 v14, v10;
	v10 =	vld [tilespmem:s0+$0xC0D0]  }
0x19b: {  	[tilespmem:s0+$0x16070] =	vst v12;
	v3 =	vadd.f32 v7, v3;
	v7 =	vld [tilespmem:s0+$0xC0E0]  }
0x19c: {  	[tilespmem:s0+$0x16080] =	vst v11;
	v0 =	vadd.f32 v6, v0  }
0x19d: {  	[tilespmem:s0+$0x16090] =	vst v3;
	v1 =	vadd.f32 v8, v1  }
0x19e: {  	[tilespmem:s0+$0x160A0] =	vst v0;
	v0 =	vadd.f32 v9, v4  }
0x19f: {  	[tilespmem:s0+$0x160B0] =	vst v1;
	v1 =	vadd.f32 v10, v5  }
0x1a0: {  	[tilespmem:s0+$0x160C0] =	vst v0;
	v0 =	vadd.f32 v7, v2  }
0x1a1: {  	s9 =	sshll.u32 s28, $0xA;
	p1 =	seq.s32 s28, $0xF;
	[tilespmem:s0+$0x160D0] =	vst v1  }
0x1a2: {  	s17 =	sadd.s32 s9, s5;
	[tilespmem:s0+$0x160E0] =	vst v0;
	s0 =	sadd.s32 @!p1 $0x2, s30  }
0x1a3: {  	[hbm4b:s17+s2] =	stream.linear.scatter [tilespmem:s20], [sflag:$0x3], $0x1000, $0x38;
	[tilespmem:$0x18000] =	vst v63  }
0x1a4: {  	s11 =	sshll.u32 @!p1 s0, $0x5;
	s0 =	sshll.u32 @!p1 s0, $0x8  }
0x1a5: {  	s11 =	sand.u32 @!p1 $0x40, s11;
	s13 =	sand.u32 @!p1 $0x3C00, s0  }
0x1a6: {  	s15 =	simm.s32 @!p1 $0x20;
	s17 =	simm.s32 @!p1 $0x4000;
	s13 =	sor.u32 @!p1 s11, s13  }
0x1a7: {  	[tilespmem:s17], [sflag:$0x1] =	stream.indirect.gather @!p1 [hbm4b:s3+s15], $0x80, s13, s15, $0xb8;
	[tilespmem:$0x18000] =	vst v63  }
0x1a8: {  	s4 =	simm.s32 @!p1 $0x5000;
	s17 =	sor.u32 @!p1 $0x80, s13  }
0x1a9: {  	[tilespmem:s4], [sflag:$0x1] =	stream.indirect.gather @!p1 [hbm4b:s3+s15], $0x80, s17, s15, $0xb8;
	[tilespmem:$0x18000] =	vst v63  }
0x1aa: {  	s4 =	sor.u32 @!p1 $0x100, s13;
	s17 =	simm.s32 @!p1 $0x6000  }
0x1ab: {  	[tilespmem:s17], [sflag:$0x1] =	stream.indirect.gather @!p1 [hbm4b:s3+s15], $0x80, s4, s15, $0xb8;
	[tilespmem:$0x18000] =	vst v63  }
0x1ac: {  	s0 =	sor.u32 @!p1 s0, s11;
	s4 =	sor.u32 @!p1 $0x180, s13;
	s17 =	simm.s32 @!p1 $0x7000  }
0x1ad: {  	[tilespmem:s17], [sflag:$0x1] =	stream.indirect.gather @!p1 [hbm4b:s3+s15], $0x80, s4, s15, $0xb8;
	[tilespmem:$0x18000] =	vst v63  }
0x1ae: {  	s11 =	simm.s32 @!p1 $0x8000;
	s4 =	sor.u32 @!p1 $0x200, s0  }
0x1af: {  	[tilespmem:s11], [sflag:$0x1] =	stream.indirect.gather @!p1 [hbm4b:s3+s15], $0x80, s4, s15, $0xb8;
	[tilespmem:$0x18000] =	vst v63  }
0x1b0: {  	s4 =	sor.u32 @!p1 $0x280, s0;
	s11 =	simm.s32 @!p1 $0x9000  }
0x1b1: {  	[tilespmem:s11], [sflag:$0x1] =	stream.indirect.gather @!p1 [hbm4b:s3+s15], $0x80, s4, s15, $0xb8;
	[tilespmem:$0x18000] =	vst v63  }
0x1b2: {  	s4 =	sor.u32 @!p1 $0x300, s0;
	s11 =	simm.s32 @!p1 $0xA000  }
0x1b3: {  	[tilespmem:s11], [sflag:$0x1] =	stream.indirect.gather @!p1 [hbm4b:s3+s15], $0x80, s4, s15, $0xb8;
	[tilespmem:$0x18000] =	vst v63  }
0x1b4: {  	s0 =	sor.u32 @!p1 $0x380, s0;
	s4 =	simm.s32 @!p1 $0xB000  }
0x1b5: {  	[tilespmem:s4], [sflag:$0x1] =	stream.indirect.gather @!p1 [hbm4b:s3+s15], $0x80, s0, s15, $0xb8;
	[tilespmem:$0x18000] =	vst v63  }
0x1b6: {  	s0 =	sadd.s32 @!p1 $0x2000, s13;
	s4 =	simm.s32 @!p1 $0xC000  }
0x1b7: {  	[tilespmem:s4], [sflag:$0x1] =	stream.indirect.gather @!p1 [hbm4b:s3+s15], $0x80, s0, s15, $0xb8;
	[tilespmem:$0x18000] =	vst v63  }
0x1b8: {  	_ =	swait.ge [sflag:s21], $0x1000  }
0x1b9: {  	[sflag:s21] =	ssyncset.done $0x0  }
0x1ba: {  	[sflag:s21] =	ssyncadd.s32 $0xFFFFF000  }
0x1bb: {  	_ =	swait.ge [sflag:s21], $0x1000  }
0x1bc: {  	[sflag:s21] =	ssyncset.done $0x0  }
0x1bd: {  	[sflag:s21] =	ssyncadd.s32 $0xFFFFF000  }
0x1be: {  	_ =	swait.ge [sflag:s21], $0x1000  }
0x1bf: {  	[sflag:s21] =	ssyncset.done $0x0  }
0x1c0: {  	[sflag:s21] =	ssyncadd.s32 $0xFFFFF000  }
0x1c1: {  	_ =	swait.ge [sflag:s21], $0x1000  }
0x1c2: {  	[sflag:s21] =	ssyncset.done $0x0  }
0x1c3: {  	[sflag:s21] =	ssyncadd.s32 $0xFFFFF000  }
0x1c4: {  	_ =	swait.ge [sflag:s21], $0x1000  }
0x1c5: {  	[sflag:s21] =	ssyncset.done $0x0  }
0x1c6: {  	[sflag:s21] =	ssyncadd.s32 $0xFFFFF000  }
0x1c7: {  	_ =	swait.ge [sflag:s21], $0x1000  }
0x1c8: {  	[sflag:s21] =	ssyncset.done $0x0  }
0x1c9: {  	[sflag:s21] =	ssyncadd.s32 $0xFFFFF000  }
0x1ca: {  	_ =	swait.ge [sflag:s21], $0x1000  }
0x1cb: {  	[sflag:s21] =	ssyncset.done $0x0  }
0x1cc: {  	[sflag:s21] =	ssyncadd.s32 $0xFFFFF000  }
0x1cd: {  	_ =	swait.ge [sflag:s21], $0x1000  }
0x1ce: {  	[sflag:s21] =	ssyncset.done $0x0  }
0x1cf: {  	[sflag:s21] =	ssyncadd.s32 $0xFFFFF000  }
0x1d0: {  	_ =	swait.ge [sflag:s21], $0x1000  }
0x1d1: {  	[sflag:s21] =	ssyncset.done $0x0  }
0x1d2: {  	s0 =	simm.s32 @!p0 $0x4;
	[sflag:s21] =	ssyncadd.s32 $0xFFFFF000  }
0x1d3: {  	_ =	swait.ge @!p0 [sflag:s0], $0x1000  }
0x1d4: {  	[sflag:s0] =	ssyncset.done @!p0 $0x0  }
0x1d5: {  	[sflag:s0] =	ssyncadd.s32 @!p0 $0xFFFFF000;
	s0 =	simm.s32 $0x0  }
0x1d6: {  	v2 =	vld [tilespmem:s0+$0xD000];
	_ =	sdelay $0x3  }
0x1d7: {  	v0 =	vld [tilespmem:s0+$0xD0F0]  }
0x1d8: {  	v1 =	vld [tilespmem:s0+$0xE0F0];
	[tilespmem:$0x1FE00] =	vst v2  }
0x1d9: {  	v2 =	vld [tilespmem:s0+$0xE000];
	_ =	sdelay $0x4  }
0x1da: {  	v3 =	vld [tilespmem:s0+$0xF0F0];
	[tilespmem:$0x1FE10] =	vst v2  }
0x1db: {  	v0 =	vadd.f32 v1, v0;
	v1 =	vld [tilespmem:s0+$0xE010];
	_ =	sdelay $0x2  }
0x1dc: {  	v5 =	vld [tilespmem:s0+$0x100F0]  }
0x1dd: {  	v6 =	vld [tilespmem:s0+$0xD010]  }
0x1de: {  	v7 =	vld [tilespmem:s0+$0x110F0];
	[tilespmem:$0x1FE20] =	vst v1  }
0x1df: {  	v8 =	vld [tilespmem:s0+$0x120F0]  }
0x1e0: {  	v0 =	vadd.f32 v3, v0;
	v3 =	vld [tilespmem:s0+$0xD020]  }
0x1e1: {  	v9 =	vld [tilespmem:s0+$0x130F0]  }
0x1e2: {  	v0 =	vadd.f32 v5, v0;
	v5 =	vld [tilespmem:s0+$0xE020]  }
0x1e3: {  	v10 =	vld [tilespmem:s0+$0x140F0]  }
0x1e4: {  	v11 =	vld [tilespmem:s0+$0x150F0]  }
0x1e5: {  	v12 =	vld [tilespmem:s0+$0xD040]  }
0x1e6: {  	v13 =	vld [tilespmem:s0+$0xD050]  }
0x1e7: {  	v14 =	vld [tilespmem:s0+$0xD060]  }
0x1e8: {  	v15 =	vld [tilespmem:s0+$0xD070]  }
0x1e9: {  	v2 =	vld [tilespmem:s0+$0xE070]  }
0x1ea: {  	v16 =	vld [tilespmem:s0+$0xD080]  }
0x1eb: {  	v17 =	vld [tilespmem:s0+$0xE080]  }
0x1ec: {  	v18 =	vld [tilespmem:s0+$0xD090]  }
0x1ed: {  	v19 =	vld [tilespmem:s0+$0xE090]  }
0x1ee: {  	v20 =	vld [tilespmem:s0+$0xD0A0]  }
0x1ef: {  	v21 =	vld [tilespmem:s0+$0xE0A0]  }
0x1f0: {  	v22 =	vld [tilespmem:s0+$0xD0B0]  }
0x1f1: {  	v23 =	vld [tilespmem:s0+$0xE0B0]  }
0x1f2: {  	v24 =	vld [tilespmem:s0+$0xD0C0]  }
0x1f3: {  	v25 =	vld [tilespmem:s0+$0xE0C0]  }
0x1f4: {  	v26 =	vld [tilespmem:s0+$0xD0D0]  }
0x1f5: {  	v27 =	vld [tilespmem:s0+$0xE0D0]  }
0x1f6: {  	v28 =	vld [tilespmem:s0+$0xD0E0]  }
0x1f7: {  	v29 =	vld [tilespmem:s0+$0xE0E0]  }
0x1f8: {  	v30 =	vld [tilespmem:s0+$0xF000]  }
0x1f9: {  	v31 =	vld [tilespmem:s0+$0xF010]  }
0x1fa: {  	v32 =	vld [tilespmem:s0+$0xF020]  }
0x1fb: {  	v33 =	vld [tilespmem:s0+$0xF030]  }
0x1fc: {  	v34 =	vld [tilespmem:s0+$0xF040]  }
0x1fd: {  	v35 =	vld [tilespmem:s0+$0xF050]  }
0x1fe: {  	v36 =	vld [tilespmem:s0+$0xF060]  }
0x1ff: {  	v37 =	vld [tilespmem:s0+$0xF070]  }
0x200: {  	v38 =	vld [tilespmem:s0+$0xF080]  }
0x201: {  	v39 =	vld [tilespmem:s0+$0xF090]  }
0x202: {  	v40 =	vld [tilespmem:s0+$0xF0A0]  }
0x203: {  	v41 =	vld [tilespmem:s0+$0xF0B0]  }
0x204: {  	v42 =	vld [tilespmem:s0+$0xF0C0]  }
0x205: {  	v43 =	vld [tilespmem:s0+$0xF0D0]  }
0x206: {  	v44 =	vld [tilespmem:s0+$0xF0E0]  }
0x207: {  	v45 =	vld [tilespmem:s0+$0x10000]  }
0x208: {  	v46 =	vld [tilespmem:s0+$0x10010]  }
0x209: {  	v47 =	vld [tilespmem:s0+$0x10020]  }
0x20a: {  	v48 =	vld [tilespmem:s0+$0x10030]  }
0x20b: {  	v49 =	vld [tilespmem:s0+$0x10040]  }
0x20c: {  	v50 =	vld [tilespmem:s0+$0x10050]  }
0x20d: {  	v51 =	vld [tilespmem:s0+$0x10060]  }
0x20e: {  	v52 =	vld [tilespmem:s0+$0x10070]  }
0x20f: {  	v53 =	vld [tilespmem:s0+$0x10080]  }
0x210: {  	v54 =	vld [tilespmem:s0+$0x10090]  }
0x211: {  	v55 =	vld [tilespmem:s0+$0x100A0];
	v0 =	vadd.f32 v7, v0  }
0x212: {  	v56 =	vld [tilespmem:s0+$0x100B0]  }
0x213: {  	v57 =	vld [tilespmem:s0+$0x100C0];
	v0 =	vadd.f32 v8, v0  }
0x214: {  	v58 =	vld [tilespmem:s0+$0x100D0]  }
0x215: {  	v59 =	vld [tilespmem:s0+$0x100E0];
	v0 =	vadd.f32 v9, v0  }
0x216: {  	v60 =	vld [tilespmem:s0+$0x11000]  }
0x217: {  	v61 =	vld [tilespmem:s0+$0x11010];
	v0 =	vadd.f32 v10, v0  }
0x218: {  	v62 =	vld [tilespmem:s0+$0x11020]  }
0x219: {  	v63 =	vld [tilespmem:s0+$0x11030];
	v0 =	vadd.f32 v11, v0  }
0x21a: {  	v4 =	vld [tilespmem:s0+$0x11040]  }
0x21b: {  	[tilespmem:s0+$0x170F0] =	vst v0;
	v0 =	vld [tilespmem:s0+$0x11050]  }
0x21c: {  	v7 =	vld [tilespmem:s0+$0xD030]  }
0x21d: {  	v8 =	vld [tilespmem:s0+$0xE030]  }
0x21e: {  	v9 =	vld [tilespmem:s0+$0xE040]  }
0x21f: {  	v10 =	vld [tilespmem:s0+$0xE050]  }
0x220: {  	v11 =	vld [tilespmem:s0+$0xE060];
	[tilespmem:$0x1FE30] =	vst v0  }
0x221: {  	v0 =	vld [tilespmem:s0+$0x11060];
	_ =	sdelay $0x4  }
0x222: {  	[tilespmem:$0x1FE40] =	vst v0  }
0x223: {  	v0 =	vld [tilespmem:s0+$0x11070];
	_ =	sdelay $0x4  }
0x224: {  	[tilespmem:$0x1FE50] =	vst v0  }
0x225: {  	v0 =	vld [tilespmem:s0+$0x11080];
	_ =	sdelay $0x4  }
0x226: {  	[tilespmem:$0x1FE60] =	vst v0  }
0x227: {  	v0 =	vld [tilespmem:s0+$0x11090];
	_ =	sdelay $0x4  }
0x228: {  	[tilespmem:$0x1FE70] =	vst v0  }
0x229: {  	v0 =	vld [tilespmem:s0+$0x110A0];
	_ =	sdelay $0x4  }
0x22a: {  	[tilespmem:$0x1FE80] =	vst v0  }
0x22b: {  	v0 =	vld [tilespmem:s0+$0x110B0];
	_ =	sdelay $0x4  }
0x22c: {  	[tilespmem:$0x1FE90] =	vst v0  }
0x22d: {  	v0 =	vld [tilespmem:s0+$0x110C0];
	_ =	sdelay $0x4  }
0x22e: {  	[tilespmem:$0x1FEA0] =	vst v0  }
0x22f: {  	v0 =	vld [tilespmem:s0+$0x110D0];
	_ =	sdelay $0x4  }
0x230: {  	[tilespmem:$0x1FEB0] =	vst v0  }
0x231: {  	v0 =	vld [tilespmem:s0+$0x110E0];
	_ =	sdelay $0x4  }
0x232: {  	[tilespmem:$0x1FEC0] =	vst v0  }
0x233: {  	v0 =	vld [tilespmem:s0+$0x12000];
	_ =	sdelay $0x4  }
0x234: {  	[tilespmem:$0x1FED0] =	vst v0  }
0x235: {  	v3 =	vadd.f32 v5, v3;
	v0 =	vld [tilespmem:s0+$0x12010];
	_ =	sdelay $0x1  }
0x236: {  	v3 =	vadd.f32 v32, v3  }
0x237: {  	v5 =	vadd.f32 v8, v7;
	v8 =	vadd.f32 v9, v12  }
0x238: {  	v1 =	vld [tilespmem:$0x1FE10];
	v9 =	vadd.f32 v10, v13;
	v13 =	vadd.f32 v17, v16  }
0x239: {  	v16 =	vadd.f32 v21, v20;
	v17 =	vadd.f32 v23, v22;
	[tilespmem:$0x1FEE0] =	vst v0;
	v0 =	vld [tilespmem:$0x1FE00]  }
0x23a: {  	v20 =	vadd.f32 v27, v26;
	v11 =	vadd.f32 v11, v14  }
0x23b: {  	v14 =	vadd.f32 v19, v18;
	v13 =	vadd.f32 v38, v13  }
0x23c: {  	v22 =	vadd.f32 v29, v28;
	v19 =	vadd.f32 v25, v24  }
0x23d: {  	v14 =	vadd.f32 v39, v14;
	v13 =	vadd.f32 v53, v13;
	v53 =	vld [tilespmem:$0x1FE50]  }
0x23e: {  	v16 =	vadd.f32 v40, v16;
	v0 =	vadd.f32 v1, v0;
	v1 =	vld [tilespmem:$0x1FE20]  }
0x23f: {  	v17 =	vadd.f32 v41, v17;
	v14 =	vadd.f32 v54, v14;
	v54 =	vld [tilespmem:$0x1FE60]  }
0x240: {  	v19 =	vadd.f32 v42, v19;
	v16 =	vadd.f32 v55, v16;
	v55 =	vld [tilespmem:$0x1FE70]  }
0x241: {  	v20 =	vadd.f32 v43, v20;
	v17 =	vadd.f32 v56, v17;
	v56 =	vld [tilespmem:$0x1FE80]  }
0x242: {  	v22 =	vadd.f32 v44, v22;
	v19 =	vadd.f32 v57, v19;
	v57 =	vld [tilespmem:$0x1FE90]  }
0x243: {  	v0 =	vadd.f32 v30, v0;
	v1 =	vadd.f32 v1, v6;
	v6 =	vld [tilespmem:s0+$0x12020]  }
0x244: {  	v3 =	vadd.f32 v47, v3;
	v20 =	vadd.f32 v58, v20;
	v58 =	vld [tilespmem:$0x1FEA0]  }
0x245: {  	v22 =	vadd.f32 v59, v22;
	v59 =	vld [tilespmem:$0x1FEB0];
	v0 =	vadd.f32 v45, v0  }
0x246: {  	v3 =	vadd.f32 v62, v3;
	v62 =	vld [tilespmem:$0x1FEE0]  }
0x247: {  	v0 =	vadd.f32 v60, v0;
	v60 =	vld [tilespmem:$0x1FEC0]  }
0x248: {  	[tilespmem:$0x1FEF0] =	vst v6;
	v6 =	vld [tilespmem:$0x1FE30]  }
0x249: {  	v7 =	vld [tilespmem:s0+$0x12030]  }
0x24a: {  	v10 =	vld [tilespmem:s0+$0x12040]  }
0x24b: {  	v12 =	vld [tilespmem:s0+$0x12050]  }
0x24c: {  	v2 =	vadd.f32 v2, v15;
	v15 =	vld [tilespmem:s0+$0x12060]  }
0x24d: {  	v18 =	vld [tilespmem:s0+$0x12070]  }
0x24e: {  	v21 =	vld [tilespmem:s0+$0x12080]  }
0x24f: {  	v23 =	vld [tilespmem:s0+$0x12090]  }
0x250: {  	v24 =	vld [tilespmem:s0+$0x120A0]  }
0x251: {  	v25 =	vld [tilespmem:s0+$0x120B0]  }
0x252: {  	v26 =	vld [tilespmem:s0+$0x120C0]  }
0x253: {  	v27 =	vld [tilespmem:s0+$0x120D0]  }
0x254: {  	v28 =	vld [tilespmem:s0+$0x120E0]  }
0x255: {  	v29 =	vld [tilespmem:s0+$0x13000]  }
0x256: {  	v30 =	vld [tilespmem:s0+$0x13010]  }
0x257: {  	v1 =	vadd.f32 v31, v1;
	v31 =	vld [tilespmem:s0+$0x13020]  }
0x258: {  	v32 =	vld [tilespmem:s0+$0x13030]  }
0x259: {  	v5 =	vadd.f32 v33, v5;
	v33 =	vld [tilespmem:s0+$0x13040]  }
0x25a: {  	v8 =	vadd.f32 v34, v8;
	v34 =	vld [tilespmem:s0+$0x13050]  }
0x25b: {  	v9 =	vadd.f32 v35, v9;
	v35 =	vld [tilespmem:s0+$0x13060]  }
0x25c: {  	v11 =	vadd.f32 v36, v11;
	v36 =	vld [tilespmem:s0+$0x13070]  }
0x25d: {  	v2 =	vadd.f32 v37, v2;
	v37 =	vld [tilespmem:s0+$0x13080]  }
0x25e: {  	v8 =	vadd.f32 v49, v8;
	v38 =	vld [tilespmem:s0+$0x13090]  }
0x25f: {  	v39 =	vld [tilespmem:s0+$0x130A0]  }
0x260: {  	v5 =	vadd.f32 v48, v5;
	v4 =	vadd.f32 v4, v8;
	v8 =	vld [tilespmem:s0+$0x130B0]  }
0x261: {  	v2 =	vadd.f32 v52, v2;
	v1 =	vadd.f32 v46, v1;
	v40 =	vld [tilespmem:s0+$0x130D0]  }
0x262: {  	v5 =	vadd.f32 v63, v5;
	v9 =	vadd.f32 v50, v9;
	v41 =	vld [tilespmem:s0+$0x130E0]  }
0x263: {  	v11 =	vadd.f32 v51, v11;
	v1 =	vadd.f32 v61, v1;
	v61 =	vld [tilespmem:$0x1FED0]  }
0x264: {  	v2 =	vadd.f32 v53, v2;
	v13 =	vadd.f32 v54, v13;
	v48 =	vld [tilespmem:$0x1FEF0]  }
0x265: {  	v14 =	vadd.f32 v55, v14;
	v16 =	vadd.f32 v56, v16;
	v42 =	vld [tilespmem:s0+$0x14000]  }
0x266: {  	v17 =	vadd.f32 v57, v17;
	v19 =	vadd.f32 v58, v19;
	v43 =	vld [tilespmem:s0+$0x14010]  }
0x267: {  	v20 =	vadd.f32 v59, v20;
	v22 =	vadd.f32 v60, v22;
	v63 =	vld [tilespmem:s0+$0x14020]  }
0x268: {  	v49 =	vld [tilespmem:s0+$0x14070];
	v1 =	vadd.f32 v62, v1;
	v9 =	vadd.f32 v6, v9  }
0x269: {  	v50 =	vld [tilespmem:s0+$0x14080];
	v0 =	vadd.f32 v61, v0;
	v3 =	vadd.f32 v48, v3  }
0x26a: {  	v51 =	vld [tilespmem:s0+$0x14090];
	v5 =	vadd.f32 v7, v5;
	v4 =	vadd.f32 v10, v4  }
0x26b: {  	v52 =	vld [tilespmem:s0+$0x140A0];
	v2 =	vadd.f32 v18, v2;
	v13 =	vadd.f32 v21, v13  }
0x26c: {  	v53 =	vld [tilespmem:s0+$0x140B0];
	v14 =	vadd.f32 v23, v14;
	v16 =	vadd.f32 v24, v16  }
0x26d: {  	v54 =	vld [tilespmem:s0+$0x140C0];
	v17 =	vadd.f32 v25, v17;
	v19 =	vadd.f32 v26, v19  }
0x26e: {  	v55 =	vld [tilespmem:s0+$0x140D0];
	v20 =	vadd.f32 v27, v20;
	v22 =	vadd.f32 v28, v22  }
0x26f: {  	v56 =	vld [tilespmem:s0+$0x15000];
	v1 =	vadd.f32 v30, v1;
	v9 =	vadd.f32 v12, v9  }
0x270: {  	v6 =	vld [tilespmem:$0x1FE40];
	v0 =	vadd.f32 v29, v0;
	v3 =	vadd.f32 v31, v3  }
0x271: {  	v57 =	vld [tilespmem:s0+$0x15010];
	v5 =	vadd.f32 v32, v5;
	v4 =	vadd.f32 v33, v4  }
0x272: {  	v60 =	vld [tilespmem:s0+$0x15020];
	v2 =	vadd.f32 v36, v2;
	v13 =	vadd.f32 v37, v13  }
0x273: {  	v62 =	vld [tilespmem:s0+$0x15070];
	v14 =	vadd.f32 v38, v14;
	v16 =	vadd.f32 v39, v16  }
0x274: {  	v7 =	vld [tilespmem:s0+$0x14030];
	v8 =	vadd.f32 v8, v17;
	v58 =	vadd.f32 v40, v20  }
0x275: {  	v10 =	vld [tilespmem:s0+$0x14040];
	v59 =	vadd.f32 v41, v22;
	v6 =	vadd.f32 v6, v11  }
0x276: {  	v12 =	vld [tilespmem:s0+$0x14050];
	v1 =	vadd.f32 v43, v1;
	v9 =	vadd.f32 v34, v9  }
0x277: {  	v0 =	vadd.f32 v42, v0;
	v6 =	vadd.f32 v15, v6;
	v15 =	vld [tilespmem:s0+$0x14060]  }
0x278: {  	v61 =	vld [tilespmem:s0+$0x15030];
	v3 =	vadd.f32 v63, v3;
	v18 =	vadd.f32 v49, v2  }
0x279: {  	v11 =	vld [tilespmem:s0+$0x130C0];
	v1 =	vadd.f32 v57, v1;
	v13 =	vadd.f32 v50, v13  }
0x27a: {  	v5 =	vadd.f32 v7, v5;
	v7 =	vld [tilespmem:s0+$0x15040];
	v6 =	vadd.f32 v35, v6  }
0x27b: {  	v4 =	vadd.f32 v10, v4;
	v10 =	vld [tilespmem:s0+$0x15050];
	v0 =	vadd.f32 v56, v0  }
0x27c: {  	v9 =	vadd.f32 v12, v9;
	v12 =	vadd.f32 v15, v6;
	v15 =	vld [tilespmem:s0+$0x15060]  }
0x27d: {  	v2 =	vld [tilespmem:s0+$0x140E0];
	[tilespmem:s0+$0x17010] =	vst v1;
	v1 =	vadd.f32 v53, v8;
	v5 =	vadd.f32 v61, v5  }
0x27e: {  	[tilespmem:s0+$0x17000] =	vst v0;
	v6 =	vadd.f32 v60, v3;
	v3 =	vadd.f32 v51, v14;
	v14 =	vld [tilespmem:s0+$0x15080]  }
0x27f: {  	v0 =	vadd.f32 v52, v16;
	[tilespmem:s0+$0x17030] =	vst v5;
	v63 =	vadd.f32 v7, v4;
	v7 =	vld [tilespmem:s0+$0x15090]  }
0x280: {  	v11 =	vadd.f32 v11, v19;
	v9 =	vadd.f32 v10, v9;
	[tilespmem:s0+$0x17020] =	vst v6;
	v6 =	vld [tilespmem:s0+$0x150A0]  }
0x281: {  	v8 =	vld [tilespmem:s0+$0x150B0];
	v5 =	vadd.f32 v55, v58;
	[tilespmem:s0+$0x17040] =	vst v63;
	v10 =	vadd.f32 v15, v12  }
0x282: {  	v2 =	vadd.f32 v2, v59;
	[tilespmem:s0+$0x17050] =	vst v9;
	v9 =	vld [tilespmem:s0+$0x150C0];
	v12 =	vadd.f32 v62, v18  }
0x283: {  	s9 =	sor.u32 $0x200, s9;
	s11 =	simm.s32 $0x0;
	s13 =	simm.s32 $0x400;
	v4 =	vadd.f32 v54, v11;
	v11 =	vadd.f32 v14, v13;
	[tilespmem:s0+$0x17060] =	vst v10;
	v10 =	vld [tilespmem:s0+$0x150D0]  }
.LBB2_5:
0x284: {  	s4 =	sshra.s32 s13, $0x2;
	[tilespmem:s0+$0x17070] =	vst v12;
	v3 =	vadd.f32 v7, v3;
	v7 =	vld [tilespmem:s0+$0x150E0]  }
0x285: {  	s11 =	sadd.s32 $0x2, s11;
	v12 =	vld [tilespmem:s4+$0xD0F0];
	[tilespmem:s0+$0x17080] =	vst v11;
	v0 =	vadd.f32 v6, v0  }
0x286: {  	p0 =	slt.u32 s11, $0x1E;
	v6 =	vld [tilespmem:s4+$0xE0F0];
	[tilespmem:s0+$0x17090] =	vst v3;
	v1 =	vadd.f32 v8, v1  }
0x287: {  	v3 =	vld [tilespmem:s4+$0xD000];
	[tilespmem:s0+$0x170A0] =	vst v0;
	v0 =	vadd.f32 v9, v4  }
0x288: {  	v4 =	vld [tilespmem:s4+$0xF0F0];
	[tilespmem:s0+$0x170B0] =	vst v1;
	v1 =	vadd.f32 v10, v5  }
0x289: {  	v5 =	vld [tilespmem:s4+$0xE000];
	[tilespmem:s0+$0x170C0] =	vst v0;
	v0 =	vadd.f32 v7, v2  }
0x28a: {  	v2 =	vld [tilespmem:s4+$0x100F0];
	[tilespmem:s0+$0x170D0] =	vst v1  }
0x28b: {  	v1 =	vld [tilespmem:s4+$0xD010];
	v6 =	vadd.f32 v6, v12;
	[tilespmem:s0+$0x170E0] =	vst v0;
	s0 =	smov.u32 s4  }
0x28c: {  	v0 =	vld [tilespmem:s0+$0x110F0]  }
0x28d: {  	v7 =	vld [tilespmem:s0+$0xE010];
	v4 =	vadd.f32 v4, v6  }
0x28e: {  	v3 =	vadd.f32 v5, v3;
	v5 =	vld [tilespmem:s0+$0x120F0]  }
0x28f: {  	v6 =	vld [tilespmem:s0+$0xD020];
	v2 =	vadd.f32 v2, v4  }
0x290: {  	v4 =	vld [tilespmem:s0+$0x130F0]  }
0x291: {  	v8 =	vld [tilespmem:s0+$0xE020];
	v0 =	vadd.f32 v0, v2  }
0x292: {  	v1 =	vadd.f32 v7, v1;
	v2 =	vld [tilespmem:s0+$0x140F0]  }
0x293: {  	v7 =	vld [tilespmem:s0+$0xD030];
	v0 =	vadd.f32 v5, v0  }
0x294: {  	v5 =	vld [tilespmem:s0+$0x150F0]  }
0x295: {  	v9 =	vld [tilespmem:s0+$0xE030];
	v0 =	vadd.f32 v4, v0  }
0x296: {  	v4 =	vadd.f32 v8, v6;
	v6 =	vld [tilespmem:s0+$0xD040]  }
0x297: {  	v8 =	vld [tilespmem:s0+$0xE040];
	v0 =	vadd.f32 v2, v0  }
0x298: {  	v2 =	vld [tilespmem:s0+$0xD050]  }
0x299: {  	v10 =	vld [tilespmem:s0+$0xE050];
	v0 =	vadd.f32 v5, v0  }
0x29a: {  	v5 =	vadd.f32 v9, v7;
	v7 =	vld [tilespmem:s0+$0xD060]  }
0x29b: {  	v9 =	vld [tilespmem:s0+$0xE060];
	[tilespmem:s0+$0x170F0] =	vst v0  }
0x29c: {  	v0 =	vadd.f32 v8, v6;
	v6 =	vld [tilespmem:s0+$0xD070]  }
0x29d: {  	v8 =	vld [tilespmem:s0+$0xE070]  }
0x29e: {  	v2 =	vadd.f32 v10, v2;
	v10 =	vld [tilespmem:s0+$0xD080]  }
0x29f: {  	v11 =	vld [tilespmem:s0+$0xE080]  }
0x2a0: {  	v7 =	vadd.f32 v9, v7;
	v9 =	vld [tilespmem:s0+$0xD090]  }
0x2a1: {  	v12 =	vld [tilespmem:s0+$0xE090]  }
0x2a2: {  	v6 =	vadd.f32 v8, v6;
	v8 =	vld [tilespmem:s0+$0xD0A0]  }
0x2a3: {  	v13 =	vld [tilespmem:s0+$0xE0A0]  }
0x2a4: {  	v10 =	vadd.f32 v11, v10;
	v11 =	vld [tilespmem:s0+$0xD0B0]  }
0x2a5: {  	v14 =	vld [tilespmem:s0+$0xE0B0]  }
0x2a6: {  	v9 =	vadd.f32 v12, v9;
	v12 =	vld [tilespmem:s0+$0xD0C0]  }
0x2a7: {  	v15 =	vld [tilespmem:s0+$0xE0C0]  }
0x2a8: {  	v8 =	vadd.f32 v13, v8;
	v13 =	vld [tilespmem:s0+$0xD0D0]  }
0x2a9: {  	v16 =	vld [tilespmem:s0+$0xE0D0]  }
0x2aa: {  	v11 =	vadd.f32 v14, v11;
	v14 =	vld [tilespmem:s0+$0xD0E0]  }
0x2ab: {  	v17 =	vld [tilespmem:s0+$0xE0E0]  }
0x2ac: {  	v18 =	vld [tilespmem:s0+$0xF000];
	v12 =	vadd.f32 v15, v12  }
0x2ad: {  	v15 =	vld [tilespmem:s0+$0xF010]  }
0x2ae: {  	v19 =	vld [tilespmem:s0+$0xF020];
	v13 =	vadd.f32 v16, v13  }
0x2af: {  	v16 =	vld [tilespmem:s0+$0xF030]  }
0x2b0: {  	v20 =	vld [tilespmem:s0+$0xF040];
	v14 =	vadd.f32 v17, v14  }
0x2b1: {  	v3 =	vadd.f32 v18, v3;
	v17 =	vld [tilespmem:s0+$0xF050]  }
0x2b2: {  	v1 =	vadd.f32 v15, v1;
	v15 =	vld [tilespmem:s0+$0xF060]  }
0x2b3: {  	v4 =	vadd.f32 v19, v4;
	v18 =	vld [tilespmem:s0+$0xF070]  }
0x2b4: {  	v5 =	vadd.f32 v16, v5;
	v16 =	vld [tilespmem:s0+$0xF080]  }
0x2b5: {  	v0 =	vadd.f32 v20, v0;
	v19 =	vld [tilespmem:s0+$0xF090]  }
0x2b6: {  	v2 =	vadd.f32 v17, v2;
	v17 =	vld [tilespmem:s0+$0xF0A0]  }
0x2b7: {  	v7 =	vadd.f32 v15, v7;
	v15 =	vld [tilespmem:s0+$0xF0B0]  }
0x2b8: {  	v6 =	vadd.f32 v18, v6;
	v18 =	vld [tilespmem:s0+$0xF0C0]  }
0x2b9: {  	v10 =	vadd.f32 v16, v10;
	v16 =	vld [tilespmem:s0+$0xF0D0]  }
0x2ba: {  	v9 =	vadd.f32 v19, v9;
	v19 =	vld [tilespmem:s0+$0xF0E0]  }
0x2bb: {  	v20 =	vld [tilespmem:s0+$0x10000];
	v8 =	vadd.f32 v17, v8  }
0x2bc: {  	v17 =	vld [tilespmem:s0+$0x10010];
	v11 =	vadd.f32 v15, v11  }
0x2bd: {  	v15 =	vld [tilespmem:s0+$0x10020];
	v12 =	vadd.f32 v18, v12  }
0x2be: {  	v18 =	vld [tilespmem:s0+$0x10030];
	v13 =	vadd.f32 v16, v13  }
0x2bf: {  	v16 =	vld [tilespmem:s0+$0x10040];
	v14 =	vadd.f32 v19, v14  }
0x2c0: {  	v3 =	vadd.f32 v20, v3;
	v19 =	vld [tilespmem:s0+$0x10050]  }
0x2c1: {  	v1 =	vadd.f32 v17, v1;
	v17 =	vld [tilespmem:s0+$0x10060]  }
0x2c2: {  	v4 =	vadd.f32 v15, v4;
	v15 =	vld [tilespmem:s0+$0x10070]  }
0x2c3: {  	v5 =	vadd.f32 v18, v5;
	v18 =	vld [tilespmem:s0+$0x10080]  }
0x2c4: {  	v0 =	vadd.f32 v16, v0;
	v16 =	vld [tilespmem:s0+$0x10090]  }
0x2c5: {  	v2 =	vadd.f32 v19, v2;
	v19 =	vld [tilespmem:s0+$0x100A0]  }
0x2c6: {  	v7 =	vadd.f32 v17, v7;
	v17 =	vld [tilespmem:s0+$0x100B0]  }
0x2c7: {  	v6 =	vadd.f32 v15, v6;
	v15 =	vld [tilespmem:s0+$0x100C0]  }
0x2c8: {  	v10 =	vadd.f32 v18, v10;
	v18 =	vld [tilespmem:s0+$0x100D0]  }
0x2c9: {  	v9 =	vadd.f32 v16, v9;
	v16 =	vld [tilespmem:s0+$0x100E0]  }
0x2ca: {  	v20 =	vld [tilespmem:s0+$0x11000];
	v8 =	vadd.f32 v19, v8  }
0x2cb: {  	v19 =	vld [tilespmem:s0+$0x11010];
	v11 =	vadd.f32 v17, v11  }
0x2cc: {  	v17 =	vld [tilespmem:s0+$0x11020];
	v12 =	vadd.f32 v15, v12  }
0x2cd: {  	v15 =	vld [tilespmem:s0+$0x11030];
	v13 =	vadd.f32 v18, v13  }
0x2ce: {  	v18 =	vld [tilespmem:s0+$0x11040];
	v14 =	vadd.f32 v16, v14  }
0x2cf: {  	v3 =	vadd.f32 v20, v3;
	v16 =	vld [tilespmem:s0+$0x11050]  }
0x2d0: {  	v1 =	vadd.f32 v19, v1;
	v19 =	vld [tilespmem:s0+$0x11060]  }
0x2d1: {  	v4 =	vadd.f32 v17, v4;
	v17 =	vld [tilespmem:s0+$0x11070]  }
0x2d2: {  	v5 =	vadd.f32 v15, v5;
	v15 =	vld [tilespmem:s0+$0x11080]  }
0x2d3: {  	v0 =	vadd.f32 v18, v0;
	v18 =	vld [tilespmem:s0+$0x11090]  }
0x2d4: {  	v2 =	vadd.f32 v16, v2;
	v16 =	vld [tilespmem:s0+$0x110A0]  }
0x2d5: {  	v7 =	vadd.f32 v19, v7;
	v19 =	vld [tilespmem:s0+$0x110B0]  }
0x2d6: {  	v6 =	vadd.f32 v17, v6;
	v17 =	vld [tilespmem:s0+$0x110C0]  }
0x2d7: {  	v10 =	vadd.f32 v15, v10;
	v15 =	vld [tilespmem:s0+$0x110D0]  }
0x2d8: {  	v9 =	vadd.f32 v18, v9;
	v18 =	vld [tilespmem:s0+$0x110E0]  }
0x2d9: {  	v20 =	vld [tilespmem:s0+$0x12000];
	v8 =	vadd.f32 v16, v8  }
0x2da: {  	v16 =	vld [tilespmem:s0+$0x12010];
	v11 =	vadd.f32 v19, v11  }
0x2db: {  	v19 =	vld [tilespmem:s0+$0x12020];
	v12 =	vadd.f32 v17, v12  }
0x2dc: {  	v17 =	vld [tilespmem:s0+$0x12030];
	v13 =	vadd.f32 v15, v13  }
0x2dd: {  	v15 =	vld [tilespmem:s0+$0x12040];
	v14 =	vadd.f32 v18, v14  }
0x2de: {  	v3 =	vadd.f32 v20, v3;
	v18 =	vld [tilespmem:s0+$0x12050]  }
0x2df: {  	v1 =	vadd.f32 v16, v1;
	v16 =	vld [tilespmem:s0+$0x12060]  }
0x2e0: {  	v4 =	vadd.f32 v19, v4;
	v19 =	vld [tilespmem:s0+$0x12070]  }
0x2e1: {  	v5 =	vadd.f32 v17, v5;
	v17 =	vld [tilespmem:s0+$0x12080]  }
0x2e2: {  	v0 =	vadd.f32 v15, v0;
	v15 =	vld [tilespmem:s0+$0x12090]  }
0x2e3: {  	v2 =	vadd.f32 v18, v2;
	v18 =	vld [tilespmem:s0+$0x120A0]  }
0x2e4: {  	v7 =	vadd.f32 v16, v7;
	v16 =	vld [tilespmem:s0+$0x120B0]  }
0x2e5: {  	v6 =	vadd.f32 v19, v6;
	v19 =	vld [tilespmem:s0+$0x120C0]  }
0x2e6: {  	v10 =	vadd.f32 v17, v10;
	v17 =	vld [tilespmem:s0+$0x120D0]  }
0x2e7: {  	v9 =	vadd.f32 v15, v9;
	v15 =	vld [tilespmem:s0+$0x120E0]  }
0x2e8: {  	v20 =	vld [tilespmem:s0+$0x13000];
	v8 =	vadd.f32 v18, v8  }
0x2e9: {  	v18 =	vld [tilespmem:s0+$0x13010];
	v11 =	vadd.f32 v16, v11  }
0x2ea: {  	v16 =	vld [tilespmem:s0+$0x13020];
	v12 =	vadd.f32 v19, v12  }
0x2eb: {  	v19 =	vld [tilespmem:s0+$0x13030];
	v13 =	vadd.f32 v17, v13  }
0x2ec: {  	v17 =	vld [tilespmem:s0+$0x13040];
	v14 =	vadd.f32 v15, v14  }
0x2ed: {  	v3 =	vadd.f32 v20, v3;
	v15 =	vld [tilespmem:s0+$0x13050]  }
0x2ee: {  	v1 =	vadd.f32 v18, v1;
	v18 =	vld [tilespmem:s0+$0x13060]  }
0x2ef: {  	v4 =	vadd.f32 v16, v4;
	v16 =	vld [tilespmem:s0+$0x13070]  }
0x2f0: {  	v5 =	vadd.f32 v19, v5;
	v19 =	vld [tilespmem:s0+$0x13080]  }
0x2f1: {  	v0 =	vadd.f32 v17, v0;
	v17 =	vld [tilespmem:s0+$0x13090]  }
0x2f2: {  	v2 =	vadd.f32 v15, v2;
	v15 =	vld [tilespmem:s0+$0x130A0]  }
0x2f3: {  	v7 =	vadd.f32 v18, v7;
	v18 =	vld [tilespmem:s0+$0x130B0]  }
0x2f4: {  	v6 =	vadd.f32 v16, v6;
	v16 =	vld [tilespmem:s0+$0x130C0]  }
0x2f5: {  	v10 =	vadd.f32 v19, v10;
	v19 =	vld [tilespmem:s0+$0x130D0]  }
0x2f6: {  	v9 =	vadd.f32 v17, v9;
	v17 =	vld [tilespmem:s0+$0x130E0]  }
0x2f7: {  	v20 =	vld [tilespmem:s0+$0x14000];
	v8 =	vadd.f32 v15, v8  }
0x2f8: {  	v15 =	vld [tilespmem:s0+$0x14010];
	v11 =	vadd.f32 v18, v11  }
0x2f9: {  	v18 =	vld [tilespmem:s0+$0x14020];
	v12 =	vadd.f32 v16, v12  }
0x2fa: {  	v16 =	vld [tilespmem:s0+$0x14030];
	v13 =	vadd.f32 v19, v13  }
0x2fb: {  	v19 =	vld [tilespmem:s0+$0x14040];
	v14 =	vadd.f32 v17, v14  }
0x2fc: {  	v17 =	vadd.f32 v20, v3;
	v3 =	vld [tilespmem:s0+$0x14050]  }
0x2fd: {  	v15 =	vadd.f32 v15, v1;
	v1 =	vld [tilespmem:s0+$0x14060]  }
0x2fe: {  	v18 =	vadd.f32 v18, v4;
	v4 =	vld [tilespmem:s0+$0x14070]  }
0x2ff: {  	v16 =	vadd.f32 v16, v5;
	v5 =	vld [tilespmem:s0+$0x14080]  }
0x300: {  	v19 =	vadd.f32 v19, v0;
	v0 =	vld [tilespmem:s0+$0x14090]  }
0x301: {  	v20 =	vadd.f32 v3, v2;
	v2 =	vld [tilespmem:s0+$0x140A0]  }
0x302: {  	v21 =	vadd.f32 v1, v7;
	v1 =	vld [tilespmem:s0+$0x140B0]  }
0x303: {  	v22 =	vadd.f32 v4, v6;
	v4 =	vld [tilespmem:s0+$0x140C0]  }
0x304: {  	v10 =	vadd.f32 v5, v10;
	v5 =	vld [tilespmem:s0+$0x140D0]  }
0x305: {  	v3 =	vadd.f32 v0, v9;
	v6 =	vld [tilespmem:s0+$0x140E0]  }
0x306: {  	v7 =	vld [tilespmem:s0+$0x15000];
	v0 =	vadd.f32 v2, v8  }
0x307: {  	v8 =	vld [tilespmem:s0+$0x15010];
	v1 =	vadd.f32 v1, v11  }
0x308: {  	v9 =	vld [tilespmem:s0+$0x15020];
	v4 =	vadd.f32 v4, v12  }
0x309: {  	v11 =	vld [tilespmem:s0+$0x15030];
	v5 =	vadd.f32 v5, v13  }
0x30a: {  	v12 =	vld [tilespmem:s0+$0x15040];
	v2 =	vadd.f32 v6, v14  }
0x30b: {  	v6 =	vadd.f32 v7, v17;
	v13 =	vld [tilespmem:s0+$0x15050]  }
0x30c: {  	v7 =	vadd.f32 v8, v15;
	v8 =	vld [tilespmem:s0+$0x15060]  }
0x30d: {  	[tilespmem:s0+$0x17000] =	vst v6;
	v6 =	vadd.f32 v9, v18;
	v9 =	vld [tilespmem:s0+$0x15070]  }
0x30e: {  	[tilespmem:s0+$0x17010] =	vst v7;
	v11 =	vadd.f32 v11, v16;
	v14 =	vld [tilespmem:s0+$0x15080]  }
.Ltmp3:
0x30f: {  	[tilespmem:s0+$0x17020] =	vst v6;
	v12 =	vadd.f32 v12, v19;
	v7 =	vld [tilespmem:s0+$0x15090];
	(pc) =	sbr.rel @p0 .LBB2_5-.Ltmp3, $4  }
0x310: {  	[tilespmem:s0+$0x17030] =	vst v11;
	v11 =	vadd.f32 v13, v20;
	v6 =	vld [tilespmem:s0+$0x150A0]  }
0x311: {  	[tilespmem:s0+$0x17040] =	vst v12;
	v13 =	vadd.f32 v8, v21;
	v8 =	vld [tilespmem:s0+$0x150B0]  }
0x312: {  	[tilespmem:s0+$0x17050] =	vst v11;
	v12 =	vadd.f32 v9, v22;
	v9 =	vld [tilespmem:s0+$0x150C0]  }
0x313: {  	s13 =	sadd.s32 $0x400, s13;
	[tilespmem:s0+$0x17060] =	vst v13;
	v11 =	vadd.f32 v14, v10;
	v10 =	vld [tilespmem:s0+$0x150D0]  }
0x314: {  	[tilespmem:s0+$0x17070] =	vst v12;
	v3 =	vadd.f32 v7, v3;
	v60 =	vld [tilespmem:s0+$0x150E0]  }
0x315: {  	[tilespmem:s0+$0x17080] =	vst v11;
	v0 =	vadd.f32 v6, v0  }
0x316: {  	[tilespmem:s0+$0x17090] =	vst v3;
	v1 =	vadd.f32 v8, v1  }
0x317: {  	[tilespmem:s0+$0x170A0] =	vst v0;
	v61 =	vadd.f32 v9, v4  }
.Ltmp4:
0x318: {  	[tilespmem:s0+$0x170B0] =	vst v1;
	v62 =	vadd.f32 v10, v5;
	(pc) =	sbr.rel @p1 .LBB2_8-.Ltmp4, $4  }
0x319: {  	[tilespmem:s0+$0x170C0] =	vst v61;
	v63 =	vadd.f32 v60, v2  }
0x31a: {  	[tilespmem:s0+$0x170D0] =	vst v62  }
0x31b: {  	s17 =	sadd.s32 s9, s5;
	[tilespmem:s0+$0x170E0] =	vst v63  }
0x31c: {  	[hbm4b:s17+s2] =	stream.linear.scatter [tilespmem:s22], [sflag:$0x4], $0x1000, $0x38;
	[tilespmem:$0x18000] =	vst v63  }
0x31d: {  	s0 =	sadd.s32 $0x3, s30  }
0x31e: {  	s4 =	sshll.u32 s0, $0x5;
	s0 =	sshll.u32 s0, $0x8  }
0x31f: {  	s4 =	sand.u32 $0x60, s4;
	s9 =	sand.u32 $0x3C00, s0  }
0x320: {  	s9 =	sor.u32 s4, s9  }
0x321: {  	[tilespmem:s26], [sflag:$0x2] =	stream.indirect.gather [hbm4b:s3+s8], $0x80, s9, s8, $0xb8;
	[tilespmem:$0x18000] =	vst v63  }
0x322: {  	s11 =	sor.u32 $0x80, s9  }
0x323: {  	[tilespmem:s29], [sflag:$0x2] =	stream.indirect.gather [hbm4b:s3+s8], $0x80, s11, s8, $0xb8;
	[tilespmem:$0x18000] =	vst v63  }
0x324: {  	s30 =	sor.u32 $0x100, s9  }
0x325: {  	[tilespmem:s31], [sflag:$0x2] =	stream.indirect.gather [hbm4b:s3+s8], $0x80, s30, s8, $0xb8;
	[tilespmem:$0x18000] =	vst v63  }
0x326: {  	s13 =	sor.u32 $0x180, s9  }
0x327: {  	[tilespmem:s1], [sflag:$0x2] =	stream.indirect.gather [hbm4b:s3+s8], $0x80, s13, s8, $0xb8;
	[tilespmem:$0x18000] =	vst v63  }
0x328: {  	s15 =	sor.u32 $0x200, s9  }
0x329: {  	[tilespmem:s10], [sflag:$0x2] =	stream.indirect.gather [hbm4b:s3+s8], $0x80, s15, s8, $0xb8;
	[tilespmem:$0x18000] =	vst v63  }
0x32a: {  	s0 =	sor.u32 s0, s4;
	s17 =	sor.u32 $0x280, s9  }
0x32b: {  	[tilespmem:s12], [sflag:$0x2] =	stream.indirect.gather [hbm4b:s3+s8], $0x80, s17, s8, $0xb8;
	[tilespmem:$0x18000] =	vst v63  }
0x32c: {  	s4 =	sor.u32 $0x300, s0  }
0x32d: {  	[tilespmem:s14], [sflag:$0x2] =	stream.indirect.gather [hbm4b:s3+s8], $0x80, s4, s8, $0xb8;
	[tilespmem:$0x18000] =	vst v63  }
.Ltmp5:
0x32e: {  	_ = 	snop;
	(pc) =	sbr.rel .LBB2_2-.Ltmp5, $4  }
0x32f: {  	s0 =	sor.u32 $0x380, s0  }
0x330: {  	[tilespmem:s16], [sflag:$0x2] =	stream.indirect.gather [hbm4b:s3+s8], $0x80, s0, s8, $0xb8;
	[tilespmem:$0x18000] =	vst v63  }
0x331: {  	s28 =	sadd.s32 $0x1, s28;
	s30 =	sadd.s32 $0x2000, s9  }
0x332: {  	[tilespmem:s18], [sflag:$0x2] =	stream.indirect.gather [hbm4b:s3+s8], $0x80, s30, s8, $0xb8;
	[tilespmem:$0x18000] =	vst v63  }
.LBB2_9:
0x333: {  	_ =	sfence.sel $0x180000  }
0x334: {  	[bflag:$0x0] =	sbarrier.arrive $0xFFFF  }
0x335: {  	_ =	strace $0x9000004A  }
0x336: {  	s0 =	stileid.u32;
	[bflag:$0x2] =	sbarrier.arrive $0xFFFF  }
0x337: {  	p0 =	sne.s32 s0, $0x0;
	s0 =	rddreg [dreg:$0x2]  }
0x338: {  	s0 =	sadd.s32 @!p0 $0x100000, s0  }
0x339: {  	[sflag:s0] =	ssyncadd.tile.s32 @!p0 $0x1;
	_ =	shalt  }
.Lfunc_end2:
_tile_overlayer_lowered:
.L_overlay_start_2:
0x33a: {  	(tag) =	ssettag $0x2  }
0x33b: {  	s0 =	rddreg [dreg:$0x0];
	s2 =	stileid.u32  }
0x33c: {  	s1 =	rddreg [dreg:$0x1];
	p0 =	sne.s32 s2, $0x0  }
0x33d: {  	s3 =	rddreg [dreg:$0x2];
	[bflag:$0x3] =	sbarrier.arrive $0xFFFF;
	s2 =	simm.s32 @!p0 $0x1C05  }
0x33e: {  	[timem:s3], [sflag:s2] =	dma.local @!p0 [hbm:s0], s1  }
0x33f: {  	s0 =	simm.s32 @!p0 $0x5  }
0x340: {  	_ =	swait.ge @!p0 [sflag:s0], s1  }
0x341: {  	s1 =	ssub.s32 @!p0 $0x0, s1;
	[sflag:s0] =	ssyncset.done @!p0 $0x0  }
0x342: {  	[sflag:s0] =	ssyncadd.s32 @!p0 s1  }
0x343: {  	[bflag:$0x3] =	sbarrier.arrive $0xFFFF  }
0x344: {  	_ =	shalt  }

</sc_bundles>
